<compile_context>
chip_gen: v7x
topology: tpu7x:2x2x1
jax: 0.10.2.dev20260603
libtpu: 0.0.44.dev20260713+nightly
codegen_flags: <defaults>
</compile_context>

<pallas_src>
import jax
import jax.numpy as jnp
from jax import lax
from jax.experimental import pallas as pl
from jax.experimental.pallas import tpu as pltpu
from jax.experimental.pallas import tpu_sc as plsc

_B, _S, _D = 4, 4096, 1024
_NW = 32
_SROWS_W = _S // _NW
_CH = 16
_NSCH = _SROWS_W // _CH
_NT = _NSCH * _B
_NSLOT = 4
_NPSLOT = 2
_LEAD = 3


def _sc_body(x_hbm, pe_hbm, out_hbm, *refs):
    xbs = refs[0:_NSLOT]
    pbs = refs[_NSLOT:_NSLOT + _NPSLOT]
    lsems = refs[_NSLOT + _NPSLOT:2 * _NSLOT + _NPSLOT]
    psems = refs[2 * _NSLOT + _NPSLOT:2 * _NSLOT + 2 * _NPSLOT]
    ssems = refs[2 * _NSLOT + 2 * _NPSLOT:3 * _NSLOT + 2 * _NPSLOT]

    c = lax.axis_index("c")
    s = lax.axis_index("s")
    wid = s * 2 + c
    s0 = wid * _SROWS_W

    xloads, peloads, stores = {}, {}, {}

    def start_xload(t):
        i, b = divmod(t, _B)
        sl = t % _NSLOT
        cx = pltpu.make_async_copy(
            x_hbm.at[b, pl.ds(s0 + i * _CH, _CH)], xbs[sl], lsems[sl])
        cx.start()
        xloads[t] = cx

    def start_peload(i):
        sl = i % _NPSLOT
        cp = pltpu.make_async_copy(
            pe_hbm.at[pl.ds(s0 + i * _CH, _CH)], pbs[sl], psems[sl])
        cp.start()
        peloads[i] = cp

    def start_store(t):
        i, b = divmod(t, _B)
        sl = t % _NSLOT
        cs = pltpu.make_async_copy(
            xbs[sl], out_hbm.at[b, pl.ds(s0 + i * _CH, _CH)], ssems[sl])
        cs.start()
        stores[t] = cs

    for t in range(_LEAD):
        start_xload(t)
    start_peload(0)
    start_peload(1)
    for t in range(_NT):
        i, b = divmod(t, _B)
        nxt = t + _LEAD
        if nxt < _NT:
            prev = nxt - _NSLOT
            if prev >= 0:
                stores.pop(prev).wait()
            start_xload(nxt)
        if b == 0:
            peloads.pop(i).wait()
        xloads.pop(t).wait()
        sl = t % _NSLOT
        pi = i % _NPSLOT

        @plsc.parallel_loop(0, _CH * _D, step=16, unroll=16)
        def _add(j, xb=xbs[sl], pb=pbs[pi]):
            r = j >> 10
            col = pl.multiple_of(j & (_D - 1), 16)
            xb[r, pl.ds(col, 16)] = xb[r, pl.ds(col, 16)] + pb[r, pl.ds(col, 16)]

        start_store(t)
        if b == _B - 1 and i + _NPSLOT < _NSCH:
            start_peload(i + _NPSLOT)
    for t in sorted(stores):
        stores[t].wait()
    stores.clear()


def kernel(x, pe_table):
    mesh = plsc.VectorSubcoreMesh(core_axis_name="c", subcore_axis_name="s")
    return pl.kernel(
        _sc_body,
        out_type=jax.ShapeDtypeStruct((_B, _S, _D), jnp.float32),
        mesh=mesh,
        scratch_types=(
            [pltpu.VMEM((_CH, _D), jnp.float32) for _ in range(_NSLOT)]
            + [pltpu.VMEM((_CH, _D), jnp.float32) for _ in range(_NPSLOT)]
            + [pltpu.SemaphoreType.DMA for _ in range(2 * _NSLOT + _NPSLOT)]
        ),
    )(x, pe_table)

# --- scband reference (transcript-rebuilt; emitter-appended) ---
"""Pipeline reference for scband-learnable-positional-encoding-38998303047761 (READ-ONLY COPY).

The authoritative reference and input builder live on the scoring server;
editing this copy changes nothing except your own understanding.
"""

import jax, jax.numpy as jnp
import numpy as np

BATCH = 4
SEQ_LEN = 4096
D_MODEL = 1024
MAX_LEN = 8192

def setup_inputs(seed: int = 0) -> dict:
    key = jax.random.key(seed)
    kx, kpe = jax.random.split(key)
    x = jax.random.normal(kx, (BATCH, SEQ_LEN, D_MODEL), dtype=jnp.float32)
    # nn.Embedding default init: N(0, 1)
    pe_table = jax.random.normal(kpe, (MAX_LEN, D_MODEL), dtype=jnp.float32)
    return {"x": x, "pe_table": pe_table}

def reference(x, pe_table):
    batch_size, seq_len = x.shape[0], x.shape[1]
    positions = jnp.arange(seq_len)  # (seq_len,)
    positions = jnp.broadcast_to(positions[None, :], (batch_size, seq_len))  # (B, S)
    pos_emb = jnp.take(pe_table, positions, axis=0)  # (B, S, D) embedding lookup
    out = x + pos_emb
    # dropout is identity in eval mode
    return out

if __name__ == "__main__":
    import jax
    _d = setup_inputs()
    print(jax.jit(kernel)(*tuple(_d.values())))

</pallas_src>

<mosaic_0001>
#map = affine_map<(d0, d1) -> (0, 0, 0)>
#map1 = affine_map<(d0, d1) -> (0, 0)>
module attributes {stable_mosaic.version = 14 : i64} {
  func.func @_sc_body(%arg0: i32, %arg1: i32, %arg2: memref<4x4096x1024xf32, #tpu.memory_space<hbm>>, %arg3: memref<8192x1024xf32, #tpu.memory_space<hbm>>, %arg4: memref<4x4096x1024xf32, #tpu.memory_space<hbm>>, %arg5: memref<16x1024xf32, #tpu.memory_space<vmem>>, %arg6: memref<16x1024xf32, #tpu.memory_space<vmem>>, %arg7: memref<16x1024xf32, #tpu.memory_space<vmem>>, %arg8: memref<16x1024xf32, #tpu.memory_space<vmem>>, %arg9: memref<16x1024xf32, #tpu.memory_space<vmem>>, %arg10: memref<16x1024xf32, #tpu.memory_space<vmem>>, %arg11: memref<!tpu.dma_semaphore, #tpu.memory_space<semaphore_mem>>, %arg12: memref<!tpu.dma_semaphore, #tpu.memory_space<semaphore_mem>>, %arg13: memref<!tpu.dma_semaphore, #tpu.memory_space<semaphore_mem>>, %arg14: memref<!tpu.dma_semaphore, #tpu.memory_space<semaphore_mem>>, %arg15: memref<!tpu.dma_semaphore, #tpu.memory_space<semaphore_mem>>, %arg16: memref<!tpu.dma_semaphore, #tpu.memory_space<semaphore_mem>>, %arg17: memref<!tpu.dma_semaphore, #tpu.memory_space<semaphore_mem>>, %arg18: memref<!tpu.dma_semaphore, #tpu.memory_space<semaphore_mem>>, %arg19: memref<!tpu.dma_semaphore, #tpu.memory_space<semaphore_mem>>, %arg20: memref<!tpu.dma_semaphore, #tpu.memory_space<semaphore_mem>>) attributes {dimension_semantics = [#tpu.dimension_semantics<core_parallel>, #tpu.dimension_semantics<subcore_parallel>], iteration_bounds = array<i64: 2, 16>, scalar_prefetch = 0 : i64, scratch_operands = 16 : i64, tpu.core_type = #tpu.core_type<sc_vector_subcore>, window_params = [{transform_indices = #map}, {transform_indices = #map1}, {transform_indices = #map}]} {
    %mul3A = arith.constant 2 : i32
    %mul3A_0 = arith.muli %arg1, %mul3A : i32
    %add3A = arith.addi %mul3A_0, %arg0 : i32
    %mul3A_1 = arith.constant 128 : i32
    %mul3A_2 = arith.muli %add3A, %mul3A_1 : i32
    %add3A_3 = arith.constant 0 : i32
    %add3A_4 = arith.addi %mul3A_2, %add3A_3 : i32
    %dma_start3A = arith.constant 0 : i32
    %dma_start3A_5 = arith.constant 0 : i32
    %dma_start3A_6 = tpu.memref_slice %arg2[%dma_start3A, %add3A_4, %dma_start3A_5] : memref<4x4096x1024xf32, #tpu.memory_space<hbm>> -> memref<1x16x1024xf32, #tpu.memory_space<hbm>>
    %dma_start3A_7 = tpu.memref_squeeze %dma_start3A_6 : memref<1x16x1024xf32, #tpu.memory_space<hbm>> -> memref<16x1024xf32, #tpu.memory_space<hbm>>
    %dma_start3A_8 = arith.constant 0 : i32
    %dma_start3A_9 = tpu.memref_slice %arg2[%dma_start3A, %add3A_4, %dma_start3A_8] : memref<4x4096x1024xf32, #tpu.memory_space<hbm>> -> memref<1x16x1024xf32, #tpu.memory_space<hbm>>
    %dma_start3A_10 = tpu.memref_squeeze %dma_start3A_9 : memref<1x16x1024xf32, #tpu.memory_space<hbm>> -> memref<16x1024xf32, #tpu.memory_space<hbm>>
    tpu.enqueue_dma source(%dma_start3A_10 : memref<16x1024xf32, #tpu.memory_space<hbm>>) target(%arg5 : memref<16x1024xf32, #tpu.memory_space<vmem>>) target_semaphore(%arg11 : memref<!tpu.dma_semaphore, #tpu.memory_space<semaphore_mem>>)
    %add3A_11 = arith.constant 0 : i32
    %add3A_12 = arith.addi %mul3A_2, %add3A_11 : i32
    %dma_start3A_13 = arith.constant 1 : i32
    %dma_start3A_14 = arith.constant 0 : i32
    %dma_start3A_15 = tpu.memref_slice %arg2[%dma_start3A_13, %add3A_12, %dma_start3A_14] : memref<4x4096x1024xf32, #tpu.memory_space<hbm>> -> memref<1x16x1024xf32, #tpu.memory_space<hbm>>
    %dma_start3A_16 = tpu.memref_squeeze %dma_start3A_15 : memref<1x16x1024xf32, #tpu.memory_space<hbm>> -> memref<16x1024xf32, #tpu.memory_space<hbm>>
    %dma_start3A_17 = arith.constant 0 : i32
    %dma_start3A_18 = tpu.memref_slice %arg2[%dma_start3A_13, %add3A_12, %dma_start3A_17] : memref<4x4096x1024xf32, #tpu.memory_space<hbm>> -> memref<1x16x1024xf32, #tpu.memory_space<hbm>>
    %dma_start3A_19 = tpu.memref_squeeze %dma_start3A_18 : memref<1x16x1024xf32, #tpu.memory_space<hbm>> -> memref<16x1024xf32, #tpu.memory_space<hbm>>
    tpu.enqueue_dma source(%dma_start3A_19 : memref<16x1024xf32, #tpu.memory_space<hbm>>) target(%arg6 : memref<16x1024xf32, #tpu.memory_space<vmem>>) target_semaphore(%arg12 : memref<!tpu.dma_semaphore, #tpu.memory_space<semaphore_mem>>)
    %add3A_20 = arith.constant 0 : i32
    %add3A_21 = arith.addi %mul3A_2, %add3A_20 : i32
    %dma_start3A_22 = arith.constant 2 : i32
    %dma_start3A_23 = arith.constant 0 : i32
    %dma_start3A_24 = tpu.memref_slice %arg2[%dma_start3A_22, %add3A_21, %dma_start3A_23] : memref<4x4096x1024xf32, #tpu.memory_space<hbm>> -> memref<1x16x1024xf32, #tpu.memory_space<hbm>>
    %dma_start3A_25 = tpu.memref_squeeze %dma_start3A_24 : memref<1x16x1024xf32, #tpu.memory_space<hbm>> -> memref<16x1024xf32, #tpu.memory_space<hbm>>
    %dma_start3A_26 = arith.constant 0 : i32
    %dma_start3A_27 = tpu.memref_slice %arg2[%dma_start3A_22, %add3A_21, %dma_start3A_26] : memref<4x4096x1024xf32, #tpu.memory_space<hbm>> -> memref<1x16x1024xf32, #tpu.memory_space<hbm>>
    %dma_start3A_28 = tpu.memref_squeeze %dma_start3A_27 : memref<1x16x1024xf32, #tpu.memory_space<hbm>> -> memref<16x1024xf32, #tpu.memory_space<hbm>>
    tpu.enqueue_dma source(%dma_start3A_28 : memref<16x1024xf32, #tpu.memory_space<hbm>>) target(%arg7 : memref<16x1024xf32, #tpu.memory_space<vmem>>) target_semaphore(%arg13 : memref<!tpu.dma_semaphore, #tpu.memory_space<semaphore_mem>>)
    %add3A_29 = arith.constant 0 : i32
    %add3A_30 = arith.addi %mul3A_2, %add3A_29 : i32
    %dma_start3A_31 = arith.constant 0 : i32
    %dma_start3A_32 = tpu.memref_slice %arg3[%add3A_30, %dma_start3A_31] : memref<8192x1024xf32, #tpu.memory_space<hbm>> -> memref<16x1024xf32, #tpu.memory_space<hbm>>
    %dma_start3A_33 = arith.constant 0 : i32
    %dma_start3A_34 = tpu.memref_slice %arg3[%add3A_30, %dma_start3A_33] : memref<8192x1024xf32, #tpu.memory_space<hbm>> -> memref<16x1024xf32, #tpu.memory_space<hbm>>
    tpu.enqueue_dma source(%dma_start3A_34 : memref<16x1024xf32, #tpu.memory_space<hbm>>) target(%arg9 : memref<16x1024xf32, #tpu.memory_space<vmem>>) target_semaphore(%arg15 : memref<!tpu.dma_semaphore, #tpu.memory_space<semaphore_mem>>)
    %add3A_35 = arith.constant 16 : i32
    %add3A_36 = arith.addi %mul3A_2, %add3A_35 : i32
    %dma_start3A_37 = arith.constant 0 : i32
    %dma_start3A_38 = tpu.memref_slice %arg3[%add3A_36, %dma_start3A_37] : memref<8192x1024xf32, #tpu.memory_space<hbm>> -> memref<16x1024xf32, #tpu.memory_space<hbm>>
    %dma_start3A_39 = arith.constant 0 : i32
    %dma_start3A_40 = tpu.memref_slice %arg3[%add3A_36, %dma_start3A_39] : memref<8192x1024xf32, #tpu.memory_space<hbm>> -> memref<16x1024xf32, #tpu.memory_space<hbm>>
    tpu.enqueue_dma source(%dma_start3A_40 : memref<16x1024xf32, #tpu.memory_space<hbm>>) target(%arg10 : memref<16x1024xf32, #tpu.memory_space<vmem>>) target_semaphore(%arg16 : memref<!tpu.dma_semaphore, #tpu.memory_space<semaphore_mem>>)
    %add3A_41 = arith.constant 0 : i32
    %add3A_42 = arith.addi %mul3A_2, %add3A_41 : i32
    %dma_start3A_43 = arith.constant 3 : i32
    %dma_start3A_44 = arith.constant 0 : i32
    %dma_start3A_45 = tpu.memref_slice %arg2[%dma_start3A_43, %add3A_42, %dma_start3A_44] : memref<4x4096x1024xf32, #tpu.memory_space<hbm>> -> memref<1x16x1024xf32, #tpu.memory_space<hbm>>
    %dma_start3A_46 = tpu.memref_squeeze %dma_start3A_45 : memref<1x16x1024xf32, #tpu.memory_space<hbm>> -> memref<16x1024xf32, #tpu.memory_space<hbm>>
    %dma_start3A_47 = arith.constant 0 : i32
    %dma_start3A_48 = tpu.memref_slice %arg2[%dma_start3A_43, %add3A_42, %dma_start3A_47] : memref<4x4096x1024xf32, #tpu.memory_space<hbm>> -> memref<1x16x1024xf32, #tpu.memory_space<hbm>>
    %dma_start3A_49 = tpu.memref_squeeze %dma_start3A_48 : memref<1x16x1024xf32, #tpu.memory_space<hbm>> -> memref<16x1024xf32, #tpu.memory_space<hbm>>
    tpu.enqueue_dma source(%dma_start3A_49 : memref<16x1024xf32, #tpu.memory_space<hbm>>) target(%arg8 : memref<16x1024xf32, #tpu.memory_space<vmem>>) target_semaphore(%arg14 : memref<!tpu.dma_semaphore, #tpu.memory_space<semaphore_mem>>)
    %dma_wait3A = arith.constant 0 : i32
    %dma_wait3A_50 = tpu.memref_slice %arg3[%add3A_30, %dma_wait3A] : memref<8192x1024xf32, #tpu.memory_space<hbm>> -> memref<16x1024xf32, #tpu.memory_space<hbm>>
    %dma_wait3A_51 = arith.constant 0 : i32
    %dma_wait3A_52 = tpu.memref_slice %arg3[%add3A_30, %dma_wait3A_51] : memref<8192x1024xf32, #tpu.memory_space<hbm>> -> memref<16x1024xf32, #tpu.memory_space<hbm>>
    tpu.wait_dma2 semaphore(%arg15 : memref<!tpu.dma_semaphore, #tpu.memory_space<semaphore_mem>>) src(%dma_wait3A_52 : memref<16x1024xf32, #tpu.memory_space<hbm>>) dst(%arg9 : memref<16x1024xf32, #tpu.memory_space<vmem>>)
    %dma_wait3A_53 = arith.constant 0 : i32
    %dma_wait3A_54 = arith.constant 0 : i32
    %dma_wait3A_55 = tpu.memref_slice %arg2[%dma_wait3A_53, %add3A_4, %dma_wait3A_54] : memref<4x4096x1024xf32, #tpu.memory_space<hbm>> -> memref<1x16x1024xf32, #tpu.memory_space<hbm>>
    %dma_wait3A_56 = tpu.memref_squeeze %dma_wait3A_55 : memref<1x16x1024xf32, #tpu.memory_space<hbm>> -> memref<16x1024xf32, #tpu.memory_space<hbm>>
    %dma_wait3A_57 = arith.constant 0 : i32
    %dma_wait3A_58 = tpu.memref_slice %arg2[%dma_wait3A_53, %add3A_4, %dma_wait3A_57] : memref<4x4096x1024xf32, #tpu.memory_space<hbm>> -> memref<1x16x1024xf32, #tpu.memory_space<hbm>>
    %dma_wait3A_59 = tpu.memref_squeeze %dma_wait3A_58 : memref<1x16x1024xf32, #tpu.memory_space<hbm>> -> memref<16x1024xf32, #tpu.memory_space<hbm>>
    tpu.wait_dma2 semaphore(%arg11 : memref<!tpu.dma_semaphore, #tpu.memory_space<semaphore_mem>>) src(%dma_wait3A_59 : memref<16x1024xf32, #tpu.memory_space<hbm>>) dst(%arg5 : memref<16x1024xf32, #tpu.memory_space<vmem>>)
    %parallel_loop3A = arith.constant 0 : i32
    %parallel_loop3A_60 = arith.constant 16384 : i32
    %parallel_loop3A_61 = arith.constant 16 : i32
    scf.for %parallel_loop3A_1200 = %parallel_loop3A to %parallel_loop3A_60 step %parallel_loop3A_61  : i32 {
      %parallel_loop3A_1201 = arith.constant 10 : i32
      %parallel_loop3A_1202 = arith.shrsi %parallel_loop3A_1200, %parallel_loop3A_1201 : i32
      %parallel_loop3A_1203 = arith.constant 1023 : i32
      %parallel_loop3A_1204 = arith.andi %parallel_loop3A_1200, %parallel_loop3A_1203 : i32
      %parallel_loop3A_1205 = tpu.assume_multiple %parallel_loop3A_1204, 16 : i32
      %parallel_loop3A_1206 = arith.index_cast %parallel_loop3A_1202 : i32 to index
      %parallel_loop3A_1207 = arith.index_cast %parallel_loop3A_1205 : i32 to index
      %parallel_loop3A_1208 = tpu.vector_load %arg5[%parallel_loop3A_1206, %parallel_loop3A_1207] {strides = array<i32>} : memref<16x1024xf32, #tpu.memory_space<vmem>>, vector<1x16xf32>,
      %parallel_loop3A_1209 = vector.shape_cast %parallel_loop3A_1208 : vector<1x16xf32> to vector<16xf32>
      %parallel_loop3A_1210 = arith.index_cast %parallel_loop3A_1202 : i32 to index
      %parallel_loop3A_1211 = arith.index_cast %parallel_loop3A_1205 : i32 to index
      %parallel_loop3A_1212 = tpu.vector_load %arg9[%parallel_loop3A_1210, %parallel_loop3A_1211] {strides = array<i32>} : memref<16x1024xf32, #tpu.memory_space<vmem>>, vector<1x16xf32>,
      %parallel_loop3A_1213 = vector.shape_cast %parallel_loop3A_1212 : vector<1x16xf32> to vector<16xf32>
      %parallel_loop3A_1214 = arith.addf %parallel_loop3A_1209, %parallel_loop3A_1213 : vector<16xf32>
      %parallel_loop3A_1215 = arith.index_cast %parallel_loop3A_1202 : i32 to index
      %parallel_loop3A_1216 = arith.index_cast %parallel_loop3A_1205 : i32 to index
      %parallel_loop3A_1217 = tpu.vector_load %arg5[%parallel_loop3A_1215, %parallel_loop3A_1216] {strides = array<i32>} : memref<16x1024xf32, #tpu.memory_space<vmem>>, vector<1x16xf32>,
      %parallel_loop3A_1218 = vector.shape_cast %parallel_loop3A_1217 : vector<1x16xf32> to vector<16xf32>
      %parallel_loop3A_1219 = vector.shape_cast %parallel_loop3A_1214 : vector<16xf32> to vector<1x16xf32>
      tpu.vector_store %arg5[%parallel_loop3A_1215, %parallel_loop3A_1216], %parallel_loop3A_1219 {strides = array<i32>} : memref<16x1024xf32, #tpu.memory_space<vmem>>, vector<1x16xf32>,
    } {sc.loop_unroll_factor = 16 : i64, sc.parallel_access}
    %add3A_62 = arith.constant 0 : i32
    %add3A_63 = arith.addi %mul3A_2, %add3A_62 : i32
    %dma_start3A_64 = arith.constant 0 : i32
    %dma_start3A_65 = arith.constant 0 : i32
    %dma_start3A_66 = tpu.memref_slice %arg4[%dma_start3A_64, %add3A_63, %dma_start3A_65] : memref<4x4096x1024xf32, #tpu.memory_space<hbm>> -> memref<1x16x1024xf32, #tpu.memory_space<hbm>>
    %dma_start3A_67 = tpu.memref_squeeze %dma_start3A_66 : memref<1x16x1024xf32, #tpu.memory_space<hbm>> -> memref<16x1024xf32, #tpu.memory_space<hbm>>
    %dma_start3A_68 = arith.constant 0 : i32
    %dma_start3A_69 = tpu.memref_slice %arg4[%dma_start3A_64, %add3A_63, %dma_start3A_68] : memref<4x4096x1024xf32, #tpu.memory_space<hbm>> -> memref<1x16x1024xf32, #tpu.memory_space<hbm>>
    %dma_start3A_70 = tpu.memref_squeeze %dma_start3A_69 : memref<1x16x1024xf32, #tpu.memory_space<hbm>> -> memref<16x1024xf32, #tpu.memory_space<hbm>>
    tpu.enqueue_dma source(%arg5 : memref<16x1024xf32, #tpu.memory_space<vmem>>) target(%dma_start3A_70 : memref<16x1024xf32, #tpu.memory_space<hbm>>) target_semaphore(%arg17 : memref<!tpu.dma_semaphore, #tpu.memory_space<semaphore_mem>>)
    %dma_wait3A_71 = arith.constant 0 : i32
    %dma_wait3A_72 = arith.constant 0 : i32
    %dma_wait3A_73 = tpu.memref_slice %arg4[%dma_wait3A_71, %add3A_63, %dma_wait3A_72] : memref<4x4096x1024xf32, #tpu.memory_space<hbm>> -> memref<1x16x1024xf32, #tpu.memory_space<hbm>>
    %dma_wait3A_74 = tpu.memref_squeeze %dma_wait3A_73 : memref<1x16x1024xf32, #tpu.memory_space<hbm>> -> memref<16x1024xf32, #tpu.memory_space<hbm>>
    %dma_wait3A_75 = arith.constant 0 : i32
    %dma_wait3A_76 = tpu.memref_slice %arg4[%dma_wait3A_71, %add3A_63, %dma_wait3A_75] : memref<4x4096x1024xf32, #tpu.memory_space<hbm>> -> memref<1x16x1024xf32, #tpu.memory_space<hbm>>
    %dma_wait3A_77 = tpu.memref_squeeze %dma_wait3A_76 : memref<1x16x1024xf32, #tpu.memory_space<hbm>> -> memref<16x1024xf32, #tpu.memory_space<hbm>>
    tpu.wait_dma2 semaphore(%arg17 : memref<!tpu.dma_semaphore, #tpu.memory_space<semaphore_mem>>) src(%arg5 : memref<16x1024xf32, #tpu.memory_space<vmem>>) dst(%dma_wait3A_77 : memref<16x1024xf32, #tpu.memory_space<hbm>>)
    %add3A_78 = arith.constant 16 : i32
    %add3A_79 = arith.addi %mul3A_2, %add3A_78 : i32
    %dma_start3A_80 = arith.constant 0 : i32
    %dma_start3A_81 = arith.constant 0 : i32
    %dma_start3A_82 = tpu.memref_slice %arg2[%dma_start3A_80, %add3A_79, %dma_start3A_81] : memref<4x4096x1024xf32, #tpu.memory_space<hbm>> -> memref<1x16x1024xf32, #tpu.memory_space<hbm>>
    %dma_start3A_83 = tpu.memref_squeeze %dma_start3A_82 : memref<1x16x1024xf32, #tpu.memory_space<hbm>> -> memref<16x1024xf32, #tpu.memory_space<hbm>>
    %dma_start3A_84 = arith.constant 0 : i32
    %dma_start3A_85 = tpu.memref_slice %arg2[%dma_start3A_80, %add3A_79, %dma_start3A_84] : memref<4x4096x1024xf32, #tpu.memory_space<hbm>> -> memref<1x16x1024xf32, #tpu.memory_space<hbm>>
    %dma_start3A_86 = tpu.memref_squeeze %dma_start3A_85 : memref<1x16x1024xf32, #tpu.memory_space<hbm>> -> memref<16x1024xf32, #tpu.memory_space<hbm>>
    tpu.enqueue_dma source(%dma_start3A_86 : memref<16x1024xf32, #tpu.memory_space<hbm>>) target(%arg5 : memref<16x1024xf32, #tpu.memory_space<vmem>>) target_semaphore(%arg11 : memref<!tpu.dma_semaphore, #tpu.memory_space<semaphore_mem>>)
    %dma_wait3A_87 = arith.constant 1 : i32
    %dma_wait3A_88 = arith.constant 0 : i32
    %dma_wait3A_89 = tpu.memref_slice %arg2[%dma_wait3A_87, %add3A_12, %dma_wait3A_88] : memref<4x4096x1024xf32, #tpu.memory_space<hbm>> -> memref<1x16x1024xf32, #tpu.memory_space<hbm>>
    %dma_wait3A_90 = tpu.memref_squeeze %dma_wait3A_89 : memref<1x16x1024xf32, #tpu.memory_space<hbm>> -> memref<16x1024xf32, #tpu.memory_space<hbm>>
    %dma_wait3A_91 = arith.constant 0 : i32
    %dma_wait3A_92 = tpu.memref_slice %arg2[%dma_wait3A_87, %add3A_12, %dma_wait3A_91] : memref<4x4096x1024xf32, #tpu.memory_space<hbm>> -> memref<1x16x1024xf32, #tpu.memory_space<hbm>>
    %dma_wait3A_93 = tpu.memref_squeeze %dma_wait3A_92 : memref<1x16x1024xf32, #tpu.memory_space<hbm>> -> memref<16x1024xf32, #tpu.memory_space<hbm>>
    tpu.wait_dma2 semaphore(%arg12 : memref<!tpu.dma_semaphore, #tpu.memory_space<semaphore_mem>>) src(%dma_wait3A_93 : memref<16x1024xf32, #tpu.memory_space<hbm>>) dst(%arg6 : memref<16x1024xf32, #tpu.memory_space<vmem>>)
    %parallel_loop3A_94 = arith.constant 0 : i32
    %parallel_loop3A_95 = arith.constant 16384 : i32
    %parallel_loop3A_96 = arith.constant 16 : i32
    scf.for %parallel_loop3A_1200 = %parallel_loop3A_94 to %parallel_loop3A_95 step %parallel_loop3A_96  : i32 {
      %parallel_loop3A_1201 = arith.constant 10 : i32
      %parallel_loop3A_1202 = arith.shrsi %parallel_loop3A_1200, %parallel_loop3A_1201 : i32
      %parallel_loop3A_1203 = arith.constant 1023 : i32
      %parallel_loop3A_1204 = arith.andi %parallel_loop3A_1200, %parallel_loop3A_1203 : i32
      %parallel_loop3A_1205 = tpu.assume_multiple %parallel_loop3A_1204, 16 : i32
      %parallel_loop3A_1206 = arith.index_cast %parallel_loop3A_1202 : i32 to index
      %parallel_loop3A_1207 = arith.index_cast %parallel_loop3A_1205 : i32 to index
      %parallel_loop3A_1208 = tpu.vector_load %arg6[%parallel_loop3A_1206, %parallel_loop3A_1207] {strides = array<i32>} : memref<16x1024xf32, #tpu.memory_space<vmem>>, vector<1x16xf32>,
      %parallel_loop3A_1209 = vector.shape_cast %parallel_loop3A_1208 : vector<1x16xf32> to vector<16xf32>
      %parallel_loop3A_1210 = arith.index_cast %parallel_loop3A_1202 : i32 to index
      %parallel_loop3A_1211 = arith.index_cast %parallel_loop3A_1205 : i32 to index
      %parallel_loop3A_1212 = tpu.vector_load %arg9[%parallel_loop3A_1210, %parallel_loop3A_1211] {strides = array<i32>} : memref<16x1024xf32, #tpu.memory_space<vmem>>, vector<1x16xf32>,
      %parallel_loop3A_1213 = vector.shape_cast %parallel_loop3A_1212 : vector<1x16xf32> to vector<16xf32>
      %parallel_loop3A_1214 = arith.addf %parallel_loop3A_1209, %parallel_loop3A_1213 : vector<16xf32>
      %parallel_loop3A_1215 = arith.index_cast %parallel_loop3A_1202 : i32 to index
      %parallel_loop3A_1216 = arith.index_cast %parallel_loop3A_1205 : i32 to index
      %parallel_loop3A_1217 = tpu.vector_load %arg6[%parallel_loop3A_1215, %parallel_loop3A_1216] {strides = array<i32>} : memref<16x1024xf32, #tpu.memory_space<vmem>>, vector<1x16xf32>,
      %parallel_loop3A_1218 = vector.shape_cast %parallel_loop3A_1217 : vector<1x16xf32> to vector<16xf32>
      %parallel_loop3A_1219 = vector.shape_cast %parallel_loop3A_1214 : vector<16xf32> to vector<1x16xf32>
      tpu.vector_store %arg6[%parallel_loop3A_1215, %parallel_loop3A_1216], %parallel_loop3A_1219 {strides = array<i32>} : memref<16x1024xf32, #tpu.memory_space<vmem>>, vector<1x16xf32>,
    } {sc.loop_unroll_factor = 16 : i64, sc.parallel_access}
    %add3A_97 = arith.constant 0 : i32
    %add3A_98 = arith.addi %mul3A_2, %add3A_97 : i32
    %dma_start3A_99 = arith.constant 1 : i32
    %dma_start3A_100 = arith.constant 0 : i32
    %dma_start3A_101 = tpu.memref_slice %arg4[%dma_start3A_99, %add3A_98, %dma_start3A_100] : memref<4x4096x1024xf32, #tpu.memory_space<hbm>> -> memref<1x16x1024xf32, #tpu.memory_space<hbm>>
    %dma_start3A_102 = tpu.memref_squeeze %dma_start3A_101 : memref<1x16x1024xf32, #tpu.memory_space<hbm>> -> memref<16x1024xf32, #tpu.memory_space<hbm>>
    %dma_start3A_103 = arith.constant 0 : i32
    %dma_start3A_104 = tpu.memref_slice %arg4[%dma_start3A_99, %add3A_98, %dma_start3A_103] : memref<4x4096x1024xf32, #tpu.memory_space<hbm>> -> memref<1x16x1024xf32, #tpu.memory_space<hbm>>
    %dma_start3A_105 = tpu.memref_squeeze %dma_start3A_104 : memref<1x16x1024xf32, #tpu.memory_space<hbm>> -> memref<16x1024xf32, #tpu.memory_space<hbm>>
    tpu.enqueue_dma source(%arg6 : memref<16x1024xf32, #tpu.memory_space<vmem>>) target(%dma_start3A_105 : memref<16x1024xf32, #tpu.memory_space<hbm>>) target_semaphore(%arg18 : memref<!tpu.dma_semaphore, #tpu.memory_space<semaphore_mem>>)
    %dma_wait3A_106 = arith.constant 1 : i32
    %dma_wait3A_107 = arith.constant 0 : i32
    %dma_wait3A_108 = tpu.memref_slice %arg4[%dma_wait3A_106, %add3A_98, %dma_wait3A_107] : memref<4x4096x1024xf32, #tpu.memory_space<hbm>> -> memref<1x16x1024xf32, #tpu.memory_space<hbm>>
    %dma_wait3A_109 = tpu.memref_squeeze %dma_wait3A_108 : memref<1x16x1024xf32, #tpu.memory_space<hbm>> -> memref<16x1024xf32, #tpu.memory_space<hbm>>
    %dma_wait3A_110 = arith.constant 0 : i32
    %dma_wait3A_111 = tpu.memref_slice %arg4[%dma_wait3A_106, %add3A_98, %dma_wait3A_110] : memref<4x4096x1024xf32, #tpu.memory_space<hbm>> -> memref<1x16x1024xf32, #tpu.memory_space<hbm>>
    %dma_wait3A_112 = tpu.memref_squeeze %dma_wait3A_111 : memref<1x16x1024xf32, #tpu.memory_space<hbm>> -> memref<16x1024xf32, #tpu.memory_space<hbm>>
    tpu.wait_dma2 semaphore(%arg18 : memref<!tpu.dma_semaphore, #tpu.memory_space<semaphore_mem>>) src(%arg6 : memref<16x1024xf32, #tpu.memory_space<vmem>>) dst(%dma_wait3A_112 : memref<16x1024xf32, #tpu.memory_space<hbm>>)
    %add3A_113 = arith.constant 16 : i32
    %add3A_114 = arith.addi %mul3A_2, %add3A_113 : i32
    %dma_start3A_115 = arith.constant 1 : i32
    %dma_start3A_116 = arith.constant 0 : i32
    %dma_start3A_117 = tpu.memref_slice %arg2[%dma_start3A_115, %add3A_114, %dma_start3A_116] : memref<4x4096x1024xf32, #tpu.memory_space<hbm>> -> memref<1x16x1024xf32, #tpu.memory_space<hbm>>
    %dma_start3A_118 = tpu.memref_squeeze %dma_start3A_117 : memref<1x16x1024xf32, #tpu.memory_space<hbm>> -> memref<16x1024xf32, #tpu.memory_space<hbm>>
    %dma_start3A_119 = arith.constant 0 : i32
    %dma_start3A_120 = tpu.memref_slice %arg2[%dma_start3A_115, %add3A_114, %dma_start3A_119] : memref<4x4096x1024xf32, #tpu.memory_space<hbm>> -> memref<1x16x1024xf32, #tpu.memory_space<hbm>>
    %dma_start3A_121 = tpu.memref_squeeze %dma_start3A_120 : memref<1x16x1024xf32, #tpu.memory_space<hbm>> -> memref<16x1024xf32, #tpu.memory_space<hbm>>
    tpu.enqueue_dma source(%dma_start3A_121 : memref<16x1024xf32, #tpu.memory_space<hbm>>) target(%arg6 : memref<16x1024xf32, #tpu.memory_space<vmem>>) target_semaphore(%arg12 : memref<!tpu.dma_semaphore, #tpu.memory_space<semaphore_mem>>)
    %dma_wait3A_122 = arith.constant 2 : i32
    %dma_wait3A_123 = arith.constant 0 : i32
    %dma_wait3A_124 = tpu.memref_slice %arg2[%dma_wait3A_122, %add3A_21, %dma_wait3A_123] : memref<4x4096x1024xf32, #tpu.memory_space<hbm>> -> memref<1x16x1024xf32, #tpu.memory_space<hbm>>
    %dma_wait3A_125 = tpu.memref_squeeze %dma_wait3A_124 : memref<1x16x1024xf32, #tpu.memory_space<hbm>> -> memref<16x1024xf32, #tpu.memory_space<hbm>>
    %dma_wait3A_126 = arith.constant 0 : i32
    %dma_wait3A_127 = tpu.memref_slice %arg2[%dma_wait3A_122, %add3A_21, %dma_wait3A_126] : memref<4x4096x1024xf32, #tpu.memory_space<hbm>> -> memref<1x16x1024xf32, #tpu.memory_space<hbm>>
    %dma_wait3A_128 = tpu.memref_squeeze %dma_wait3A_127 : memref<1x16x1024xf32, #tpu.memory_space<hbm>> -> memref<16x1024xf32, #tpu.memory_space<hbm>>
    tpu.wait_dma2 semaphore(%arg13 : memref<!tpu.dma_semaphore, #tpu.memory_space<semaphore_mem>>) src(%dma_wait3A_128 : memref<16x1024xf32, #tpu.memory_space<hbm>>) dst(%arg7 : memref<16x1024xf32, #tpu.memory_space<vmem>>)
    %parallel_loop3A_129 = arith.constant 0 : i32
    %parallel_loop3A_130 = arith.constant 16384 : i32
    %parallel_loop3A_131 = arith.constant 16 : i32
    scf.for %parallel_loop3A_1200 = %parallel_loop3A_129 to %parallel_loop3A_130 step %parallel_loop3A_131  : i32 {
      %parallel_loop3A_1201 = arith.constant 10 : i32
      %parallel_loop3A_1202 = arith.shrsi %parallel_loop3A_1200, %parallel_loop3A_1201 : i32
      %parallel_loop3A_1203 = arith.constant 1023 : i32
      %parallel_loop3A_1204 = arith.andi %parallel_loop3A_1200, %parallel_loop3A_1203 : i32
      %parallel_loop3A_1205 = tpu.assume_multiple %parallel_loop3A_1204, 16 : i32
      %parallel_loop3A_1206 = arith.index_cast %parallel_loop3A_1202 : i32 to index
      %parallel_loop3A_1207 = arith.index_cast %parallel_loop3A_1205 : i32 to index
      %parallel_loop3A_1208 = tpu.vector_load %arg7[%parallel_loop3A_1206, %parallel_loop3A_1207] {strides = array<i32>} : memref<16x1024xf32, #tpu.memory_space<vmem>>, vector<1x16xf32>,
      %parallel_loop3A_1209 = vector.shape_cast %parallel_loop3A_1208 : vector<1x16xf32> to vector<16xf32>
      %parallel_loop3A_1210 = arith.index_cast %parallel_loop3A_1202 : i32 to index
      %parallel_loop3A_1211 = arith.index_cast %parallel_loop3A_1205 : i32 to index
      %parallel_loop3A_1212 = tpu.vector_load %arg9[%parallel_loop3A_1210, %parallel_loop3A_1211] {strides = array<i32>} : memref<16x1024xf32, #tpu.memory_space<vmem>>, vector<1x16xf32>,
      %parallel_loop3A_1213 = vector.shape_cast %parallel_loop3A_1212 : vector<1x16xf32> to vector<16xf32>
      %parallel_loop3A_1214 = arith.addf %parallel_loop3A_1209, %parallel_loop3A_1213 : vector<16xf32>
      %parallel_loop3A_1215 = arith.index_cast %parallel_loop3A_1202 : i32 to index
      %parallel_loop3A_1216 = arith.index_cast %parallel_loop3A_1205 : i32 to index
      %parallel_loop3A_1217 = tpu.vector_load %arg7[%parallel_loop3A_1215, %parallel_loop3A_1216] {strides = array<i32>} : memref<16x1024xf32, #tpu.memory_space<vmem>>, vector<1x16xf32>,
      %parallel_loop3A_1218 = vector.shape_cast %parallel_loop3A_1217 : vector<1x16xf32> to vector<16xf32>
      %parallel_loop3A_1219 = vector.shape_cast %parallel_loop3A_1214 : vector<16xf32> to vector<1x16xf32>
      tpu.vector_store %arg7[%parallel_loop3A_1215, %parallel_loop3A_1216], %parallel_loop3A_1219 {strides = array<i32>} : memref<16x1024xf32, #tpu.memory_space<vmem>>, vector<1x16xf32>,
    } {sc.loop_unroll_factor = 16 : i64, sc.parallel_access}
    %add3A_132 = arith.constant 0 : i32
    %add3A_133 = arith.addi %mul3A_2, %add3A_132 : i32
    %dma_start3A_134 = arith.constant 2 : i32
    %dma_start3A_135 = arith.constant 0 : i32
    %dma_start3A_136 = tpu.memref_slice %arg4[%dma_start3A_134, %add3A_133, %dma_start3A_135] : memref<4x4096x1024xf32, #tpu.memory_space<hbm>> -> memref<1x16x1024xf32, #tpu.memory_space<hbm>>
    %dma_start3A_137 = tpu.memref_squeeze %dma_start3A_136 : memref<1x16x1024xf32, #tpu.memory_space<hbm>> -> memref<16x1024xf32, #tpu.memory_space<hbm>>
    %dma_start3A_138 = arith.constant 0 : i32
    %dma_start3A_139 = tpu.memref_slice %arg4[%dma_start3A_134, %add3A_133, %dma_start3A_138] : memref<4x4096x1024xf32, #tpu.memory_space<hbm>> -> memref<1x16x1024xf32, #tpu.memory_space<hbm>>
    %dma_start3A_140 = tpu.memref_squeeze %dma_start3A_139 : memref<1x16x1024xf32, #tpu.memory_space<hbm>> -> memref<16x1024xf32, #tpu.memory_space<hbm>>
    tpu.enqueue_dma source(%arg7 : memref<16x1024xf32, #tpu.memory_space<vmem>>) target(%dma_start3A_140 : memref<16x1024xf32, #tpu.memory_space<hbm>>) target_semaphore(%arg19 : memref<!tpu.dma_semaphore, #tpu.memory_space<semaphore_mem>>)
    %dma_wait3A_141 = arith.constant 2 : i32
    %dma_wait3A_142 = arith.constant 0 : i32
    %dma_wait3A_143 = tpu.memref_slice %arg4[%dma_wait3A_141, %add3A_133, %dma_wait3A_142] : memref<4x4096x1024xf32, #tpu.memory_space<hbm>> -> memref<1x16x1024xf32, #tpu.memory_space<hbm>>
    %dma_wait3A_144 = tpu.memref_squeeze %dma_wait3A_143 : memref<1x16x1024xf32, #tpu.memory_space<hbm>> -> memref<16x1024xf32, #tpu.memory_space<hbm>>
    %dma_wait3A_145 = arith.constant 0 : i32
    %dma_wait3A_146 = tpu.memref_slice %arg4[%dma_wait3A_141, %add3A_133, %dma_wait3A_145] : memref<4x4096x1024xf32, #tpu.memory_space<hbm>> -> memref<1x16x1024xf32, #tpu.memory_space<hbm>>
    %dma_wait3A_147 = tpu.memref_squeeze %dma_wait3A_146 : memref<1x16x1024xf32, #tpu.memory_space<hbm>> -> memref<16x1024xf32, #tpu.memory_space<hbm>>
    tpu.wait_dma2 semaphore(%arg19 : memref<!tpu.dma_semaphore, #tpu.memory_space<semaphore_mem>>) src(%arg7 : memref<16x1024xf32, #tpu.memory_space<vmem>>) dst(%dma_wait3A_147 : memref<16x1024xf32, #tpu.memory_space<hbm>>)
    %add3A_148 = arith.constant 16 : i32
    %add3A_149 = arith.addi %mul3A_2, %add3A_148 : i32
    %dma_start3A_150 = arith.constant 2 : i32
    %dma_start3A_151 = arith.constant 0 : i32
    %dma_start3A_152 = tpu.memref_slice %arg2[%dma_start3A_150, %add3A_149, %dma_start3A_151] : memref<4x4096x1024xf32, #tpu.memory_space<hbm>> -> memref<1x16x1024xf32, #tpu.memory_space<hbm>>
    %dma_start3A_153 = tpu.memref_squeeze %dma_start3A_152 : memref<1x16x1024xf32, #tpu.memory_space<hbm>> -> memref<16x1024xf32, #tpu.memory_space<hbm>>
    %dma_start3A_154 = arith.constant 0 : i32
    %dma_start3A_155 = tpu.memref_slice %arg2[%dma_start3A_150, %add3A_149, %dma_start3A_154] : memref<4x4096x1024xf32, #tpu.memory_space<hbm>> -> memref<1x16x1024xf32, #tpu.memory_space<hbm>>
    %dma_start3A_156 = tpu.memref_squeeze %dma_start3A_155 : memref<1x16x1024xf32, #tpu.memory_space<hbm>> -> memref<16x1024xf32, #tpu.memory_space<hbm>>
    tpu.enqueue_dma source(%dma_start3A_156 : memref<16x1024xf32, #tpu.memory_space<hbm>>) target(%arg7 : memref<16x1024xf32, #tpu.memory_space<vmem>>) target_semaphore(%arg13 : memref<!tpu.dma_semaphore, #tpu.memory_space<semaphore_mem>>)
    %dma_wait3A_157 = arith.constant 3 : i32
    %dma_wait3A_158 = arith.constant 0 : i32
    %dma_wait3A_159 = tpu.memref_slice %arg2[%dma_wait3A_157, %add3A_42, %dma_wait3A_158] : memref<4x4096x1024xf32, #tpu.memory_space<hbm>> -> memref<1x16x1024xf32, #tpu.memory_space<hbm>>
    %dma_wait3A_160 = tpu.memref_squeeze %dma_wait3A_159 : memref<1x16x1024xf32, #tpu.memory_space<hbm>> -> memref<16x1024xf32, #tpu.memory_space<hbm>>
    %dma_wait3A_161 = arith.constant 0 : i32
    %dma_wait3A_162 = tpu.memref_slice %arg2[%dma_wait3A_157, %add3A_42, %dma_wait3A_161] : memref<4x4096x1024xf32, #tpu.memory_space<hbm>> -> memref<1x16x1024xf32, #tpu.memory_space<hbm>>
    %dma_wait3A_163 = tpu.memref_squeeze %dma_wait3A_162 : memref<1x16x1024xf32, #tpu.memory_space<hbm>> -> memref<16x1024xf32, #tpu.memory_space<hbm>>
    tpu.wait_dma2 semaphore(%arg14 : memref<!tpu.dma_semaphore, #tpu.memory_space<semaphore_mem>>) src(%dma_wait3A_163 : memref<16x1024xf32, #tpu.memory_space<hbm>>) dst(%arg8 : memref<16x1024xf32, #tpu.memory_space<vmem>>)
    %parallel_loop3A_164 = arith.constant 0 : i32
    %parallel_loop3A_165 = arith.constant 16384 : i32
    %parallel_loop3A_166 = arith.constant 16 : i32
    scf.for %parallel_loop3A_1200 = %parallel_loop3A_164 to %parallel_loop3A_165 step %parallel_loop3A_166  : i32 {
      %parallel_loop3A_1201 = arith.constant 10 : i32
      %parallel_loop3A_1202 = arith.shrsi %parallel_loop3A_1200, %parallel_loop3A_1201 : i32
      %parallel_loop3A_1203 = arith.constant 1023 : i32
      %parallel_loop3A_1204 = arith.andi %parallel_loop3A_1200, %parallel_loop3A_1203 : i32
      %parallel_loop3A_1205 = tpu.assume_multiple %parallel_loop3A_1204, 16 : i32
      %parallel_loop3A_1206 = arith.index_cast %parallel_loop3A_1202 : i32 to index
      %parallel_loop3A_1207 = arith.index_cast %parallel_loop3A_1205 : i32 to index
      %parallel_loop3A_1208 = tpu.vector_load %arg8[%parallel_loop3A_1206, %parallel_loop3A_1207] {strides = array<i32>} : memref<16x1024xf32, #tpu.memory_space<vmem>>, vector<1x16xf32>,
      %parallel_loop3A_1209 = vector.shape_cast %parallel_loop3A_1208 : vector<1x16xf32> to vector<16xf32>
      %parallel_loop3A_1210 = arith.index_cast %parallel_loop3A_1202 : i32 to index
      %parallel_loop3A_1211 = arith.index_cast %parallel_loop3A_1205 : i32 to index
      %parallel_loop3A_1212 = tpu.vector_load %arg9[%parallel_loop3A_1210, %parallel_loop3A_1211] {strides = array<i32>} : memref<16x1024xf32, #tpu.memory_space<vmem>>, vector<1x16xf32>,
      %parallel_loop3A_1213 = vector.shape_cast %parallel_loop3A_1212 : vector<1x16xf32> to vector<16xf32>
      %parallel_loop3A_1214 = arith.addf %parallel_loop3A_1209, %parallel_loop3A_1213 : vector<16xf32>
      %parallel_loop3A_1215 = arith.index_cast %parallel_loop3A_1202 : i32 to index
      %parallel_loop3A_1216 = arith.index_cast %parallel_loop3A_1205 : i32 to index
      %parallel_loop3A_1217 = tpu.vector_load %arg8[%parallel_loop3A_1215, %parallel_loop3A_1216] {strides = array<i32>} : memref<16x1024xf32, #tpu.memory_space<vmem>>, vector<1x16xf32>,
      %parallel_loop3A_1218 = vector.shape_cast %parallel_loop3A_1217 : vector<1x16xf32> to vector<16xf32>
      %parallel_loop3A_1219 = vector.shape_cast %parallel_loop3A_1214 : vector<16xf32> to vector<1x16xf32>
      tpu.vector_store %arg8[%parallel_loop3A_1215, %parallel_loop3A_1216], %parallel_loop3A_1219 {strides = array<i32>} : memref<16x1024xf32, #tpu.memory_space<vmem>>, vector<1x16xf32>,
    } {sc.loop_unroll_factor = 16 : i64, sc.parallel_access}
    %add3A_167 = arith.constant 0 : i32
    %add3A_168 = arith.addi %mul3A_2, %add3A_167 : i32
    %dma_start3A_169 = arith.constant 3 : i32
    %dma_start3A_170 = arith.constant 0 : i32
    %dma_start3A_171 = tpu.memref_slice %arg4[%dma_start3A_169, %add3A_168, %dma_start3A_170] : memref<4x4096x1024xf32, #tpu.memory_space<hbm>> -> memref<1x16x1024xf32, #tpu.memory_space<hbm>>
    %dma_start3A_172 = tpu.memref_squeeze %dma_start3A_171 : memref<1x16x1024xf32, #tpu.memory_space<hbm>> -> memref<16x1024xf32, #tpu.memory_space<hbm>>
    %dma_start3A_173 = arith.constant 0 : i32
    %dma_start3A_174 = tpu.memref_slice %arg4[%dma_start3A_169, %add3A_168, %dma_start3A_173] : memref<4x4096x1024xf32, #tpu.memory_space<hbm>> -> memref<1x16x1024xf32, #tpu.memory_space<hbm>>
    %dma_start3A_175 = tpu.memref_squeeze %dma_start3A_174 : memref<1x16x1024xf32, #tpu.memory_space<hbm>> -> memref<16x1024xf32, #tpu.memory_space<hbm>>
    tpu.enqueue_dma source(%arg8 : memref<16x1024xf32, #tpu.memory_space<vmem>>) target(%dma_start3A_175 : memref<16x1024xf32, #tpu.memory_space<hbm>>) target_semaphore(%arg20 : memref<!tpu.dma_semaphore, #tpu.memory_space<semaphore_mem>>)
    %add3A_176 = arith.constant 32 : i32
    %add3A_177 = arith.addi %mul3A_2, %add3A_176 : i32
    %dma_start3A_178 = arith.constant 0 : i32
    %dma_start3A_179 = tpu.memref_slice %arg3[%add3A_177, %dma_start3A_178] : memref<8192x1024xf32, #tpu.memory_space<hbm>> -> memref<16x1024xf32, #tpu.memory_space<hbm>>
    %dma_start3A_180 = arith.constant 0 : i32
    %dma_start3A_181 = tpu.memref_slice %arg3[%add3A_177, %dma_start3A_180] : memref<8192x1024xf32, #tpu.memory_space<hbm>> -> memref<16x1024xf32, #tpu.memory_space<hbm>>
    tpu.enqueue_dma source(%dma_start3A_181 : memref<16x1024xf32, #tpu.memory_space<hbm>>) target(%arg9 : memref<16x1024xf32, #tpu.memory_space<vmem>>) target_semaphore(%arg15 : memref<!tpu.dma_semaphore, #tpu.memory_space<semaphore_mem>>)
    %dma_wait3A_182 = arith.constant 3 : i32
    %dma_wait3A_183 = arith.constant 0 : i32
    %dma_wait3A_184 = tpu.memref_slice %arg4[%dma_wait3A_182, %add3A_168, %dma_wait3A_183] : memref<4x4096x1024xf32, #tpu.memory_space<hbm>> -> memref<1x16x1024xf32, #tpu.memory_space<hbm>>
    %dma_wait3A_185 = tpu.memref_squeeze %dma_wait3A_184 : memref<1x16x1024xf32, #tpu.memory_space<hbm>> -> memref<16x1024xf32, #tpu.memory_space<hbm>>
    %dma_wait3A_186 = arith.constant 0 : i32
    %dma_wait3A_187 = tpu.memref_slice %arg4[%dma_wait3A_182, %add3A_168, %dma_wait3A_186] : memref<4x4096x1024xf32, #tpu.memory_space<hbm>> -> memref<1x16x1024xf32, #tpu.memory_space<hbm>>
    %dma_wait3A_188 = tpu.memref_squeeze %dma_wait3A_187 : memref<1x16x1024xf32, #tpu.memory_space<hbm>> -> memref<16x1024xf32, #tpu.memory_space<hbm>>
    tpu.wait_dma2 semaphore(%arg20 : memref<!tpu.dma_semaphore, #tpu.memory_space<semaphore_mem>>) src(%arg8 : memref<16x1024xf32, #tpu.memory_space<vmem>>) dst(%dma_wait3A_188 : memref<16x1024xf32, #tpu.memory_space<hbm>>)
    %add3A_189 = arith.constant 16 : i32
    %add3A_190 = arith.addi %mul3A_2, %add3A_189 : i32
    %dma_start3A_191 = arith.constant 3 : i32
    %dma_start3A_192 = arith.constant 0 : i32
    %dma_start3A_193 = tpu.memref_slice %arg2[%dma_start3A_191, %add3A_190, %dma_start3A_192] : memref<4x4096x1024xf32, #tpu.memory_space<hbm>> -> memref<1x16x1024xf32, #tpu.memory_space<hbm>>
    %dma_start3A_194 = tpu.memref_squeeze %dma_start3A_193 : memref<1x16x1024xf32, #tpu.memory_space<hbm>> -> memref<16x1024xf32, #tpu.memory_space<hbm>>
    %dma_start3A_195 = arith.constant 0 : i32
    %dma_start3A_196 = tpu.memref_slice %arg2[%dma_start3A_191, %add3A_190, %dma_start3A_195] : memref<4x4096x1024xf32, #tpu.memory_space<hbm>> -> memref<1x16x1024xf32, #tpu.memory_space<hbm>>
    %dma_start3A_197 = tpu.memref_squeeze %dma_start3A_196 : memref<1x16x1024xf32, #tpu.memory_space<hbm>> -> memref<16x1024xf32, #tpu.memory_space<hbm>>
    tpu.enqueue_dma source(%dma_start3A_197 : memref<16x1024xf32, #tpu.memory_space<hbm>>) target(%arg8 : memref<16x1024xf32, #tpu.memory_space<vmem>>) target_semaphore(%arg14 : memref<!tpu.dma_semaphore, #tpu.memory_space<semaphore_mem>>)
    %dma_wait3A_198 = arith.constant 0 : i32
    %dma_wait3A_199 = tpu.memref_slice %arg3[%add3A_36, %dma_wait3A_198] : memref<8192x1024xf32, #tpu.memory_space<hbm>> -> memref<16x1024xf32, #tpu.memory_space<hbm>>
    %dma_wait3A_200 = arith.constant 0 : i32
    %dma_wait3A_201 = tpu.memref_slice %arg3[%add3A_36, %dma_wait3A_200] : memref<8192x1024xf32, #tpu.memory_space<hbm>> -> memref<16x1024xf32, #tpu.memory_space<hbm>>
    tpu.wait_dma2 semaphore(%arg16 : memref<!tpu.dma_semaphore, #tpu.memory_space<semaphore_mem>>) src(%dma_wait3A_201 : memref<16x1024xf32, #tpu.memory_space<hbm>>) dst(%arg10 : memref<16x1024xf32, #tpu.memory_space<vmem>>)
    %dma_wait3A_202 = arith.constant 0 : i32
    %dma_wait3A_203 = arith.constant 0 : i32
    %dma_wait3A_204 = tpu.memref_slice %arg2[%dma_wait3A_202, %add3A_79, %dma_wait3A_203] : memref<4x4096x1024xf32, #tpu.memory_space<hbm>> -> memref<1x16x1024xf32, #tpu.memory_space<hbm>>
    %dma_wait3A_205 = tpu.memref_squeeze %dma_wait3A_204 : memref<1x16x1024xf32, #tpu.memory_space<hbm>> -> memref<16x1024xf32, #tpu.memory_space<hbm>>
    %dma_wait3A_206 = arith.constant 0 : i32
    %dma_wait3A_207 = tpu.memref_slice %arg2[%dma_wait3A_202, %add3A_79, %dma_wait3A_206] : memref<4x4096x1024xf32, #tpu.memory_space<hbm>> -> memref<1x16x1024xf32, #tpu.memory_space<hbm>>
    %dma_wait3A_208 = tpu.memref_squeeze %dma_wait3A_207 : memref<1x16x1024xf32, #tpu.memory_space<hbm>> -> memref<16x1024xf32, #tpu.memory_space<hbm>>
    tpu.wait_dma2 semaphore(%arg11 : memref<!tpu.dma_semaphore, #tpu.memory_space<semaphore_mem>>) src(%dma_wait3A_208 : memref<16x1024xf32, #tpu.memory_space<hbm>>) dst(%arg5 : memref<16x1024xf32, #tpu.memory_space<vmem>>)
    %parallel_loop3A_209 = arith.constant 0 : i32
    %parallel_loop3A_210 = arith.constant 16384 : i32
    %parallel_loop3A_211 = arith.constant 16 : i32
    scf.for %parallel_loop3A_1200 = %parallel_loop3A_209 to %parallel_loop3A_210 step %parallel_loop3A_211  : i32 {
      %parallel_loop3A_1201 = arith.constant 10 : i32
      %parallel_loop3A_1202 = arith.shrsi %parallel_loop3A_1200, %parallel_loop3A_1201 : i32
      %parallel_loop3A_1203 = arith.constant 1023 : i32
      %parallel_loop3A_1204 = arith.andi %parallel_loop3A_1200, %parallel_loop3A_1203 : i32
      %parallel_loop3A_1205 = tpu.assume_multiple %parallel_loop3A_1204, 16 : i32
      %parallel_loop3A_1206 = arith.index_cast %parallel_loop3A_1202 : i32 to index
      %parallel_loop3A_1207 = arith.index_cast %parallel_loop3A_1205 : i32 to index
      %parallel_loop3A_1208 = tpu.vector_load %arg5[%parallel_loop3A_1206, %parallel_loop3A_1207] {strides = array<i32>} : memref<16x1024xf32, #tpu.memory_space<vmem>>, vector<1x16xf32>,
      %parallel_loop3A_1209 = vector.shape_cast %parallel_loop3A_1208 : vector<1x16xf32> to vector<16xf32>
      %parallel_loop3A_1210 = arith.index_cast %parallel_loop3A_1202 : i32 to index
      %parallel_loop3A_1211 = arith.index_cast %parallel_loop3A_1205 : i32 to index
      %parallel_loop3A_1212 = tpu.vector_load %arg10[%parallel_loop3A_1210, %parallel_loop3A_1211] {strides = array<i32>} : memref<16x1024xf32, #tpu.memory_space<vmem>>, vector<1x16xf32>,
      %parallel_loop3A_1213 = vector.shape_cast %parallel_loop3A_1212 : vector<1x16xf32> to vector<16xf32>
      %parallel_loop3A_1214 = arith.addf %parallel_loop3A_1209, %parallel_loop3A_1213 : vector<16xf32>
      %parallel_loop3A_1215 = arith.index_cast %parallel_loop3A_1202 : i32 to index
      %parallel_loop3A_1216 = arith.index_cast %parallel_loop3A_1205 : i32 to index
      %parallel_loop3A_1217 = tpu.vector_load %arg5[%parallel_loop3A_1215, %parallel_loop3A_1216] {strides = array<i32>} : memref<16x1024xf32, #tpu.memory_space<vmem>>, vector<1x16xf32>,
      %parallel_loop3A_1218 = vector.shape_cast %parallel_loop3A_1217 : vector<1x16xf32> to vector<16xf32>
      %parallel_loop3A_1219 = vector.shape_cast %parallel_loop3A_1214 : vector<16xf32> to vector<1x16xf32>
      tpu.vector_store %arg5[%parallel_loop3A_1215, %parallel_loop3A_1216], %parallel_loop3A_1219 {strides = array<i32>} : memref<16x1024xf32, #tpu.memory_space<vmem>>, vector<1x16xf32>,
    } {sc.loop_unroll_factor = 16 : i64, sc.parallel_access}
    %add3A_212 = arith.constant 16 : i32
    %add3A_213 = arith.addi %mul3A_2, %add3A_212 : i32
    %dma_start3A_214 = arith.constant 0 : i32
    %dma_start3A_215 = arith.constant 0 : i32
    %dma_start3A_216 = tpu.memref_slice %arg4[%dma_start3A_214, %add3A_213, %dma_start3A_215] : memref<4x4096x1024xf32, #tpu.memory_space<hbm>> -> memref<1x16x1024xf32, #tpu.memory_space<hbm>>
    %dma_start3A_217 = tpu.memref_squeeze %dma_start3A_216 : memref<1x16x1024xf32, #tpu.memory_space<hbm>> -> memref<16x1024xf32, #tpu.memory_space<hbm>>
    %dma_start3A_218 = arith.constant 0 : i32
    %dma_start3A_219 = tpu.memref_slice %arg4[%dma_start3A_214, %add3A_213, %dma_start3A_218] : memref<4x4096x1024xf32, #tpu.memory_space<hbm>> -> memref<1x16x1024xf32, #tpu.memory_space<hbm>>
    %dma_start3A_220 = tpu.memref_squeeze %dma_start3A_219 : memref<1x16x1024xf32, #tpu.memory_space<hbm>> -> memref<16x1024xf32, #tpu.memory_space<hbm>>
    tpu.enqueue_dma source(%arg5 : memref<16x1024xf32, #tpu.memory_space<vmem>>) target(%dma_start3A_220 : memref<16x1024xf32, #tpu.memory_space<hbm>>) target_semaphore(%arg17 : memref<!tpu.dma_semaphore, #tpu.memory_space<semaphore_mem>>)
    %dma_wait3A_221 = arith.constant 0 : i32
    %dma_wait3A_222 = arith.constant 0 : i32
    %dma_wait3A_223 = tpu.memref_slice %arg4[%dma_wait3A_221, %add3A_213, %dma_wait3A_222] : memref<4x4096x1024xf32, #tpu.memory_space<hbm>> -> memref<1x16x1024xf32, #tpu.memory_space<hbm>>
    %dma_wait3A_224 = tpu.memref_squeeze %dma_wait3A_223 : memref<1x16x1024xf32, #tpu.memory_space<hbm>> -> memref<16x1024xf32, #tpu.memory_space<hbm>>
    %dma_wait3A_225 = arith.constant 0 : i32
    %dma_wait3A_226 = tpu.memref_slice %arg4[%dma_wait3A_221, %add3A_213, %dma_wait3A_225] : memref<4x4096x1024xf32, #tpu.memory_space<hbm>> -> memref<1x16x1024xf32, #tpu.memory_space<hbm>>
    %dma_wait3A_227 = tpu.memref_squeeze %dma_wait3A_226 : memref<1x16x1024xf32, #tpu.memory_space<hbm>> -> memref<16x1024xf32, #tpu.memory_space<hbm>>
    tpu.wait_dma2 semaphore(%arg17 : memref<!tpu.dma_semaphore, #tpu.memory_space<semaphore_mem>>) src(%arg5 : memref<16x1024xf32, #tpu.memory_space<vmem>>) dst(%dma_wait3A_227 : memref<16x1024xf32, #tpu.memory_space<hbm>>)
    %add3A_228 = arith.constant 32 : i32
    %add3A_229 = arith.addi %mul3A_2, %add3A_228 : i32
    %dma_start3A_230 = arith.constant 0 : i32
    %dma_start3A_231 = arith.constant 0 : i32
    %dma_start3A_232 = tpu.memref_slice %arg2[%dma_start3A_230, %add3A_229, %dma_start3A_231] : memref<4x4096x1024xf32, #tpu.memory_space<hbm>> -> memref<1x16x1024xf32, #tpu.memory_space<hbm>>
    %dma_start3A_233 = tpu.memref_squeeze %dma_start3A_232 : memref<1x16x1024xf32, #tpu.memory_space<hbm>> -> memref<16x1024xf32, #tpu.memory_space<hbm>>
    %dma_start3A_234 = arith.constant 0 : i32
    %dma_start3A_235 = tpu.memref_slice %arg2[%dma_start3A_230, %add3A_229, %dma_start3A_234] : memref<4x4096x1024xf32, #tpu.memory_space<hbm>> -> memref<1x16x1024xf32, #tpu.memory_space<hbm>>
    %dma_start3A_236 = tpu.memref_squeeze %dma_start3A_235 : memref<1x16x1024xf32, #tpu.memory_space<hbm>> -> memref<16x1024xf32, #tpu.memory_space<hbm>>
    tpu.enqueue_dma source(%dma_start3A_236 : memref<16x1024xf32, #tpu.memory_space<hbm>>) target(%arg5 : memref<16x1024xf32, #tpu.memory_space<vmem>>) target_semaphore(%arg11 : memref<!tpu.dma_semaphore, #tpu.memory_space<semaphore_mem>>)
    %dma_wait3A_237 = arith.constant 1 : i32
    %dma_wait3A_238 = arith.constant 0 : i32
    %dma_wait3A_239 = tpu.memref_slice %arg2[%dma_wait3A_237, %add3A_114, %dma_wait3A_238] : memref<4x4096x1024xf32, #tpu.memory_space<hbm>> -> memref<1x16x1024xf32, #tpu.memory_space<hbm>>
    %dma_wait3A_240 = tpu.memref_squeeze %dma_wait3A_239 : memref<1x16x1024xf32, #tpu.memory_space<hbm>> -> memref<16x1024xf32, #tpu.memory_space<hbm>>
    %dma_wait3A_241 = arith.constant 0 : i32
    %dma_wait3A_242 = tpu.memref_slice %arg2[%dma_wait3A_237, %add3A_114, %dma_wait3A_241] : memref<4x4096x1024xf32, #tpu.memory_space<hbm>> -> memref<1x16x1024xf32, #tpu.memory_space<hbm>>
    %dma_wait3A_243 = tpu.memref_squeeze %dma_wait3A_242 : memref<1x16x1024xf32, #tpu.memory_space<hbm>> -> memref<16x1024xf32, #tpu.memory_space<hbm>>
    tpu.wait_dma2 semaphore(%arg12 : memref<!tpu.dma_semaphore, #tpu.memory_space<semaphore_mem>>) src(%dma_wait3A_243 : memref<16x1024xf32, #tpu.memory_space<hbm>>) dst(%arg6 : memref<16x1024xf32, #tpu.memory_space<vmem>>)
    %parallel_loop3A_244 = arith.constant 0 : i32
    %parallel_loop3A_245 = arith.constant 16384 : i32
    %parallel_loop3A_246 = arith.constant 16 : i32
    scf.for %parallel_loop3A_1200 = %parallel_loop3A_244 to %parallel_loop3A_245 step %parallel_loop3A_246  : i32 {
      %parallel_loop3A_1201 = arith.constant 10 : i32
      %parallel_loop3A_1202 = arith.shrsi %parallel_loop3A_1200, %parallel_loop3A_1201 : i32
      %parallel_loop3A_1203 = arith.constant 1023 : i32
      %parallel_loop3A_1204 = arith.andi %parallel_loop3A_1200, %parallel_loop3A_1203 : i32
      %parallel_loop3A_1205 = tpu.assume_multiple %parallel_loop3A_1204, 16 : i32
      %parallel_loop3A_1206 = arith.index_cast %parallel_loop3A_1202 : i32 to index
      %parallel_loop3A_1207 = arith.index_cast %parallel_loop3A_1205 : i32 to index
      %parallel_loop3A_1208 = tpu.vector_load %arg6[%parallel_loop3A_1206, %parallel_loop3A_1207] {strides = array<i32>} : memref<16x1024xf32, #tpu.memory_space<vmem>>, vector<1x16xf32>,
      %parallel_loop3A_1209 = vector.shape_cast %parallel_loop3A_1208 : vector<1x16xf32> to vector<16xf32>
      %parallel_loop3A_1210 = arith.index_cast %parallel_loop3A_1202 : i32 to index
      %parallel_loop3A_1211 = arith.index_cast %parallel_loop3A_1205 : i32 to index
      %parallel_loop3A_1212 = tpu.vector_load %arg10[%parallel_loop3A_1210, %parallel_loop3A_1211] {strides = array<i32>} : memref<16x1024xf32, #tpu.memory_space<vmem>>, vector<1x16xf32>,
      %parallel_loop3A_1213 = vector.shape_cast %parallel_loop3A_1212 : vector<1x16xf32> to vector<16xf32>
      %parallel_loop3A_1214 = arith.addf %parallel_loop3A_1209, %parallel_loop3A_1213 : vector<16xf32>
      %parallel_loop3A_1215 = arith.index_cast %parallel_loop3A_1202 : i32 to index
      %parallel_loop3A_1216 = arith.index_cast %parallel_loop3A_1205 : i32 to index
      %parallel_loop3A_1217 = tpu.vector_load %arg6[%parallel_loop3A_1215, %parallel_loop3A_1216] {strides = array<i32>} : memref<16x1024xf32, #tpu.memory_space<vmem>>, vector<1x16xf32>,
      %parallel_loop3A_1218 = vector.shape_cast %parallel_loop3A_1217 : vector<1x16xf32> to vector<16xf32>
      %parallel_loop3A_1219 = vector.shape_cast %parallel_loop3A_1214 : vector<16xf32> to vector<1x16xf32>
      tpu.vector_store %arg6[%parallel_loop3A_1215, %parallel_loop3A_1216], %parallel_loop3A_1219 {strides = array<i32>} : memref<16x1024xf32, #tpu.memory_space<vmem>>, vector<1x16xf32>,
    } {sc.loop_unroll_factor = 16 : i64, sc.parallel_access}
    %add3A_247 = arith.constant 16 : i32
    %add3A_248 = arith.addi %mul3A_2, %add3A_247 : i32
    %dma_start3A_249 = arith.constant 1 : i32
    %dma_start3A_250 = arith.constant 0 : i32
    %dma_start3A_251 = tpu.memref_slice %arg4[%dma_start3A_249, %add3A_248, %dma_start3A_250] : memref<4x4096x1024xf32, #tpu.memory_space<hbm>> -> memref<1x16x1024xf32, #tpu.memory_space<hbm>>
    %dma_start3A_252 = tpu.memref_squeeze %dma_start3A_251 : memref<1x16x1024xf32, #tpu.memory_space<hbm>> -> memref<16x1024xf32, #tpu.memory_space<hbm>>
    %dma_start3A_253 = arith.constant 0 : i32
    %dma_start3A_254 = tpu.memref_slice %arg4[%dma_start3A_249, %add3A_248, %dma_start3A_253] : memref<4x4096x1024xf32, #tpu.memory_space<hbm>> -> memref<1x16x1024xf32, #tpu.memory_space<hbm>>
    %dma_start3A_255 = tpu.memref_squeeze %dma_start3A_254 : memref<1x16x1024xf32, #tpu.memory_space<hbm>> -> memref<16x1024xf32, #tpu.memory_space<hbm>>
    tpu.enqueue_dma source(%arg6 : memref<16x1024xf32, #tpu.memory_space<vmem>>) target(%dma_start3A_255 : memref<16x1024xf32, #tpu.memory_space<hbm>>) target_semaphore(%arg18 : memref<!tpu.dma_semaphore, #tpu.memory_space<semaphore_mem>>)
    %dma_wait3A_256 = arith.constant 1 : i32
    %dma_wait3A_257 = arith.constant 0 : i32
    %dma_wait3A_258 = tpu.memref_slice %arg4[%dma_wait3A_256, %add3A_248, %dma_wait3A_257] : memref<4x4096x1024xf32, #tpu.memory_space<hbm>> -> memref<1x16x1024xf32, #tpu.memory_space<hbm>>
    %dma_wait3A_259 = tpu.memref_squeeze %dma_wait3A_258 : memref<1x16x1024xf32, #tpu.memory_space<hbm>> -> memref<16x1024xf32, #tpu.memory_space<hbm>>
    %dma_wait3A_260 = arith.constant 0 : i32
    %dma_wait3A_261 = tpu.memref_slice %arg4[%dma_wait3A_256, %add3A_248, %dma_wait3A_260] : memref<4x4096x1024xf32, #tpu.memory_space<hbm>> -> memref<1x16x1024xf32, #tpu.memory_space<hbm>>
    %dma_wait3A_262 = tpu.memref_squeeze %dma_wait3A_261 : memref<1x16x1024xf32, #tpu.memory_space<hbm>> -> memref<16x1024xf32, #tpu.memory_space<hbm>>
    tpu.wait_dma2 semaphore(%arg18 : memref<!tpu.dma_semaphore, #tpu.memory_space<semaphore_mem>>) src(%arg6 : memref<16x1024xf32, #tpu.memory_space<vmem>>) dst(%dma_wait3A_262 : memref<16x1024xf32, #tpu.memory_space<hbm>>)
    %add3A_263 = arith.constant 32 : i32
    %add3A_264 = arith.addi %mul3A_2, %add3A_263 : i32
    %dma_start3A_265 = arith.constant 1 : i32
    %dma_start3A_266 = arith.constant 0 : i32
    %dma_start3A_267 = tpu.memref_slice %arg2[%dma_start3A_265, %add3A_264, %dma_start3A_266] : memref<4x4096x1024xf32, #tpu.memory_space<hbm>> -> memref<1x16x1024xf32, #tpu.memory_space<hbm>>
    %dma_start3A_268 = tpu.memref_squeeze %dma_start3A_267 : memref<1x16x1024xf32, #tpu.memory_space<hbm>> -> memref<16x1024xf32, #tpu.memory_space<hbm>>
    %dma_start3A_269 = arith.constant 0 : i32
    %dma_start3A_270 = tpu.memref_slice %arg2[%dma_start3A_265, %add3A_264, %dma_start3A_269] : memref<4x4096x1024xf32, #tpu.memory_space<hbm>> -> memref<1x16x1024xf32, #tpu.memory_space<hbm>>
    %dma_start3A_271 = tpu.memref_squeeze %dma_start3A_270 : memref<1x16x1024xf32, #tpu.memory_space<hbm>> -> memref<16x1024xf32, #tpu.memory_space<hbm>>
    tpu.enqueue_dma source(%dma_start3A_271 : memref<16x1024xf32, #tpu.memory_space<hbm>>) target(%arg6 : memref<16x1024xf32, #tpu.memory_space<vmem>>) target_semaphore(%arg12 : memref<!tpu.dma_semaphore, #tpu.memory_space<semaphore_mem>>)
    %dma_wait3A_272 = arith.constant 2 : i32
    %dma_wait3A_273 = arith.constant 0 : i32
    %dma_wait3A_274 = tpu.memref_slice %arg2[%dma_wait3A_272, %add3A_149, %dma_wait3A_273] : memref<4x4096x1024xf32, #tpu.memory_space<hbm>> -> memref<1x16x1024xf32, #tpu.memory_space<hbm>>
    %dma_wait3A_275 = tpu.memref_squeeze %dma_wait3A_274 : memref<1x16x1024xf32, #tpu.memory_space<hbm>> -> memref<16x1024xf32, #tpu.memory_space<hbm>>
    %dma_wait3A_276 = arith.constant 0 : i32
    %dma_wait3A_277 = tpu.memref_slice %arg2[%dma_wait3A_272, %add3A_149, %dma_wait3A_276] : memref<4x4096x1024xf32, #tpu.memory_space<hbm>> -> memref<1x16x1024xf32, #tpu.memory_space<hbm>>
    %dma_wait3A_278 = tpu.memref_squeeze %dma_wait3A_277 : memref<1x16x1024xf32, #tpu.memory_space<hbm>> -> memref<16x1024xf32, #tpu.memory_space<hbm>>
    tpu.wait_dma2 semaphore(%arg13 : memref<!tpu.dma_semaphore, #tpu.memory_space<semaphore_mem>>) src(%dma_wait3A_278 : memref<16x1024xf32, #tpu.memory_space<hbm>>) dst(%arg7 : memref<16x1024xf32, #tpu.memory_space<vmem>>)
    %parallel_loop3A_279 = arith.constant 0 : i32
    %parallel_loop3A_280 = arith.constant 16384 : i32
    %parallel_loop3A_281 = arith.constant 16 : i32
    scf.for %parallel_loop3A_1200 = %parallel_loop3A_279 to %parallel_loop3A_280 step %parallel_loop3A_281  : i32 {
      %parallel_loop3A_1201 = arith.constant 10 : i32
      %parallel_loop3A_1202 = arith.shrsi %parallel_loop3A_1200, %parallel_loop3A_1201 : i32
      %parallel_loop3A_1203 = arith.constant 1023 : i32
      %parallel_loop3A_1204 = arith.andi %parallel_loop3A_1200, %parallel_loop3A_1203 : i32
      %parallel_loop3A_1205 = tpu.assume_multiple %parallel_loop3A_1204, 16 : i32
      %parallel_loop3A_1206 = arith.index_cast %parallel_loop3A_1202 : i32 to index
      %parallel_loop3A_1207 = arith.index_cast %parallel_loop3A_1205 : i32 to index
      %parallel_loop3A_1208 = tpu.vector_load %arg7[%parallel_loop3A_1206, %parallel_loop3A_1207] {strides = array<i32>} : memref<16x1024xf32, #tpu.memory_space<vmem>>, vector<1x16xf32>,
      %parallel_loop3A_1209 = vector.shape_cast %parallel_loop3A_1208 : vector<1x16xf32> to vector<16xf32>
      %parallel_loop3A_1210 = arith.index_cast %parallel_loop3A_1202 : i32 to index
      %parallel_loop3A_1211 = arith.index_cast %parallel_loop3A_1205 : i32 to index
      %parallel_loop3A_1212 = tpu.vector_load %arg10[%parallel_loop3A_1210, %parallel_loop3A_1211] {strides = array<i32>} : memref<16x1024xf32, #tpu.memory_space<vmem>>, vector<1x16xf32>,
      %parallel_loop3A_1213 = vector.shape_cast %parallel_loop3A_1212 : vector<1x16xf32> to vector<16xf32>
      %parallel_loop3A_1214 = arith.addf %parallel_loop3A_1209, %parallel_loop3A_1213 : vector<16xf32>
      %parallel_loop3A_1215 = arith.index_cast %parallel_loop3A_1202 : i32 to index
      %parallel_loop3A_1216 = arith.index_cast %parallel_loop3A_1205 : i32 to index
      %parallel_loop3A_1217 = tpu.vector_load %arg7[%parallel_loop3A_1215, %parallel_loop3A_1216] {strides = array<i32>} : memref<16x1024xf32, #tpu.memory_space<vmem>>, vector<1x16xf32>,
      %parallel_loop3A_1218 = vector.shape_cast %parallel_loop3A_1217 : vector<1x16xf32> to vector<16xf32>
      %parallel_loop3A_1219 = vector.shape_cast %parallel_loop3A_1214 : vector<16xf32> to vector<1x16xf32>
      tpu.vector_store %arg7[%parallel_loop3A_1215, %parallel_loop3A_1216], %parallel_loop3A_1219 {strides = array<i32>} : memref<16x1024xf32, #tpu.memory_space<vmem>>, vector<1x16xf32>,
    } {sc.loop_unroll_factor = 16 : i64, sc.parallel_access}
    %add3A_282 = arith.constant 16 : i32
    %add3A_283 = arith.addi %mul3A_2, %add3A_282 : i32
    %dma_start3A_284 = arith.constant 2 : i32
    %dma_start3A_285 = arith.constant 0 : i32
    %dma_start3A_286 = tpu.memref_slice %arg4[%dma_start3A_284, %add3A_283, %dma_start3A_285] : memref<4x4096x1024xf32, #tpu.memory_space<hbm>> -> memref<1x16x1024xf32, #tpu.memory_space<hbm>>
    %dma_start3A_287 = tpu.memref_squeeze %dma_start3A_286 : memref<1x16x1024xf32, #tpu.memory_space<hbm>> -> memref<16x1024xf32, #tpu.memory_space<hbm>>
    %dma_start3A_288 = arith.constant 0 : i32
    %dma_start3A_289 = tpu.memref_slice %arg4[%dma_start3A_284, %add3A_283, %dma_start3A_288] : memref<4x4096x1024xf32, #tpu.memory_space<hbm>> -> memref<1x16x1024xf32, #tpu.memory_space<hbm>>
    %dma_start3A_290 = tpu.memref_squeeze %dma_start3A_289 : memref<1x16x1024xf32, #tpu.memory_space<hbm>> -> memref<16x1024xf32, #tpu.memory_space<hbm>>
    tpu.enqueue_dma source(%arg7 : memref<16x1024xf32, #tpu.memory_space<vmem>>) target(%dma_start3A_290 : memref<16x1024xf32, #tpu.memory_space<hbm>>) target_semaphore(%arg19 : memref<!tpu.dma_semaphore, #tpu.memory_space<semaphore_mem>>)
    %dma_wait3A_291 = arith.constant 2 : i32
    %dma_wait3A_292 = arith.constant 0 : i32
    %dma_wait3A_293 = tpu.memref_slice %arg4[%dma_wait3A_291, %add3A_283, %dma_wait3A_292] : memref<4x4096x1024xf32, #tpu.memory_space<hbm>> -> memref<1x16x1024xf32, #tpu.memory_space<hbm>>
    %dma_wait3A_294 = tpu.memref_squeeze %dma_wait3A_293 : memref<1x16x1024xf32, #tpu.memory_space<hbm>> -> memref<16x1024xf32, #tpu.memory_space<hbm>>
    %dma_wait3A_295 = arith.constant 0 : i32
    %dma_wait3A_296 = tpu.memref_slice %arg4[%dma_wait3A_291, %add3A_283, %dma_wait3A_295] : memref<4x4096x1024xf32, #tpu.memory_space<hbm>> -> memref<1x16x1024xf32, #tpu.memory_space<hbm>>
    %dma_wait3A_297 = tpu.memref_squeeze %dma_wait3A_296 : memref<1x16x1024xf32, #tpu.memory_space<hbm>> -> memref<16x1024xf32, #tpu.memory_space<hbm>>
    tpu.wait_dma2 semaphore(%arg19 : memref<!tpu.dma_semaphore, #tpu.memory_space<semaphore_mem>>) src(%arg7 : memref<16x1024xf32, #tpu.memory_space<vmem>>) dst(%dma_wait3A_297 : memref<16x1024xf32, #tpu.memory_space<hbm>>)
    %add3A_298 = arith.constant 32 : i32
    %add3A_299 = arith.addi %mul3A_2, %add3A_298 : i32
    %dma_start3A_300 = arith.constant 2 : i32
    %dma_start3A_301 = arith.constant 0 : i32
    %dma_start3A_302 = tpu.memref_slice %arg2[%dma_start3A_300, %add3A_299, %dma_start3A_301] : memref<4x4096x1024xf32, #tpu.memory_space<hbm>> -> memref<1x16x1024xf32, #tpu.memory_space<hbm>>
    %dma_start3A_303 = tpu.memref_squeeze %dma_start3A_302 : memref<1x16x1024xf32, #tpu.memory_space<hbm>> -> memref<16x1024xf32, #tpu.memory_space<hbm>>
    %dma_start3A_304 = arith.constant 0 : i32
    %dma_start3A_305 = tpu.memref_slice %arg2[%dma_start3A_300, %add3A_299, %dma_start3A_304] : memref<4x4096x1024xf32, #tpu.memory_space<hbm>> -> memref<1x16x1024xf32, #tpu.memory_space<hbm>>
    %dma_start3A_306 = tpu.memref_squeeze %dma_start3A_305 : memref<1x16x1024xf32, #tpu.memory_space<hbm>> -> memref<16x1024xf32, #tpu.memory_space<hbm>>
    tpu.enqueue_dma source(%dma_start3A_306 : memref<16x1024xf32, #tpu.memory_space<hbm>>) target(%arg7 : memref<16x1024xf32, #tpu.memory_space<vmem>>) target_semaphore(%arg13 : memref<!tpu.dma_semaphore, #tpu.memory_space<semaphore_mem>>)
    %dma_wait3A_307 = arith.constant 3 : i32
    %dma_wait3A_308 = arith.constant 0 : i32
    %dma_wait3A_309 = tpu.memref_slice %arg2[%dma_wait3A_307, %add3A_190, %dma_wait3A_308] : memref<4x4096x1024xf32, #tpu.memory_space<hbm>> -> memref<1x16x1024xf32, #tpu.memory_space<hbm>>
    %dma_wait3A_310 = tpu.memref_squeeze %dma_wait3A_309 : memref<1x16x1024xf32, #tpu.memory_space<hbm>> -> memref<16x1024xf32, #tpu.memory_space<hbm>>
    %dma_wait3A_311 = arith.constant 0 : i32
    %dma_wait3A_312 = tpu.memref_slice %arg2[%dma_wait3A_307, %add3A_190, %dma_wait3A_311] : memref<4x4096x1024xf32, #tpu.memory_space<hbm>> -> memref<1x16x1024xf32, #tpu.memory_space<hbm>>
    %dma_wait3A_313 = tpu.memref_squeeze %dma_wait3A_312 : memref<1x16x1024xf32, #tpu.memory_space<hbm>> -> memref<16x1024xf32, #tpu.memory_space<hbm>>
    tpu.wait_dma2 semaphore(%arg14 : memref<!tpu.dma_semaphore, #tpu.memory_space<semaphore_mem>>) src(%dma_wait3A_313 : memref<16x1024xf32, #tpu.memory_space<hbm>>) dst(%arg8 : memref<16x1024xf32, #tpu.memory_space<vmem>>)
    %parallel_loop3A_314 = arith.constant 0 : i32
    %parallel_loop3A_315 = arith.constant 16384 : i32
    %parallel_loop3A_316 = arith.constant 16 : i32
    scf.for %parallel_loop3A_1200 = %parallel_loop3A_314 to %parallel_loop3A_315 step %parallel_loop3A_316  : i32 {
      %parallel_loop3A_1201 = arith.constant 10 : i32
      %parallel_loop3A_1202 = arith.shrsi %parallel_loop3A_1200, %parallel_loop3A_1201 : i32
      %parallel_loop3A_1203 = arith.constant 1023 : i32
      %parallel_loop3A_1204 = arith.andi %parallel_loop3A_1200, %parallel_loop3A_1203 : i32
      %parallel_loop3A_1205 = tpu.assume_multiple %parallel_loop3A_1204, 16 : i32
      %parallel_loop3A_1206 = arith.index_cast %parallel_loop3A_1202 : i32 to index
      %parallel_loop3A_1207 = arith.index_cast %parallel_loop3A_1205 : i32 to index
      %parallel_loop3A_1208 = tpu.vector_load %arg8[%parallel_loop3A_1206, %parallel_loop3A_1207] {strides = array<i32>} : memref<16x1024xf32, #tpu.memory_space<vmem>>, vector<1x16xf32>,
      %parallel_loop3A_1209 = vector.shape_cast %parallel_loop3A_1208 : vector<1x16xf32> to vector<16xf32>
      %parallel_loop3A_1210 = arith.index_cast %parallel_loop3A_1202 : i32 to index
      %parallel_loop3A_1211 = arith.index_cast %parallel_loop3A_1205 : i32 to index
      %parallel_loop3A_1212 = tpu.vector_load %arg10[%parallel_loop3A_1210, %parallel_loop3A_1211] {strides = array<i32>} : memref<16x1024xf32, #tpu.memory_space<vmem>>, vector<1x16xf32>,
      %parallel_loop3A_1213 = vector.shape_cast %parallel_loop3A_1212 : vector<1x16xf32> to vector<16xf32>
      %parallel_loop3A_1214 = arith.addf %parallel_loop3A_1209, %parallel_loop3A_1213 : vector<16xf32>
      %parallel_loop3A_1215 = arith.index_cast %parallel_loop3A_1202 : i32 to index
      %parallel_loop3A_1216 = arith.index_cast %parallel_loop3A_1205 : i32 to index
      %parallel_loop3A_1217 = tpu.vector_load %arg8[%parallel_loop3A_1215, %parallel_loop3A_1216] {strides = array<i32>} : memref<16x1024xf32, #tpu.memory_space<vmem>>, vector<1x16xf32>,
      %parallel_loop3A_1218 = vector.shape_cast %parallel_loop3A_1217 : vector<1x16xf32> to vector<16xf32>
      %parallel_loop3A_1219 = vector.shape_cast %parallel_loop3A_1214 : vector<16xf32> to vector<1x16xf32>
      tpu.vector_store %arg8[%parallel_loop3A_1215, %parallel_loop3A_1216], %parallel_loop3A_1219 {strides = array<i32>} : memref<16x1024xf32, #tpu.memory_space<vmem>>, vector<1x16xf32>,
    } {sc.loop_unroll_factor = 16 : i64, sc.parallel_access}
    %add3A_317 = arith.constant 16 : i32
    %add3A_318 = arith.addi %mul3A_2, %add3A_317 : i32
    %dma_start3A_319 = arith.constant 3 : i32
    %dma_start3A_320 = arith.constant 0 : i32
    %dma_start3A_321 = tpu.memref_slice %arg4[%dma_start3A_319, %add3A_318, %dma_start3A_320] : memref<4x4096x1024xf32, #tpu.memory_space<hbm>> -> memref<1x16x1024xf32, #tpu.memory_space<hbm>>
    %dma_start3A_322 = tpu.memref_squeeze %dma_start3A_321 : memref<1x16x1024xf32, #tpu.memory_space<hbm>> -> memref<16x1024xf32, #tpu.memory_space<hbm>>
    %dma_start3A_323 = arith.constant 0 : i32
    %dma_start3A_324 = tpu.memref_slice %arg4[%dma_start3A_319, %add3A_318, %dma_start3A_323] : memref<4x4096x1024xf32, #tpu.memory_space<hbm>> -> memref<1x16x1024xf32, #tpu.memory_space<hbm>>
    %dma_start3A_325 = tpu.memref_squeeze %dma_start3A_324 : memref<1x16x1024xf32, #tpu.memory_space<hbm>> -> memref<16x1024xf32, #tpu.memory_space<hbm>>
    tpu.enqueue_dma source(%arg8 : memref<16x1024xf32, #tpu.memory_space<vmem>>) target(%dma_start3A_325 : memref<16x1024xf32, #tpu.memory_space<hbm>>) target_semaphore(%arg20 : memref<!tpu.dma_semaphore, #tpu.memory_space<semaphore_mem>>)
    %add3A_326 = arith.constant 48 : i32
    %add3A_327 = arith.addi %mul3A_2, %add3A_326 : i32
    %dma_start3A_328 = arith.constant 0 : i32
    %dma_start3A_329 = tpu.memref_slice %arg3[%add3A_327, %dma_start3A_328] : memref<8192x1024xf32, #tpu.memory_space<hbm>> -> memref<16x1024xf32, #tpu.memory_space<hbm>>
    %dma_start3A_330 = arith.constant 0 : i32
    %dma_start3A_331 = tpu.memref_slice %arg3[%add3A_327, %dma_start3A_330] : memref<8192x1024xf32, #tpu.memory_space<hbm>> -> memref<16x1024xf32, #tpu.memory_space<hbm>>
    tpu.enqueue_dma source(%dma_start3A_331 : memref<16x1024xf32, #tpu.memory_space<hbm>>) target(%arg10 : memref<16x1024xf32, #tpu.memory_space<vmem>>) target_semaphore(%arg16 : memref<!tpu.dma_semaphore, #tpu.memory_space<semaphore_mem>>)
    %dma_wait3A_332 = arith.constant 3 : i32
    %dma_wait3A_333 = arith.constant 0 : i32
    %dma_wait3A_334 = tpu.memref_slice %arg4[%dma_wait3A_332, %add3A_318, %dma_wait3A_333] : memref<4x4096x1024xf32, #tpu.memory_space<hbm>> -> memref<1x16x1024xf32, #tpu.memory_space<hbm>>
    %dma_wait3A_335 = tpu.memref_squeeze %dma_wait3A_334 : memref<1x16x1024xf32, #tpu.memory_space<hbm>> -> memref<16x1024xf32, #tpu.memory_space<hbm>>
    %dma_wait3A_336 = arith.constant 0 : i32
    %dma_wait3A_337 = tpu.memref_slice %arg4[%dma_wait3A_332, %add3A_318, %dma_wait3A_336] : memref<4x4096x1024xf32, #tpu.memory_space<hbm>> -> memref<1x16x1024xf32, #tpu.memory_space<hbm>>
    %dma_wait3A_338 = tpu.memref_squeeze %dma_wait3A_337 : memref<1x16x1024xf32, #tpu.memory_space<hbm>> -> memref<16x1024xf32, #tpu.memory_space<hbm>>
    tpu.wait_dma2 semaphore(%arg20 : memref<!tpu.dma_semaphore, #tpu.memory_space<semaphore_mem>>) src(%arg8 : memref<16x1024xf32, #tpu.memory_space<vmem>>) dst(%dma_wait3A_338 : memref<16x1024xf32, #tpu.memory_space<hbm>>)
    %add3A_339 = arith.constant 32 : i32
    %add3A_340 = arith.addi %mul3A_2, %add3A_339 : i32
    %dma_start3A_341 = arith.constant 3 : i32
    %dma_start3A_342 = arith.constant 0 : i32
    %dma_start3A_343 = tpu.memref_slice %arg2[%dma_start3A_341, %add3A_340, %dma_start3A_342] : memref<4x4096x1024xf32, #tpu.memory_space<hbm>> -> memref<1x16x1024xf32, #tpu.memory_space<hbm>>
    %dma_start3A_344 = tpu.memref_squeeze %dma_start3A_343 : memref<1x16x1024xf32, #tpu.memory_space<hbm>> -> memref<16x1024xf32, #tpu.memory_space<hbm>>
    %dma_start3A_345 = arith.constant 0 : i32
    %dma_start3A_346 = tpu.memref_slice %arg2[%dma_start3A_341, %add3A_340, %dma_start3A_345] : memref<4x4096x1024xf32, #tpu.memory_space<hbm>> -> memref<1x16x1024xf32, #tpu.memory_space<hbm>>
    %dma_start3A_347 = tpu.memref_squeeze %dma_start3A_346 : memref<1x16x1024xf32, #tpu.memory_space<hbm>> -> memref<16x1024xf32, #tpu.memory_space<hbm>>
    tpu.enqueue_dma source(%dma_start3A_347 : memref<16x1024xf32, #tpu.memory_space<hbm>>) target(%arg8 : memref<16x1024xf32, #tpu.memory_space<vmem>>) target_semaphore(%arg14 : memref<!tpu.dma_semaphore, #tpu.memory_space<semaphore_mem>>)
    %dma_wait3A_348 = arith.constant 0 : i32
    %dma_wait3A_349 = tpu.memref_slice %arg3[%add3A_177, %dma_wait3A_348] : memref<8192x1024xf32, #tpu.memory_space<hbm>> -> memref<16x1024xf32, #tpu.memory_space<hbm>>
    %dma_wait3A_350 = arith.constant 0 : i32
    %dma_wait3A_351 = tpu.memref_slice %arg3[%add3A_177, %dma_wait3A_350] : memref<8192x1024xf32, #tpu.memory_space<hbm>> -> memref<16x1024xf32, #tpu.memory_space<hbm>>
    tpu.wait_dma2 semaphore(%arg15 : memref<!tpu.dma_semaphore, #tpu.memory_space<semaphore_mem>>) src(%dma_wait3A_351 : memref<16x1024xf32, #tpu.memory_space<hbm>>) dst(%arg9 : memref<16x1024xf32, #tpu.memory_space<vmem>>)
    %dma_wait3A_352 = arith.constant 0 : i32
    %dma_wait3A_353 = arith.constant 0 : i32
    %dma_wait3A_354 = tpu.memref_slice %arg2[%dma_wait3A_352, %add3A_229, %dma_wait3A_353] : memref<4x4096x1024xf32, #tpu.memory_space<hbm>> -> memref<1x16x1024xf32, #tpu.memory_space<hbm>>
    %dma_wait3A_355 = tpu.memref_squeeze %dma_wait3A_354 : memref<1x16x1024xf32, #tpu.memory_space<hbm>> -> memref<16x1024xf32, #tpu.memory_space<hbm>>
    %dma_wait3A_356 = arith.constant 0 : i32
    %dma_wait3A_357 = tpu.memref_slice %arg2[%dma_wait3A_352, %add3A_229, %dma_wait3A_356] : memref<4x4096x1024xf32, #tpu.memory_space<hbm>> -> memref<1x16x1024xf32, #tpu.memory_space<hbm>>
    %dma_wait3A_358 = tpu.memref_squeeze %dma_wait3A_357 : memref<1x16x1024xf32, #tpu.memory_space<hbm>> -> memref<16x1024xf32, #tpu.memory_space<hbm>>
    tpu.wait_dma2 semaphore(%arg11 : memref<!tpu.dma_semaphore, #tpu.memory_space<semaphore_mem>>) src(%dma_wait3A_358 : memref<16x1024xf32, #tpu.memory_space<hbm>>) dst(%arg5 : memref<16x1024xf32, #tpu.memory_space<vmem>>)
    %parallel_loop3A_359 = arith.constant 0 : i32
    %parallel_loop3A_360 = arith.constant 16384 : i32
    %parallel_loop3A_361 = arith.constant 16 : i32
    scf.for %parallel_loop3A_1200 = %parallel_loop3A_359 to %parallel_loop3A_360 step %parallel_loop3A_361  : i32 {
      %parallel_loop3A_1201 = arith.constant 10 : i32
      %parallel_loop3A_1202 = arith.shrsi %parallel_loop3A_1200, %parallel_loop3A_1201 : i32
      %parallel_loop3A_1203 = arith.constant 1023 : i32
      %parallel_loop3A_1204 = arith.andi %parallel_loop3A_1200, %parallel_loop3A_1203 : i32
      %parallel_loop3A_1205 = tpu.assume_multiple %parallel_loop3A_1204, 16 : i32
      %parallel_loop3A_1206 = arith.index_cast %parallel_loop3A_1202 : i32 to index
      %parallel_loop3A_1207 = arith.index_cast %parallel_loop3A_1205 : i32 to index
      %parallel_loop3A_1208 = tpu.vector_load %arg5[%parallel_loop3A_1206, %parallel_loop3A_1207] {strides = array<i32>} : memref<16x1024xf32, #tpu.memory_space<vmem>>, vector<1x16xf32>,
      %parallel_loop3A_1209 = vector.shape_cast %parallel_loop3A_1208 : vector<1x16xf32> to vector<16xf32>
      %parallel_loop3A_1210 = arith.index_cast %parallel_loop3A_1202 : i32 to index
      %parallel_loop3A_1211 = arith.index_cast %parallel_loop3A_1205 : i32 to index
      %parallel_loop3A_1212 = tpu.vector_load %arg9[%parallel_loop3A_1210, %parallel_loop3A_1211] {strides = array<i32>} : memref<16x1024xf32, #tpu.memory_space<vmem>>, vector<1x16xf32>,
      %parallel_loop3A_1213 = vector.shape_cast %parallel_loop3A_1212 : vector<1x16xf32> to vector<16xf32>
      %parallel_loop3A_1214 = arith.addf %parallel_loop3A_1209, %parallel_loop3A_1213 : vector<16xf32>
      %parallel_loop3A_1215 = arith.index_cast %parallel_loop3A_1202 : i32 to index
      %parallel_loop3A_1216 = arith.index_cast %parallel_loop3A_1205 : i32 to index
      %parallel_loop3A_1217 = tpu.vector_load %arg5[%parallel_loop3A_1215, %parallel_loop3A_1216] {strides = array<i32>} : memref<16x1024xf32, #tpu.memory_space<vmem>>, vector<1x16xf32>,
      %parallel_loop3A_1218 = vector.shape_cast %parallel_loop3A_1217 : vector<1x16xf32> to vector<16xf32>
      %parallel_loop3A_1219 = vector.shape_cast %parallel_loop3A_1214 : vector<16xf32> to vector<1x16xf32>
      tpu.vector_store %arg5[%parallel_loop3A_1215, %parallel_loop3A_1216], %parallel_loop3A_1219 {strides = array<i32>} : memref<16x1024xf32, #tpu.memory_space<vmem>>, vector<1x16xf32>,
    } {sc.loop_unroll_factor = 16 : i64, sc.parallel_access}
    %add3A_362 = arith.constant 32 : i32
    %add3A_363 = arith.addi %mul3A_2, %add3A_362 : i32
    %dma_start3A_364 = arith.constant 0 : i32
    %dma_start3A_365 = arith.constant 0 : i32
    %dma_start3A_366 = tpu.memref_slice %arg4[%dma_start3A_364, %add3A_363, %dma_start3A_365] : memref<4x4096x1024xf32, #tpu.memory_space<hbm>> -> memref<1x16x1024xf32, #tpu.memory_space<hbm>>
    %dma_start3A_367 = tpu.memref_squeeze %dma_start3A_366 : memref<1x16x1024xf32, #tpu.memory_space<hbm>> -> memref<16x1024xf32, #tpu.memory_space<hbm>>
    %dma_start3A_368 = arith.constant 0 : i32
    %dma_start3A_369 = tpu.memref_slice %arg4[%dma_start3A_364, %add3A_363, %dma_start3A_368] : memref<4x4096x1024xf32, #tpu.memory_space<hbm>> -> memref<1x16x1024xf32, #tpu.memory_space<hbm>>
    %dma_start3A_370 = tpu.memref_squeeze %dma_start3A_369 : memref<1x16x1024xf32, #tpu.memory_space<hbm>> -> memref<16x1024xf32, #tpu.memory_space<hbm>>
    tpu.enqueue_dma source(%arg5 : memref<16x1024xf32, #tpu.memory_space<vmem>>) target(%dma_start3A_370 : memref<16x1024xf32, #tpu.memory_space<hbm>>) target_semaphore(%arg17 : memref<!tpu.dma_semaphore, #tpu.memory_space<semaphore_mem>>)
    %dma_wait3A_371 = arith.constant 0 : i32
    %dma_wait3A_372 = arith.constant 0 : i32
    %dma_wait3A_373 = tpu.memref_slice %arg4[%dma_wait3A_371, %add3A_363, %dma_wait3A_372] : memref<4x4096x1024xf32, #tpu.memory_space<hbm>> -> memref<1x16x1024xf32, #tpu.memory_space<hbm>>
    %dma_wait3A_374 = tpu.memref_squeeze %dma_wait3A_373 : memref<1x16x1024xf32, #tpu.memory_space<hbm>> -> memref<16x1024xf32, #tpu.memory_space<hbm>>
    %dma_wait3A_375 = arith.constant 0 : i32
    %dma_wait3A_376 = tpu.memref_slice %arg4[%dma_wait3A_371, %add3A_363, %dma_wait3A_375] : memref<4x4096x1024xf32, #tpu.memory_space<hbm>> -> memref<1x16x1024xf32, #tpu.memory_space<hbm>>
    %dma_wait3A_377 = tpu.memref_squeeze %dma_wait3A_376 : memref<1x16x1024xf32, #tpu.memory_space<hbm>> -> memref<16x1024xf32, #tpu.memory_space<hbm>>
    tpu.wait_dma2 semaphore(%arg17 : memref<!tpu.dma_semaphore, #tpu.memory_space<semaphore_mem>>) src(%arg5 : memref<16x1024xf32, #tpu.memory_space<vmem>>) dst(%dma_wait3A_377 : memref<16x1024xf32, #tpu.memory_space<hbm>>)
    %add3A_378 = arith.constant 48 : i32
    %add3A_379 = arith.addi %mul3A_2, %add3A_378 : i32
    %dma_start3A_380 = arith.constant 0 : i32
    %dma_start3A_381 = arith.constant 0 : i32
    %dma_start3A_382 = tpu.memref_slice %arg2[%dma_start3A_380, %add3A_379, %dma_start3A_381] : memref<4x4096x1024xf32, #tpu.memory_space<hbm>> -> memref<1x16x1024xf32, #tpu.memory_space<hbm>>
    %dma_start3A_383 = tpu.memref_squeeze %dma_start3A_382 : memref<1x16x1024xf32, #tpu.memory_space<hbm>> -> memref<16x1024xf32, #tpu.memory_space<hbm>>
    %dma_start3A_384 = arith.constant 0 : i32
    %dma_start3A_385 = tpu.memref_slice %arg2[%dma_start3A_380, %add3A_379, %dma_start3A_384] : memref<4x4096x1024xf32, #tpu.memory_space<hbm>> -> memref<1x16x1024xf32, #tpu.memory_space<hbm>>
    %dma_start3A_386 = tpu.memref_squeeze %dma_start3A_385 : memref<1x16x1024xf32, #tpu.memory_space<hbm>> -> memref<16x1024xf32, #tpu.memory_space<hbm>>
    tpu.enqueue_dma source(%dma_start3A_386 : memref<16x1024xf32, #tpu.memory_space<hbm>>) target(%arg5 : memref<16x1024xf32, #tpu.memory_space<vmem>>) target_semaphore(%arg11 : memref<!tpu.dma_semaphore, #tpu.memory_space<semaphore_mem>>)
    %dma_wait3A_387 = arith.constant 1 : i32
    %dma_wait3A_388 = arith.constant 0 : i32
    %dma_wait3A_389 = tpu.memref_slice %arg2[%dma_wait3A_387, %add3A_264, %dma_wait3A_388] : memref<4x4096x1024xf32, #tpu.memory_space<hbm>> -> memref<1x16x1024xf32, #tpu.memory_space<hbm>>
    %dma_wait3A_390 = tpu.memref_squeeze %dma_wait3A_389 : memref<1x16x1024xf32, #tpu.memory_space<hbm>> -> memref<16x1024xf32, #tpu.memory_space<hbm>>
    %dma_wait3A_391 = arith.constant 0 : i32
    %dma_wait3A_392 = tpu.memref_slice %arg2[%dma_wait3A_387, %add3A_264, %dma_wait3A_391] : memref<4x4096x1024xf32, #tpu.memory_space<hbm>> -> memref<1x16x1024xf32, #tpu.memory_space<hbm>>
    %dma_wait3A_393 = tpu.memref_squeeze %dma_wait3A_392 : memref<1x16x1024xf32, #tpu.memory_space<hbm>> -> memref<16x1024xf32, #tpu.memory_space<hbm>>
    tpu.wait_dma2 semaphore(%arg12 : memref<!tpu.dma_semaphore, #tpu.memory_space<semaphore_mem>>) src(%dma_wait3A_393 : memref<16x1024xf32, #tpu.memory_space<hbm>>) dst(%arg6 : memref<16x1024xf32, #tpu.memory_space<vmem>>)
    %parallel_loop3A_394 = arith.constant 0 : i32
    %parallel_loop3A_395 = arith.constant 16384 : i32
    %parallel_loop3A_396 = arith.constant 16 : i32
    scf.for %parallel_loop3A_1200 = %parallel_loop3A_394 to %parallel_loop3A_395 step %parallel_loop3A_396  : i32 {
      %parallel_loop3A_1201 = arith.constant 10 : i32
      %parallel_loop3A_1202 = arith.shrsi %parallel_loop3A_1200, %parallel_loop3A_1201 : i32
      %parallel_loop3A_1203 = arith.constant 1023 : i32
      %parallel_loop3A_1204 = arith.andi %parallel_loop3A_1200, %parallel_loop3A_1203 : i32
      %parallel_loop3A_1205 = tpu.assume_multiple %parallel_loop3A_1204, 16 : i32
      %parallel_loop3A_1206 = arith.index_cast %parallel_loop3A_1202 : i32 to index
      %parallel_loop3A_1207 = arith.index_cast %parallel_loop3A_1205 : i32 to index
      %parallel_loop3A_1208 = tpu.vector_load %arg6[%parallel_loop3A_1206, %parallel_loop3A_1207] {strides = array<i32>} : memref<16x1024xf32, #tpu.memory_space<vmem>>, vector<1x16xf32>,
      %parallel_loop3A_1209 = vector.shape_cast %parallel_loop3A_1208 : vector<1x16xf32> to vector<16xf32>
      %parallel_loop3A_1210 = arith.index_cast %parallel_loop3A_1202 : i32 to index
      %parallel_loop3A_1211 = arith.index_cast %parallel_loop3A_1205 : i32 to index
      %parallel_loop3A_1212 = tpu.vector_load %arg9[%parallel_loop3A_1210, %parallel_loop3A_1211] {strides = array<i32>} : memref<16x1024xf32, #tpu.memory_space<vmem>>, vector<1x16xf32>,
      %parallel_loop3A_1213 = vector.shape_cast %parallel_loop3A_1212 : vector<1x16xf32> to vector<16xf32>
      %parallel_loop3A_1214 = arith.addf %parallel_loop3A_1209, %parallel_loop3A_1213 : vector<16xf32>
      %parallel_loop3A_1215 = arith.index_cast %parallel_loop3A_1202 : i32 to index
      %parallel_loop3A_1216 = arith.index_cast %parallel_loop3A_1205 : i32 to index
      %parallel_loop3A_1217 = tpu.vector_load %arg6[%parallel_loop3A_1215, %parallel_loop3A_1216] {strides = array<i32>} : memref<16x1024xf32, #tpu.memory_space<vmem>>, vector<1x16xf32>,
      %parallel_loop3A_1218 = vector.shape_cast %parallel_loop3A_1217 : vector<1x16xf32> to vector<16xf32>
      %parallel_loop3A_1219 = vector.shape_cast %parallel_loop3A_1214 : vector<16xf32> to vector<1x16xf32>
      tpu.vector_store %arg6[%parallel_loop3A_1215, %parallel_loop3A_1216], %parallel_loop3A_1219 {strides = array<i32>} : memref<16x1024xf32, #tpu.memory_space<vmem>>, vector<1x16xf32>,
    } {sc.loop_unroll_factor = 16 : i64, sc.parallel_access}
    %add3A_397 = arith.constant 32 : i32
    %add3A_398 = arith.addi %mul3A_2, %add3A_397 : i32
    %dma_start3A_399 = arith.constant 1 : i32
    %dma_start3A_400 = arith.constant 0 : i32
    %dma_start3A_401 = tpu.memref_slice %arg4[%dma_start3A_399, %add3A_398, %dma_start3A_400] : memref<4x4096x1024xf32, #tpu.memory_space<hbm>> -> memref<1x16x1024xf32, #tpu.memory_space<hbm>>
    %dma_start3A_402 = tpu.memref_squeeze %dma_start3A_401 : memref<1x16x1024xf32, #tpu.memory_space<hbm>> -> memref<16x1024xf32, #tpu.memory_space<hbm>>
    %dma_start3A_403 = arith.constant 0 : i32
    %dma_start3A_404 = tpu.memref_slice %arg4[%dma_start3A_399, %add3A_398, %dma_start3A_403] : memref<4x4096x1024xf32, #tpu.memory_space<hbm>> -> memref<1x16x1024xf32, #tpu.memory_space<hbm>>
    %dma_start3A_405 = tpu.memref_squeeze %dma_start3A_404 : memref<1x16x1024xf32, #tpu.memory_space<hbm>> -> memref<16x1024xf32, #tpu.memory_space<hbm>>
    tpu.enqueue_dma source(%arg6 : memref<16x1024xf32, #tpu.memory_space<vmem>>) target(%dma_start3A_405 : memref<16x1024xf32, #tpu.memory_space<hbm>>) target_semaphore(%arg18 : memref<!tpu.dma_semaphore, #tpu.memory_space<semaphore_mem>>)
    %dma_wait3A_406 = arith.constant 1 : i32
    %dma_wait3A_407 = arith.constant 0 : i32
    %dma_wait3A_408 = tpu.memref_slice %arg4[%dma_wait3A_406, %add3A_398, %dma_wait3A_407] : memref<4x4096x1024xf32, #tpu.memory_space<hbm>> -> memref<1x16x1024xf32, #tpu.memory_space<hbm>>
    %dma_wait3A_409 = tpu.memref_squeeze %dma_wait3A_408 : memref<1x16x1024xf32, #tpu.memory_space<hbm>> -> memref<16x1024xf32, #tpu.memory_space<hbm>>
    %dma_wait3A_410 = arith.constant 0 : i32
    %dma_wait3A_411 = tpu.memref_slice %arg4[%dma_wait3A_406, %add3A_398, %dma_wait3A_410] : memref<4x4096x1024xf32, #tpu.memory_space<hbm>> -> memref<1x16x1024xf32, #tpu.memory_space<hbm>>
    %dma_wait3A_412 = tpu.memref_squeeze %dma_wait3A_411 : memref<1x16x1024xf32, #tpu.memory_space<hbm>> -> memref<16x1024xf32, #tpu.memory_space<hbm>>
    tpu.wait_dma2 semaphore(%arg18 : memref<!tpu.dma_semaphore, #tpu.memory_space<semaphore_mem>>) src(%arg6 : memref<16x1024xf32, #tpu.memory_space<vmem>>) dst(%dma_wait3A_412 : memref<16x1024xf32, #tpu.memory_space<hbm>>)
    %add3A_413 = arith.constant 48 : i32
    %add3A_414 = arith.addi %mul3A_2, %add3A_413 : i32
    %dma_start3A_415 = arith.constant 1 : i32
    %dma_start3A_416 = arith.constant 0 : i32
    %dma_start3A_417 = tpu.memref_slice %arg2[%dma_start3A_415, %add3A_414, %dma_start3A_416] : memref<4x4096x1024xf32, #tpu.memory_space<hbm>> -> memref<1x16x1024xf32, #tpu.memory_space<hbm>>
    %dma_start3A_418 = tpu.memref_squeeze %dma_start3A_417 : memref<1x16x1024xf32, #tpu.memory_space<hbm>> -> memref<16x1024xf32, #tpu.memory_space<hbm>>
    %dma_start3A_419 = arith.constant 0 : i32
    %dma_start3A_420 = tpu.memref_slice %arg2[%dma_start3A_415, %add3A_414, %dma_start3A_419] : memref<4x4096x1024xf32, #tpu.memory_space<hbm>> -> memref<1x16x1024xf32, #tpu.memory_space<hbm>>
    %dma_start3A_421 = tpu.memref_squeeze %dma_start3A_420 : memref<1x16x1024xf32, #tpu.memory_space<hbm>> -> memref<16x1024xf32, #tpu.memory_space<hbm>>
    tpu.enqueue_dma source(%dma_start3A_421 : memref<16x1024xf32, #tpu.memory_space<hbm>>) target(%arg6 : memref<16x1024xf32, #tpu.memory_space<vmem>>) target_semaphore(%arg12 : memref<!tpu.dma_semaphore, #tpu.memory_space<semaphore_mem>>)
    %dma_wait3A_422 = arith.constant 2 : i32
    %dma_wait3A_423 = arith.constant 0 : i32
    %dma_wait3A_424 = tpu.memref_slice %arg2[%dma_wait3A_422, %add3A_299, %dma_wait3A_423] : memref<4x4096x1024xf32, #tpu.memory_space<hbm>> -> memref<1x16x1024xf32, #tpu.memory_space<hbm>>
    %dma_wait3A_425 = tpu.memref_squeeze %dma_wait3A_424 : memref<1x16x1024xf32, #tpu.memory_space<hbm>> -> memref<16x1024xf32, #tpu.memory_space<hbm>>
    %dma_wait3A_426 = arith.constant 0 : i32
    %dma_wait3A_427 = tpu.memref_slice %arg2[%dma_wait3A_422, %add3A_299, %dma_wait3A_426] : memref<4x4096x1024xf32, #tpu.memory_space<hbm>> -> memref<1x16x1024xf32, #tpu.memory_space<hbm>>
    %dma_wait3A_428 = tpu.memref_squeeze %dma_wait3A_427 : memref<1x16x1024xf32, #tpu.memory_space<hbm>> -> memref<16x1024xf32, #tpu.memory_space<hbm>>
    tpu.wait_dma2 semaphore(%arg13 : memref<!tpu.dma_semaphore, #tpu.memory_space<semaphore_mem>>) src(%dma_wait3A_428 : memref<16x1024xf32, #tpu.memory_space<hbm>>) dst(%arg7 : memref<16x1024xf32, #tpu.memory_space<vmem>>)
    %parallel_loop3A_429 = arith.constant 0 : i32
    %parallel_loop3A_430 = arith.constant 16384 : i32
    %parallel_loop3A_431 = arith.constant 16 : i32
    scf.for %parallel_loop3A_1200 = %parallel_loop3A_429 to %parallel_loop3A_430 step %parallel_loop3A_431  : i32 {
      %parallel_loop3A_1201 = arith.constant 10 : i32
      %parallel_loop3A_1202 = arith.shrsi %parallel_loop3A_1200, %parallel_loop3A_1201 : i32
      %parallel_loop3A_1203 = arith.constant 1023 : i32
      %parallel_loop3A_1204 = arith.andi %parallel_loop3A_1200, %parallel_loop3A_1203 : i32
      %parallel_loop3A_1205 = tpu.assume_multiple %parallel_loop3A_1204, 16 : i32
      %parallel_loop3A_1206 = arith.index_cast %parallel_loop3A_1202 : i32 to index
      %parallel_loop3A_1207 = arith.index_cast %parallel_loop3A_1205 : i32 to index
      %parallel_loop3A_1208 = tpu.vector_load %arg7[%parallel_loop3A_1206, %parallel_loop3A_1207] {strides = array<i32>} : memref<16x1024xf32, #tpu.memory_space<vmem>>, vector<1x16xf32>,
      %parallel_loop3A_1209 = vector.shape_cast %parallel_loop3A_1208 : vector<1x16xf32> to vector<16xf32>
      %parallel_loop3A_1210 = arith.index_cast %parallel_loop3A_1202 : i32 to index
      %parallel_loop3A_1211 = arith.index_cast %parallel_loop3A_1205 : i32 to index
      %parallel_loop3A_1212 = tpu.vector_load %arg9[%parallel_loop3A_1210, %parallel_loop3A_1211] {strides = array<i32>} : memref<16x1024xf32, #tpu.memory_space<vmem>>, vector<1x16xf32>,
      %parallel_loop3A_1213 = vector.shape_cast %parallel_loop3A_1212 : vector<1x16xf32> to vector<16xf32>
      %parallel_loop3A_1214 = arith.addf %parallel_loop3A_1209, %parallel_loop3A_1213 : vector<16xf32>
      %parallel_loop3A_1215 = arith.index_cast %parallel_loop3A_1202 : i32 to index
      %parallel_loop3A_1216 = arith.index_cast %parallel_loop3A_1205 : i32 to index
      %parallel_loop3A_1217 = tpu.vector_load %arg7[%parallel_loop3A_1215, %parallel_loop3A_1216] {strides = array<i32>} : memref<16x1024xf32, #tpu.memory_space<vmem>>, vector<1x16xf32>,
      %parallel_loop3A_1218 = vector.shape_cast %parallel_loop3A_1217 : vector<1x16xf32> to vector<16xf32>
      %parallel_loop3A_1219 = vector.shape_cast %parallel_loop3A_1214 : vector<16xf32> to vector<1x16xf32>
      tpu.vector_store %arg7[%parallel_loop3A_1215, %parallel_loop3A_1216], %parallel_loop3A_1219 {strides = array<i32>} : memref<16x1024xf32, #tpu.memory_space<vmem>>, vector<1x16xf32>,
    } {sc.loop_unroll_factor = 16 : i64, sc.parallel_access}
    %add3A_432 = arith.constant 32 : i32
    %add3A_433 = arith.addi %mul3A_2, %add3A_432 : i32
    %dma_start3A_434 = arith.constant 2 : i32
    %dma_start3A_435 = arith.constant 0 : i32
    %dma_start3A_436 = tpu.memref_slice %arg4[%dma_start3A_434, %add3A_433, %dma_start3A_435] : memref<4x4096x1024xf32, #tpu.memory_space<hbm>> -> memref<1x16x1024xf32, #tpu.memory_space<hbm>>
    %dma_start3A_437 = tpu.memref_squeeze %dma_start3A_436 : memref<1x16x1024xf32, #tpu.memory_space<hbm>> -> memref<16x1024xf32, #tpu.memory_space<hbm>>
    %dma_start3A_438 = arith.constant 0 : i32
    %dma_start3A_439 = tpu.memref_slice %arg4[%dma_start3A_434, %add3A_433, %dma_start3A_438] : memref<4x4096x1024xf32, #tpu.memory_space<hbm>> -> memref<1x16x1024xf32, #tpu.memory_space<hbm>>
    %dma_start3A_440 = tpu.memref_squeeze %dma_start3A_439 : memref<1x16x1024xf32, #tpu.memory_space<hbm>> -> memref<16x1024xf32, #tpu.memory_space<hbm>>
    tpu.enqueue_dma source(%arg7 : memref<16x1024xf32, #tpu.memory_space<vmem>>) target(%dma_start3A_440 : memref<16x1024xf32, #tpu.memory_space<hbm>>) target_semaphore(%arg19 : memref<!tpu.dma_semaphore, #tpu.memory_space<semaphore_mem>>)
    %dma_wait3A_441 = arith.constant 2 : i32
    %dma_wait3A_442 = arith.constant 0 : i32
    %dma_wait3A_443 = tpu.memref_slice %arg4[%dma_wait3A_441, %add3A_433, %dma_wait3A_442] : memref<4x4096x1024xf32, #tpu.memory_space<hbm>> -> memref<1x16x1024xf32, #tpu.memory_space<hbm>>
    %dma_wait3A_444 = tpu.memref_squeeze %dma_wait3A_443 : memref<1x16x1024xf32, #tpu.memory_space<hbm>> -> memref<16x1024xf32, #tpu.memory_space<hbm>>
    %dma_wait3A_445 = arith.constant 0 : i32
    %dma_wait3A_446 = tpu.memref_slice %arg4[%dma_wait3A_441, %add3A_433, %dma_wait3A_445] : memref<4x4096x1024xf32, #tpu.memory_space<hbm>> -> memref<1x16x1024xf32, #tpu.memory_space<hbm>>
    %dma_wait3A_447 = tpu.memref_squeeze %dma_wait3A_446 : memref<1x16x1024xf32, #tpu.memory_space<hbm>> -> memref<16x1024xf32, #tpu.memory_space<hbm>>
    tpu.wait_dma2 semaphore(%arg19 : memref<!tpu.dma_semaphore, #tpu.memory_space<semaphore_mem>>) src(%arg7 : memref<16x1024xf32, #tpu.memory_space<vmem>>) dst(%dma_wait3A_447 : memref<16x1024xf32, #tpu.memory_space<hbm>>)
    %add3A_448 = arith.constant 48 : i32
    %add3A_449 = arith.addi %mul3A_2, %add3A_448 : i32
    %dma_start3A_450 = arith.constant 2 : i32
    %dma_start3A_451 = arith.constant 0 : i32
    %dma_start3A_452 = tpu.memref_slice %arg2[%dma_start3A_450, %add3A_449, %dma_start3A_451] : memref<4x4096x1024xf32, #tpu.memory_space<hbm>> -> memref<1x16x1024xf32, #tpu.memory_space<hbm>>
    %dma_start3A_453 = tpu.memref_squeeze %dma_start3A_452 : memref<1x16x1024xf32, #tpu.memory_space<hbm>> -> memref<16x1024xf32, #tpu.memory_space<hbm>>
    %dma_start3A_454 = arith.constant 0 : i32
    %dma_start3A_455 = tpu.memref_slice %arg2[%dma_start3A_450, %add3A_449, %dma_start3A_454] : memref<4x4096x1024xf32, #tpu.memory_space<hbm>> -> memref<1x16x1024xf32, #tpu.memory_space<hbm>>
    %dma_start3A_456 = tpu.memref_squeeze %dma_start3A_455 : memref<1x16x1024xf32, #tpu.memory_space<hbm>> -> memref<16x1024xf32, #tpu.memory_space<hbm>>
    tpu.enqueue_dma source(%dma_start3A_456 : memref<16x1024xf32, #tpu.memory_space<hbm>>) target(%arg7 : memref<16x1024xf32, #tpu.memory_space<vmem>>) target_semaphore(%arg13 : memref<!tpu.dma_semaphore, #tpu.memory_space<semaphore_mem>>)
    %dma_wait3A_457 = arith.constant 3 : i32
    %dma_wait3A_458 = arith.constant 0 : i32
    %dma_wait3A_459 = tpu.memref_slice %arg2[%dma_wait3A_457, %add3A_340, %dma_wait3A_458] : memref<4x4096x1024xf32, #tpu.memory_space<hbm>> -> memref<1x16x1024xf32, #tpu.memory_space<hbm>>
    %dma_wait3A_460 = tpu.memref_squeeze %dma_wait3A_459 : memref<1x16x1024xf32, #tpu.memory_space<hbm>> -> memref<16x1024xf32, #tpu.memory_space<hbm>>
    %dma_wait3A_461 = arith.constant 0 : i32
    %dma_wait3A_462 = tpu.memref_slice %arg2[%dma_wait3A_457, %add3A_340, %dma_wait3A_461] : memref<4x4096x1024xf32, #tpu.memory_space<hbm>> -> memref<1x16x1024xf32, #tpu.memory_space<hbm>>
    %dma_wait3A_463 = tpu.memref_squeeze %dma_wait3A_462 : memref<1x16x1024xf32, #tpu.memory_space<hbm>> -> memref<16x1024xf32, #tpu.memory_space<hbm>>
    tpu.wait_dma2 semaphore(%arg14 : memref<!tpu.dma_semaphore, #tpu.memory_space<semaphore_mem>>) src(%dma_wait3A_463 : memref<16x1024xf32, #tpu.memory_space<hbm>>) dst(%arg8 : memref<16x1024xf32, #tpu.memory_space<vmem>>)
    %parallel_loop3A_464 = arith.constant 0 : i32
    %parallel_loop3A_465 = arith.constant 16384 : i32
    %parallel_loop3A_466 = arith.constant 16 : i32
    scf.for %parallel_loop3A_1200 = %parallel_loop3A_464 to %parallel_loop3A_465 step %parallel_loop3A_466  : i32 {
      %parallel_loop3A_1201 = arith.constant 10 : i32
      %parallel_loop3A_1202 = arith.shrsi %parallel_loop3A_1200, %parallel_loop3A_1201 : i32
      %parallel_loop3A_1203 = arith.constant 1023 : i32
      %parallel_loop3A_1204 = arith.andi %parallel_loop3A_1200, %parallel_loop3A_1203 : i32
      %parallel_loop3A_1205 = tpu.assume_multiple %parallel_loop3A_1204, 16 : i32
      %parallel_loop3A_1206 = arith.index_cast %parallel_loop3A_1202 : i32 to index
      %parallel_loop3A_1207 = arith.index_cast %parallel_loop3A_1205 : i32 to index
      %parallel_loop3A_1208 = tpu.vector_load %arg8[%parallel_loop3A_1206, %parallel_loop3A_1207] {strides = array<i32>} : memref<16x1024xf32, #tpu.memory_space<vmem>>, vector<1x16xf32>,
      %parallel_loop3A_1209 = vector.shape_cast %parallel_loop3A_1208 : vector<1x16xf32> to vector<16xf32>
      %parallel_loop3A_1210 = arith.index_cast %parallel_loop3A_1202 : i32 to index
      %parallel_loop3A_1211 = arith.index_cast %parallel_loop3A_1205 : i32 to index
      %parallel_loop3A_1212 = tpu.vector_load %arg9[%parallel_loop3A_1210, %parallel_loop3A_1211] {strides = array<i32>} : memref<16x1024xf32, #tpu.memory_space<vmem>>, vector<1x16xf32>,
      %parallel_loop3A_1213 = vector.shape_cast %parallel_loop3A_1212 : vector<1x16xf32> to vector<16xf32>
      %parallel_loop3A_1214 = arith.addf %parallel_loop3A_1209, %parallel_loop3A_1213 : vector<16xf32>
      %parallel_loop3A_1215 = arith.index_cast %parallel_loop3A_1202 : i32 to index
      %parallel_loop3A_1216 = arith.index_cast %parallel_loop3A_1205 : i32 to index
      %parallel_loop3A_1217 = tpu.vector_load %arg8[%parallel_loop3A_1215, %parallel_loop3A_1216] {strides = array<i32>} : memref<16x1024xf32, #tpu.memory_space<vmem>>, vector<1x16xf32>,
      %parallel_loop3A_1218 = vector.shape_cast %parallel_loop3A_1217 : vector<1x16xf32> to vector<16xf32>
      %parallel_loop3A_1219 = vector.shape_cast %parallel_loop3A_1214 : vector<16xf32> to vector<1x16xf32>
      tpu.vector_store %arg8[%parallel_loop3A_1215, %parallel_loop3A_1216], %parallel_loop3A_1219 {strides = array<i32>} : memref<16x1024xf32, #tpu.memory_space<vmem>>, vector<1x16xf32>,
    } {sc.loop_unroll_factor = 16 : i64, sc.parallel_access}
    %add3A_467 = arith.constant 32 : i32
    %add3A_468 = arith.addi %mul3A_2, %add3A_467 : i32
    %dma_start3A_469 = arith.constant 3 : i32
    %dma_start3A_470 = arith.constant 0 : i32
    %dma_start3A_471 = tpu.memref_slice %arg4[%dma_start3A_469, %add3A_468, %dma_start3A_470] : memref<4x4096x1024xf32, #tpu.memory_space<hbm>> -> memref<1x16x1024xf32, #tpu.memory_space<hbm>>
    %dma_start3A_472 = tpu.memref_squeeze %dma_start3A_471 : memref<1x16x1024xf32, #tpu.memory_space<hbm>> -> memref<16x1024xf32, #tpu.memory_space<hbm>>
    %dma_start3A_473 = arith.constant 0 : i32
    %dma_start3A_474 = tpu.memref_slice %arg4[%dma_start3A_469, %add3A_468, %dma_start3A_473] : memref<4x4096x1024xf32, #tpu.memory_space<hbm>> -> memref<1x16x1024xf32, #tpu.memory_space<hbm>>
    %dma_start3A_475 = tpu.memref_squeeze %dma_start3A_474 : memref<1x16x1024xf32, #tpu.memory_space<hbm>> -> memref<16x1024xf32, #tpu.memory_space<hbm>>
    tpu.enqueue_dma source(%arg8 : memref<16x1024xf32, #tpu.memory_space<vmem>>) target(%dma_start3A_475 : memref<16x1024xf32, #tpu.memory_space<hbm>>) target_semaphore(%arg20 : memref<!tpu.dma_semaphore, #tpu.memory_space<semaphore_mem>>)
    %add3A_476 = arith.constant 64 : i32
    %add3A_477 = arith.addi %mul3A_2, %add3A_476 : i32
    %dma_start3A_478 = arith.constant 0 : i32
    %dma_start3A_479 = tpu.memref_slice %arg3[%add3A_477, %dma_start3A_478] : memref<8192x1024xf32, #tpu.memory_space<hbm>> -> memref<16x1024xf32, #tpu.memory_space<hbm>>
    %dma_start3A_480 = arith.constant 0 : i32
    %dma_start3A_481 = tpu.memref_slice %arg3[%add3A_477, %dma_start3A_480] : memref<8192x1024xf32, #tpu.memory_space<hbm>> -> memref<16x1024xf32, #tpu.memory_space<hbm>>
    tpu.enqueue_dma source(%dma_start3A_481 : memref<16x1024xf32, #tpu.memory_space<hbm>>) target(%arg9 : memref<16x1024xf32, #tpu.memory_space<vmem>>) target_semaphore(%arg15 : memref<!tpu.dma_semaphore, #tpu.memory_space<semaphore_mem>>)
    %dma_wait3A_482 = arith.constant 3 : i32
    %dma_wait3A_483 = arith.constant 0 : i32
    %dma_wait3A_484 = tpu.memref_slice %arg4[%dma_wait3A_482, %add3A_468, %dma_wait3A_483] : memref<4x4096x1024xf32, #tpu.memory_space<hbm>> -> memref<1x16x1024xf32, #tpu.memory_space<hbm>>
    %dma_wait3A_485 = tpu.memref_squeeze %dma_wait3A_484 : memref<1x16x1024xf32, #tpu.memory_space<hbm>> -> memref<16x1024xf32, #tpu.memory_space<hbm>>
    %dma_wait3A_486 = arith.constant 0 : i32
    %dma_wait3A_487 = tpu.memref_slice %arg4[%dma_wait3A_482, %add3A_468, %dma_wait3A_486] : memref<4x4096x1024xf32, #tpu.memory_space<hbm>> -> memref<1x16x1024xf32, #tpu.memory_space<hbm>>
    %dma_wait3A_488 = tpu.memref_squeeze %dma_wait3A_487 : memref<1x16x1024xf32, #tpu.memory_space<hbm>> -> memref<16x1024xf32, #tpu.memory_space<hbm>>
    tpu.wait_dma2 semaphore(%arg20 : memref<!tpu.dma_semaphore, #tpu.memory_space<semaphore_mem>>) src(%arg8 : memref<16x1024xf32, #tpu.memory_space<vmem>>) dst(%dma_wait3A_488 : memref<16x1024xf32, #tpu.memory_space<hbm>>)
    %add3A_489 = arith.constant 48 : i32
    %add3A_490 = arith.addi %mul3A_2, %add3A_489 : i32
    %dma_start3A_491 = arith.constant 3 : i32
    %dma_start3A_492 = arith.constant 0 : i32
    %dma_start3A_493 = tpu.memref_slice %arg2[%dma_start3A_491, %add3A_490, %dma_start3A_492] : memref<4x4096x1024xf32, #tpu.memory_space<hbm>> -> memref<1x16x1024xf32, #tpu.memory_space<hbm>>
    %dma_start3A_494 = tpu.memref_squeeze %dma_start3A_493 : memref<1x16x1024xf32, #tpu.memory_space<hbm>> -> memref<16x1024xf32, #tpu.memory_space<hbm>>
    %dma_start3A_495 = arith.constant 0 : i32
    %dma_start3A_496 = tpu.memref_slice %arg2[%dma_start3A_491, %add3A_490, %dma_start3A_495] : memref<4x4096x1024xf32, #tpu.memory_space<hbm>> -> memref<1x16x1024xf32, #tpu.memory_space<hbm>>
    %dma_start3A_497 = tpu.memref_squeeze %dma_start3A_496 : memref<1x16x1024xf32, #tpu.memory_space<hbm>> -> memref<16x1024xf32, #tpu.memory_space<hbm>>
    tpu.enqueue_dma source(%dma_start3A_497 : memref<16x1024xf32, #tpu.memory_space<hbm>>) target(%arg8 : memref<16x1024xf32, #tpu.memory_space<vmem>>) target_semaphore(%arg14 : memref<!tpu.dma_semaphore, #tpu.memory_space<semaphore_mem>>)
    %dma_wait3A_498 = arith.constant 0 : i32
    %dma_wait3A_499 = tpu.memref_slice %arg3[%add3A_327, %dma_wait3A_498] : memref<8192x1024xf32, #tpu.memory_space<hbm>> -> memref<16x1024xf32, #tpu.memory_space<hbm>>
    %dma_wait3A_500 = arith.constant 0 : i32
    %dma_wait3A_501 = tpu.memref_slice %arg3[%add3A_327, %dma_wait3A_500] : memref<8192x1024xf32, #tpu.memory_space<hbm>> -> memref<16x1024xf32, #tpu.memory_space<hbm>>
    tpu.wait_dma2 semaphore(%arg16 : memref<!tpu.dma_semaphore, #tpu.memory_space<semaphore_mem>>) src(%dma_wait3A_501 : memref<16x1024xf32, #tpu.memory_space<hbm>>) dst(%arg10 : memref<16x1024xf32, #tpu.memory_space<vmem>>)
    %dma_wait3A_502 = arith.constant 0 : i32
    %dma_wait3A_503 = arith.constant 0 : i32
    %dma_wait3A_504 = tpu.memref_slice %arg2[%dma_wait3A_502, %add3A_379, %dma_wait3A_503] : memref<4x4096x1024xf32, #tpu.memory_space<hbm>> -> memref<1x16x1024xf32, #tpu.memory_space<hbm>>
    %dma_wait3A_505 = tpu.memref_squeeze %dma_wait3A_504 : memref<1x16x1024xf32, #tpu.memory_space<hbm>> -> memref<16x1024xf32, #tpu.memory_space<hbm>>
    %dma_wait3A_506 = arith.constant 0 : i32
    %dma_wait3A_507 = tpu.memref_slice %arg2[%dma_wait3A_502, %add3A_379, %dma_wait3A_506] : memref<4x4096x1024xf32, #tpu.memory_space<hbm>> -> memref<1x16x1024xf32, #tpu.memory_space<hbm>>
    %dma_wait3A_508 = tpu.memref_squeeze %dma_wait3A_507 : memref<1x16x1024xf32, #tpu.memory_space<hbm>> -> memref<16x1024xf32, #tpu.memory_space<hbm>>
    tpu.wait_dma2 semaphore(%arg11 : memref<!tpu.dma_semaphore, #tpu.memory_space<semaphore_mem>>) src(%dma_wait3A_508 : memref<16x1024xf32, #tpu.memory_space<hbm>>) dst(%arg5 : memref<16x1024xf32, #tpu.memory_space<vmem>>)
    %parallel_loop3A_509 = arith.constant 0 : i32
    %parallel_loop3A_510 = arith.constant 16384 : i32
    %parallel_loop3A_511 = arith.constant 16 : i32
    scf.for %parallel_loop3A_1200 = %parallel_loop3A_509 to %parallel_loop3A_510 step %parallel_loop3A_511  : i32 {
      %parallel_loop3A_1201 = arith.constant 10 : i32
      %parallel_loop3A_1202 = arith.shrsi %parallel_loop3A_1200, %parallel_loop3A_1201 : i32
      %parallel_loop3A_1203 = arith.constant 1023 : i32
      %parallel_loop3A_1204 = arith.andi %parallel_loop3A_1200, %parallel_loop3A_1203 : i32
      %parallel_loop3A_1205 = tpu.assume_multiple %parallel_loop3A_1204, 16 : i32
      %parallel_loop3A_1206 = arith.index_cast %parallel_loop3A_1202 : i32 to index
      %parallel_loop3A_1207 = arith.index_cast %parallel_loop3A_1205 : i32 to index
      %parallel_loop3A_1208 = tpu.vector_load %arg5[%parallel_loop3A_1206, %parallel_loop3A_1207] {strides = array<i32>} : memref<16x1024xf32, #tpu.memory_space<vmem>>, vector<1x16xf32>,
      %parallel_loop3A_1209 = vector.shape_cast %parallel_loop3A_1208 : vector<1x16xf32> to vector<16xf32>
      %parallel_loop3A_1210 = arith.index_cast %parallel_loop3A_1202 : i32 to index
      %parallel_loop3A_1211 = arith.index_cast %parallel_loop3A_1205 : i32 to index
      %parallel_loop3A_1212 = tpu.vector_load %arg10[%parallel_loop3A_1210, %parallel_loop3A_1211] {strides = array<i32>} : memref<16x1024xf32, #tpu.memory_space<vmem>>, vector<1x16xf32>,
      %parallel_loop3A_1213 = vector.shape_cast %parallel_loop3A_1212 : vector<1x16xf32> to vector<16xf32>
      %parallel_loop3A_1214 = arith.addf %parallel_loop3A_1209, %parallel_loop3A_1213 : vector<16xf32>
      %parallel_loop3A_1215 = arith.index_cast %parallel_loop3A_1202 : i32 to index
      %parallel_loop3A_1216 = arith.index_cast %parallel_loop3A_1205 : i32 to index
      %parallel_loop3A_1217 = tpu.vector_load %arg5[%parallel_loop3A_1215, %parallel_loop3A_1216] {strides = array<i32>} : memref<16x1024xf32, #tpu.memory_space<vmem>>, vector<1x16xf32>,
      %parallel_loop3A_1218 = vector.shape_cast %parallel_loop3A_1217 : vector<1x16xf32> to vector<16xf32>
      %parallel_loop3A_1219 = vector.shape_cast %parallel_loop3A_1214 : vector<16xf32> to vector<1x16xf32>
      tpu.vector_store %arg5[%parallel_loop3A_1215, %parallel_loop3A_1216], %parallel_loop3A_1219 {strides = array<i32>} : memref<16x1024xf32, #tpu.memory_space<vmem>>, vector<1x16xf32>,
    } {sc.loop_unroll_factor = 16 : i64, sc.parallel_access}
    %add3A_512 = arith.constant 48 : i32
    %add3A_513 = arith.addi %mul3A_2, %add3A_512 : i32
    %dma_start3A_514 = arith.constant 0 : i32
    %dma_start3A_515 = arith.constant 0 : i32
    %dma_start3A_516 = tpu.memref_slice %arg4[%dma_start3A_514, %add3A_513, %dma_start3A_515] : memref<4x4096x1024xf32, #tpu.memory_space<hbm>> -> memref<1x16x1024xf32, #tpu.memory_space<hbm>>
    %dma_start3A_517 = tpu.memref_squeeze %dma_start3A_516 : memref<1x16x1024xf32, #tpu.memory_space<hbm>> -> memref<16x1024xf32, #tpu.memory_space<hbm>>
    %dma_start3A_518 = arith.constant 0 : i32
    %dma_start3A_519 = tpu.memref_slice %arg4[%dma_start3A_514, %add3A_513, %dma_start3A_518] : memref<4x4096x1024xf32, #tpu.memory_space<hbm>> -> memref<1x16x1024xf32, #tpu.memory_space<hbm>>
    %dma_start3A_520 = tpu.memref_squeeze %dma_start3A_519 : memref<1x16x1024xf32, #tpu.memory_space<hbm>> -> memref<16x1024xf32, #tpu.memory_space<hbm>>
    tpu.enqueue_dma source(%arg5 : memref<16x1024xf32, #tpu.memory_space<vmem>>) target(%dma_start3A_520 : memref<16x1024xf32, #tpu.memory_space<hbm>>) target_semaphore(%arg17 : memref<!tpu.dma_semaphore, #tpu.memory_space<semaphore_mem>>)
    %dma_wait3A_521 = arith.constant 0 : i32
    %dma_wait3A_522 = arith.constant 0 : i32
    %dma_wait3A_523 = tpu.memref_slice %arg4[%dma_wait3A_521, %add3A_513, %dma_wait3A_522] : memref<4x4096x1024xf32, #tpu.memory_space<hbm>> -> memref<1x16x1024xf32, #tpu.memory_space<hbm>>
    %dma_wait3A_524 = tpu.memref_squeeze %dma_wait3A_523 : memref<1x16x1024xf32, #tpu.memory_space<hbm>> -> memref<16x1024xf32, #tpu.memory_space<hbm>>
    %dma_wait3A_525 = arith.constant 0 : i32
    %dma_wait3A_526 = tpu.memref_slice %arg4[%dma_wait3A_521, %add3A_513, %dma_wait3A_525] : memref<4x4096x1024xf32, #tpu.memory_space<hbm>> -> memref<1x16x1024xf32, #tpu.memory_space<hbm>>
    %dma_wait3A_527 = tpu.memref_squeeze %dma_wait3A_526 : memref<1x16x1024xf32, #tpu.memory_space<hbm>> -> memref<16x1024xf32, #tpu.memory_space<hbm>>
    tpu.wait_dma2 semaphore(%arg17 : memref<!tpu.dma_semaphore, #tpu.memory_space<semaphore_mem>>) src(%arg5 : memref<16x1024xf32, #tpu.memory_space<vmem>>) dst(%dma_wait3A_527 : memref<16x1024xf32, #tpu.memory_space<hbm>>)
    %add3A_528 = arith.constant 64 : i32
    %add3A_529 = arith.addi %mul3A_2, %add3A_528 : i32
    %dma_start3A_530 = arith.constant 0 : i32
    %dma_start3A_531 = arith.constant 0 : i32
    %dma_start3A_532 = tpu.memref_slice %arg2[%dma_start3A_530, %add3A_529, %dma_start3A_531] : memref<4x4096x1024xf32, #tpu.memory_space<hbm>> -> memref<1x16x1024xf32, #tpu.memory_space<hbm>>
    %dma_start3A_533 = tpu.memref_squeeze %dma_start3A_532 : memref<1x16x1024xf32, #tpu.memory_space<hbm>> -> memref<16x1024xf32, #tpu.memory_space<hbm>>
    %dma_start3A_534 = arith.constant 0 : i32
    %dma_start3A_535 = tpu.memref_slice %arg2[%dma_start3A_530, %add3A_529, %dma_start3A_534] : memref<4x4096x1024xf32, #tpu.memory_space<hbm>> -> memref<1x16x1024xf32, #tpu.memory_space<hbm>>
    %dma_start3A_536 = tpu.memref_squeeze %dma_start3A_535 : memref<1x16x1024xf32, #tpu.memory_space<hbm>> -> memref<16x1024xf32, #tpu.memory_space<hbm>>
    tpu.enqueue_dma source(%dma_start3A_536 : memref<16x1024xf32, #tpu.memory_space<hbm>>) target(%arg5 : memref<16x1024xf32, #tpu.memory_space<vmem>>) target_semaphore(%arg11 : memref<!tpu.dma_semaphore, #tpu.memory_space<semaphore_mem>>)
    %dma_wait3A_537 = arith.constant 1 : i32
    %dma_wait3A_538 = arith.constant 0 : i32
    %dma_wait3A_539 = tpu.memref_slice %arg2[%dma_wait3A_537, %add3A_414, %dma_wait3A_538] : memref<4x4096x1024xf32, #tpu.memory_space<hbm>> -> memref<1x16x1024xf32, #tpu.memory_space<hbm>>
    %dma_wait3A_540 = tpu.memref_squeeze %dma_wait3A_539 : memref<1x16x1024xf32, #tpu.memory_space<hbm>> -> memref<16x1024xf32, #tpu.memory_space<hbm>>
    %dma_wait3A_541 = arith.constant 0 : i32
    %dma_wait3A_542 = tpu.memref_slice %arg2[%dma_wait3A_537, %add3A_414, %dma_wait3A_541] : memref<4x4096x1024xf32, #tpu.memory_space<hbm>> -> memref<1x16x1024xf32, #tpu.memory_space<hbm>>
    %dma_wait3A_543 = tpu.memref_squeeze %dma_wait3A_542 : memref<1x16x1024xf32, #tpu.memory_space<hbm>> -> memref<16x1024xf32, #tpu.memory_space<hbm>>
    tpu.wait_dma2 semaphore(%arg12 : memref<!tpu.dma_semaphore, #tpu.memory_space<semaphore_mem>>) src(%dma_wait3A_543 : memref<16x1024xf32, #tpu.memory_space<hbm>>) dst(%arg6 : memref<16x1024xf32, #tpu.memory_space<vmem>>)
    %parallel_loop3A_544 = arith.constant 0 : i32
    %parallel_loop3A_545 = arith.constant 16384 : i32
    %parallel_loop3A_546 = arith.constant 16 : i32
    scf.for %parallel_loop3A_1200 = %parallel_loop3A_544 to %parallel_loop3A_545 step %parallel_loop3A_546  : i32 {
      %parallel_loop3A_1201 = arith.constant 10 : i32
      %parallel_loop3A_1202 = arith.shrsi %parallel_loop3A_1200, %parallel_loop3A_1201 : i32
      %parallel_loop3A_1203 = arith.constant 1023 : i32
      %parallel_loop3A_1204 = arith.andi %parallel_loop3A_1200, %parallel_loop3A_1203 : i32
      %parallel_loop3A_1205 = tpu.assume_multiple %parallel_loop3A_1204, 16 : i32
      %parallel_loop3A_1206 = arith.index_cast %parallel_loop3A_1202 : i32 to index
      %parallel_loop3A_1207 = arith.index_cast %parallel_loop3A_1205 : i32 to index
      %parallel_loop3A_1208 = tpu.vector_load %arg6[%parallel_loop3A_1206, %parallel_loop3A_1207] {strides = array<i32>} : memref<16x1024xf32, #tpu.memory_space<vmem>>, vector<1x16xf32>,
      %parallel_loop3A_1209 = vector.shape_cast %parallel_loop3A_1208 : vector<1x16xf32> to vector<16xf32>
      %parallel_loop3A_1210 = arith.index_cast %parallel_loop3A_1202 : i32 to index
      %parallel_loop3A_1211 = arith.index_cast %parallel_loop3A_1205 : i32 to index
      %parallel_loop3A_1212 = tpu.vector_load %arg10[%parallel_loop3A_1210, %parallel_loop3A_1211] {strides = array<i32>} : memref<16x1024xf32, #tpu.memory_space<vmem>>, vector<1x16xf32>,
      %parallel_loop3A_1213 = vector.shape_cast %parallel_loop3A_1212 : vector<1x16xf32> to vector<16xf32>
      %parallel_loop3A_1214 = arith.addf %parallel_loop3A_1209, %parallel_loop3A_1213 : vector<16xf32>
      %parallel_loop3A_1215 = arith.index_cast %parallel_loop3A_1202 : i32 to index
      %parallel_loop3A_1216 = arith.index_cast %parallel_loop3A_1205 : i32 to index
      %parallel_loop3A_1217 = tpu.vector_load %arg6[%parallel_loop3A_1215, %parallel_loop3A_1216] {strides = array<i32>} : memref<16x1024xf32, #tpu.memory_space<vmem>>, vector<1x16xf32>,
      %parallel_loop3A_1218 = vector.shape_cast %parallel_loop3A_1217 : vector<1x16xf32> to vector<16xf32>
      %parallel_loop3A_1219 = vector.shape_cast %parallel_loop3A_1214 : vector<16xf32> to vector<1x16xf32>
      tpu.vector_store %arg6[%parallel_loop3A_1215, %parallel_loop3A_1216], %parallel_loop3A_1219 {strides = array<i32>} : memref<16x1024xf32, #tpu.memory_space<vmem>>, vector<1x16xf32>,
    } {sc.loop_unroll_factor = 16 : i64, sc.parallel_access}
    %add3A_547 = arith.constant 48 : i32
    %add3A_548 = arith.addi %mul3A_2, %add3A_547 : i32
    %dma_start3A_549 = arith.constant 1 : i32
    %dma_start3A_550 = arith.constant 0 : i32
    %dma_start3A_551 = tpu.memref_slice %arg4[%dma_start3A_549, %add3A_548, %dma_start3A_550] : memref<4x4096x1024xf32, #tpu.memory_space<hbm>> -> memref<1x16x1024xf32, #tpu.memory_space<hbm>>
    %dma_start3A_552 = tpu.memref_squeeze %dma_start3A_551 : memref<1x16x1024xf32, #tpu.memory_space<hbm>> -> memref<16x1024xf32, #tpu.memory_space<hbm>>
    %dma_start3A_553 = arith.constant 0 : i32
    %dma_start3A_554 = tpu.memref_slice %arg4[%dma_start3A_549, %add3A_548, %dma_start3A_553] : memref<4x4096x1024xf32, #tpu.memory_space<hbm>> -> memref<1x16x1024xf32, #tpu.memory_space<hbm>>
    %dma_start3A_555 = tpu.memref_squeeze %dma_start3A_554 : memref<1x16x1024xf32, #tpu.memory_space<hbm>> -> memref<16x1024xf32, #tpu.memory_space<hbm>>
    tpu.enqueue_dma source(%arg6 : memref<16x1024xf32, #tpu.memory_space<vmem>>) target(%dma_start3A_555 : memref<16x1024xf32, #tpu.memory_space<hbm>>) target_semaphore(%arg18 : memref<!tpu.dma_semaphore, #tpu.memory_space<semaphore_mem>>)
    %dma_wait3A_556 = arith.constant 1 : i32
    %dma_wait3A_557 = arith.constant 0 : i32
    %dma_wait3A_558 = tpu.memref_slice %arg4[%dma_wait3A_556, %add3A_548, %dma_wait3A_557] : memref<4x4096x1024xf32, #tpu.memory_space<hbm>> -> memref<1x16x1024xf32, #tpu.memory_space<hbm>>
    %dma_wait3A_559 = tpu.memref_squeeze %dma_wait3A_558 : memref<1x16x1024xf32, #tpu.memory_space<hbm>> -> memref<16x1024xf32, #tpu.memory_space<hbm>>
    %dma_wait3A_560 = arith.constant 0 : i32
    %dma_wait3A_561 = tpu.memref_slice %arg4[%dma_wait3A_556, %add3A_548, %dma_wait3A_560] : memref<4x4096x1024xf32, #tpu.memory_space<hbm>> -> memref<1x16x1024xf32, #tpu.memory_space<hbm>>
    %dma_wait3A_562 = tpu.memref_squeeze %dma_wait3A_561 : memref<1x16x1024xf32, #tpu.memory_space<hbm>> -> memref<16x1024xf32, #tpu.memory_space<hbm>>
    tpu.wait_dma2 semaphore(%arg18 : memref<!tpu.dma_semaphore, #tpu.memory_space<semaphore_mem>>) src(%arg6 : memref<16x1024xf32, #tpu.memory_space<vmem>>) dst(%dma_wait3A_562 : memref<16x1024xf32, #tpu.memory_space<hbm>>)
    %add3A_563 = arith.constant 64 : i32
    %add3A_564 = arith.addi %mul3A_2, %add3A_563 : i32
    %dma_start3A_565 = arith.constant 1 : i32
    %dma_start3A_566 = arith.constant 0 : i32
    %dma_start3A_567 = tpu.memref_slice %arg2[%dma_start3A_565, %add3A_564, %dma_start3A_566] : memref<4x4096x1024xf32, #tpu.memory_space<hbm>> -> memref<1x16x1024xf32, #tpu.memory_space<hbm>>
    %dma_start3A_568 = tpu.memref_squeeze %dma_start3A_567 : memref<1x16x1024xf32, #tpu.memory_space<hbm>> -> memref<16x1024xf32, #tpu.memory_space<hbm>>
    %dma_start3A_569 = arith.constant 0 : i32
    %dma_start3A_570 = tpu.memref_slice %arg2[%dma_start3A_565, %add3A_564, %dma_start3A_569] : memref<4x4096x1024xf32, #tpu.memory_space<hbm>> -> memref<1x16x1024xf32, #tpu.memory_space<hbm>>
    %dma_start3A_571 = tpu.memref_squeeze %dma_start3A_570 : memref<1x16x1024xf32, #tpu.memory_space<hbm>> -> memref<16x1024xf32, #tpu.memory_space<hbm>>
    tpu.enqueue_dma source(%dma_start3A_571 : memref<16x1024xf32, #tpu.memory_space<hbm>>) target(%arg6 : memref<16x1024xf32, #tpu.memory_space<vmem>>) target_semaphore(%arg12 : memref<!tpu.dma_semaphore, #tpu.memory_space<semaphore_mem>>)
    %dma_wait3A_572 = arith.constant 2 : i32
    %dma_wait3A_573 = arith.constant 0 : i32
    %dma_wait3A_574 = tpu.memref_slice %arg2[%dma_wait3A_572, %add3A_449, %dma_wait3A_573] : memref<4x4096x1024xf32, #tpu.memory_space<hbm>> -> memref<1x16x1024xf32, #tpu.memory_space<hbm>>
    %dma_wait3A_575 = tpu.memref_squeeze %dma_wait3A_574 : memref<1x16x1024xf32, #tpu.memory_space<hbm>> -> memref<16x1024xf32, #tpu.memory_space<hbm>>
    %dma_wait3A_576 = arith.constant 0 : i32
    %dma_wait3A_577 = tpu.memref_slice %arg2[%dma_wait3A_572, %add3A_449, %dma_wait3A_576] : memref<4x4096x1024xf32, #tpu.memory_space<hbm>> -> memref<1x16x1024xf32, #tpu.memory_space<hbm>>
    %dma_wait3A_578 = tpu.memref_squeeze %dma_wait3A_577 : memref<1x16x1024xf32, #tpu.memory_space<hbm>> -> memref<16x1024xf32, #tpu.memory_space<hbm>>
    tpu.wait_dma2 semaphore(%arg13 : memref<!tpu.dma_semaphore, #tpu.memory_space<semaphore_mem>>) src(%dma_wait3A_578 : memref<16x1024xf32, #tpu.memory_space<hbm>>) dst(%arg7 : memref<16x1024xf32, #tpu.memory_space<vmem>>)
    %parallel_loop3A_579 = arith.constant 0 : i32
    %parallel_loop3A_580 = arith.constant 16384 : i32
    %parallel_loop3A_581 = arith.constant 16 : i32
    scf.for %parallel_loop3A_1200 = %parallel_loop3A_579 to %parallel_loop3A_580 step %parallel_loop3A_581  : i32 {
      %parallel_loop3A_1201 = arith.constant 10 : i32
      %parallel_loop3A_1202 = arith.shrsi %parallel_loop3A_1200, %parallel_loop3A_1201 : i32
      %parallel_loop3A_1203 = arith.constant 1023 : i32
      %parallel_loop3A_1204 = arith.andi %parallel_loop3A_1200, %parallel_loop3A_1203 : i32
      %parallel_loop3A_1205 = tpu.assume_multiple %parallel_loop3A_1204, 16 : i32
      %parallel_loop3A_1206 = arith.index_cast %parallel_loop3A_1202 : i32 to index
      %parallel_loop3A_1207 = arith.index_cast %parallel_loop3A_1205 : i32 to index
      %parallel_loop3A_1208 = tpu.vector_load %arg7[%parallel_loop3A_1206, %parallel_loop3A_1207] {strides = array<i32>} : memref<16x1024xf32, #tpu.memory_space<vmem>>, vector<1x16xf32>,
      %parallel_loop3A_1209 = vector.shape_cast %parallel_loop3A_1208 : vector<1x16xf32> to vector<16xf32>
      %parallel_loop3A_1210 = arith.index_cast %parallel_loop3A_1202 : i32 to index
      %parallel_loop3A_1211 = arith.index_cast %parallel_loop3A_1205 : i32 to index
      %parallel_loop3A_1212 = tpu.vector_load %arg10[%parallel_loop3A_1210, %parallel_loop3A_1211] {strides = array<i32>} : memref<16x1024xf32, #tpu.memory_space<vmem>>, vector<1x16xf32>,
      %parallel_loop3A_1213 = vector.shape_cast %parallel_loop3A_1212 : vector<1x16xf32> to vector<16xf32>
      %parallel_loop3A_1214 = arith.addf %parallel_loop3A_1209, %parallel_loop3A_1213 : vector<16xf32>
      %parallel_loop3A_1215 = arith.index_cast %parallel_loop3A_1202 : i32 to index
      %parallel_loop3A_1216 = arith.index_cast %parallel_loop3A_1205 : i32 to index
      %parallel_loop3A_1217 = tpu.vector_load %arg7[%parallel_loop3A_1215, %parallel_loop3A_1216] {strides = array<i32>} : memref<16x1024xf32, #tpu.memory_space<vmem>>, vector<1x16xf32>,
      %parallel_loop3A_1218 = vector.shape_cast %parallel_loop3A_1217 : vector<1x16xf32> to vector<16xf32>
      %parallel_loop3A_1219 = vector.shape_cast %parallel_loop3A_1214 : vector<16xf32> to vector<1x16xf32>
      tpu.vector_store %arg7[%parallel_loop3A_1215, %parallel_loop3A_1216], %parallel_loop3A_1219 {strides = array<i32>} : memref<16x1024xf32, #tpu.memory_space<vmem>>, vector<1x16xf32>,
    } {sc.loop_unroll_factor = 16 : i64, sc.parallel_access}
    %add3A_582 = arith.constant 48 : i32
    %add3A_583 = arith.addi %mul3A_2, %add3A_582 : i32
    %dma_start3A_584 = arith.constant 2 : i32
    %dma_start3A_585 = arith.constant 0 : i32
    %dma_start3A_586 = tpu.memref_slice %arg4[%dma_start3A_584, %add3A_583, %dma_start3A_585] : memref<4x4096x1024xf32, #tpu.memory_space<hbm>> -> memref<1x16x1024xf32, #tpu.memory_space<hbm>>
    %dma_start3A_587 = tpu.memref_squeeze %dma_start3A_586 : memref<1x16x1024xf32, #tpu.memory_space<hbm>> -> memref<16x1024xf32, #tpu.memory_space<hbm>>
    %dma_start3A_588 = arith.constant 0 : i32
    %dma_start3A_589 = tpu.memref_slice %arg4[%dma_start3A_584, %add3A_583, %dma_start3A_588] : memref<4x4096x1024xf32, #tpu.memory_space<hbm>> -> memref<1x16x1024xf32, #tpu.memory_space<hbm>>
    %dma_start3A_590 = tpu.memref_squeeze %dma_start3A_589 : memref<1x16x1024xf32, #tpu.memory_space<hbm>> -> memref<16x1024xf32, #tpu.memory_space<hbm>>
    tpu.enqueue_dma source(%arg7 : memref<16x1024xf32, #tpu.memory_space<vmem>>) target(%dma_start3A_590 : memref<16x1024xf32, #tpu.memory_space<hbm>>) target_semaphore(%arg19 : memref<!tpu.dma_semaphore, #tpu.memory_space<semaphore_mem>>)
    %dma_wait3A_591 = arith.constant 2 : i32
    %dma_wait3A_592 = arith.constant 0 : i32
    %dma_wait3A_593 = tpu.memref_slice %arg4[%dma_wait3A_591, %add3A_583, %dma_wait3A_592] : memref<4x4096x1024xf32, #tpu.memory_space<hbm>> -> memref<1x16x1024xf32, #tpu.memory_space<hbm>>
    %dma_wait3A_594 = tpu.memref_squeeze %dma_wait3A_593 : memref<1x16x1024xf32, #tpu.memory_space<hbm>> -> memref<16x1024xf32, #tpu.memory_space<hbm>>
    %dma_wait3A_595 = arith.constant 0 : i32
    %dma_wait3A_596 = tpu.memref_slice %arg4[%dma_wait3A_591, %add3A_583, %dma_wait3A_595] : memref<4x4096x1024xf32, #tpu.memory_space<hbm>> -> memref<1x16x1024xf32, #tpu.memory_space<hbm>>
    %dma_wait3A_597 = tpu.memref_squeeze %dma_wait3A_596 : memref<1x16x1024xf32, #tpu.memory_space<hbm>> -> memref<16x1024xf32, #tpu.memory_space<hbm>>
    tpu.wait_dma2 semaphore(%arg19 : memref<!tpu.dma_semaphore, #tpu.memory_space<semaphore_mem>>) src(%arg7 : memref<16x1024xf32, #tpu.memory_space<vmem>>) dst(%dma_wait3A_597 : memref<16x1024xf32, #tpu.memory_space<hbm>>)
    %add3A_598 = arith.constant 64 : i32
    %add3A_599 = arith.addi %mul3A_2, %add3A_598 : i32
    %dma_start3A_600 = arith.constant 2 : i32
    %dma_start3A_601 = arith.constant 0 : i32
    %dma_start3A_602 = tpu.memref_slice %arg2[%dma_start3A_600, %add3A_599, %dma_start3A_601] : memref<4x4096x1024xf32, #tpu.memory_space<hbm>> -> memref<1x16x1024xf32, #tpu.memory_space<hbm>>
    %dma_start3A_603 = tpu.memref_squeeze %dma_start3A_602 : memref<1x16x1024xf32, #tpu.memory_space<hbm>> -> memref<16x1024xf32, #tpu.memory_space<hbm>>
    %dma_start3A_604 = arith.constant 0 : i32
    %dma_start3A_605 = tpu.memref_slice %arg2[%dma_start3A_600, %add3A_599, %dma_start3A_604] : memref<4x4096x1024xf32, #tpu.memory_space<hbm>> -> memref<1x16x1024xf32, #tpu.memory_space<hbm>>
    %dma_start3A_606 = tpu.memref_squeeze %dma_start3A_605 : memref<1x16x1024xf32, #tpu.memory_space<hbm>> -> memref<16x1024xf32, #tpu.memory_space<hbm>>
    tpu.enqueue_dma source(%dma_start3A_606 : memref<16x1024xf32, #tpu.memory_space<hbm>>) target(%arg7 : memref<16x1024xf32, #tpu.memory_space<vmem>>) target_semaphore(%arg13 : memref<!tpu.dma_semaphore, #tpu.memory_space<semaphore_mem>>)
    %dma_wait3A_607 = arith.constant 3 : i32
    %dma_wait3A_608 = arith.constant 0 : i32
    %dma_wait3A_609 = tpu.memref_slice %arg2[%dma_wait3A_607, %add3A_490, %dma_wait3A_608] : memref<4x4096x1024xf32, #tpu.memory_space<hbm>> -> memref<1x16x1024xf32, #tpu.memory_space<hbm>>
    %dma_wait3A_610 = tpu.memref_squeeze %dma_wait3A_609 : memref<1x16x1024xf32, #tpu.memory_space<hbm>> -> memref<16x1024xf32, #tpu.memory_space<hbm>>
    %dma_wait3A_611 = arith.constant 0 : i32
    %dma_wait3A_612 = tpu.memref_slice %arg2[%dma_wait3A_607, %add3A_490, %dma_wait3A_611] : memref<4x4096x1024xf32, #tpu.memory_space<hbm>> -> memref<1x16x1024xf32, #tpu.memory_space<hbm>>
    %dma_wait3A_613 = tpu.memref_squeeze %dma_wait3A_612 : memref<1x16x1024xf32, #tpu.memory_space<hbm>> -> memref<16x1024xf32, #tpu.memory_space<hbm>>
    tpu.wait_dma2 semaphore(%arg14 : memref<!tpu.dma_semaphore, #tpu.memory_space<semaphore_mem>>) src(%dma_wait3A_613 : memref<16x1024xf32, #tpu.memory_space<hbm>>) dst(%arg8 : memref<16x1024xf32, #tpu.memory_space<vmem>>)
    %parallel_loop3A_614 = arith.constant 0 : i32
    %parallel_loop3A_615 = arith.constant 16384 : i32
    %parallel_loop3A_616 = arith.constant 16 : i32
    scf.for %parallel_loop3A_1200 = %parallel_loop3A_614 to %parallel_loop3A_615 step %parallel_loop3A_616  : i32 {
      %parallel_loop3A_1201 = arith.constant 10 : i32
      %parallel_loop3A_1202 = arith.shrsi %parallel_loop3A_1200, %parallel_loop3A_1201 : i32
      %parallel_loop3A_1203 = arith.constant 1023 : i32
      %parallel_loop3A_1204 = arith.andi %parallel_loop3A_1200, %parallel_loop3A_1203 : i32
      %parallel_loop3A_1205 = tpu.assume_multiple %parallel_loop3A_1204, 16 : i32
      %parallel_loop3A_1206 = arith.index_cast %parallel_loop3A_1202 : i32 to index
      %parallel_loop3A_1207 = arith.index_cast %parallel_loop3A_1205 : i32 to index
      %parallel_loop3A_1208 = tpu.vector_load %arg8[%parallel_loop3A_1206, %parallel_loop3A_1207] {strides = array<i32>} : memref<16x1024xf32, #tpu.memory_space<vmem>>, vector<1x16xf32>,
      %parallel_loop3A_1209 = vector.shape_cast %parallel_loop3A_1208 : vector<1x16xf32> to vector<16xf32>
      %parallel_loop3A_1210 = arith.index_cast %parallel_loop3A_1202 : i32 to index
      %parallel_loop3A_1211 = arith.index_cast %parallel_loop3A_1205 : i32 to index
      %parallel_loop3A_1212 = tpu.vector_load %arg10[%parallel_loop3A_1210, %parallel_loop3A_1211] {strides = array<i32>} : memref<16x1024xf32, #tpu.memory_space<vmem>>, vector<1x16xf32>,
      %parallel_loop3A_1213 = vector.shape_cast %parallel_loop3A_1212 : vector<1x16xf32> to vector<16xf32>
      %parallel_loop3A_1214 = arith.addf %parallel_loop3A_1209, %parallel_loop3A_1213 : vector<16xf32>
      %parallel_loop3A_1215 = arith.index_cast %parallel_loop3A_1202 : i32 to index
      %parallel_loop3A_1216 = arith.index_cast %parallel_loop3A_1205 : i32 to index
      %parallel_loop3A_1217 = tpu.vector_load %arg8[%parallel_loop3A_1215, %parallel_loop3A_1216] {strides = array<i32>} : memref<16x1024xf32, #tpu.memory_space<vmem>>, vector<1x16xf32>,
      %parallel_loop3A_1218 = vector.shape_cast %parallel_loop3A_1217 : vector<1x16xf32> to vector<16xf32>
      %parallel_loop3A_1219 = vector.shape_cast %parallel_loop3A_1214 : vector<16xf32> to vector<1x16xf32>
      tpu.vector_store %arg8[%parallel_loop3A_1215, %parallel_loop3A_1216], %parallel_loop3A_1219 {strides = array<i32>} : memref<16x1024xf32, #tpu.memory_space<vmem>>, vector<1x16xf32>,
    } {sc.loop_unroll_factor = 16 : i64, sc.parallel_access}
    %add3A_617 = arith.constant 48 : i32
    %add3A_618 = arith.addi %mul3A_2, %add3A_617 : i32
    %dma_start3A_619 = arith.constant 3 : i32
    %dma_start3A_620 = arith.constant 0 : i32
    %dma_start3A_621 = tpu.memref_slice %arg4[%dma_start3A_619, %add3A_618, %dma_start3A_620] : memref<4x4096x1024xf32, #tpu.memory_space<hbm>> -> memref<1x16x1024xf32, #tpu.memory_space<hbm>>
    %dma_start3A_622 = tpu.memref_squeeze %dma_start3A_621 : memref<1x16x1024xf32, #tpu.memory_space<hbm>> -> memref<16x1024xf32, #tpu.memory_space<hbm>>
    %dma_start3A_623 = arith.constant 0 : i32
    %dma_start3A_624 = tpu.memref_slice %arg4[%dma_start3A_619, %add3A_618, %dma_start3A_623] : memref<4x4096x1024xf32, #tpu.memory_space<hbm>> -> memref<1x16x1024xf32, #tpu.memory_space<hbm>>
    %dma_start3A_625 = tpu.memref_squeeze %dma_start3A_624 : memref<1x16x1024xf32, #tpu.memory_space<hbm>> -> memref<16x1024xf32, #tpu.memory_space<hbm>>
    tpu.enqueue_dma source(%arg8 : memref<16x1024xf32, #tpu.memory_space<vmem>>) target(%dma_start3A_625 : memref<16x1024xf32, #tpu.memory_space<hbm>>) target_semaphore(%arg20 : memref<!tpu.dma_semaphore, #tpu.memory_space<semaphore_mem>>)
    %add3A_626 = arith.constant 80 : i32
    %add3A_627 = arith.addi %mul3A_2, %add3A_626 : i32
    %dma_start3A_628 = arith.constant 0 : i32
    %dma_start3A_629 = tpu.memref_slice %arg3[%add3A_627, %dma_start3A_628] : memref<8192x1024xf32, #tpu.memory_space<hbm>> -> memref<16x1024xf32, #tpu.memory_space<hbm>>
    %dma_start3A_630 = arith.constant 0 : i32
    %dma_start3A_631 = tpu.memref_slice %arg3[%add3A_627, %dma_start3A_630] : memref<8192x1024xf32, #tpu.memory_space<hbm>> -> memref<16x1024xf32, #tpu.memory_space<hbm>>
    tpu.enqueue_dma source(%dma_start3A_631 : memref<16x1024xf32, #tpu.memory_space<hbm>>) target(%arg10 : memref<16x1024xf32, #tpu.memory_space<vmem>>) target_semaphore(%arg16 : memref<!tpu.dma_semaphore, #tpu.memory_space<semaphore_mem>>)
    %dma_wait3A_632 = arith.constant 3 : i32
    %dma_wait3A_633 = arith.constant 0 : i32
    %dma_wait3A_634 = tpu.memref_slice %arg4[%dma_wait3A_632, %add3A_618, %dma_wait3A_633] : memref<4x4096x1024xf32, #tpu.memory_space<hbm>> -> memref<1x16x1024xf32, #tpu.memory_space<hbm>>
    %dma_wait3A_635 = tpu.memref_squeeze %dma_wait3A_634 : memref<1x16x1024xf32, #tpu.memory_space<hbm>> -> memref<16x1024xf32, #tpu.memory_space<hbm>>
    %dma_wait3A_636 = arith.constant 0 : i32
    %dma_wait3A_637 = tpu.memref_slice %arg4[%dma_wait3A_632, %add3A_618, %dma_wait3A_636] : memref<4x4096x1024xf32, #tpu.memory_space<hbm>> -> memref<1x16x1024xf32, #tpu.memory_space<hbm>>
    %dma_wait3A_638 = tpu.memref_squeeze %dma_wait3A_637 : memref<1x16x1024xf32, #tpu.memory_space<hbm>> -> memref<16x1024xf32, #tpu.memory_space<hbm>>
    tpu.wait_dma2 semaphore(%arg20 : memref<!tpu.dma_semaphore, #tpu.memory_space<semaphore_mem>>) src(%arg8 : memref<16x1024xf32, #tpu.memory_space<vmem>>) dst(%dma_wait3A_638 : memref<16x1024xf32, #tpu.memory_space<hbm>>)
    %add3A_639 = arith.constant 64 : i32
    %add3A_640 = arith.addi %mul3A_2, %add3A_639 : i32
    %dma_start3A_641 = arith.constant 3 : i32
    %dma_start3A_642 = arith.constant 0 : i32
    %dma_start3A_643 = tpu.memref_slice %arg2[%dma_start3A_641, %add3A_640, %dma_start3A_642] : memref<4x4096x1024xf32, #tpu.memory_space<hbm>> -> memref<1x16x1024xf32, #tpu.memory_space<hbm>>
    %dma_start3A_644 = tpu.memref_squeeze %dma_start3A_643 : memref<1x16x1024xf32, #tpu.memory_space<hbm>> -> memref<16x1024xf32, #tpu.memory_space<hbm>>
    %dma_start3A_645 = arith.constant 0 : i32
    %dma_start3A_646 = tpu.memref_slice %arg2[%dma_start3A_641, %add3A_640, %dma_start3A_645] : memref<4x4096x1024xf32, #tpu.memory_space<hbm>> -> memref<1x16x1024xf32, #tpu.memory_space<hbm>>
    %dma_start3A_647 = tpu.memref_squeeze %dma_start3A_646 : memref<1x16x1024xf32, #tpu.memory_space<hbm>> -> memref<16x1024xf32, #tpu.memory_space<hbm>>
    tpu.enqueue_dma source(%dma_start3A_647 : memref<16x1024xf32, #tpu.memory_space<hbm>>) target(%arg8 : memref<16x1024xf32, #tpu.memory_space<vmem>>) target_semaphore(%arg14 : memref<!tpu.dma_semaphore, #tpu.memory_space<semaphore_mem>>)
    %dma_wait3A_648 = arith.constant 0 : i32
    %dma_wait3A_649 = tpu.memref_slice %arg3[%add3A_477, %dma_wait3A_648] : memref<8192x1024xf32, #tpu.memory_space<hbm>> -> memref<16x1024xf32, #tpu.memory_space<hbm>>
    %dma_wait3A_650 = arith.constant 0 : i32
    %dma_wait3A_651 = tpu.memref_slice %arg3[%add3A_477, %dma_wait3A_650] : memref<8192x1024xf32, #tpu.memory_space<hbm>> -> memref<16x1024xf32, #tpu.memory_space<hbm>>
    tpu.wait_dma2 semaphore(%arg15 : memref<!tpu.dma_semaphore, #tpu.memory_space<semaphore_mem>>) src(%dma_wait3A_651 : memref<16x1024xf32, #tpu.memory_space<hbm>>) dst(%arg9 : memref<16x1024xf32, #tpu.memory_space<vmem>>)
    %dma_wait3A_652 = arith.constant 0 : i32
    %dma_wait3A_653 = arith.constant 0 : i32
    %dma_wait3A_654 = tpu.memref_slice %arg2[%dma_wait3A_652, %add3A_529, %dma_wait3A_653] : memref<4x4096x1024xf32, #tpu.memory_space<hbm>> -> memref<1x16x1024xf32, #tpu.memory_space<hbm>>
    %dma_wait3A_655 = tpu.memref_squeeze %dma_wait3A_654 : memref<1x16x1024xf32, #tpu.memory_space<hbm>> -> memref<16x1024xf32, #tpu.memory_space<hbm>>
    %dma_wait3A_656 = arith.constant 0 : i32
    %dma_wait3A_657 = tpu.memref_slice %arg2[%dma_wait3A_652, %add3A_529, %dma_wait3A_656] : memref<4x4096x1024xf32, #tpu.memory_space<hbm>> -> memref<1x16x1024xf32, #tpu.memory_space<hbm>>
    %dma_wait3A_658 = tpu.memref_squeeze %dma_wait3A_657 : memref<1x16x1024xf32, #tpu.memory_space<hbm>> -> memref<16x1024xf32, #tpu.memory_space<hbm>>
    tpu.wait_dma2 semaphore(%arg11 : memref<!tpu.dma_semaphore, #tpu.memory_space<semaphore_mem>>) src(%dma_wait3A_658 : memref<16x1024xf32, #tpu.memory_space<hbm>>) dst(%arg5 : memref<16x1024xf32, #tpu.memory_space<vmem>>)
    %parallel_loop3A_659 = arith.constant 0 : i32
    %parallel_loop3A_660 = arith.constant 16384 : i32
    %parallel_loop3A_661 = arith.constant 16 : i32
    scf.for %parallel_loop3A_1200 = %parallel_loop3A_659 to %parallel_loop3A_660 step %parallel_loop3A_661  : i32 {
      %parallel_loop3A_1201 = arith.constant 10 : i32
      %parallel_loop3A_1202 = arith.shrsi %parallel_loop3A_1200, %parallel_loop3A_1201 : i32
      %parallel_loop3A_1203 = arith.constant 1023 : i32
      %parallel_loop3A_1204 = arith.andi %parallel_loop3A_1200, %parallel_loop3A_1203 : i32
      %parallel_loop3A_1205 = tpu.assume_multiple %parallel_loop3A_1204, 16 : i32
      %parallel_loop3A_1206 = arith.index_cast %parallel_loop3A_1202 : i32 to index
      %parallel_loop3A_1207 = arith.index_cast %parallel_loop3A_1205 : i32 to index
      %parallel_loop3A_1208 = tpu.vector_load %arg5[%parallel_loop3A_1206, %parallel_loop3A_1207] {strides = array<i32>} : memref<16x1024xf32, #tpu.memory_space<vmem>>, vector<1x16xf32>,
      %parallel_loop3A_1209 = vector.shape_cast %parallel_loop3A_1208 : vector<1x16xf32> to vector<16xf32>
      %parallel_loop3A_1210 = arith.index_cast %parallel_loop3A_1202 : i32 to index
      %parallel_loop3A_1211 = arith.index_cast %parallel_loop3A_1205 : i32 to index
      %parallel_loop3A_1212 = tpu.vector_load %arg9[%parallel_loop3A_1210, %parallel_loop3A_1211] {strides = array<i32>} : memref<16x1024xf32, #tpu.memory_space<vmem>>, vector<1x16xf32>,
      %parallel_loop3A_1213 = vector.shape_cast %parallel_loop3A_1212 : vector<1x16xf32> to vector<16xf32>
      %parallel_loop3A_1214 = arith.addf %parallel_loop3A_1209, %parallel_loop3A_1213 : vector<16xf32>
      %parallel_loop3A_1215 = arith.index_cast %parallel_loop3A_1202 : i32 to index
      %parallel_loop3A_1216 = arith.index_cast %parallel_loop3A_1205 : i32 to index
      %parallel_loop3A_1217 = tpu.vector_load %arg5[%parallel_loop3A_1215, %parallel_loop3A_1216] {strides = array<i32>} : memref<16x1024xf32, #tpu.memory_space<vmem>>, vector<1x16xf32>,
      %parallel_loop3A_1218 = vector.shape_cast %parallel_loop3A_1217 : vector<1x16xf32> to vector<16xf32>
      %parallel_loop3A_1219 = vector.shape_cast %parallel_loop3A_1214 : vector<16xf32> to vector<1x16xf32>
      tpu.vector_store %arg5[%parallel_loop3A_1215, %parallel_loop3A_1216], %parallel_loop3A_1219 {strides = array<i32>} : memref<16x1024xf32, #tpu.memory_space<vmem>>, vector<1x16xf32>,
    } {sc.loop_unroll_factor = 16 : i64, sc.parallel_access}
    %add3A_662 = arith.constant 64 : i32
    %add3A_663 = arith.addi %mul3A_2, %add3A_662 : i32
    %dma_start3A_664 = arith.constant 0 : i32
    %dma_start3A_665 = arith.constant 0 : i32
    %dma_start3A_666 = tpu.memref_slice %arg4[%dma_start3A_664, %add3A_663, %dma_start3A_665] : memref<4x4096x1024xf32, #tpu.memory_space<hbm>> -> memref<1x16x1024xf32, #tpu.memory_space<hbm>>
    %dma_start3A_667 = tpu.memref_squeeze %dma_start3A_666 : memref<1x16x1024xf32, #tpu.memory_space<hbm>> -> memref<16x1024xf32, #tpu.memory_space<hbm>>
    %dma_start3A_668 = arith.constant 0 : i32
    %dma_start3A_669 = tpu.memref_slice %arg4[%dma_start3A_664, %add3A_663, %dma_start3A_668] : memref<4x4096x1024xf32, #tpu.memory_space<hbm>> -> memref<1x16x1024xf32, #tpu.memory_space<hbm>>
    %dma_start3A_670 = tpu.memref_squeeze %dma_start3A_669 : memref<1x16x1024xf32, #tpu.memory_space<hbm>> -> memref<16x1024xf32, #tpu.memory_space<hbm>>
    tpu.enqueue_dma source(%arg5 : memref<16x1024xf32, #tpu.memory_space<vmem>>) target(%dma_start3A_670 : memref<16x1024xf32, #tpu.memory_space<hbm>>) target_semaphore(%arg17 : memref<!tpu.dma_semaphore, #tpu.memory_space<semaphore_mem>>)
    %dma_wait3A_671 = arith.constant 0 : i32
    %dma_wait3A_672 = arith.constant 0 : i32
    %dma_wait3A_673 = tpu.memref_slice %arg4[%dma_wait3A_671, %add3A_663, %dma_wait3A_672] : memref<4x4096x1024xf32, #tpu.memory_space<hbm>> -> memref<1x16x1024xf32, #tpu.memory_space<hbm>>
    %dma_wait3A_674 = tpu.memref_squeeze %dma_wait3A_673 : memref<1x16x1024xf32, #tpu.memory_space<hbm>> -> memref<16x1024xf32, #tpu.memory_space<hbm>>
    %dma_wait3A_675 = arith.constant 0 : i32
    %dma_wait3A_676 = tpu.memref_slice %arg4[%dma_wait3A_671, %add3A_663, %dma_wait3A_675] : memref<4x4096x1024xf32, #tpu.memory_space<hbm>> -> memref<1x16x1024xf32, #tpu.memory_space<hbm>>
    %dma_wait3A_677 = tpu.memref_squeeze %dma_wait3A_676 : memref<1x16x1024xf32, #tpu.memory_space<hbm>> -> memref<16x1024xf32, #tpu.memory_space<hbm>>
    tpu.wait_dma2 semaphore(%arg17 : memref<!tpu.dma_semaphore, #tpu.memory_space<semaphore_mem>>) src(%arg5 : memref<16x1024xf32, #tpu.memory_space<vmem>>) dst(%dma_wait3A_677 : memref<16x1024xf32, #tpu.memory_space<hbm>>)
    %add3A_678 = arith.constant 80 : i32
    %add3A_679 = arith.addi %mul3A_2, %add3A_678 : i32
    %dma_start3A_680 = arith.constant 0 : i32
    %dma_start3A_681 = arith.constant 0 : i32
    %dma_start3A_682 = tpu.memref_slice %arg2[%dma_start3A_680, %add3A_679, %dma_start3A_681] : memref<4x4096x1024xf32, #tpu.memory_space<hbm>> -> memref<1x16x1024xf32, #tpu.memory_space<hbm>>
    %dma_start3A_683 = tpu.memref_squeeze %dma_start3A_682 : memref<1x16x1024xf32, #tpu.memory_space<hbm>> -> memref<16x1024xf32, #tpu.memory_space<hbm>>
    %dma_start3A_684 = arith.constant 0 : i32
    %dma_start3A_685 = tpu.memref_slice %arg2[%dma_start3A_680, %add3A_679, %dma_start3A_684] : memref<4x4096x1024xf32, #tpu.memory_space<hbm>> -> memref<1x16x1024xf32, #tpu.memory_space<hbm>>
    %dma_start3A_686 = tpu.memref_squeeze %dma_start3A_685 : memref<1x16x1024xf32, #tpu.memory_space<hbm>> -> memref<16x1024xf32, #tpu.memory_space<hbm>>
    tpu.enqueue_dma source(%dma_start3A_686 : memref<16x1024xf32, #tpu.memory_space<hbm>>) target(%arg5 : memref<16x1024xf32, #tpu.memory_space<vmem>>) target_semaphore(%arg11 : memref<!tpu.dma_semaphore, #tpu.memory_space<semaphore_mem>>)
    %dma_wait3A_687 = arith.constant 1 : i32
    %dma_wait3A_688 = arith.constant 0 : i32
    %dma_wait3A_689 = tpu.memref_slice %arg2[%dma_wait3A_687, %add3A_564, %dma_wait3A_688] : memref<4x4096x1024xf32, #tpu.memory_space<hbm>> -> memref<1x16x1024xf32, #tpu.memory_space<hbm>>
    %dma_wait3A_690 = tpu.memref_squeeze %dma_wait3A_689 : memref<1x16x1024xf32, #tpu.memory_space<hbm>> -> memref<16x1024xf32, #tpu.memory_space<hbm>>
    %dma_wait3A_691 = arith.constant 0 : i32
    %dma_wait3A_692 = tpu.memref_slice %arg2[%dma_wait3A_687, %add3A_564, %dma_wait3A_691] : memref<4x4096x1024xf32, #tpu.memory_space<hbm>> -> memref<1x16x1024xf32, #tpu.memory_space<hbm>>
    %dma_wait3A_693 = tpu.memref_squeeze %dma_wait3A_692 : memref<1x16x1024xf32, #tpu.memory_space<hbm>> -> memref<16x1024xf32, #tpu.memory_space<hbm>>
    tpu.wait_dma2 semaphore(%arg12 : memref<!tpu.dma_semaphore, #tpu.memory_space<semaphore_mem>>) src(%dma_wait3A_693 : memref<16x1024xf32, #tpu.memory_space<hbm>>) dst(%arg6 : memref<16x1024xf32, #tpu.memory_space<vmem>>)
    %parallel_loop3A_694 = arith.constant 0 : i32
    %parallel_loop3A_695 = arith.constant 16384 : i32
    %parallel_loop3A_696 = arith.constant 16 : i32
    scf.for %parallel_loop3A_1200 = %parallel_loop3A_694 to %parallel_loop3A_695 step %parallel_loop3A_696  : i32 {
      %parallel_loop3A_1201 = arith.constant 10 : i32
      %parallel_loop3A_1202 = arith.shrsi %parallel_loop3A_1200, %parallel_loop3A_1201 : i32
      %parallel_loop3A_1203 = arith.constant 1023 : i32
      %parallel_loop3A_1204 = arith.andi %parallel_loop3A_1200, %parallel_loop3A_1203 : i32
      %parallel_loop3A_1205 = tpu.assume_multiple %parallel_loop3A_1204, 16 : i32
      %parallel_loop3A_1206 = arith.index_cast %parallel_loop3A_1202 : i32 to index
      %parallel_loop3A_1207 = arith.index_cast %parallel_loop3A_1205 : i32 to index
      %parallel_loop3A_1208 = tpu.vector_load %arg6[%parallel_loop3A_1206, %parallel_loop3A_1207] {strides = array<i32>} : memref<16x1024xf32, #tpu.memory_space<vmem>>, vector<1x16xf32>,
      %parallel_loop3A_1209 = vector.shape_cast %parallel_loop3A_1208 : vector<1x16xf32> to vector<16xf32>
      %parallel_loop3A_1210 = arith.index_cast %parallel_loop3A_1202 : i32 to index
      %parallel_loop3A_1211 = arith.index_cast %parallel_loop3A_1205 : i32 to index
      %parallel_loop3A_1212 = tpu.vector_load %arg9[%parallel_loop3A_1210, %parallel_loop3A_1211] {strides = array<i32>} : memref<16x1024xf32, #tpu.memory_space<vmem>>, vector<1x16xf32>,
      %parallel_loop3A_1213 = vector.shape_cast %parallel_loop3A_1212 : vector<1x16xf32> to vector<16xf32>
      %parallel_loop3A_1214 = arith.addf %parallel_loop3A_1209, %parallel_loop3A_1213 : vector<16xf32>
      %parallel_loop3A_1215 = arith.index_cast %parallel_loop3A_1202 : i32 to index
      %parallel_loop3A_1216 = arith.index_cast %parallel_loop3A_1205 : i32 to index
      %parallel_loop3A_1217 = tpu.vector_load %arg6[%parallel_loop3A_1215, %parallel_loop3A_1216] {strides = array<i32>} : memref<16x1024xf32, #tpu.memory_space<vmem>>, vector<1x16xf32>,
      %parallel_loop3A_1218 = vector.shape_cast %parallel_loop3A_1217 : vector<1x16xf32> to vector<16xf32>
      %parallel_loop3A_1219 = vector.shape_cast %parallel_loop3A_1214 : vector<16xf32> to vector<1x16xf32>
      tpu.vector_store %arg6[%parallel_loop3A_1215, %parallel_loop3A_1216], %parallel_loop3A_1219 {strides = array<i32>} : memref<16x1024xf32, #tpu.memory_space<vmem>>, vector<1x16xf32>,
    } {sc.loop_unroll_factor = 16 : i64, sc.parallel_access}
    %add3A_697 = arith.constant 64 : i32
    %add3A_698 = arith.addi %mul3A_2, %add3A_697 : i32
    %dma_start3A_699 = arith.constant 1 : i32
    %dma_start3A_700 = arith.constant 0 : i32
    %dma_start3A_701 = tpu.memref_slice %arg4[%dma_start3A_699, %add3A_698, %dma_start3A_700] : memref<4x4096x1024xf32, #tpu.memory_space<hbm>> -> memref<1x16x1024xf32, #tpu.memory_space<hbm>>
    %dma_start3A_702 = tpu.memref_squeeze %dma_start3A_701 : memref<1x16x1024xf32, #tpu.memory_space<hbm>> -> memref<16x1024xf32, #tpu.memory_space<hbm>>
    %dma_start3A_703 = arith.constant 0 : i32
    %dma_start3A_704 = tpu.memref_slice %arg4[%dma_start3A_699, %add3A_698, %dma_start3A_703] : memref<4x4096x1024xf32, #tpu.memory_space<hbm>> -> memref<1x16x1024xf32, #tpu.memory_space<hbm>>
    %dma_start3A_705 = tpu.memref_squeeze %dma_start3A_704 : memref<1x16x1024xf32, #tpu.memory_space<hbm>> -> memref<16x1024xf32, #tpu.memory_space<hbm>>
    tpu.enqueue_dma source(%arg6 : memref<16x1024xf32, #tpu.memory_space<vmem>>) target(%dma_start3A_705 : memref<16x1024xf32, #tpu.memory_space<hbm>>) target_semaphore(%arg18 : memref<!tpu.dma_semaphore, #tpu.memory_space<semaphore_mem>>)
    %dma_wait3A_706 = arith.constant 1 : i32
    %dma_wait3A_707 = arith.constant 0 : i32
    %dma_wait3A_708 = tpu.memref_slice %arg4[%dma_wait3A_706, %add3A_698, %dma_wait3A_707] : memref<4x4096x1024xf32, #tpu.memory_space<hbm>> -> memref<1x16x1024xf32, #tpu.memory_space<hbm>>
    %dma_wait3A_709 = tpu.memref_squeeze %dma_wait3A_708 : memref<1x16x1024xf32, #tpu.memory_space<hbm>> -> memref<16x1024xf32, #tpu.memory_space<hbm>>
    %dma_wait3A_710 = arith.constant 0 : i32
    %dma_wait3A_711 = tpu.memref_slice %arg4[%dma_wait3A_706, %add3A_698, %dma_wait3A_710] : memref<4x4096x1024xf32, #tpu.memory_space<hbm>> -> memref<1x16x1024xf32, #tpu.memory_space<hbm>>
    %dma_wait3A_712 = tpu.memref_squeeze %dma_wait3A_711 : memref<1x16x1024xf32, #tpu.memory_space<hbm>> -> memref<16x1024xf32, #tpu.memory_space<hbm>>
    tpu.wait_dma2 semaphore(%arg18 : memref<!tpu.dma_semaphore, #tpu.memory_space<semaphore_mem>>) src(%arg6 : memref<16x1024xf32, #tpu.memory_space<vmem>>) dst(%dma_wait3A_712 : memref<16x1024xf32, #tpu.memory_space<hbm>>)
    %add3A_713 = arith.constant 80 : i32
    %add3A_714 = arith.addi %mul3A_2, %add3A_713 : i32
    %dma_start3A_715 = arith.constant 1 : i32
    %dma_start3A_716 = arith.constant 0 : i32
    %dma_start3A_717 = tpu.memref_slice %arg2[%dma_start3A_715, %add3A_714, %dma_start3A_716] : memref<4x4096x1024xf32, #tpu.memory_space<hbm>> -> memref<1x16x1024xf32, #tpu.memory_space<hbm>>
    %dma_start3A_718 = tpu.memref_squeeze %dma_start3A_717 : memref<1x16x1024xf32, #tpu.memory_space<hbm>> -> memref<16x1024xf32, #tpu.memory_space<hbm>>
    %dma_start3A_719 = arith.constant 0 : i32
    %dma_start3A_720 = tpu.memref_slice %arg2[%dma_start3A_715, %add3A_714, %dma_start3A_719] : memref<4x4096x1024xf32, #tpu.memory_space<hbm>> -> memref<1x16x1024xf32, #tpu.memory_space<hbm>>
    %dma_start3A_721 = tpu.memref_squeeze %dma_start3A_720 : memref<1x16x1024xf32, #tpu.memory_space<hbm>> -> memref<16x1024xf32, #tpu.memory_space<hbm>>
    tpu.enqueue_dma source(%dma_start3A_721 : memref<16x1024xf32, #tpu.memory_space<hbm>>) target(%arg6 : memref<16x1024xf32, #tpu.memory_space<vmem>>) target_semaphore(%arg12 : memref<!tpu.dma_semaphore, #tpu.memory_space<semaphore_mem>>)
    %dma_wait3A_722 = arith.constant 2 : i32
    %dma_wait3A_723 = arith.constant 0 : i32
    %dma_wait3A_724 = tpu.memref_slice %arg2[%dma_wait3A_722, %add3A_599, %dma_wait3A_723] : memref<4x4096x1024xf32, #tpu.memory_space<hbm>> -> memref<1x16x1024xf32, #tpu.memory_space<hbm>>
    %dma_wait3A_725 = tpu.memref_squeeze %dma_wait3A_724 : memref<1x16x1024xf32, #tpu.memory_space<hbm>> -> memref<16x1024xf32, #tpu.memory_space<hbm>>
    %dma_wait3A_726 = arith.constant 0 : i32
    %dma_wait3A_727 = tpu.memref_slice %arg2[%dma_wait3A_722, %add3A_599, %dma_wait3A_726] : memref<4x4096x1024xf32, #tpu.memory_space<hbm>> -> memref<1x16x1024xf32, #tpu.memory_space<hbm>>
    %dma_wait3A_728 = tpu.memref_squeeze %dma_wait3A_727 : memref<1x16x1024xf32, #tpu.memory_space<hbm>> -> memref<16x1024xf32, #tpu.memory_space<hbm>>
    tpu.wait_dma2 semaphore(%arg13 : memref<!tpu.dma_semaphore, #tpu.memory_space<semaphore_mem>>) src(%dma_wait3A_728 : memref<16x1024xf32, #tpu.memory_space<hbm>>) dst(%arg7 : memref<16x1024xf32, #tpu.memory_space<vmem>>)
    %parallel_loop3A_729 = arith.constant 0 : i32
    %parallel_loop3A_730 = arith.constant 16384 : i32
    %parallel_loop3A_731 = arith.constant 16 : i32
    scf.for %parallel_loop3A_1200 = %parallel_loop3A_729 to %parallel_loop3A_730 step %parallel_loop3A_731  : i32 {
      %parallel_loop3A_1201 = arith.constant 10 : i32
      %parallel_loop3A_1202 = arith.shrsi %parallel_loop3A_1200, %parallel_loop3A_1201 : i32
      %parallel_loop3A_1203 = arith.constant 1023 : i32
      %parallel_loop3A_1204 = arith.andi %parallel_loop3A_1200, %parallel_loop3A_1203 : i32
      %parallel_loop3A_1205 = tpu.assume_multiple %parallel_loop3A_1204, 16 : i32
      %parallel_loop3A_1206 = arith.index_cast %parallel_loop3A_1202 : i32 to index
      %parallel_loop3A_1207 = arith.index_cast %parallel_loop3A_1205 : i32 to index
      %parallel_loop3A_1208 = tpu.vector_load %arg7[%parallel_loop3A_1206, %parallel_loop3A_1207] {strides = array<i32>} : memref<16x1024xf32, #tpu.memory_space<vmem>>, vector<1x16xf32>,
      %parallel_loop3A_1209 = vector.shape_cast %parallel_loop3A_1208 : vector<1x16xf32> to vector<16xf32>
      %parallel_loop3A_1210 = arith.index_cast %parallel_loop3A_1202 : i32 to index
      %parallel_loop3A_1211 = arith.index_cast %parallel_loop3A_1205 : i32 to index
      %parallel_loop3A_1212 = tpu.vector_load %arg9[%parallel_loop3A_1210, %parallel_loop3A_1211] {strides = array<i32>} : memref<16x1024xf32, #tpu.memory_space<vmem>>, vector<1x16xf32>,
      %parallel_loop3A_1213 = vector.shape_cast %parallel_loop3A_1212 : vector<1x16xf32> to vector<16xf32>
      %parallel_loop3A_1214 = arith.addf %parallel_loop3A_1209, %parallel_loop3A_1213 : vector<16xf32>
      %parallel_loop3A_1215 = arith.index_cast %parallel_loop3A_1202 : i32 to index
      %parallel_loop3A_1216 = arith.index_cast %parallel_loop3A_1205 : i32 to index
      %parallel_loop3A_1217 = tpu.vector_load %arg7[%parallel_loop3A_1215, %parallel_loop3A_1216] {strides = array<i32>} : memref<16x1024xf32, #tpu.memory_space<vmem>>, vector<1x16xf32>,
      %parallel_loop3A_1218 = vector.shape_cast %parallel_loop3A_1217 : vector<1x16xf32> to vector<16xf32>
      %parallel_loop3A_1219 = vector.shape_cast %parallel_loop3A_1214 : vector<16xf32> to vector<1x16xf32>
      tpu.vector_store %arg7[%parallel_loop3A_1215, %parallel_loop3A_1216], %parallel_loop3A_1219 {strides = array<i32>} : memref<16x1024xf32, #tpu.memory_space<vmem>>, vector<1x16xf32>,
    } {sc.loop_unroll_factor = 16 : i64, sc.parallel_access}
    %add3A_732 = arith.constant 64 : i32
    %add3A_733 = arith.addi %mul3A_2, %add3A_732 : i32
    %dma_start3A_734 = arith.constant 2 : i32
    %dma_start3A_735 = arith.constant 0 : i32
    %dma_start3A_736 = tpu.memref_slice %arg4[%dma_start3A_734, %add3A_733, %dma_start3A_735] : memref<4x4096x1024xf32, #tpu.memory_space<hbm>> -> memref<1x16x1024xf32, #tpu.memory_space<hbm>>
    %dma_start3A_737 = tpu.memref_squeeze %dma_start3A_736 : memref<1x16x1024xf32, #tpu.memory_space<hbm>> -> memref<16x1024xf32, #tpu.memory_space<hbm>>
    %dma_start3A_738 = arith.constant 0 : i32
    %dma_start3A_739 = tpu.memref_slice %arg4[%dma_start3A_734, %add3A_733, %dma_start3A_738] : memref<4x4096x1024xf32, #tpu.memory_space<hbm>> -> memref<1x16x1024xf32, #tpu.memory_space<hbm>>
    %dma_start3A_740 = tpu.memref_squeeze %dma_start3A_739 : memref<1x16x1024xf32, #tpu.memory_space<hbm>> -> memref<16x1024xf32, #tpu.memory_space<hbm>>
    tpu.enqueue_dma source(%arg7 : memref<16x1024xf32, #tpu.memory_space<vmem>>) target(%dma_start3A_740 : memref<16x1024xf32, #tpu.memory_space<hbm>>) target_semaphore(%arg19 : memref<!tpu.dma_semaphore, #tpu.memory_space<semaphore_mem>>)
    %dma_wait3A_741 = arith.constant 2 : i32
    %dma_wait3A_742 = arith.constant 0 : i32
    %dma_wait3A_743 = tpu.memref_slice %arg4[%dma_wait3A_741, %add3A_733, %dma_wait3A_742] : memref<4x4096x1024xf32, #tpu.memory_space<hbm>> -> memref<1x16x1024xf32, #tpu.memory_space<hbm>>
    %dma_wait3A_744 = tpu.memref_squeeze %dma_wait3A_743 : memref<1x16x1024xf32, #tpu.memory_space<hbm>> -> memref<16x1024xf32, #tpu.memory_space<hbm>>
    %dma_wait3A_745 = arith.constant 0 : i32
    %dma_wait3A_746 = tpu.memref_slice %arg4[%dma_wait3A_741, %add3A_733, %dma_wait3A_745] : memref<4x4096x1024xf32, #tpu.memory_space<hbm>> -> memref<1x16x1024xf32, #tpu.memory_space<hbm>>
    %dma_wait3A_747 = tpu.memref_squeeze %dma_wait3A_746 : memref<1x16x1024xf32, #tpu.memory_space<hbm>> -> memref<16x1024xf32, #tpu.memory_space<hbm>>
    tpu.wait_dma2 semaphore(%arg19 : memref<!tpu.dma_semaphore, #tpu.memory_space<semaphore_mem>>) src(%arg7 : memref<16x1024xf32, #tpu.memory_space<vmem>>) dst(%dma_wait3A_747 : memref<16x1024xf32, #tpu.memory_space<hbm>>)
    %add3A_748 = arith.constant 80 : i32
    %add3A_749 = arith.addi %mul3A_2, %add3A_748 : i32
    %dma_start3A_750 = arith.constant 2 : i32
    %dma_start3A_751 = arith.constant 0 : i32
    %dma_start3A_752 = tpu.memref_slice %arg2[%dma_start3A_750, %add3A_749, %dma_start3A_751] : memref<4x4096x1024xf32, #tpu.memory_space<hbm>> -> memref<1x16x1024xf32, #tpu.memory_space<hbm>>
    %dma_start3A_753 = tpu.memref_squeeze %dma_start3A_752 : memref<1x16x1024xf32, #tpu.memory_space<hbm>> -> memref<16x1024xf32, #tpu.memory_space<hbm>>
    %dma_start3A_754 = arith.constant 0 : i32
    %dma_start3A_755 = tpu.memref_slice %arg2[%dma_start3A_750, %add3A_749, %dma_start3A_754] : memref<4x4096x1024xf32, #tpu.memory_space<hbm>> -> memref<1x16x1024xf32, #tpu.memory_space<hbm>>
    %dma_start3A_756 = tpu.memref_squeeze %dma_start3A_755 : memref<1x16x1024xf32, #tpu.memory_space<hbm>> -> memref<16x1024xf32, #tpu.memory_space<hbm>>
    tpu.enqueue_dma source(%dma_start3A_756 : memref<16x1024xf32, #tpu.memory_space<hbm>>) target(%arg7 : memref<16x1024xf32, #tpu.memory_space<vmem>>) target_semaphore(%arg13 : memref<!tpu.dma_semaphore, #tpu.memory_space<semaphore_mem>>)
    %dma_wait3A_757 = arith.constant 3 : i32
    %dma_wait3A_758 = arith.constant 0 : i32
    %dma_wait3A_759 = tpu.memref_slice %arg2[%dma_wait3A_757, %add3A_640, %dma_wait3A_758] : memref<4x4096x1024xf32, #tpu.memory_space<hbm>> -> memref<1x16x1024xf32, #tpu.memory_space<hbm>>
    %dma_wait3A_760 = tpu.memref_squeeze %dma_wait3A_759 : memref<1x16x1024xf32, #tpu.memory_space<hbm>> -> memref<16x1024xf32, #tpu.memory_space<hbm>>
    %dma_wait3A_761 = arith.constant 0 : i32
    %dma_wait3A_762 = tpu.memref_slice %arg2[%dma_wait3A_757, %add3A_640, %dma_wait3A_761] : memref<4x4096x1024xf32, #tpu.memory_space<hbm>> -> memref<1x16x1024xf32, #tpu.memory_space<hbm>>
    %dma_wait3A_763 = tpu.memref_squeeze %dma_wait3A_762 : memref<1x16x1024xf32, #tpu.memory_space<hbm>> -> memref<16x1024xf32, #tpu.memory_space<hbm>>
    tpu.wait_dma2 semaphore(%arg14 : memref<!tpu.dma_semaphore, #tpu.memory_space<semaphore_mem>>) src(%dma_wait3A_763 : memref<16x1024xf32, #tpu.memory_space<hbm>>) dst(%arg8 : memref<16x1024xf32, #tpu.memory_space<vmem>>)
    %parallel_loop3A_764 = arith.constant 0 : i32
    %parallel_loop3A_765 = arith.constant 16384 : i32
    %parallel_loop3A_766 = arith.constant 16 : i32
    scf.for %parallel_loop3A_1200 = %parallel_loop3A_764 to %parallel_loop3A_765 step %parallel_loop3A_766  : i32 {
      %parallel_loop3A_1201 = arith.constant 10 : i32
      %parallel_loop3A_1202 = arith.shrsi %parallel_loop3A_1200, %parallel_loop3A_1201 : i32
      %parallel_loop3A_1203 = arith.constant 1023 : i32
      %parallel_loop3A_1204 = arith.andi %parallel_loop3A_1200, %parallel_loop3A_1203 : i32
      %parallel_loop3A_1205 = tpu.assume_multiple %parallel_loop3A_1204, 16 : i32
      %parallel_loop3A_1206 = arith.index_cast %parallel_loop3A_1202 : i32 to index
      %parallel_loop3A_1207 = arith.index_cast %parallel_loop3A_1205 : i32 to index
      %parallel_loop3A_1208 = tpu.vector_load %arg8[%parallel_loop3A_1206, %parallel_loop3A_1207] {strides = array<i32>} : memref<16x1024xf32, #tpu.memory_space<vmem>>, vector<1x16xf32>,
      %parallel_loop3A_1209 = vector.shape_cast %parallel_loop3A_1208 : vector<1x16xf32> to vector<16xf32>
      %parallel_loop3A_1210 = arith.index_cast %parallel_loop3A_1202 : i32 to index
      %parallel_loop3A_1211 = arith.index_cast %parallel_loop3A_1205 : i32 to index
      %parallel_loop3A_1212 = tpu.vector_load %arg9[%parallel_loop3A_1210, %parallel_loop3A_1211] {strides = array<i32>} : memref<16x1024xf32, #tpu.memory_space<vmem>>, vector<1x16xf32>,
      %parallel_loop3A_1213 = vector.shape_cast %parallel_loop3A_1212 : vector<1x16xf32> to vector<16xf32>
      %parallel_loop3A_1214 = arith.addf %parallel_loop3A_1209, %parallel_loop3A_1213 : vector<16xf32>
      %parallel_loop3A_1215 = arith.index_cast %parallel_loop3A_1202 : i32 to index
      %parallel_loop3A_1216 = arith.index_cast %parallel_loop3A_1205 : i32 to index
      %parallel_loop3A_1217 = tpu.vector_load %arg8[%parallel_loop3A_1215, %parallel_loop3A_1216] {strides = array<i32>} : memref<16x1024xf32, #tpu.memory_space<vmem>>, vector<1x16xf32>,
      %parallel_loop3A_1218 = vector.shape_cast %parallel_loop3A_1217 : vector<1x16xf32> to vector<16xf32>
      %parallel_loop3A_1219 = vector.shape_cast %parallel_loop3A_1214 : vector<16xf32> to vector<1x16xf32>
      tpu.vector_store %arg8[%parallel_loop3A_1215, %parallel_loop3A_1216], %parallel_loop3A_1219 {strides = array<i32>} : memref<16x1024xf32, #tpu.memory_space<vmem>>, vector<1x16xf32>,
    } {sc.loop_unroll_factor = 16 : i64, sc.parallel_access}
    %add3A_767 = arith.constant 64 : i32
    %add3A_768 = arith.addi %mul3A_2, %add3A_767 : i32
    %dma_start3A_769 = arith.constant 3 : i32
    %dma_start3A_770 = arith.constant 0 : i32
    %dma_start3A_771 = tpu.memref_slice %arg4[%dma_start3A_769, %add3A_768, %dma_start3A_770] : memref<4x4096x1024xf32, #tpu.memory_space<hbm>> -> memref<1x16x1024xf32, #tpu.memory_space<hbm>>
    %dma_start3A_772 = tpu.memref_squeeze %dma_start3A_771 : memref<1x16x1024xf32, #tpu.memory_space<hbm>> -> memref<16x1024xf32, #tpu.memory_space<hbm>>
    %dma_start3A_773 = arith.constant 0 : i32
    %dma_start3A_774 = tpu.memref_slice %arg4[%dma_start3A_769, %add3A_768, %dma_start3A_773] : memref<4x4096x1024xf32, #tpu.memory_space<hbm>> -> memref<1x16x1024xf32, #tpu.memory_space<hbm>>
    %dma_start3A_775 = tpu.memref_squeeze %dma_start3A_774 : memref<1x16x1024xf32, #tpu.memory_space<hbm>> -> memref<16x1024xf32, #tpu.memory_space<hbm>>
    tpu.enqueue_dma source(%arg8 : memref<16x1024xf32, #tpu.memory_space<vmem>>) target(%dma_start3A_775 : memref<16x1024xf32, #tpu.memory_space<hbm>>) target_semaphore(%arg20 : memref<!tpu.dma_semaphore, #tpu.memory_space<semaphore_mem>>)
    %add3A_776 = arith.constant 96 : i32
    %add3A_777 = arith.addi %mul3A_2, %add3A_776 : i32
    %dma_start3A_778 = arith.constant 0 : i32
    %dma_start3A_779 = tpu.memref_slice %arg3[%add3A_777, %dma_start3A_778] : memref<8192x1024xf32, #tpu.memory_space<hbm>> -> memref<16x1024xf32, #tpu.memory_space<hbm>>
    %dma_start3A_780 = arith.constant 0 : i32
    %dma_start3A_781 = tpu.memref_slice %arg3[%add3A_777, %dma_start3A_780] : memref<8192x1024xf32, #tpu.memory_space<hbm>> -> memref<16x1024xf32, #tpu.memory_space<hbm>>
    tpu.enqueue_dma source(%dma_start3A_781 : memref<16x1024xf32, #tpu.memory_space<hbm>>) target(%arg9 : memref<16x1024xf32, #tpu.memory_space<vmem>>) target_semaphore(%arg15 : memref<!tpu.dma_semaphore, #tpu.memory_space<semaphore_mem>>)
    %dma_wait3A_782 = arith.constant 3 : i32
    %dma_wait3A_783 = arith.constant 0 : i32
    %dma_wait3A_784 = tpu.memref_slice %arg4[%dma_wait3A_782, %add3A_768, %dma_wait3A_783] : memref<4x4096x1024xf32, #tpu.memory_space<hbm>> -> memref<1x16x1024xf32, #tpu.memory_space<hbm>>
    %dma_wait3A_785 = tpu.memref_squeeze %dma_wait3A_784 : memref<1x16x1024xf32, #tpu.memory_space<hbm>> -> memref<16x1024xf32, #tpu.memory_space<hbm>>
    %dma_wait3A_786 = arith.constant 0 : i32
    %dma_wait3A_787 = tpu.memref_slice %arg4[%dma_wait3A_782, %add3A_768, %dma_wait3A_786] : memref<4x4096x1024xf32, #tpu.memory_space<hbm>> -> memref<1x16x1024xf32, #tpu.memory_space<hbm>>
    %dma_wait3A_788 = tpu.memref_squeeze %dma_wait3A_787 : memref<1x16x1024xf32, #tpu.memory_space<hbm>> -> memref<16x1024xf32, #tpu.memory_space<hbm>>
    tpu.wait_dma2 semaphore(%arg20 : memref<!tpu.dma_semaphore, #tpu.memory_space<semaphore_mem>>) src(%arg8 : memref<16x1024xf32, #tpu.memory_space<vmem>>) dst(%dma_wait3A_788 : memref<16x1024xf32, #tpu.memory_space<hbm>>)
    %add3A_789 = arith.constant 80 : i32
    %add3A_790 = arith.addi %mul3A_2, %add3A_789 : i32
    %dma_start3A_791 = arith.constant 3 : i32
    %dma_start3A_792 = arith.constant 0 : i32
    %dma_start3A_793 = tpu.memref_slice %arg2[%dma_start3A_791, %add3A_790, %dma_start3A_792] : memref<4x4096x1024xf32, #tpu.memory_space<hbm>> -> memref<1x16x1024xf32, #tpu.memory_space<hbm>>
    %dma_start3A_794 = tpu.memref_squeeze %dma_start3A_793 : memref<1x16x1024xf32, #tpu.memory_space<hbm>> -> memref<16x1024xf32, #tpu.memory_space<hbm>>
    %dma_start3A_795 = arith.constant 0 : i32
    %dma_start3A_796 = tpu.memref_slice %arg2[%dma_start3A_791, %add3A_790, %dma_start3A_795] : memref<4x4096x1024xf32, #tpu.memory_space<hbm>> -> memref<1x16x1024xf32, #tpu.memory_space<hbm>>
    %dma_start3A_797 = tpu.memref_squeeze %dma_start3A_796 : memref<1x16x1024xf32, #tpu.memory_space<hbm>> -> memref<16x1024xf32, #tpu.memory_space<hbm>>
    tpu.enqueue_dma source(%dma_start3A_797 : memref<16x1024xf32, #tpu.memory_space<hbm>>) target(%arg8 : memref<16x1024xf32, #tpu.memory_space<vmem>>) target_semaphore(%arg14 : memref<!tpu.dma_semaphore, #tpu.memory_space<semaphore_mem>>)
    %dma_wait3A_798 = arith.constant 0 : i32
    %dma_wait3A_799 = tpu.memref_slice %arg3[%add3A_627, %dma_wait3A_798] : memref<8192x1024xf32, #tpu.memory_space<hbm>> -> memref<16x1024xf32, #tpu.memory_space<hbm>>
    %dma_wait3A_800 = arith.constant 0 : i32
    %dma_wait3A_801 = tpu.memref_slice %arg3[%add3A_627, %dma_wait3A_800] : memref<8192x1024xf32, #tpu.memory_space<hbm>> -> memref<16x1024xf32, #tpu.memory_space<hbm>>
    tpu.wait_dma2 semaphore(%arg16 : memref<!tpu.dma_semaphore, #tpu.memory_space<semaphore_mem>>) src(%dma_wait3A_801 : memref<16x1024xf32, #tpu.memory_space<hbm>>) dst(%arg10 : memref<16x1024xf32, #tpu.memory_space<vmem>>)
    %dma_wait3A_802 = arith.constant 0 : i32
    %dma_wait3A_803 = arith.constant 0 : i32
    %dma_wait3A_804 = tpu.memref_slice %arg2[%dma_wait3A_802, %add3A_679, %dma_wait3A_803] : memref<4x4096x1024xf32, #tpu.memory_space<hbm>> -> memref<1x16x1024xf32, #tpu.memory_space<hbm>>
    %dma_wait3A_805 = tpu.memref_squeeze %dma_wait3A_804 : memref<1x16x1024xf32, #tpu.memory_space<hbm>> -> memref<16x1024xf32, #tpu.memory_space<hbm>>
    %dma_wait3A_806 = arith.constant 0 : i32
    %dma_wait3A_807 = tpu.memref_slice %arg2[%dma_wait3A_802, %add3A_679, %dma_wait3A_806] : memref<4x4096x1024xf32, #tpu.memory_space<hbm>> -> memref<1x16x1024xf32, #tpu.memory_space<hbm>>
    %dma_wait3A_808 = tpu.memref_squeeze %dma_wait3A_807 : memref<1x16x1024xf32, #tpu.memory_space<hbm>> -> memref<16x1024xf32, #tpu.memory_space<hbm>>
    tpu.wait_dma2 semaphore(%arg11 : memref<!tpu.dma_semaphore, #tpu.memory_space<semaphore_mem>>) src(%dma_wait3A_808 : memref<16x1024xf32, #tpu.memory_space<hbm>>) dst(%arg5 : memref<16x1024xf32, #tpu.memory_space<vmem>>)
    %parallel_loop3A_809 = arith.constant 0 : i32
    %parallel_loop3A_810 = arith.constant 16384 : i32
    %parallel_loop3A_811 = arith.constant 16 : i32
    scf.for %parallel_loop3A_1200 = %parallel_loop3A_809 to %parallel_loop3A_810 step %parallel_loop3A_811  : i32 {
      %parallel_loop3A_1201 = arith.constant 10 : i32
      %parallel_loop3A_1202 = arith.shrsi %parallel_loop3A_1200, %parallel_loop3A_1201 : i32
      %parallel_loop3A_1203 = arith.constant 1023 : i32
      %parallel_loop3A_1204 = arith.andi %parallel_loop3A_1200, %parallel_loop3A_1203 : i32
      %parallel_loop3A_1205 = tpu.assume_multiple %parallel_loop3A_1204, 16 : i32
      %parallel_loop3A_1206 = arith.index_cast %parallel_loop3A_1202 : i32 to index
      %parallel_loop3A_1207 = arith.index_cast %parallel_loop3A_1205 : i32 to index
      %parallel_loop3A_1208 = tpu.vector_load %arg5[%parallel_loop3A_1206, %parallel_loop3A_1207] {strides = array<i32>} : memref<16x1024xf32, #tpu.memory_space<vmem>>, vector<1x16xf32>,
      %parallel_loop3A_1209 = vector.shape_cast %parallel_loop3A_1208 : vector<1x16xf32> to vector<16xf32>
      %parallel_loop3A_1210 = arith.index_cast %parallel_loop3A_1202 : i32 to index
      %parallel_loop3A_1211 = arith.index_cast %parallel_loop3A_1205 : i32 to index
      %parallel_loop3A_1212 = tpu.vector_load %arg10[%parallel_loop3A_1210, %parallel_loop3A_1211] {strides = array<i32>} : memref<16x1024xf32, #tpu.memory_space<vmem>>, vector<1x16xf32>,
      %parallel_loop3A_1213 = vector.shape_cast %parallel_loop3A_1212 : vector<1x16xf32> to vector<16xf32>
      %parallel_loop3A_1214 = arith.addf %parallel_loop3A_1209, %parallel_loop3A_1213 : vector<16xf32>
      %parallel_loop3A_1215 = arith.index_cast %parallel_loop3A_1202 : i32 to index
      %parallel_loop3A_1216 = arith.index_cast %parallel_loop3A_1205 : i32 to index
      %parallel_loop3A_1217 = tpu.vector_load %arg5[%parallel_loop3A_1215, %parallel_loop3A_1216] {strides = array<i32>} : memref<16x1024xf32, #tpu.memory_space<vmem>>, vector<1x16xf32>,
      %parallel_loop3A_1218 = vector.shape_cast %parallel_loop3A_1217 : vector<1x16xf32> to vector<16xf32>
      %parallel_loop3A_1219 = vector.shape_cast %parallel_loop3A_1214 : vector<16xf32> to vector<1x16xf32>
      tpu.vector_store %arg5[%parallel_loop3A_1215, %parallel_loop3A_1216], %parallel_loop3A_1219 {strides = array<i32>} : memref<16x1024xf32, #tpu.memory_space<vmem>>, vector<1x16xf32>,
    } {sc.loop_unroll_factor = 16 : i64, sc.parallel_access}
    %add3A_812 = arith.constant 80 : i32
    %add3A_813 = arith.addi %mul3A_2, %add3A_812 : i32
    %dma_start3A_814 = arith.constant 0 : i32
    %dma_start3A_815 = arith.constant 0 : i32
    %dma_start3A_816 = tpu.memref_slice %arg4[%dma_start3A_814, %add3A_813, %dma_start3A_815] : memref<4x4096x1024xf32, #tpu.memory_space<hbm>> -> memref<1x16x1024xf32, #tpu.memory_space<hbm>>
    %dma_start3A_817 = tpu.memref_squeeze %dma_start3A_816 : memref<1x16x1024xf32, #tpu.memory_space<hbm>> -> memref<16x1024xf32, #tpu.memory_space<hbm>>
    %dma_start3A_818 = arith.constant 0 : i32
    %dma_start3A_819 = tpu.memref_slice %arg4[%dma_start3A_814, %add3A_813, %dma_start3A_818] : memref<4x4096x1024xf32, #tpu.memory_space<hbm>> -> memref<1x16x1024xf32, #tpu.memory_space<hbm>>
    %dma_start3A_820 = tpu.memref_squeeze %dma_start3A_819 : memref<1x16x1024xf32, #tpu.memory_space<hbm>> -> memref<16x1024xf32, #tpu.memory_space<hbm>>
    tpu.enqueue_dma source(%arg5 : memref<16x1024xf32, #tpu.memory_space<vmem>>) target(%dma_start3A_820 : memref<16x1024xf32, #tpu.memory_space<hbm>>) target_semaphore(%arg17 : memref<!tpu.dma_semaphore, #tpu.memory_space<semaphore_mem>>)
    %dma_wait3A_821 = arith.constant 0 : i32
    %dma_wait3A_822 = arith.constant 0 : i32
    %dma_wait3A_823 = tpu.memref_slice %arg4[%dma_wait3A_821, %add3A_813, %dma_wait3A_822] : memref<4x4096x1024xf32, #tpu.memory_space<hbm>> -> memref<1x16x1024xf32, #tpu.memory_space<hbm>>
    %dma_wait3A_824 = tpu.memref_squeeze %dma_wait3A_823 : memref<1x16x1024xf32, #tpu.memory_space<hbm>> -> memref<16x1024xf32, #tpu.memory_space<hbm>>
    %dma_wait3A_825 = arith.constant 0 : i32
    %dma_wait3A_826 = tpu.memref_slice %arg4[%dma_wait3A_821, %add3A_813, %dma_wait3A_825] : memref<4x4096x1024xf32, #tpu.memory_space<hbm>> -> memref<1x16x1024xf32, #tpu.memory_space<hbm>>
    %dma_wait3A_827 = tpu.memref_squeeze %dma_wait3A_826 : memref<1x16x1024xf32, #tpu.memory_space<hbm>> -> memref<16x1024xf32, #tpu.memory_space<hbm>>
    tpu.wait_dma2 semaphore(%arg17 : memref<!tpu.dma_semaphore, #tpu.memory_space<semaphore_mem>>) src(%arg5 : memref<16x1024xf32, #tpu.memory_space<vmem>>) dst(%dma_wait3A_827 : memref<16x1024xf32, #tpu.memory_space<hbm>>)
    %add3A_828 = arith.constant 96 : i32
    %add3A_829 = arith.addi %mul3A_2, %add3A_828 : i32
    %dma_start3A_830 = arith.constant 0 : i32
    %dma_start3A_831 = arith.constant 0 : i32
    %dma_start3A_832 = tpu.memref_slice %arg2[%dma_start3A_830, %add3A_829, %dma_start3A_831] : memref<4x4096x1024xf32, #tpu.memory_space<hbm>> -> memref<1x16x1024xf32, #tpu.memory_space<hbm>>
    %dma_start3A_833 = tpu.memref_squeeze %dma_start3A_832 : memref<1x16x1024xf32, #tpu.memory_space<hbm>> -> memref<16x1024xf32, #tpu.memory_space<hbm>>
    %dma_start3A_834 = arith.constant 0 : i32
    %dma_start3A_835 = tpu.memref_slice %arg2[%dma_start3A_830, %add3A_829, %dma_start3A_834] : memref<4x4096x1024xf32, #tpu.memory_space<hbm>> -> memref<1x16x1024xf32, #tpu.memory_space<hbm>>
    %dma_start3A_836 = tpu.memref_squeeze %dma_start3A_835 : memref<1x16x1024xf32, #tpu.memory_space<hbm>> -> memref<16x1024xf32, #tpu.memory_space<hbm>>
    tpu.enqueue_dma source(%dma_start3A_836 : memref<16x1024xf32, #tpu.memory_space<hbm>>) target(%arg5 : memref<16x1024xf32, #tpu.memory_space<vmem>>) target_semaphore(%arg11 : memref<!tpu.dma_semaphore, #tpu.memory_space<semaphore_mem>>)
    %dma_wait3A_837 = arith.constant 1 : i32
    %dma_wait3A_838 = arith.constant 0 : i32
    %dma_wait3A_839 = tpu.memref_slice %arg2[%dma_wait3A_837, %add3A_714, %dma_wait3A_838] : memref<4x4096x1024xf32, #tpu.memory_space<hbm>> -> memref<1x16x1024xf32, #tpu.memory_space<hbm>>
    %dma_wait3A_840 = tpu.memref_squeeze %dma_wait3A_839 : memref<1x16x1024xf32, #tpu.memory_space<hbm>> -> memref<16x1024xf32, #tpu.memory_space<hbm>>
    %dma_wait3A_841 = arith.constant 0 : i32
    %dma_wait3A_842 = tpu.memref_slice %arg2[%dma_wait3A_837, %add3A_714, %dma_wait3A_841] : memref<4x4096x1024xf32, #tpu.memory_space<hbm>> -> memref<1x16x1024xf32, #tpu.memory_space<hbm>>
    %dma_wait3A_843 = tpu.memref_squeeze %dma_wait3A_842 : memref<1x16x1024xf32, #tpu.memory_space<hbm>> -> memref<16x1024xf32, #tpu.memory_space<hbm>>
    tpu.wait_dma2 semaphore(%arg12 : memref<!tpu.dma_semaphore, #tpu.memory_space<semaphore_mem>>) src(%dma_wait3A_843 : memref<16x1024xf32, #tpu.memory_space<hbm>>) dst(%arg6 : memref<16x1024xf32, #tpu.memory_space<vmem>>)
    %parallel_loop3A_844 = arith.constant 0 : i32
    %parallel_loop3A_845 = arith.constant 16384 : i32
    %parallel_loop3A_846 = arith.constant 16 : i32
    scf.for %parallel_loop3A_1200 = %parallel_loop3A_844 to %parallel_loop3A_845 step %parallel_loop3A_846  : i32 {
      %parallel_loop3A_1201 = arith.constant 10 : i32
      %parallel_loop3A_1202 = arith.shrsi %parallel_loop3A_1200, %parallel_loop3A_1201 : i32
      %parallel_loop3A_1203 = arith.constant 1023 : i32
      %parallel_loop3A_1204 = arith.andi %parallel_loop3A_1200, %parallel_loop3A_1203 : i32
      %parallel_loop3A_1205 = tpu.assume_multiple %parallel_loop3A_1204, 16 : i32
      %parallel_loop3A_1206 = arith.index_cast %parallel_loop3A_1202 : i32 to index
      %parallel_loop3A_1207 = arith.index_cast %parallel_loop3A_1205 : i32 to index
      %parallel_loop3A_1208 = tpu.vector_load %arg6[%parallel_loop3A_1206, %parallel_loop3A_1207] {strides = array<i32>} : memref<16x1024xf32, #tpu.memory_space<vmem>>, vector<1x16xf32>,
      %parallel_loop3A_1209 = vector.shape_cast %parallel_loop3A_1208 : vector<1x16xf32> to vector<16xf32>
      %parallel_loop3A_1210 = arith.index_cast %parallel_loop3A_1202 : i32 to index
      %parallel_loop3A_1211 = arith.index_cast %parallel_loop3A_1205 : i32 to index
      %parallel_loop3A_1212 = tpu.vector_load %arg10[%parallel_loop3A_1210, %parallel_loop3A_1211] {strides = array<i32>} : memref<16x1024xf32, #tpu.memory_space<vmem>>, vector<1x16xf32>,
      %parallel_loop3A_1213 = vector.shape_cast %parallel_loop3A_1212 : vector<1x16xf32> to vector<16xf32>
      %parallel_loop3A_1214 = arith.addf %parallel_loop3A_1209, %parallel_loop3A_1213 : vector<16xf32>
      %parallel_loop3A_1215 = arith.index_cast %parallel_loop3A_1202 : i32 to index
      %parallel_loop3A_1216 = arith.index_cast %parallel_loop3A_1205 : i32 to index
      %parallel_loop3A_1217 = tpu.vector_load %arg6[%parallel_loop3A_1215, %parallel_loop3A_1216] {strides = array<i32>} : memref<16x1024xf32, #tpu.memory_space<vmem>>, vector<1x16xf32>,
      %parallel_loop3A_1218 = vector.shape_cast %parallel_loop3A_1217 : vector<1x16xf32> to vector<16xf32>
      %parallel_loop3A_1219 = vector.shape_cast %parallel_loop3A_1214 : vector<16xf32> to vector<1x16xf32>
      tpu.vector_store %arg6[%parallel_loop3A_1215, %parallel_loop3A_1216], %parallel_loop3A_1219 {strides = array<i32>} : memref<16x1024xf32, #tpu.memory_space<vmem>>, vector<1x16xf32>,
    } {sc.loop_unroll_factor = 16 : i64, sc.parallel_access}
    %add3A_847 = arith.constant 80 : i32
    %add3A_848 = arith.addi %mul3A_2, %add3A_847 : i32
    %dma_start3A_849 = arith.constant 1 : i32
    %dma_start3A_850 = arith.constant 0 : i32
    %dma_start3A_851 = tpu.memref_slice %arg4[%dma_start3A_849, %add3A_848, %dma_start3A_850] : memref<4x4096x1024xf32, #tpu.memory_space<hbm>> -> memref<1x16x1024xf32, #tpu.memory_space<hbm>>
    %dma_start3A_852 = tpu.memref_squeeze %dma_start3A_851 : memref<1x16x1024xf32, #tpu.memory_space<hbm>> -> memref<16x1024xf32, #tpu.memory_space<hbm>>
    %dma_start3A_853 = arith.constant 0 : i32
    %dma_start3A_854 = tpu.memref_slice %arg4[%dma_start3A_849, %add3A_848, %dma_start3A_853] : memref<4x4096x1024xf32, #tpu.memory_space<hbm>> -> memref<1x16x1024xf32, #tpu.memory_space<hbm>>
    %dma_start3A_855 = tpu.memref_squeeze %dma_start3A_854 : memref<1x16x1024xf32, #tpu.memory_space<hbm>> -> memref<16x1024xf32, #tpu.memory_space<hbm>>
    tpu.enqueue_dma source(%arg6 : memref<16x1024xf32, #tpu.memory_space<vmem>>) target(%dma_start3A_855 : memref<16x1024xf32, #tpu.memory_space<hbm>>) target_semaphore(%arg18 : memref<!tpu.dma_semaphore, #tpu.memory_space<semaphore_mem>>)
    %dma_wait3A_856 = arith.constant 1 : i32
    %dma_wait3A_857 = arith.constant 0 : i32
    %dma_wait3A_858 = tpu.memref_slice %arg4[%dma_wait3A_856, %add3A_848, %dma_wait3A_857] : memref<4x4096x1024xf32, #tpu.memory_space<hbm>> -> memref<1x16x1024xf32, #tpu.memory_space<hbm>>
    %dma_wait3A_859 = tpu.memref_squeeze %dma_wait3A_858 : memref<1x16x1024xf32, #tpu.memory_space<hbm>> -> memref<16x1024xf32, #tpu.memory_space<hbm>>
    %dma_wait3A_860 = arith.constant 0 : i32
    %dma_wait3A_861 = tpu.memref_slice %arg4[%dma_wait3A_856, %add3A_848, %dma_wait3A_860] : memref<4x4096x1024xf32, #tpu.memory_space<hbm>> -> memref<1x16x1024xf32, #tpu.memory_space<hbm>>
    %dma_wait3A_862 = tpu.memref_squeeze %dma_wait3A_861 : memref<1x16x1024xf32, #tpu.memory_space<hbm>> -> memref<16x1024xf32, #tpu.memory_space<hbm>>
    tpu.wait_dma2 semaphore(%arg18 : memref<!tpu.dma_semaphore, #tpu.memory_space<semaphore_mem>>) src(%arg6 : memref<16x1024xf32, #tpu.memory_space<vmem>>) dst(%dma_wait3A_862 : memref<16x1024xf32, #tpu.memory_space<hbm>>)
    %add3A_863 = arith.constant 96 : i32
    %add3A_864 = arith.addi %mul3A_2, %add3A_863 : i32
    %dma_start3A_865 = arith.constant 1 : i32
    %dma_start3A_866 = arith.constant 0 : i32
    %dma_start3A_867 = tpu.memref_slice %arg2[%dma_start3A_865, %add3A_864, %dma_start3A_866] : memref<4x4096x1024xf32, #tpu.memory_space<hbm>> -> memref<1x16x1024xf32, #tpu.memory_space<hbm>>
    %dma_start3A_868 = tpu.memref_squeeze %dma_start3A_867 : memref<1x16x1024xf32, #tpu.memory_space<hbm>> -> memref<16x1024xf32, #tpu.memory_space<hbm>>
    %dma_start3A_869 = arith.constant 0 : i32
    %dma_start3A_870 = tpu.memref_slice %arg2[%dma_start3A_865, %add3A_864, %dma_start3A_869] : memref<4x4096x1024xf32, #tpu.memory_space<hbm>> -> memref<1x16x1024xf32, #tpu.memory_space<hbm>>
    %dma_start3A_871 = tpu.memref_squeeze %dma_start3A_870 : memref<1x16x1024xf32, #tpu.memory_space<hbm>> -> memref<16x1024xf32, #tpu.memory_space<hbm>>
    tpu.enqueue_dma source(%dma_start3A_871 : memref<16x1024xf32, #tpu.memory_space<hbm>>) target(%arg6 : memref<16x1024xf32, #tpu.memory_space<vmem>>) target_semaphore(%arg12 : memref<!tpu.dma_semaphore, #tpu.memory_space<semaphore_mem>>)
    %dma_wait3A_872 = arith.constant 2 : i32
    %dma_wait3A_873 = arith.constant 0 : i32
    %dma_wait3A_874 = tpu.memref_slice %arg2[%dma_wait3A_872, %add3A_749, %dma_wait3A_873] : memref<4x4096x1024xf32, #tpu.memory_space<hbm>> -> memref<1x16x1024xf32, #tpu.memory_space<hbm>>
    %dma_wait3A_875 = tpu.memref_squeeze %dma_wait3A_874 : memref<1x16x1024xf32, #tpu.memory_space<hbm>> -> memref<16x1024xf32, #tpu.memory_space<hbm>>
    %dma_wait3A_876 = arith.constant 0 : i32
    %dma_wait3A_877 = tpu.memref_slice %arg2[%dma_wait3A_872, %add3A_749, %dma_wait3A_876] : memref<4x4096x1024xf32, #tpu.memory_space<hbm>> -> memref<1x16x1024xf32, #tpu.memory_space<hbm>>
    %dma_wait3A_878 = tpu.memref_squeeze %dma_wait3A_877 : memref<1x16x1024xf32, #tpu.memory_space<hbm>> -> memref<16x1024xf32, #tpu.memory_space<hbm>>
    tpu.wait_dma2 semaphore(%arg13 : memref<!tpu.dma_semaphore, #tpu.memory_space<semaphore_mem>>) src(%dma_wait3A_878 : memref<16x1024xf32, #tpu.memory_space<hbm>>) dst(%arg7 : memref<16x1024xf32, #tpu.memory_space<vmem>>)
    %parallel_loop3A_879 = arith.constant 0 : i32
    %parallel_loop3A_880 = arith.constant 16384 : i32
    %parallel_loop3A_881 = arith.constant 16 : i32
    scf.for %parallel_loop3A_1200 = %parallel_loop3A_879 to %parallel_loop3A_880 step %parallel_loop3A_881  : i32 {
      %parallel_loop3A_1201 = arith.constant 10 : i32
      %parallel_loop3A_1202 = arith.shrsi %parallel_loop3A_1200, %parallel_loop3A_1201 : i32
      %parallel_loop3A_1203 = arith.constant 1023 : i32
      %parallel_loop3A_1204 = arith.andi %parallel_loop3A_1200, %parallel_loop3A_1203 : i32
      %parallel_loop3A_1205 = tpu.assume_multiple %parallel_loop3A_1204, 16 : i32
      %parallel_loop3A_1206 = arith.index_cast %parallel_loop3A_1202 : i32 to index
      %parallel_loop3A_1207 = arith.index_cast %parallel_loop3A_1205 : i32 to index
      %parallel_loop3A_1208 = tpu.vector_load %arg7[%parallel_loop3A_1206, %parallel_loop3A_1207] {strides = array<i32>} : memref<16x1024xf32, #tpu.memory_space<vmem>>, vector<1x16xf32>,
      %parallel_loop3A_1209 = vector.shape_cast %parallel_loop3A_1208 : vector<1x16xf32> to vector<16xf32>
      %parallel_loop3A_1210 = arith.index_cast %parallel_loop3A_1202 : i32 to index
      %parallel_loop3A_1211 = arith.index_cast %parallel_loop3A_1205 : i32 to index
      %parallel_loop3A_1212 = tpu.vector_load %arg10[%parallel_loop3A_1210, %parallel_loop3A_1211] {strides = array<i32>} : memref<16x1024xf32, #tpu.memory_space<vmem>>, vector<1x16xf32>,
      %parallel_loop3A_1213 = vector.shape_cast %parallel_loop3A_1212 : vector<1x16xf32> to vector<16xf32>
      %parallel_loop3A_1214 = arith.addf %parallel_loop3A_1209, %parallel_loop3A_1213 : vector<16xf32>
      %parallel_loop3A_1215 = arith.index_cast %parallel_loop3A_1202 : i32 to index
      %parallel_loop3A_1216 = arith.index_cast %parallel_loop3A_1205 : i32 to index
      %parallel_loop3A_1217 = tpu.vector_load %arg7[%parallel_loop3A_1215, %parallel_loop3A_1216] {strides = array<i32>} : memref<16x1024xf32, #tpu.memory_space<vmem>>, vector<1x16xf32>,
      %parallel_loop3A_1218 = vector.shape_cast %parallel_loop3A_1217 : vector<1x16xf32> to vector<16xf32>
      %parallel_loop3A_1219 = vector.shape_cast %parallel_loop3A_1214 : vector<16xf32> to vector<1x16xf32>
      tpu.vector_store %arg7[%parallel_loop3A_1215, %parallel_loop3A_1216], %parallel_loop3A_1219 {strides = array<i32>} : memref<16x1024xf32, #tpu.memory_space<vmem>>, vector<1x16xf32>,
    } {sc.loop_unroll_factor = 16 : i64, sc.parallel_access}
    %add3A_882 = arith.constant 80 : i32
    %add3A_883 = arith.addi %mul3A_2, %add3A_882 : i32
    %dma_start3A_884 = arith.constant 2 : i32
    %dma_start3A_885 = arith.constant 0 : i32
    %dma_start3A_886 = tpu.memref_slice %arg4[%dma_start3A_884, %add3A_883, %dma_start3A_885] : memref<4x4096x1024xf32, #tpu.memory_space<hbm>> -> memref<1x16x1024xf32, #tpu.memory_space<hbm>>
    %dma_start3A_887 = tpu.memref_squeeze %dma_start3A_886 : memref<1x16x1024xf32, #tpu.memory_space<hbm>> -> memref<16x1024xf32, #tpu.memory_space<hbm>>
    %dma_start3A_888 = arith.constant 0 : i32
    %dma_start3A_889 = tpu.memref_slice %arg4[%dma_start3A_884, %add3A_883, %dma_start3A_888] : memref<4x4096x1024xf32, #tpu.memory_space<hbm>> -> memref<1x16x1024xf32, #tpu.memory_space<hbm>>
    %dma_start3A_890 = tpu.memref_squeeze %dma_start3A_889 : memref<1x16x1024xf32, #tpu.memory_space<hbm>> -> memref<16x1024xf32, #tpu.memory_space<hbm>>
    tpu.enqueue_dma source(%arg7 : memref<16x1024xf32, #tpu.memory_space<vmem>>) target(%dma_start3A_890 : memref<16x1024xf32, #tpu.memory_space<hbm>>) target_semaphore(%arg19 : memref<!tpu.dma_semaphore, #tpu.memory_space<semaphore_mem>>)
    %dma_wait3A_891 = arith.constant 2 : i32
    %dma_wait3A_892 = arith.constant 0 : i32
    %dma_wait3A_893 = tpu.memref_slice %arg4[%dma_wait3A_891, %add3A_883, %dma_wait3A_892] : memref<4x4096x1024xf32, #tpu.memory_space<hbm>> -> memref<1x16x1024xf32, #tpu.memory_space<hbm>>
    %dma_wait3A_894 = tpu.memref_squeeze %dma_wait3A_893 : memref<1x16x1024xf32, #tpu.memory_space<hbm>> -> memref<16x1024xf32, #tpu.memory_space<hbm>>
    %dma_wait3A_895 = arith.constant 0 : i32
    %dma_wait3A_896 = tpu.memref_slice %arg4[%dma_wait3A_891, %add3A_883, %dma_wait3A_895] : memref<4x4096x1024xf32, #tpu.memory_space<hbm>> -> memref<1x16x1024xf32, #tpu.memory_space<hbm>>
    %dma_wait3A_897 = tpu.memref_squeeze %dma_wait3A_896 : memref<1x16x1024xf32, #tpu.memory_space<hbm>> -> memref<16x1024xf32, #tpu.memory_space<hbm>>
    tpu.wait_dma2 semaphore(%arg19 : memref<!tpu.dma_semaphore, #tpu.memory_space<semaphore_mem>>) src(%arg7 : memref<16x1024xf32, #tpu.memory_space<vmem>>) dst(%dma_wait3A_897 : memref<16x1024xf32, #tpu.memory_space<hbm>>)
    %add3A_898 = arith.constant 96 : i32
    %add3A_899 = arith.addi %mul3A_2, %add3A_898 : i32
    %dma_start3A_900 = arith.constant 2 : i32
    %dma_start3A_901 = arith.constant 0 : i32
    %dma_start3A_902 = tpu.memref_slice %arg2[%dma_start3A_900, %add3A_899, %dma_start3A_901] : memref<4x4096x1024xf32, #tpu.memory_space<hbm>> -> memref<1x16x1024xf32, #tpu.memory_space<hbm>>
    %dma_start3A_903 = tpu.memref_squeeze %dma_start3A_902 : memref<1x16x1024xf32, #tpu.memory_space<hbm>> -> memref<16x1024xf32, #tpu.memory_space<hbm>>
    %dma_start3A_904 = arith.constant 0 : i32
    %dma_start3A_905 = tpu.memref_slice %arg2[%dma_start3A_900, %add3A_899, %dma_start3A_904] : memref<4x4096x1024xf32, #tpu.memory_space<hbm>> -> memref<1x16x1024xf32, #tpu.memory_space<hbm>>
    %dma_start3A_906 = tpu.memref_squeeze %dma_start3A_905 : memref<1x16x1024xf32, #tpu.memory_space<hbm>> -> memref<16x1024xf32, #tpu.memory_space<hbm>>
    tpu.enqueue_dma source(%dma_start3A_906 : memref<16x1024xf32, #tpu.memory_space<hbm>>) target(%arg7 : memref<16x1024xf32, #tpu.memory_space<vmem>>) target_semaphore(%arg13 : memref<!tpu.dma_semaphore, #tpu.memory_space<semaphore_mem>>)
    %dma_wait3A_907 = arith.constant 3 : i32
    %dma_wait3A_908 = arith.constant 0 : i32
    %dma_wait3A_909 = tpu.memref_slice %arg2[%dma_wait3A_907, %add3A_790, %dma_wait3A_908] : memref<4x4096x1024xf32, #tpu.memory_space<hbm>> -> memref<1x16x1024xf32, #tpu.memory_space<hbm>>
    %dma_wait3A_910 = tpu.memref_squeeze %dma_wait3A_909 : memref<1x16x1024xf32, #tpu.memory_space<hbm>> -> memref<16x1024xf32, #tpu.memory_space<hbm>>
    %dma_wait3A_911 = arith.constant 0 : i32
    %dma_wait3A_912 = tpu.memref_slice %arg2[%dma_wait3A_907, %add3A_790, %dma_wait3A_911] : memref<4x4096x1024xf32, #tpu.memory_space<hbm>> -> memref<1x16x1024xf32, #tpu.memory_space<hbm>>
    %dma_wait3A_913 = tpu.memref_squeeze %dma_wait3A_912 : memref<1x16x1024xf32, #tpu.memory_space<hbm>> -> memref<16x1024xf32, #tpu.memory_space<hbm>>
    tpu.wait_dma2 semaphore(%arg14 : memref<!tpu.dma_semaphore, #tpu.memory_space<semaphore_mem>>) src(%dma_wait3A_913 : memref<16x1024xf32, #tpu.memory_space<hbm>>) dst(%arg8 : memref<16x1024xf32, #tpu.memory_space<vmem>>)
    %parallel_loop3A_914 = arith.constant 0 : i32
    %parallel_loop3A_915 = arith.constant 16384 : i32
    %parallel_loop3A_916 = arith.constant 16 : i32
    scf.for %parallel_loop3A_1200 = %parallel_loop3A_914 to %parallel_loop3A_915 step %parallel_loop3A_916  : i32 {
      %parallel_loop3A_1201 = arith.constant 10 : i32
      %parallel_loop3A_1202 = arith.shrsi %parallel_loop3A_1200, %parallel_loop3A_1201 : i32
      %parallel_loop3A_1203 = arith.constant 1023 : i32
      %parallel_loop3A_1204 = arith.andi %parallel_loop3A_1200, %parallel_loop3A_1203 : i32
      %parallel_loop3A_1205 = tpu.assume_multiple %parallel_loop3A_1204, 16 : i32
      %parallel_loop3A_1206 = arith.index_cast %parallel_loop3A_1202 : i32 to index
      %parallel_loop3A_1207 = arith.index_cast %parallel_loop3A_1205 : i32 to index
      %parallel_loop3A_1208 = tpu.vector_load %arg8[%parallel_loop3A_1206, %parallel_loop3A_1207] {strides = array<i32>} : memref<16x1024xf32, #tpu.memory_space<vmem>>, vector<1x16xf32>,
      %parallel_loop3A_1209 = vector.shape_cast %parallel_loop3A_1208 : vector<1x16xf32> to vector<16xf32>
      %parallel_loop3A_1210 = arith.index_cast %parallel_loop3A_1202 : i32 to index
      %parallel_loop3A_1211 = arith.index_cast %parallel_loop3A_1205 : i32 to index
      %parallel_loop3A_1212 = tpu.vector_load %arg10[%parallel_loop3A_1210, %parallel_loop3A_1211] {strides = array<i32>} : memref<16x1024xf32, #tpu.memory_space<vmem>>, vector<1x16xf32>,
      %parallel_loop3A_1213 = vector.shape_cast %parallel_loop3A_1212 : vector<1x16xf32> to vector<16xf32>
      %parallel_loop3A_1214 = arith.addf %parallel_loop3A_1209, %parallel_loop3A_1213 : vector<16xf32>
      %parallel_loop3A_1215 = arith.index_cast %parallel_loop3A_1202 : i32 to index
      %parallel_loop3A_1216 = arith.index_cast %parallel_loop3A_1205 : i32 to index
      %parallel_loop3A_1217 = tpu.vector_load %arg8[%parallel_loop3A_1215, %parallel_loop3A_1216] {strides = array<i32>} : memref<16x1024xf32, #tpu.memory_space<vmem>>, vector<1x16xf32>,
      %parallel_loop3A_1218 = vector.shape_cast %parallel_loop3A_1217 : vector<1x16xf32> to vector<16xf32>
      %parallel_loop3A_1219 = vector.shape_cast %parallel_loop3A_1214 : vector<16xf32> to vector<1x16xf32>
      tpu.vector_store %arg8[%parallel_loop3A_1215, %parallel_loop3A_1216], %parallel_loop3A_1219 {strides = array<i32>} : memref<16x1024xf32, #tpu.memory_space<vmem>>, vector<1x16xf32>,
    } {sc.loop_unroll_factor = 16 : i64, sc.parallel_access}
    %add3A_917 = arith.constant 80 : i32
    %add3A_918 = arith.addi %mul3A_2, %add3A_917 : i32
    %dma_start3A_919 = arith.constant 3 : i32
    %dma_start3A_920 = arith.constant 0 : i32
    %dma_start3A_921 = tpu.memref_slice %arg4[%dma_start3A_919, %add3A_918, %dma_start3A_920] : memref<4x4096x1024xf32, #tpu.memory_space<hbm>> -> memref<1x16x1024xf32, #tpu.memory_space<hbm>>
    %dma_start3A_922 = tpu.memref_squeeze %dma_start3A_921 : memref<1x16x1024xf32, #tpu.memory_space<hbm>> -> memref<16x1024xf32, #tpu.memory_space<hbm>>
    %dma_start3A_923 = arith.constant 0 : i32
    %dma_start3A_924 = tpu.memref_slice %arg4[%dma_start3A_919, %add3A_918, %dma_start3A_923] : memref<4x4096x1024xf32, #tpu.memory_space<hbm>> -> memref<1x16x1024xf32, #tpu.memory_space<hbm>>
    %dma_start3A_925 = tpu.memref_squeeze %dma_start3A_924 : memref<1x16x1024xf32, #tpu.memory_space<hbm>> -> memref<16x1024xf32, #tpu.memory_space<hbm>>
    tpu.enqueue_dma source(%arg8 : memref<16x1024xf32, #tpu.memory_space<vmem>>) target(%dma_start3A_925 : memref<16x1024xf32, #tpu.memory_space<hbm>>) target_semaphore(%arg20 : memref<!tpu.dma_semaphore, #tpu.memory_space<semaphore_mem>>)
    %add3A_926 = arith.constant 112 : i32
    %add3A_927 = arith.addi %mul3A_2, %add3A_926 : i32
    %dma_start3A_928 = arith.constant 0 : i32
    %dma_start3A_929 = tpu.memref_slice %arg3[%add3A_927, %dma_start3A_928] : memref<8192x1024xf32, #tpu.memory_space<hbm>> -> memref<16x1024xf32, #tpu.memory_space<hbm>>
    %dma_start3A_930 = arith.constant 0 : i32
    %dma_start3A_931 = tpu.memref_slice %arg3[%add3A_927, %dma_start3A_930] : memref<8192x1024xf32, #tpu.memory_space<hbm>> -> memref<16x1024xf32, #tpu.memory_space<hbm>>
    tpu.enqueue_dma source(%dma_start3A_931 : memref<16x1024xf32, #tpu.memory_space<hbm>>) target(%arg10 : memref<16x1024xf32, #tpu.memory_space<vmem>>) target_semaphore(%arg16 : memref<!tpu.dma_semaphore, #tpu.memory_space<semaphore_mem>>)
    %dma_wait3A_932 = arith.constant 3 : i32
    %dma_wait3A_933 = arith.constant 0 : i32
    %dma_wait3A_934 = tpu.memref_slice %arg4[%dma_wait3A_932, %add3A_918, %dma_wait3A_933] : memref<4x4096x1024xf32, #tpu.memory_space<hbm>> -> memref<1x16x1024xf32, #tpu.memory_space<hbm>>
    %dma_wait3A_935 = tpu.memref_squeeze %dma_wait3A_934 : memref<1x16x1024xf32, #tpu.memory_space<hbm>> -> memref<16x1024xf32, #tpu.memory_space<hbm>>
    %dma_wait3A_936 = arith.constant 0 : i32
    %dma_wait3A_937 = tpu.memref_slice %arg4[%dma_wait3A_932, %add3A_918, %dma_wait3A_936] : memref<4x4096x1024xf32, #tpu.memory_space<hbm>> -> memref<1x16x1024xf32, #tpu.memory_space<hbm>>
    %dma_wait3A_938 = tpu.memref_squeeze %dma_wait3A_937 : memref<1x16x1024xf32, #tpu.memory_space<hbm>> -> memref<16x1024xf32, #tpu.memory_space<hbm>>
    tpu.wait_dma2 semaphore(%arg20 : memref<!tpu.dma_semaphore, #tpu.memory_space<semaphore_mem>>) src(%arg8 : memref<16x1024xf32, #tpu.memory_space<vmem>>) dst(%dma_wait3A_938 : memref<16x1024xf32, #tpu.memory_space<hbm>>)
    %add3A_939 = arith.constant 96 : i32
    %add3A_940 = arith.addi %mul3A_2, %add3A_939 : i32
    %dma_start3A_941 = arith.constant 3 : i32
    %dma_start3A_942 = arith.constant 0 : i32
    %dma_start3A_943 = tpu.memref_slice %arg2[%dma_start3A_941, %add3A_940, %dma_start3A_942] : memref<4x4096x1024xf32, #tpu.memory_space<hbm>> -> memref<1x16x1024xf32, #tpu.memory_space<hbm>>
    %dma_start3A_944 = tpu.memref_squeeze %dma_start3A_943 : memref<1x16x1024xf32, #tpu.memory_space<hbm>> -> memref<16x1024xf32, #tpu.memory_space<hbm>>
    %dma_start3A_945 = arith.constant 0 : i32
    %dma_start3A_946 = tpu.memref_slice %arg2[%dma_start3A_941, %add3A_940, %dma_start3A_945] : memref<4x4096x1024xf32, #tpu.memory_space<hbm>> -> memref<1x16x1024xf32, #tpu.memory_space<hbm>>
    %dma_start3A_947 = tpu.memref_squeeze %dma_start3A_946 : memref<1x16x1024xf32, #tpu.memory_space<hbm>> -> memref<16x1024xf32, #tpu.memory_space<hbm>>
    tpu.enqueue_dma source(%dma_start3A_947 : memref<16x1024xf32, #tpu.memory_space<hbm>>) target(%arg8 : memref<16x1024xf32, #tpu.memory_space<vmem>>) target_semaphore(%arg14 : memref<!tpu.dma_semaphore, #tpu.memory_space<semaphore_mem>>)
    %dma_wait3A_948 = arith.constant 0 : i32
    %dma_wait3A_949 = tpu.memref_slice %arg3[%add3A_777, %dma_wait3A_948] : memref<8192x1024xf32, #tpu.memory_space<hbm>> -> memref<16x1024xf32, #tpu.memory_space<hbm>>
    %dma_wait3A_950 = arith.constant 0 : i32
    %dma_wait3A_951 = tpu.memref_slice %arg3[%add3A_777, %dma_wait3A_950] : memref<8192x1024xf32, #tpu.memory_space<hbm>> -> memref<16x1024xf32, #tpu.memory_space<hbm>>
    tpu.wait_dma2 semaphore(%arg15 : memref<!tpu.dma_semaphore, #tpu.memory_space<semaphore_mem>>) src(%dma_wait3A_951 : memref<16x1024xf32, #tpu.memory_space<hbm>>) dst(%arg9 : memref<16x1024xf32, #tpu.memory_space<vmem>>)
    %dma_wait3A_952 = arith.constant 0 : i32
    %dma_wait3A_953 = arith.constant 0 : i32
    %dma_wait3A_954 = tpu.memref_slice %arg2[%dma_wait3A_952, %add3A_829, %dma_wait3A_953] : memref<4x4096x1024xf32, #tpu.memory_space<hbm>> -> memref<1x16x1024xf32, #tpu.memory_space<hbm>>
    %dma_wait3A_955 = tpu.memref_squeeze %dma_wait3A_954 : memref<1x16x1024xf32, #tpu.memory_space<hbm>> -> memref<16x1024xf32, #tpu.memory_space<hbm>>
    %dma_wait3A_956 = arith.constant 0 : i32
    %dma_wait3A_957 = tpu.memref_slice %arg2[%dma_wait3A_952, %add3A_829, %dma_wait3A_956] : memref<4x4096x1024xf32, #tpu.memory_space<hbm>> -> memref<1x16x1024xf32, #tpu.memory_space<hbm>>
    %dma_wait3A_958 = tpu.memref_squeeze %dma_wait3A_957 : memref<1x16x1024xf32, #tpu.memory_space<hbm>> -> memref<16x1024xf32, #tpu.memory_space<hbm>>
    tpu.wait_dma2 semaphore(%arg11 : memref<!tpu.dma_semaphore, #tpu.memory_space<semaphore_mem>>) src(%dma_wait3A_958 : memref<16x1024xf32, #tpu.memory_space<hbm>>) dst(%arg5 : memref<16x1024xf32, #tpu.memory_space<vmem>>)
    %parallel_loop3A_959 = arith.constant 0 : i32
    %parallel_loop3A_960 = arith.constant 16384 : i32
    %parallel_loop3A_961 = arith.constant 16 : i32
    scf.for %parallel_loop3A_1200 = %parallel_loop3A_959 to %parallel_loop3A_960 step %parallel_loop3A_961  : i32 {
      %parallel_loop3A_1201 = arith.constant 10 : i32
      %parallel_loop3A_1202 = arith.shrsi %parallel_loop3A_1200, %parallel_loop3A_1201 : i32
      %parallel_loop3A_1203 = arith.constant 1023 : i32
      %parallel_loop3A_1204 = arith.andi %parallel_loop3A_1200, %parallel_loop3A_1203 : i32
      %parallel_loop3A_1205 = tpu.assume_multiple %parallel_loop3A_1204, 16 : i32
      %parallel_loop3A_1206 = arith.index_cast %parallel_loop3A_1202 : i32 to index
      %parallel_loop3A_1207 = arith.index_cast %parallel_loop3A_1205 : i32 to index
      %parallel_loop3A_1208 = tpu.vector_load %arg5[%parallel_loop3A_1206, %parallel_loop3A_1207] {strides = array<i32>} : memref<16x1024xf32, #tpu.memory_space<vmem>>, vector<1x16xf32>,
      %parallel_loop3A_1209 = vector.shape_cast %parallel_loop3A_1208 : vector<1x16xf32> to vector<16xf32>
      %parallel_loop3A_1210 = arith.index_cast %parallel_loop3A_1202 : i32 to index
      %parallel_loop3A_1211 = arith.index_cast %parallel_loop3A_1205 : i32 to index
      %parallel_loop3A_1212 = tpu.vector_load %arg9[%parallel_loop3A_1210, %parallel_loop3A_1211] {strides = array<i32>} : memref<16x1024xf32, #tpu.memory_space<vmem>>, vector<1x16xf32>,
      %parallel_loop3A_1213 = vector.shape_cast %parallel_loop3A_1212 : vector<1x16xf32> to vector<16xf32>
      %parallel_loop3A_1214 = arith.addf %parallel_loop3A_1209, %parallel_loop3A_1213 : vector<16xf32>
      %parallel_loop3A_1215 = arith.index_cast %parallel_loop3A_1202 : i32 to index
      %parallel_loop3A_1216 = arith.index_cast %parallel_loop3A_1205 : i32 to index
      %parallel_loop3A_1217 = tpu.vector_load %arg5[%parallel_loop3A_1215, %parallel_loop3A_1216] {strides = array<i32>} : memref<16x1024xf32, #tpu.memory_space<vmem>>, vector<1x16xf32>,
      %parallel_loop3A_1218 = vector.shape_cast %parallel_loop3A_1217 : vector<1x16xf32> to vector<16xf32>
      %parallel_loop3A_1219 = vector.shape_cast %parallel_loop3A_1214 : vector<16xf32> to vector<1x16xf32>
      tpu.vector_store %arg5[%parallel_loop3A_1215, %parallel_loop3A_1216], %parallel_loop3A_1219 {strides = array<i32>} : memref<16x1024xf32, #tpu.memory_space<vmem>>, vector<1x16xf32>,
    } {sc.loop_unroll_factor = 16 : i64, sc.parallel_access}
    %add3A_962 = arith.constant 96 : i32
    %add3A_963 = arith.addi %mul3A_2, %add3A_962 : i32
    %dma_start3A_964 = arith.constant 0 : i32
    %dma_start3A_965 = arith.constant 0 : i32
    %dma_start3A_966 = tpu.memref_slice %arg4[%dma_start3A_964, %add3A_963, %dma_start3A_965] : memref<4x4096x1024xf32, #tpu.memory_space<hbm>> -> memref<1x16x1024xf32, #tpu.memory_space<hbm>>
    %dma_start3A_967 = tpu.memref_squeeze %dma_start3A_966 : memref<1x16x1024xf32, #tpu.memory_space<hbm>> -> memref<16x1024xf32, #tpu.memory_space<hbm>>
    %dma_start3A_968 = arith.constant 0 : i32
    %dma_start3A_969 = tpu.memref_slice %arg4[%dma_start3A_964, %add3A_963, %dma_start3A_968] : memref<4x4096x1024xf32, #tpu.memory_space<hbm>> -> memref<1x16x1024xf32, #tpu.memory_space<hbm>>
    %dma_start3A_970 = tpu.memref_squeeze %dma_start3A_969 : memref<1x16x1024xf32, #tpu.memory_space<hbm>> -> memref<16x1024xf32, #tpu.memory_space<hbm>>
    tpu.enqueue_dma source(%arg5 : memref<16x1024xf32, #tpu.memory_space<vmem>>) target(%dma_start3A_970 : memref<16x1024xf32, #tpu.memory_space<hbm>>) target_semaphore(%arg17 : memref<!tpu.dma_semaphore, #tpu.memory_space<semaphore_mem>>)
    %dma_wait3A_971 = arith.constant 0 : i32
    %dma_wait3A_972 = arith.constant 0 : i32
    %dma_wait3A_973 = tpu.memref_slice %arg4[%dma_wait3A_971, %add3A_963, %dma_wait3A_972] : memref<4x4096x1024xf32, #tpu.memory_space<hbm>> -> memref<1x16x1024xf32, #tpu.memory_space<hbm>>
    %dma_wait3A_974 = tpu.memref_squeeze %dma_wait3A_973 : memref<1x16x1024xf32, #tpu.memory_space<hbm>> -> memref<16x1024xf32, #tpu.memory_space<hbm>>
    %dma_wait3A_975 = arith.constant 0 : i32
    %dma_wait3A_976 = tpu.memref_slice %arg4[%dma_wait3A_971, %add3A_963, %dma_wait3A_975] : memref<4x4096x1024xf32, #tpu.memory_space<hbm>> -> memref<1x16x1024xf32, #tpu.memory_space<hbm>>
    %dma_wait3A_977 = tpu.memref_squeeze %dma_wait3A_976 : memref<1x16x1024xf32, #tpu.memory_space<hbm>> -> memref<16x1024xf32, #tpu.memory_space<hbm>>
    tpu.wait_dma2 semaphore(%arg17 : memref<!tpu.dma_semaphore, #tpu.memory_space<semaphore_mem>>) src(%arg5 : memref<16x1024xf32, #tpu.memory_space<vmem>>) dst(%dma_wait3A_977 : memref<16x1024xf32, #tpu.memory_space<hbm>>)
    %add3A_978 = arith.constant 112 : i32
    %add3A_979 = arith.addi %mul3A_2, %add3A_978 : i32
    %dma_start3A_980 = arith.constant 0 : i32
    %dma_start3A_981 = arith.constant 0 : i32
    %dma_start3A_982 = tpu.memref_slice %arg2[%dma_start3A_980, %add3A_979, %dma_start3A_981] : memref<4x4096x1024xf32, #tpu.memory_space<hbm>> -> memref<1x16x1024xf32, #tpu.memory_space<hbm>>
    %dma_start3A_983 = tpu.memref_squeeze %dma_start3A_982 : memref<1x16x1024xf32, #tpu.memory_space<hbm>> -> memref<16x1024xf32, #tpu.memory_space<hbm>>
    %dma_start3A_984 = arith.constant 0 : i32
    %dma_start3A_985 = tpu.memref_slice %arg2[%dma_start3A_980, %add3A_979, %dma_start3A_984] : memref<4x4096x1024xf32, #tpu.memory_space<hbm>> -> memref<1x16x1024xf32, #tpu.memory_space<hbm>>
    %dma_start3A_986 = tpu.memref_squeeze %dma_start3A_985 : memref<1x16x1024xf32, #tpu.memory_space<hbm>> -> memref<16x1024xf32, #tpu.memory_space<hbm>>
    tpu.enqueue_dma source(%dma_start3A_986 : memref<16x1024xf32, #tpu.memory_space<hbm>>) target(%arg5 : memref<16x1024xf32, #tpu.memory_space<vmem>>) target_semaphore(%arg11 : memref<!tpu.dma_semaphore, #tpu.memory_space<semaphore_mem>>)
    %dma_wait3A_987 = arith.constant 1 : i32
    %dma_wait3A_988 = arith.constant 0 : i32
    %dma_wait3A_989 = tpu.memref_slice %arg2[%dma_wait3A_987, %add3A_864, %dma_wait3A_988] : memref<4x4096x1024xf32, #tpu.memory_space<hbm>> -> memref<1x16x1024xf32, #tpu.memory_space<hbm>>
    %dma_wait3A_990 = tpu.memref_squeeze %dma_wait3A_989 : memref<1x16x1024xf32, #tpu.memory_space<hbm>> -> memref<16x1024xf32, #tpu.memory_space<hbm>>
    %dma_wait3A_991 = arith.constant 0 : i32
    %dma_wait3A_992 = tpu.memref_slice %arg2[%dma_wait3A_987, %add3A_864, %dma_wait3A_991] : memref<4x4096x1024xf32, #tpu.memory_space<hbm>> -> memref<1x16x1024xf32, #tpu.memory_space<hbm>>
    %dma_wait3A_993 = tpu.memref_squeeze %dma_wait3A_992 : memref<1x16x1024xf32, #tpu.memory_space<hbm>> -> memref<16x1024xf32, #tpu.memory_space<hbm>>
    tpu.wait_dma2 semaphore(%arg12 : memref<!tpu.dma_semaphore, #tpu.memory_space<semaphore_mem>>) src(%dma_wait3A_993 : memref<16x1024xf32, #tpu.memory_space<hbm>>) dst(%arg6 : memref<16x1024xf32, #tpu.memory_space<vmem>>)
    %parallel_loop3A_994 = arith.constant 0 : i32
    %parallel_loop3A_995 = arith.constant 16384 : i32
    %parallel_loop3A_996 = arith.constant 16 : i32
    scf.for %parallel_loop3A_1200 = %parallel_loop3A_994 to %parallel_loop3A_995 step %parallel_loop3A_996  : i32 {
      %parallel_loop3A_1201 = arith.constant 10 : i32
      %parallel_loop3A_1202 = arith.shrsi %parallel_loop3A_1200, %parallel_loop3A_1201 : i32
      %parallel_loop3A_1203 = arith.constant 1023 : i32
      %parallel_loop3A_1204 = arith.andi %parallel_loop3A_1200, %parallel_loop3A_1203 : i32
      %parallel_loop3A_1205 = tpu.assume_multiple %parallel_loop3A_1204, 16 : i32
      %parallel_loop3A_1206 = arith.index_cast %parallel_loop3A_1202 : i32 to index
      %parallel_loop3A_1207 = arith.index_cast %parallel_loop3A_1205 : i32 to index
      %parallel_loop3A_1208 = tpu.vector_load %arg6[%parallel_loop3A_1206, %parallel_loop3A_1207] {strides = array<i32>} : memref<16x1024xf32, #tpu.memory_space<vmem>>, vector<1x16xf32>,
      %parallel_loop3A_1209 = vector.shape_cast %parallel_loop3A_1208 : vector<1x16xf32> to vector<16xf32>
      %parallel_loop3A_1210 = arith.index_cast %parallel_loop3A_1202 : i32 to index
      %parallel_loop3A_1211 = arith.index_cast %parallel_loop3A_1205 : i32 to index
      %parallel_loop3A_1212 = tpu.vector_load %arg9[%parallel_loop3A_1210, %parallel_loop3A_1211] {strides = array<i32>} : memref<16x1024xf32, #tpu.memory_space<vmem>>, vector<1x16xf32>,
      %parallel_loop3A_1213 = vector.shape_cast %parallel_loop3A_1212 : vector<1x16xf32> to vector<16xf32>
      %parallel_loop3A_1214 = arith.addf %parallel_loop3A_1209, %parallel_loop3A_1213 : vector<16xf32>
      %parallel_loop3A_1215 = arith.index_cast %parallel_loop3A_1202 : i32 to index
      %parallel_loop3A_1216 = arith.index_cast %parallel_loop3A_1205 : i32 to index
      %parallel_loop3A_1217 = tpu.vector_load %arg6[%parallel_loop3A_1215, %parallel_loop3A_1216] {strides = array<i32>} : memref<16x1024xf32, #tpu.memory_space<vmem>>, vector<1x16xf32>,
      %parallel_loop3A_1218 = vector.shape_cast %parallel_loop3A_1217 : vector<1x16xf32> to vector<16xf32>
      %parallel_loop3A_1219 = vector.shape_cast %parallel_loop3A_1214 : vector<16xf32> to vector<1x16xf32>
      tpu.vector_store %arg6[%parallel_loop3A_1215, %parallel_loop3A_1216], %parallel_loop3A_1219 {strides = array<i32>} : memref<16x1024xf32, #tpu.memory_space<vmem>>, vector<1x16xf32>,
    } {sc.loop_unroll_factor = 16 : i64, sc.parallel_access}
    %add3A_997 = arith.constant 96 : i32
    %add3A_998 = arith.addi %mul3A_2, %add3A_997 : i32
    %dma_start3A_999 = arith.constant 1 : i32
    %dma_start3A_1000 = arith.constant 0 : i32
    %dma_start3A_1001 = tpu.memref_slice %arg4[%dma_start3A_999, %add3A_998, %dma_start3A_1000] : memref<4x4096x1024xf32, #tpu.memory_space<hbm>> -> memref<1x16x1024xf32, #tpu.memory_space<hbm>>
    %dma_start3A_1002 = tpu.memref_squeeze %dma_start3A_1001 : memref<1x16x1024xf32, #tpu.memory_space<hbm>> -> memref<16x1024xf32, #tpu.memory_space<hbm>>
    %dma_start3A_1003 = arith.constant 0 : i32
    %dma_start3A_1004 = tpu.memref_slice %arg4[%dma_start3A_999, %add3A_998, %dma_start3A_1003] : memref<4x4096x1024xf32, #tpu.memory_space<hbm>> -> memref<1x16x1024xf32, #tpu.memory_space<hbm>>
    %dma_start3A_1005 = tpu.memref_squeeze %dma_start3A_1004 : memref<1x16x1024xf32, #tpu.memory_space<hbm>> -> memref<16x1024xf32, #tpu.memory_space<hbm>>
    tpu.enqueue_dma source(%arg6 : memref<16x1024xf32, #tpu.memory_space<vmem>>) target(%dma_start3A_1005 : memref<16x1024xf32, #tpu.memory_space<hbm>>) target_semaphore(%arg18 : memref<!tpu.dma_semaphore, #tpu.memory_space<semaphore_mem>>)
    %dma_wait3A_1006 = arith.constant 1 : i32
    %dma_wait3A_1007 = arith.constant 0 : i32
    %dma_wait3A_1008 = tpu.memref_slice %arg4[%dma_wait3A_1006, %add3A_998, %dma_wait3A_1007] : memref<4x4096x1024xf32, #tpu.memory_space<hbm>> -> memref<1x16x1024xf32, #tpu.memory_space<hbm>>
    %dma_wait3A_1009 = tpu.memref_squeeze %dma_wait3A_1008 : memref<1x16x1024xf32, #tpu.memory_space<hbm>> -> memref<16x1024xf32, #tpu.memory_space<hbm>>
    %dma_wait3A_1010 = arith.constant 0 : i32
    %dma_wait3A_1011 = tpu.memref_slice %arg4[%dma_wait3A_1006, %add3A_998, %dma_wait3A_1010] : memref<4x4096x1024xf32, #tpu.memory_space<hbm>> -> memref<1x16x1024xf32, #tpu.memory_space<hbm>>
    %dma_wait3A_1012 = tpu.memref_squeeze %dma_wait3A_1011 : memref<1x16x1024xf32, #tpu.memory_space<hbm>> -> memref<16x1024xf32, #tpu.memory_space<hbm>>
    tpu.wait_dma2 semaphore(%arg18 : memref<!tpu.dma_semaphore, #tpu.memory_space<semaphore_mem>>) src(%arg6 : memref<16x1024xf32, #tpu.memory_space<vmem>>) dst(%dma_wait3A_1012 : memref<16x1024xf32, #tpu.memory_space<hbm>>)
    %add3A_1013 = arith.constant 112 : i32
    %add3A_1014 = arith.addi %mul3A_2, %add3A_1013 : i32
    %dma_start3A_1015 = arith.constant 1 : i32
    %dma_start3A_1016 = arith.constant 0 : i32
    %dma_start3A_1017 = tpu.memref_slice %arg2[%dma_start3A_1015, %add3A_1014, %dma_start3A_1016] : memref<4x4096x1024xf32, #tpu.memory_space<hbm>> -> memref<1x16x1024xf32, #tpu.memory_space<hbm>>
    %dma_start3A_1018 = tpu.memref_squeeze %dma_start3A_1017 : memref<1x16x1024xf32, #tpu.memory_space<hbm>> -> memref<16x1024xf32, #tpu.memory_space<hbm>>
    %dma_start3A_1019 = arith.constant 0 : i32
    %dma_start3A_1020 = tpu.memref_slice %arg2[%dma_start3A_1015, %add3A_1014, %dma_start3A_1019] : memref<4x4096x1024xf32, #tpu.memory_space<hbm>> -> memref<1x16x1024xf32, #tpu.memory_space<hbm>>
    %dma_start3A_1021 = tpu.memref_squeeze %dma_start3A_1020 : memref<1x16x1024xf32, #tpu.memory_space<hbm>> -> memref<16x1024xf32, #tpu.memory_space<hbm>>
    tpu.enqueue_dma source(%dma_start3A_1021 : memref<16x1024xf32, #tpu.memory_space<hbm>>) target(%arg6 : memref<16x1024xf32, #tpu.memory_space<vmem>>) target_semaphore(%arg12 : memref<!tpu.dma_semaphore, #tpu.memory_space<semaphore_mem>>)
    %dma_wait3A_1022 = arith.constant 2 : i32
    %dma_wait3A_1023 = arith.constant 0 : i32
    %dma_wait3A_1024 = tpu.memref_slice %arg2[%dma_wait3A_1022, %add3A_899, %dma_wait3A_1023] : memref<4x4096x1024xf32, #tpu.memory_space<hbm>> -> memref<1x16x1024xf32, #tpu.memory_space<hbm>>
    %dma_wait3A_1025 = tpu.memref_squeeze %dma_wait3A_1024 : memref<1x16x1024xf32, #tpu.memory_space<hbm>> -> memref<16x1024xf32, #tpu.memory_space<hbm>>
    %dma_wait3A_1026 = arith.constant 0 : i32
    %dma_wait3A_1027 = tpu.memref_slice %arg2[%dma_wait3A_1022, %add3A_899, %dma_wait3A_1026] : memref<4x4096x1024xf32, #tpu.memory_space<hbm>> -> memref<1x16x1024xf32, #tpu.memory_space<hbm>>
    %dma_wait3A_1028 = tpu.memref_squeeze %dma_wait3A_1027 : memref<1x16x1024xf32, #tpu.memory_space<hbm>> -> memref<16x1024xf32, #tpu.memory_space<hbm>>
    tpu.wait_dma2 semaphore(%arg13 : memref<!tpu.dma_semaphore, #tpu.memory_space<semaphore_mem>>) src(%dma_wait3A_1028 : memref<16x1024xf32, #tpu.memory_space<hbm>>) dst(%arg7 : memref<16x1024xf32, #tpu.memory_space<vmem>>)
    %parallel_loop3A_1029 = arith.constant 0 : i32
    %parallel_loop3A_1030 = arith.constant 16384 : i32
    %parallel_loop3A_1031 = arith.constant 16 : i32
    scf.for %parallel_loop3A_1200 = %parallel_loop3A_1029 to %parallel_loop3A_1030 step %parallel_loop3A_1031  : i32 {
      %parallel_loop3A_1201 = arith.constant 10 : i32
      %parallel_loop3A_1202 = arith.shrsi %parallel_loop3A_1200, %parallel_loop3A_1201 : i32
      %parallel_loop3A_1203 = arith.constant 1023 : i32
      %parallel_loop3A_1204 = arith.andi %parallel_loop3A_1200, %parallel_loop3A_1203 : i32
      %parallel_loop3A_1205 = tpu.assume_multiple %parallel_loop3A_1204, 16 : i32
      %parallel_loop3A_1206 = arith.index_cast %parallel_loop3A_1202 : i32 to index
      %parallel_loop3A_1207 = arith.index_cast %parallel_loop3A_1205 : i32 to index
      %parallel_loop3A_1208 = tpu.vector_load %arg7[%parallel_loop3A_1206, %parallel_loop3A_1207] {strides = array<i32>} : memref<16x1024xf32, #tpu.memory_space<vmem>>, vector<1x16xf32>,
      %parallel_loop3A_1209 = vector.shape_cast %parallel_loop3A_1208 : vector<1x16xf32> to vector<16xf32>
      %parallel_loop3A_1210 = arith.index_cast %parallel_loop3A_1202 : i32 to index
      %parallel_loop3A_1211 = arith.index_cast %parallel_loop3A_1205 : i32 to index
      %parallel_loop3A_1212 = tpu.vector_load %arg9[%parallel_loop3A_1210, %parallel_loop3A_1211] {strides = array<i32>} : memref<16x1024xf32, #tpu.memory_space<vmem>>, vector<1x16xf32>,
      %parallel_loop3A_1213 = vector.shape_cast %parallel_loop3A_1212 : vector<1x16xf32> to vector<16xf32>
      %parallel_loop3A_1214 = arith.addf %parallel_loop3A_1209, %parallel_loop3A_1213 : vector<16xf32>
      %parallel_loop3A_1215 = arith.index_cast %parallel_loop3A_1202 : i32 to index
      %parallel_loop3A_1216 = arith.index_cast %parallel_loop3A_1205 : i32 to index
      %parallel_loop3A_1217 = tpu.vector_load %arg7[%parallel_loop3A_1215, %parallel_loop3A_1216] {strides = array<i32>} : memref<16x1024xf32, #tpu.memory_space<vmem>>, vector<1x16xf32>,
      %parallel_loop3A_1218 = vector.shape_cast %parallel_loop3A_1217 : vector<1x16xf32> to vector<16xf32>
      %parallel_loop3A_1219 = vector.shape_cast %parallel_loop3A_1214 : vector<16xf32> to vector<1x16xf32>
      tpu.vector_store %arg7[%parallel_loop3A_1215, %parallel_loop3A_1216], %parallel_loop3A_1219 {strides = array<i32>} : memref<16x1024xf32, #tpu.memory_space<vmem>>, vector<1x16xf32>,
    } {sc.loop_unroll_factor = 16 : i64, sc.parallel_access}
    %add3A_1032 = arith.constant 96 : i32
    %add3A_1033 = arith.addi %mul3A_2, %add3A_1032 : i32
    %dma_start3A_1034 = arith.constant 2 : i32
    %dma_start3A_1035 = arith.constant 0 : i32
    %dma_start3A_1036 = tpu.memref_slice %arg4[%dma_start3A_1034, %add3A_1033, %dma_start3A_1035] : memref<4x4096x1024xf32, #tpu.memory_space<hbm>> -> memref<1x16x1024xf32, #tpu.memory_space<hbm>>
    %dma_start3A_1037 = tpu.memref_squeeze %dma_start3A_1036 : memref<1x16x1024xf32, #tpu.memory_space<hbm>> -> memref<16x1024xf32, #tpu.memory_space<hbm>>
    %dma_start3A_1038 = arith.constant 0 : i32
    %dma_start3A_1039 = tpu.memref_slice %arg4[%dma_start3A_1034, %add3A_1033, %dma_start3A_1038] : memref<4x4096x1024xf32, #tpu.memory_space<hbm>> -> memref<1x16x1024xf32, #tpu.memory_space<hbm>>
    %dma_start3A_1040 = tpu.memref_squeeze %dma_start3A_1039 : memref<1x16x1024xf32, #tpu.memory_space<hbm>> -> memref<16x1024xf32, #tpu.memory_space<hbm>>
    tpu.enqueue_dma source(%arg7 : memref<16x1024xf32, #tpu.memory_space<vmem>>) target(%dma_start3A_1040 : memref<16x1024xf32, #tpu.memory_space<hbm>>) target_semaphore(%arg19 : memref<!tpu.dma_semaphore, #tpu.memory_space<semaphore_mem>>)
    %dma_wait3A_1041 = arith.constant 2 : i32
    %dma_wait3A_1042 = arith.constant 0 : i32
    %dma_wait3A_1043 = tpu.memref_slice %arg4[%dma_wait3A_1041, %add3A_1033, %dma_wait3A_1042] : memref<4x4096x1024xf32, #tpu.memory_space<hbm>> -> memref<1x16x1024xf32, #tpu.memory_space<hbm>>
    %dma_wait3A_1044 = tpu.memref_squeeze %dma_wait3A_1043 : memref<1x16x1024xf32, #tpu.memory_space<hbm>> -> memref<16x1024xf32, #tpu.memory_space<hbm>>
    %dma_wait3A_1045 = arith.constant 0 : i32
    %dma_wait3A_1046 = tpu.memref_slice %arg4[%dma_wait3A_1041, %add3A_1033, %dma_wait3A_1045] : memref<4x4096x1024xf32, #tpu.memory_space<hbm>> -> memref<1x16x1024xf32, #tpu.memory_space<hbm>>
    %dma_wait3A_1047 = tpu.memref_squeeze %dma_wait3A_1046 : memref<1x16x1024xf32, #tpu.memory_space<hbm>> -> memref<16x1024xf32, #tpu.memory_space<hbm>>
    tpu.wait_dma2 semaphore(%arg19 : memref<!tpu.dma_semaphore, #tpu.memory_space<semaphore_mem>>) src(%arg7 : memref<16x1024xf32, #tpu.memory_space<vmem>>) dst(%dma_wait3A_1047 : memref<16x1024xf32, #tpu.memory_space<hbm>>)
    %add3A_1048 = arith.constant 112 : i32
    %add3A_1049 = arith.addi %mul3A_2, %add3A_1048 : i32
    %dma_start3A_1050 = arith.constant 2 : i32
    %dma_start3A_1051 = arith.constant 0 : i32
    %dma_start3A_1052 = tpu.memref_slice %arg2[%dma_start3A_1050, %add3A_1049, %dma_start3A_1051] : memref<4x4096x1024xf32, #tpu.memory_space<hbm>> -> memref<1x16x1024xf32, #tpu.memory_space<hbm>>
    %dma_start3A_1053 = tpu.memref_squeeze %dma_start3A_1052 : memref<1x16x1024xf32, #tpu.memory_space<hbm>> -> memref<16x1024xf32, #tpu.memory_space<hbm>>
    %dma_start3A_1054 = arith.constant 0 : i32
    %dma_start3A_1055 = tpu.memref_slice %arg2[%dma_start3A_1050, %add3A_1049, %dma_start3A_1054] : memref<4x4096x1024xf32, #tpu.memory_space<hbm>> -> memref<1x16x1024xf32, #tpu.memory_space<hbm>>
    %dma_start3A_1056 = tpu.memref_squeeze %dma_start3A_1055 : memref<1x16x1024xf32, #tpu.memory_space<hbm>> -> memref<16x1024xf32, #tpu.memory_space<hbm>>
    tpu.enqueue_dma source(%dma_start3A_1056 : memref<16x1024xf32, #tpu.memory_space<hbm>>) target(%arg7 : memref<16x1024xf32, #tpu.memory_space<vmem>>) target_semaphore(%arg13 : memref<!tpu.dma_semaphore, #tpu.memory_space<semaphore_mem>>)
    %dma_wait3A_1057 = arith.constant 3 : i32
    %dma_wait3A_1058 = arith.constant 0 : i32
    %dma_wait3A_1059 = tpu.memref_slice %arg2[%dma_wait3A_1057, %add3A_940, %dma_wait3A_1058] : memref<4x4096x1024xf32, #tpu.memory_space<hbm>> -> memref<1x16x1024xf32, #tpu.memory_space<hbm>>
    %dma_wait3A_1060 = tpu.memref_squeeze %dma_wait3A_1059 : memref<1x16x1024xf32, #tpu.memory_space<hbm>> -> memref<16x1024xf32, #tpu.memory_space<hbm>>
    %dma_wait3A_1061 = arith.constant 0 : i32
    %dma_wait3A_1062 = tpu.memref_slice %arg2[%dma_wait3A_1057, %add3A_940, %dma_wait3A_1061] : memref<4x4096x1024xf32, #tpu.memory_space<hbm>> -> memref<1x16x1024xf32, #tpu.memory_space<hbm>>
    %dma_wait3A_1063 = tpu.memref_squeeze %dma_wait3A_1062 : memref<1x16x1024xf32, #tpu.memory_space<hbm>> -> memref<16x1024xf32, #tpu.memory_space<hbm>>
    tpu.wait_dma2 semaphore(%arg14 : memref<!tpu.dma_semaphore, #tpu.memory_space<semaphore_mem>>) src(%dma_wait3A_1063 : memref<16x1024xf32, #tpu.memory_space<hbm>>) dst(%arg8 : memref<16x1024xf32, #tpu.memory_space<vmem>>)
    %parallel_loop3A_1064 = arith.constant 0 : i32
    %parallel_loop3A_1065 = arith.constant 16384 : i32
    %parallel_loop3A_1066 = arith.constant 16 : i32
    scf.for %parallel_loop3A_1200 = %parallel_loop3A_1064 to %parallel_loop3A_1065 step %parallel_loop3A_1066  : i32 {
      %parallel_loop3A_1201 = arith.constant 10 : i32
      %parallel_loop3A_1202 = arith.shrsi %parallel_loop3A_1200, %parallel_loop3A_1201 : i32
      %parallel_loop3A_1203 = arith.constant 1023 : i32
      %parallel_loop3A_1204 = arith.andi %parallel_loop3A_1200, %parallel_loop3A_1203 : i32
      %parallel_loop3A_1205 = tpu.assume_multiple %parallel_loop3A_1204, 16 : i32
      %parallel_loop3A_1206 = arith.index_cast %parallel_loop3A_1202 : i32 to index
      %parallel_loop3A_1207 = arith.index_cast %parallel_loop3A_1205 : i32 to index
      %parallel_loop3A_1208 = tpu.vector_load %arg8[%parallel_loop3A_1206, %parallel_loop3A_1207] {strides = array<i32>} : memref<16x1024xf32, #tpu.memory_space<vmem>>, vector<1x16xf32>,
      %parallel_loop3A_1209 = vector.shape_cast %parallel_loop3A_1208 : vector<1x16xf32> to vector<16xf32>
      %parallel_loop3A_1210 = arith.index_cast %parallel_loop3A_1202 : i32 to index
      %parallel_loop3A_1211 = arith.index_cast %parallel_loop3A_1205 : i32 to index
      %parallel_loop3A_1212 = tpu.vector_load %arg9[%parallel_loop3A_1210, %parallel_loop3A_1211] {strides = array<i32>} : memref<16x1024xf32, #tpu.memory_space<vmem>>, vector<1x16xf32>,
      %parallel_loop3A_1213 = vector.shape_cast %parallel_loop3A_1212 : vector<1x16xf32> to vector<16xf32>
      %parallel_loop3A_1214 = arith.addf %parallel_loop3A_1209, %parallel_loop3A_1213 : vector<16xf32>
      %parallel_loop3A_1215 = arith.index_cast %parallel_loop3A_1202 : i32 to index
      %parallel_loop3A_1216 = arith.index_cast %parallel_loop3A_1205 : i32 to index
      %parallel_loop3A_1217 = tpu.vector_load %arg8[%parallel_loop3A_1215, %parallel_loop3A_1216] {strides = array<i32>} : memref<16x1024xf32, #tpu.memory_space<vmem>>, vector<1x16xf32>,
      %parallel_loop3A_1218 = vector.shape_cast %parallel_loop3A_1217 : vector<1x16xf32> to vector<16xf32>
      %parallel_loop3A_1219 = vector.shape_cast %parallel_loop3A_1214 : vector<16xf32> to vector<1x16xf32>
      tpu.vector_store %arg8[%parallel_loop3A_1215, %parallel_loop3A_1216], %parallel_loop3A_1219 {strides = array<i32>} : memref<16x1024xf32, #tpu.memory_space<vmem>>, vector<1x16xf32>,
    } {sc.loop_unroll_factor = 16 : i64, sc.parallel_access}
    %add3A_1067 = arith.constant 96 : i32
    %add3A_1068 = arith.addi %mul3A_2, %add3A_1067 : i32
    %dma_start3A_1069 = arith.constant 3 : i32
    %dma_start3A_1070 = arith.constant 0 : i32
    %dma_start3A_1071 = tpu.memref_slice %arg4[%dma_start3A_1069, %add3A_1068, %dma_start3A_1070] : memref<4x4096x1024xf32, #tpu.memory_space<hbm>> -> memref<1x16x1024xf32, #tpu.memory_space<hbm>>
    %dma_start3A_1072 = tpu.memref_squeeze %dma_start3A_1071 : memref<1x16x1024xf32, #tpu.memory_space<hbm>> -> memref<16x1024xf32, #tpu.memory_space<hbm>>
    %dma_start3A_1073 = arith.constant 0 : i32
    %dma_start3A_1074 = tpu.memref_slice %arg4[%dma_start3A_1069, %add3A_1068, %dma_start3A_1073] : memref<4x4096x1024xf32, #tpu.memory_space<hbm>> -> memref<1x16x1024xf32, #tpu.memory_space<hbm>>
    %dma_start3A_1075 = tpu.memref_squeeze %dma_start3A_1074 : memref<1x16x1024xf32, #tpu.memory_space<hbm>> -> memref<16x1024xf32, #tpu.memory_space<hbm>>
    tpu.enqueue_dma source(%arg8 : memref<16x1024xf32, #tpu.memory_space<vmem>>) target(%dma_start3A_1075 : memref<16x1024xf32, #tpu.memory_space<hbm>>) target_semaphore(%arg20 : memref<!tpu.dma_semaphore, #tpu.memory_space<semaphore_mem>>)
    %dma_wait3A_1076 = arith.constant 3 : i32
    %dma_wait3A_1077 = arith.constant 0 : i32
    %dma_wait3A_1078 = tpu.memref_slice %arg4[%dma_wait3A_1076, %add3A_1068, %dma_wait3A_1077] : memref<4x4096x1024xf32, #tpu.memory_space<hbm>> -> memref<1x16x1024xf32, #tpu.memory_space<hbm>>
    %dma_wait3A_1079 = tpu.memref_squeeze %dma_wait3A_1078 : memref<1x16x1024xf32, #tpu.memory_space<hbm>> -> memref<16x1024xf32, #tpu.memory_space<hbm>>
    %dma_wait3A_1080 = arith.constant 0 : i32
    %dma_wait3A_1081 = tpu.memref_slice %arg4[%dma_wait3A_1076, %add3A_1068, %dma_wait3A_1080] : memref<4x4096x1024xf32, #tpu.memory_space<hbm>> -> memref<1x16x1024xf32, #tpu.memory_space<hbm>>
    %dma_wait3A_1082 = tpu.memref_squeeze %dma_wait3A_1081 : memref<1x16x1024xf32, #tpu.memory_space<hbm>> -> memref<16x1024xf32, #tpu.memory_space<hbm>>
    tpu.wait_dma2 semaphore(%arg20 : memref<!tpu.dma_semaphore, #tpu.memory_space<semaphore_mem>>) src(%arg8 : memref<16x1024xf32, #tpu.memory_space<vmem>>) dst(%dma_wait3A_1082 : memref<16x1024xf32, #tpu.memory_space<hbm>>)
    %add3A_1083 = arith.constant 112 : i32
    %add3A_1084 = arith.addi %mul3A_2, %add3A_1083 : i32
    %dma_start3A_1085 = arith.constant 3 : i32
    %dma_start3A_1086 = arith.constant 0 : i32
    %dma_start3A_1087 = tpu.memref_slice %arg2[%dma_start3A_1085, %add3A_1084, %dma_start3A_1086] : memref<4x4096x1024xf32, #tpu.memory_space<hbm>> -> memref<1x16x1024xf32, #tpu.memory_space<hbm>>
    %dma_start3A_1088 = tpu.memref_squeeze %dma_start3A_1087 : memref<1x16x1024xf32, #tpu.memory_space<hbm>> -> memref<16x1024xf32, #tpu.memory_space<hbm>>
    %dma_start3A_1089 = arith.constant 0 : i32
    %dma_start3A_1090 = tpu.memref_slice %arg2[%dma_start3A_1085, %add3A_1084, %dma_start3A_1089] : memref<4x4096x1024xf32, #tpu.memory_space<hbm>> -> memref<1x16x1024xf32, #tpu.memory_space<hbm>>
    %dma_start3A_1091 = tpu.memref_squeeze %dma_start3A_1090 : memref<1x16x1024xf32, #tpu.memory_space<hbm>> -> memref<16x1024xf32, #tpu.memory_space<hbm>>
    tpu.enqueue_dma source(%dma_start3A_1091 : memref<16x1024xf32, #tpu.memory_space<hbm>>) target(%arg8 : memref<16x1024xf32, #tpu.memory_space<vmem>>) target_semaphore(%arg14 : memref<!tpu.dma_semaphore, #tpu.memory_space<semaphore_mem>>)
    %dma_wait3A_1092 = arith.constant 0 : i32
    %dma_wait3A_1093 = tpu.memref_slice %arg3[%add3A_927, %dma_wait3A_1092] : memref<8192x1024xf32, #tpu.memory_space<hbm>> -> memref<16x1024xf32, #tpu.memory_space<hbm>>
    %dma_wait3A_1094 = arith.constant 0 : i32
    %dma_wait3A_1095 = tpu.memref_slice %arg3[%add3A_927, %dma_wait3A_1094] : memref<8192x1024xf32, #tpu.memory_space<hbm>> -> memref<16x1024xf32, #tpu.memory_space<hbm>>
    tpu.wait_dma2 semaphore(%arg16 : memref<!tpu.dma_semaphore, #tpu.memory_space<semaphore_mem>>) src(%dma_wait3A_1095 : memref<16x1024xf32, #tpu.memory_space<hbm>>) dst(%arg10 : memref<16x1024xf32, #tpu.memory_space<vmem>>)
    %dma_wait3A_1096 = arith.constant 0 : i32
    %dma_wait3A_1097 = arith.constant 0 : i32
    %dma_wait3A_1098 = tpu.memref_slice %arg2[%dma_wait3A_1096, %add3A_979, %dma_wait3A_1097] : memref<4x4096x1024xf32, #tpu.memory_space<hbm>> -> memref<1x16x1024xf32, #tpu.memory_space<hbm>>
    %dma_wait3A_1099 = tpu.memref_squeeze %dma_wait3A_1098 : memref<1x16x1024xf32, #tpu.memory_space<hbm>> -> memref<16x1024xf32, #tpu.memory_space<hbm>>
    %dma_wait3A_1100 = arith.constant 0 : i32
    %dma_wait3A_1101 = tpu.memref_slice %arg2[%dma_wait3A_1096, %add3A_979, %dma_wait3A_1100] : memref<4x4096x1024xf32, #tpu.memory_space<hbm>> -> memref<1x16x1024xf32, #tpu.memory_space<hbm>>
    %dma_wait3A_1102 = tpu.memref_squeeze %dma_wait3A_1101 : memref<1x16x1024xf32, #tpu.memory_space<hbm>> -> memref<16x1024xf32, #tpu.memory_space<hbm>>
    tpu.wait_dma2 semaphore(%arg11 : memref<!tpu.dma_semaphore, #tpu.memory_space<semaphore_mem>>) src(%dma_wait3A_1102 : memref<16x1024xf32, #tpu.memory_space<hbm>>) dst(%arg5 : memref<16x1024xf32, #tpu.memory_space<vmem>>)
    %parallel_loop3A_1103 = arith.constant 0 : i32
    %parallel_loop3A_1104 = arith.constant 16384 : i32
    %parallel_loop3A_1105 = arith.constant 16 : i32
    scf.for %parallel_loop3A_1200 = %parallel_loop3A_1103 to %parallel_loop3A_1104 step %parallel_loop3A_1105  : i32 {
      %parallel_loop3A_1201 = arith.constant 10 : i32
      %parallel_loop3A_1202 = arith.shrsi %parallel_loop3A_1200, %parallel_loop3A_1201 : i32
      %parallel_loop3A_1203 = arith.constant 1023 : i32
      %parallel_loop3A_1204 = arith.andi %parallel_loop3A_1200, %parallel_loop3A_1203 : i32
      %parallel_loop3A_1205 = tpu.assume_multiple %parallel_loop3A_1204, 16 : i32
      %parallel_loop3A_1206 = arith.index_cast %parallel_loop3A_1202 : i32 to index
      %parallel_loop3A_1207 = arith.index_cast %parallel_loop3A_1205 : i32 to index
      %parallel_loop3A_1208 = tpu.vector_load %arg5[%parallel_loop3A_1206, %parallel_loop3A_1207] {strides = array<i32>} : memref<16x1024xf32, #tpu.memory_space<vmem>>, vector<1x16xf32>,
      %parallel_loop3A_1209 = vector.shape_cast %parallel_loop3A_1208 : vector<1x16xf32> to vector<16xf32>
      %parallel_loop3A_1210 = arith.index_cast %parallel_loop3A_1202 : i32 to index
      %parallel_loop3A_1211 = arith.index_cast %parallel_loop3A_1205 : i32 to index
      %parallel_loop3A_1212 = tpu.vector_load %arg10[%parallel_loop3A_1210, %parallel_loop3A_1211] {strides = array<i32>} : memref<16x1024xf32, #tpu.memory_space<vmem>>, vector<1x16xf32>,
      %parallel_loop3A_1213 = vector.shape_cast %parallel_loop3A_1212 : vector<1x16xf32> to vector<16xf32>
      %parallel_loop3A_1214 = arith.addf %parallel_loop3A_1209, %parallel_loop3A_1213 : vector<16xf32>
      %parallel_loop3A_1215 = arith.index_cast %parallel_loop3A_1202 : i32 to index
      %parallel_loop3A_1216 = arith.index_cast %parallel_loop3A_1205 : i32 to index
      %parallel_loop3A_1217 = tpu.vector_load %arg5[%parallel_loop3A_1215, %parallel_loop3A_1216] {strides = array<i32>} : memref<16x1024xf32, #tpu.memory_space<vmem>>, vector<1x16xf32>,
      %parallel_loop3A_1218 = vector.shape_cast %parallel_loop3A_1217 : vector<1x16xf32> to vector<16xf32>
      %parallel_loop3A_1219 = vector.shape_cast %parallel_loop3A_1214 : vector<16xf32> to vector<1x16xf32>
      tpu.vector_store %arg5[%parallel_loop3A_1215, %parallel_loop3A_1216], %parallel_loop3A_1219 {strides = array<i32>} : memref<16x1024xf32, #tpu.memory_space<vmem>>, vector<1x16xf32>,
    } {sc.loop_unroll_factor = 16 : i64, sc.parallel_access}
    %add3A_1106 = arith.constant 112 : i32
    %add3A_1107 = arith.addi %mul3A_2, %add3A_1106 : i32
    %dma_start3A_1108 = arith.constant 0 : i32
    %dma_start3A_1109 = arith.constant 0 : i32
    %dma_start3A_1110 = tpu.memref_slice %arg4[%dma_start3A_1108, %add3A_1107, %dma_start3A_1109] : memref<4x4096x1024xf32, #tpu.memory_space<hbm>> -> memref<1x16x1024xf32, #tpu.memory_space<hbm>>
    %dma_start3A_1111 = tpu.memref_squeeze %dma_start3A_1110 : memref<1x16x1024xf32, #tpu.memory_space<hbm>> -> memref<16x1024xf32, #tpu.memory_space<hbm>>
    %dma_start3A_1112 = arith.constant 0 : i32
    %dma_start3A_1113 = tpu.memref_slice %arg4[%dma_start3A_1108, %add3A_1107, %dma_start3A_1112] : memref<4x4096x1024xf32, #tpu.memory_space<hbm>> -> memref<1x16x1024xf32, #tpu.memory_space<hbm>>
    %dma_start3A_1114 = tpu.memref_squeeze %dma_start3A_1113 : memref<1x16x1024xf32, #tpu.memory_space<hbm>> -> memref<16x1024xf32, #tpu.memory_space<hbm>>
    tpu.enqueue_dma source(%arg5 : memref<16x1024xf32, #tpu.memory_space<vmem>>) target(%dma_start3A_1114 : memref<16x1024xf32, #tpu.memory_space<hbm>>) target_semaphore(%arg17 : memref<!tpu.dma_semaphore, #tpu.memory_space<semaphore_mem>>)
    %dma_wait3A_1115 = arith.constant 1 : i32
    %dma_wait3A_1116 = arith.constant 0 : i32
    %dma_wait3A_1117 = tpu.memref_slice %arg2[%dma_wait3A_1115, %add3A_1014, %dma_wait3A_1116] : memref<4x4096x1024xf32, #tpu.memory_space<hbm>> -> memref<1x16x1024xf32, #tpu.memory_space<hbm>>
    %dma_wait3A_1118 = tpu.memref_squeeze %dma_wait3A_1117 : memref<1x16x1024xf32, #tpu.memory_space<hbm>> -> memref<16x1024xf32, #tpu.memory_space<hbm>>
    %dma_wait3A_1119 = arith.constant 0 : i32
    %dma_wait3A_1120 = tpu.memref_slice %arg2[%dma_wait3A_1115, %add3A_1014, %dma_wait3A_1119] : memref<4x4096x1024xf32, #tpu.memory_space<hbm>> -> memref<1x16x1024xf32, #tpu.memory_space<hbm>>
    %dma_wait3A_1121 = tpu.memref_squeeze %dma_wait3A_1120 : memref<1x16x1024xf32, #tpu.memory_space<hbm>> -> memref<16x1024xf32, #tpu.memory_space<hbm>>
    tpu.wait_dma2 semaphore(%arg12 : memref<!tpu.dma_semaphore, #tpu.memory_space<semaphore_mem>>) src(%dma_wait3A_1121 : memref<16x1024xf32, #tpu.memory_space<hbm>>) dst(%arg6 : memref<16x1024xf32, #tpu.memory_space<vmem>>)
    %parallel_loop3A_1122 = arith.constant 0 : i32
    %parallel_loop3A_1123 = arith.constant 16384 : i32
    %parallel_loop3A_1124 = arith.constant 16 : i32
    scf.for %parallel_loop3A_1200 = %parallel_loop3A_1122 to %parallel_loop3A_1123 step %parallel_loop3A_1124  : i32 {
      %parallel_loop3A_1201 = arith.constant 10 : i32
      %parallel_loop3A_1202 = arith.shrsi %parallel_loop3A_1200, %parallel_loop3A_1201 : i32
      %parallel_loop3A_1203 = arith.constant 1023 : i32
      %parallel_loop3A_1204 = arith.andi %parallel_loop3A_1200, %parallel_loop3A_1203 : i32
      %parallel_loop3A_1205 = tpu.assume_multiple %parallel_loop3A_1204, 16 : i32
      %parallel_loop3A_1206 = arith.index_cast %parallel_loop3A_1202 : i32 to index
      %parallel_loop3A_1207 = arith.index_cast %parallel_loop3A_1205 : i32 to index
      %parallel_loop3A_1208 = tpu.vector_load %arg6[%parallel_loop3A_1206, %parallel_loop3A_1207] {strides = array<i32>} : memref<16x1024xf32, #tpu.memory_space<vmem>>, vector<1x16xf32>,
      %parallel_loop3A_1209 = vector.shape_cast %parallel_loop3A_1208 : vector<1x16xf32> to vector<16xf32>
      %parallel_loop3A_1210 = arith.index_cast %parallel_loop3A_1202 : i32 to index
      %parallel_loop3A_1211 = arith.index_cast %parallel_loop3A_1205 : i32 to index
      %parallel_loop3A_1212 = tpu.vector_load %arg10[%parallel_loop3A_1210, %parallel_loop3A_1211] {strides = array<i32>} : memref<16x1024xf32, #tpu.memory_space<vmem>>, vector<1x16xf32>,
      %parallel_loop3A_1213 = vector.shape_cast %parallel_loop3A_1212 : vector<1x16xf32> to vector<16xf32>
      %parallel_loop3A_1214 = arith.addf %parallel_loop3A_1209, %parallel_loop3A_1213 : vector<16xf32>
      %parallel_loop3A_1215 = arith.index_cast %parallel_loop3A_1202 : i32 to index
      %parallel_loop3A_1216 = arith.index_cast %parallel_loop3A_1205 : i32 to index
      %parallel_loop3A_1217 = tpu.vector_load %arg6[%parallel_loop3A_1215, %parallel_loop3A_1216] {strides = array<i32>} : memref<16x1024xf32, #tpu.memory_space<vmem>>, vector<1x16xf32>,
      %parallel_loop3A_1218 = vector.shape_cast %parallel_loop3A_1217 : vector<1x16xf32> to vector<16xf32>
      %parallel_loop3A_1219 = vector.shape_cast %parallel_loop3A_1214 : vector<16xf32> to vector<1x16xf32>
      tpu.vector_store %arg6[%parallel_loop3A_1215, %parallel_loop3A_1216], %parallel_loop3A_1219 {strides = array<i32>} : memref<16x1024xf32, #tpu.memory_space<vmem>>, vector<1x16xf32>,
    } {sc.loop_unroll_factor = 16 : i64, sc.parallel_access}
    %add3A_1125 = arith.constant 112 : i32
    %add3A_1126 = arith.addi %mul3A_2, %add3A_1125 : i32
    %dma_start3A_1127 = arith.constant 1 : i32
    %dma_start3A_1128 = arith.constant 0 : i32
    %dma_start3A_1129 = tpu.memref_slice %arg4[%dma_start3A_1127, %add3A_1126, %dma_start3A_1128] : memref<4x4096x1024xf32, #tpu.memory_space<hbm>> -> memref<1x16x1024xf32, #tpu.memory_space<hbm>>
    %dma_start3A_1130 = tpu.memref_squeeze %dma_start3A_1129 : memref<1x16x1024xf32, #tpu.memory_space<hbm>> -> memref<16x1024xf32, #tpu.memory_space<hbm>>
    %dma_start3A_1131 = arith.constant 0 : i32
    %dma_start3A_1132 = tpu.memref_slice %arg4[%dma_start3A_1127, %add3A_1126, %dma_start3A_1131] : memref<4x4096x1024xf32, #tpu.memory_space<hbm>> -> memref<1x16x1024xf32, #tpu.memory_space<hbm>>
    %dma_start3A_1133 = tpu.memref_squeeze %dma_start3A_1132 : memref<1x16x1024xf32, #tpu.memory_space<hbm>> -> memref<16x1024xf32, #tpu.memory_space<hbm>>
    tpu.enqueue_dma source(%arg6 : memref<16x1024xf32, #tpu.memory_space<vmem>>) target(%dma_start3A_1133 : memref<16x1024xf32, #tpu.memory_space<hbm>>) target_semaphore(%arg18 : memref<!tpu.dma_semaphore, #tpu.memory_space<semaphore_mem>>)
    %dma_wait3A_1134 = arith.constant 2 : i32
    %dma_wait3A_1135 = arith.constant 0 : i32
    %dma_wait3A_1136 = tpu.memref_slice %arg2[%dma_wait3A_1134, %add3A_1049, %dma_wait3A_1135] : memref<4x4096x1024xf32, #tpu.memory_space<hbm>> -> memref<1x16x1024xf32, #tpu.memory_space<hbm>>
    %dma_wait3A_1137 = tpu.memref_squeeze %dma_wait3A_1136 : memref<1x16x1024xf32, #tpu.memory_space<hbm>> -> memref<16x1024xf32, #tpu.memory_space<hbm>>
    %dma_wait3A_1138 = arith.constant 0 : i32
    %dma_wait3A_1139 = tpu.memref_slice %arg2[%dma_wait3A_1134, %add3A_1049, %dma_wait3A_1138] : memref<4x4096x1024xf32, #tpu.memory_space<hbm>> -> memref<1x16x1024xf32, #tpu.memory_space<hbm>>
    %dma_wait3A_1140 = tpu.memref_squeeze %dma_wait3A_1139 : memref<1x16x1024xf32, #tpu.memory_space<hbm>> -> memref<16x1024xf32, #tpu.memory_space<hbm>>
    tpu.wait_dma2 semaphore(%arg13 : memref<!tpu.dma_semaphore, #tpu.memory_space<semaphore_mem>>) src(%dma_wait3A_1140 : memref<16x1024xf32, #tpu.memory_space<hbm>>) dst(%arg7 : memref<16x1024xf32, #tpu.memory_space<vmem>>)
    %parallel_loop3A_1141 = arith.constant 0 : i32
    %parallel_loop3A_1142 = arith.constant 16384 : i32
    %parallel_loop3A_1143 = arith.constant 16 : i32
    scf.for %parallel_loop3A_1200 = %parallel_loop3A_1141 to %parallel_loop3A_1142 step %parallel_loop3A_1143  : i32 {
      %parallel_loop3A_1201 = arith.constant 10 : i32
      %parallel_loop3A_1202 = arith.shrsi %parallel_loop3A_1200, %parallel_loop3A_1201 : i32
      %parallel_loop3A_1203 = arith.constant 1023 : i32
      %parallel_loop3A_1204 = arith.andi %parallel_loop3A_1200, %parallel_loop3A_1203 : i32
      %parallel_loop3A_1205 = tpu.assume_multiple %parallel_loop3A_1204, 16 : i32
      %parallel_loop3A_1206 = arith.index_cast %parallel_loop3A_1202 : i32 to index
      %parallel_loop3A_1207 = arith.index_cast %parallel_loop3A_1205 : i32 to index
      %parallel_loop3A_1208 = tpu.vector_load %arg7[%parallel_loop3A_1206, %parallel_loop3A_1207] {strides = array<i32>} : memref<16x1024xf32, #tpu.memory_space<vmem>>, vector<1x16xf32>,
      %parallel_loop3A_1209 = vector.shape_cast %parallel_loop3A_1208 : vector<1x16xf32> to vector<16xf32>
      %parallel_loop3A_1210 = arith.index_cast %parallel_loop3A_1202 : i32 to index
      %parallel_loop3A_1211 = arith.index_cast %parallel_loop3A_1205 : i32 to index
      %parallel_loop3A_1212 = tpu.vector_load %arg10[%parallel_loop3A_1210, %parallel_loop3A_1211] {strides = array<i32>} : memref<16x1024xf32, #tpu.memory_space<vmem>>, vector<1x16xf32>,
      %parallel_loop3A_1213 = vector.shape_cast %parallel_loop3A_1212 : vector<1x16xf32> to vector<16xf32>
      %parallel_loop3A_1214 = arith.addf %parallel_loop3A_1209, %parallel_loop3A_1213 : vector<16xf32>
      %parallel_loop3A_1215 = arith.index_cast %parallel_loop3A_1202 : i32 to index
      %parallel_loop3A_1216 = arith.index_cast %parallel_loop3A_1205 : i32 to index
      %parallel_loop3A_1217 = tpu.vector_load %arg7[%parallel_loop3A_1215, %parallel_loop3A_1216] {strides = array<i32>} : memref<16x1024xf32, #tpu.memory_space<vmem>>, vector<1x16xf32>,
      %parallel_loop3A_1218 = vector.shape_cast %parallel_loop3A_1217 : vector<1x16xf32> to vector<16xf32>
      %parallel_loop3A_1219 = vector.shape_cast %parallel_loop3A_1214 : vector<16xf32> to vector<1x16xf32>
      tpu.vector_store %arg7[%parallel_loop3A_1215, %parallel_loop3A_1216], %parallel_loop3A_1219 {strides = array<i32>} : memref<16x1024xf32, #tpu.memory_space<vmem>>, vector<1x16xf32>,
    } {sc.loop_unroll_factor = 16 : i64, sc.parallel_access}
    %add3A_1144 = arith.constant 112 : i32
    %add3A_1145 = arith.addi %mul3A_2, %add3A_1144 : i32
    %dma_start3A_1146 = arith.constant 2 : i32
    %dma_start3A_1147 = arith.constant 0 : i32
    %dma_start3A_1148 = tpu.memref_slice %arg4[%dma_start3A_1146, %add3A_1145, %dma_start3A_1147] : memref<4x4096x1024xf32, #tpu.memory_space<hbm>> -> memref<1x16x1024xf32, #tpu.memory_space<hbm>>
    %dma_start3A_1149 = tpu.memref_squeeze %dma_start3A_1148 : memref<1x16x1024xf32, #tpu.memory_space<hbm>> -> memref<16x1024xf32, #tpu.memory_space<hbm>>
    %dma_start3A_1150 = arith.constant 0 : i32
    %dma_start3A_1151 = tpu.memref_slice %arg4[%dma_start3A_1146, %add3A_1145, %dma_start3A_1150] : memref<4x4096x1024xf32, #tpu.memory_space<hbm>> -> memref<1x16x1024xf32, #tpu.memory_space<hbm>>
    %dma_start3A_1152 = tpu.memref_squeeze %dma_start3A_1151 : memref<1x16x1024xf32, #tpu.memory_space<hbm>> -> memref<16x1024xf32, #tpu.memory_space<hbm>>
    tpu.enqueue_dma source(%arg7 : memref<16x1024xf32, #tpu.memory_space<vmem>>) target(%dma_start3A_1152 : memref<16x1024xf32, #tpu.memory_space<hbm>>) target_semaphore(%arg19 : memref<!tpu.dma_semaphore, #tpu.memory_space<semaphore_mem>>)
    %dma_wait3A_1153 = arith.constant 3 : i32
    %dma_wait3A_1154 = arith.constant 0 : i32
    %dma_wait3A_1155 = tpu.memref_slice %arg2[%dma_wait3A_1153, %add3A_1084, %dma_wait3A_1154] : memref<4x4096x1024xf32, #tpu.memory_space<hbm>> -> memref<1x16x1024xf32, #tpu.memory_space<hbm>>
    %dma_wait3A_1156 = tpu.memref_squeeze %dma_wait3A_1155 : memref<1x16x1024xf32, #tpu.memory_space<hbm>> -> memref<16x1024xf32, #tpu.memory_space<hbm>>
    %dma_wait3A_1157 = arith.constant 0 : i32
    %dma_wait3A_1158 = tpu.memref_slice %arg2[%dma_wait3A_1153, %add3A_1084, %dma_wait3A_1157] : memref<4x4096x1024xf32, #tpu.memory_space<hbm>> -> memref<1x16x1024xf32, #tpu.memory_space<hbm>>
    %dma_wait3A_1159 = tpu.memref_squeeze %dma_wait3A_1158 : memref<1x16x1024xf32, #tpu.memory_space<hbm>> -> memref<16x1024xf32, #tpu.memory_space<hbm>>
    tpu.wait_dma2 semaphore(%arg14 : memref<!tpu.dma_semaphore, #tpu.memory_space<semaphore_mem>>) src(%dma_wait3A_1159 : memref<16x1024xf32, #tpu.memory_space<hbm>>) dst(%arg8 : memref<16x1024xf32, #tpu.memory_space<vmem>>)
    %parallel_loop3A_1160 = arith.constant 0 : i32
    %parallel_loop3A_1161 = arith.constant 16384 : i32
    %parallel_loop3A_1162 = arith.constant 16 : i32
    scf.for %parallel_loop3A_1200 = %parallel_loop3A_1160 to %parallel_loop3A_1161 step %parallel_loop3A_1162  : i32 {
      %parallel_loop3A_1201 = arith.constant 10 : i32
      %parallel_loop3A_1202 = arith.shrsi %parallel_loop3A_1200, %parallel_loop3A_1201 : i32
      %parallel_loop3A_1203 = arith.constant 1023 : i32
      %parallel_loop3A_1204 = arith.andi %parallel_loop3A_1200, %parallel_loop3A_1203 : i32
      %parallel_loop3A_1205 = tpu.assume_multiple %parallel_loop3A_1204, 16 : i32
      %parallel_loop3A_1206 = arith.index_cast %parallel_loop3A_1202 : i32 to index
      %parallel_loop3A_1207 = arith.index_cast %parallel_loop3A_1205 : i32 to index
      %parallel_loop3A_1208 = tpu.vector_load %arg8[%parallel_loop3A_1206, %parallel_loop3A_1207] {strides = array<i32>} : memref<16x1024xf32, #tpu.memory_space<vmem>>, vector<1x16xf32>,
      %parallel_loop3A_1209 = vector.shape_cast %parallel_loop3A_1208 : vector<1x16xf32> to vector<16xf32>
      %parallel_loop3A_1210 = arith.index_cast %parallel_loop3A_1202 : i32 to index
      %parallel_loop3A_1211 = arith.index_cast %parallel_loop3A_1205 : i32 to index
      %parallel_loop3A_1212 = tpu.vector_load %arg10[%parallel_loop3A_1210, %parallel_loop3A_1211] {strides = array<i32>} : memref<16x1024xf32, #tpu.memory_space<vmem>>, vector<1x16xf32>,
      %parallel_loop3A_1213 = vector.shape_cast %parallel_loop3A_1212 : vector<1x16xf32> to vector<16xf32>
      %parallel_loop3A_1214 = arith.addf %parallel_loop3A_1209, %parallel_loop3A_1213 : vector<16xf32>
      %parallel_loop3A_1215 = arith.index_cast %parallel_loop3A_1202 : i32 to index
      %parallel_loop3A_1216 = arith.index_cast %parallel_loop3A_1205 : i32 to index
      %parallel_loop3A_1217 = tpu.vector_load %arg8[%parallel_loop3A_1215, %parallel_loop3A_1216] {strides = array<i32>} : memref<16x1024xf32, #tpu.memory_space<vmem>>, vector<1x16xf32>,
      %parallel_loop3A_1218 = vector.shape_cast %parallel_loop3A_1217 : vector<1x16xf32> to vector<16xf32>
      %parallel_loop3A_1219 = vector.shape_cast %parallel_loop3A_1214 : vector<16xf32> to vector<1x16xf32>
      tpu.vector_store %arg8[%parallel_loop3A_1215, %parallel_loop3A_1216], %parallel_loop3A_1219 {strides = array<i32>} : memref<16x1024xf32, #tpu.memory_space<vmem>>, vector<1x16xf32>,
    } {sc.loop_unroll_factor = 16 : i64, sc.parallel_access}
    %add3A_1163 = arith.constant 112 : i32
    %add3A_1164 = arith.addi %mul3A_2, %add3A_1163 : i32
    %dma_start3A_1165 = arith.constant 3 : i32
    %dma_start3A_1166 = arith.constant 0 : i32
    %dma_start3A_1167 = tpu.memref_slice %arg4[%dma_start3A_1165, %add3A_1164, %dma_start3A_1166] : memref<4x4096x1024xf32, #tpu.memory_space<hbm>> -> memref<1x16x1024xf32, #tpu.memory_space<hbm>>
    %dma_start3A_1168 = tpu.memref_squeeze %dma_start3A_1167 : memref<1x16x1024xf32, #tpu.memory_space<hbm>> -> memref<16x1024xf32, #tpu.memory_space<hbm>>
    %dma_start3A_1169 = arith.constant 0 : i32
    %dma_start3A_1170 = tpu.memref_slice %arg4[%dma_start3A_1165, %add3A_1164, %dma_start3A_1169] : memref<4x4096x1024xf32, #tpu.memory_space<hbm>> -> memref<1x16x1024xf32, #tpu.memory_space<hbm>>
    %dma_start3A_1171 = tpu.memref_squeeze %dma_start3A_1170 : memref<1x16x1024xf32, #tpu.memory_space<hbm>> -> memref<16x1024xf32, #tpu.memory_space<hbm>>
    tpu.enqueue_dma source(%arg8 : memref<16x1024xf32, #tpu.memory_space<vmem>>) target(%dma_start3A_1171 : memref<16x1024xf32, #tpu.memory_space<hbm>>) target_semaphore(%arg20 : memref<!tpu.dma_semaphore, #tpu.memory_space<semaphore_mem>>)
    %dma_wait3A_1172 = arith.constant 0 : i32
    %dma_wait3A_1173 = arith.constant 0 : i32
    %dma_wait3A_1174 = tpu.memref_slice %arg4[%dma_wait3A_1172, %add3A_1107, %dma_wait3A_1173] : memref<4x4096x1024xf32, #tpu.memory_space<hbm>> -> memref<1x16x1024xf32, #tpu.memory_space<hbm>>
    %dma_wait3A_1175 = tpu.memref_squeeze %dma_wait3A_1174 : memref<1x16x1024xf32, #tpu.memory_space<hbm>> -> memref<16x1024xf32, #tpu.memory_space<hbm>>
    %dma_wait3A_1176 = arith.constant 0 : i32
    %dma_wait3A_1177 = tpu.memref_slice %arg4[%dma_wait3A_1172, %add3A_1107, %dma_wait3A_1176] : memref<4x4096x1024xf32, #tpu.memory_space<hbm>> -> memref<1x16x1024xf32, #tpu.memory_space<hbm>>
    %dma_wait3A_1178 = tpu.memref_squeeze %dma_wait3A_1177 : memref<1x16x1024xf32, #tpu.memory_space<hbm>> -> memref<16x1024xf32, #tpu.memory_space<hbm>>
    tpu.wait_dma2 semaphore(%arg17 : memref<!tpu.dma_semaphore, #tpu.memory_space<semaphore_mem>>) src(%arg5 : memref<16x1024xf32, #tpu.memory_space<vmem>>) dst(%dma_wait3A_1178 : memref<16x1024xf32, #tpu.memory_space<hbm>>)
    %dma_wait3A_1179 = arith.constant 1 : i32
    %dma_wait3A_1180 = arith.constant 0 : i32
    %dma_wait3A_1181 = tpu.memref_slice %arg4[%dma_wait3A_1179, %add3A_1126, %dma_wait3A_1180] : memref<4x4096x1024xf32, #tpu.memory_space<hbm>> -> memref<1x16x1024xf32, #tpu.memory_space<hbm>>
    %dma_wait3A_1182 = tpu.memref_squeeze %dma_wait3A_1181 : memref<1x16x1024xf32, #tpu.memory_space<hbm>> -> memref<16x1024xf32, #tpu.memory_space<hbm>>
    %dma_wait3A_1183 = arith.constant 0 : i32
    %dma_wait3A_1184 = tpu.memref_slice %arg4[%dma_wait3A_1179, %add3A_1126, %dma_wait3A_1183] : memref<4x4096x1024xf32, #tpu.memory_space<hbm>> -> memref<1x16x1024xf32, #tpu.memory_space<hbm>>
    %dma_wait3A_1185 = tpu.memref_squeeze %dma_wait3A_1184 : memref<1x16x1024xf32, #tpu.memory_space<hbm>> -> memref<16x1024xf32, #tpu.memory_space<hbm>>
    tpu.wait_dma2 semaphore(%arg18 : memref<!tpu.dma_semaphore, #tpu.memory_space<semaphore_mem>>) src(%arg6 : memref<16x1024xf32, #tpu.memory_space<vmem>>) dst(%dma_wait3A_1185 : memref<16x1024xf32, #tpu.memory_space<hbm>>)
    %dma_wait3A_1186 = arith.constant 2 : i32
    %dma_wait3A_1187 = arith.constant 0 : i32
    %dma_wait3A_1188 = tpu.memref_slice %arg4[%dma_wait3A_1186, %add3A_1145, %dma_wait3A_1187] : memref<4x4096x1024xf32, #tpu.memory_space<hbm>> -> memref<1x16x1024xf32, #tpu.memory_space<hbm>>
    %dma_wait3A_1189 = tpu.memref_squeeze %dma_wait3A_1188 : memref<1x16x1024xf32, #tpu.memory_space<hbm>> -> memref<16x1024xf32, #tpu.memory_space<hbm>>
    %dma_wait3A_1190 = arith.constant 0 : i32
    %dma_wait3A_1191 = tpu.memref_slice %arg4[%dma_wait3A_1186, %add3A_1145, %dma_wait3A_1190] : memref<4x4096x1024xf32, #tpu.memory_space<hbm>> -> memref<1x16x1024xf32, #tpu.memory_space<hbm>>
    %dma_wait3A_1192 = tpu.memref_squeeze %dma_wait3A_1191 : memref<1x16x1024xf32, #tpu.memory_space<hbm>> -> memref<16x1024xf32, #tpu.memory_space<hbm>>
    tpu.wait_dma2 semaphore(%arg19 : memref<!tpu.dma_semaphore, #tpu.memory_space<semaphore_mem>>) src(%arg7 : memref<16x1024xf32, #tpu.memory_space<vmem>>) dst(%dma_wait3A_1192 : memref<16x1024xf32, #tpu.memory_space<hbm>>)
    %dma_wait3A_1193 = arith.constant 3 : i32
    %dma_wait3A_1194 = arith.constant 0 : i32
    %dma_wait3A_1195 = tpu.memref_slice %arg4[%dma_wait3A_1193, %add3A_1164, %dma_wait3A_1194] : memref<4x4096x1024xf32, #tpu.memory_space<hbm>> -> memref<1x16x1024xf32, #tpu.memory_space<hbm>>
    %dma_wait3A_1196 = tpu.memref_squeeze %dma_wait3A_1195 : memref<1x16x1024xf32, #tpu.memory_space<hbm>> -> memref<16x1024xf32, #tpu.memory_space<hbm>>
    %dma_wait3A_1197 = arith.constant 0 : i32
    %dma_wait3A_1198 = tpu.memref_slice %arg4[%dma_wait3A_1193, %add3A_1164, %dma_wait3A_1197] : memref<4x4096x1024xf32, #tpu.memory_space<hbm>> -> memref<1x16x1024xf32, #tpu.memory_space<hbm>>
    %dma_wait3A_1199 = tpu.memref_squeeze %dma_wait3A_1198 : memref<1x16x1024xf32, #tpu.memory_space<hbm>> -> memref<16x1024xf32, #tpu.memory_space<hbm>>
    tpu.wait_dma2 semaphore(%arg20 : memref<!tpu.dma_semaphore, #tpu.memory_space<semaphore_mem>>) src(%arg8 : memref<16x1024xf32, #tpu.memory_space<vmem>>) dst(%dma_wait3A_1199 : memref<16x1024xf32, #tpu.memory_space<hbm>>)
    return
  }
}

</mosaic_0001>

<sc_bundles>
// kernel: kernel.3.cloned.1.call-start
scs
__scs_entry_jumppad:
0x0: {  	(pc) =	sbr.rel $0x88, $3  }
0x1: {  	(tag) =	ssettag $0x0;
	lr =	simm.s32 $0x1  }
0x2: {  	[smem:$0x3F9F] =	sst lr;
	_ =	strace $0xD0000000  }
0x3: {  	_ = 	snop  }
0x4: {  	_ = 	snop  }
0x5: {  	_ = 	snop  }
0x6: {  	_ = 	snop  }
0x7: {  	_ = 	snop  }
__scs_overlays_trampoline_lowered:
0x8: {  	[smem:$0x3FAE] =	sst s0  }
0x9: {  	[smem:$0x3FAF] =	sst s1  }
0xa: {  	[smem:$0x3FB0] =	sst s2  }
0xb: {  	[smem:$0x3FB1] =	sst s3  }
0xc: {  	[smem:$0x3FB2] =	sst s4  }
0xd: {  	[smem:$0x3FB3] =	sst s5  }
0xe: {  	[smem:$0x3FB4] =	sst s6  }
0xf: {  	[smem:$0x3FB5] =	sst s7  }
0x10: {  	[smem:$0x3FB6] =	sst s8  }
0x11: {  	[smem:$0x3FB7] =	sst s9;
	s0 =	simm.s32 @!p0 $0x0  }
0x12: {  	s1 =	sld [smem:$0x3F9D];
	s0 =	simm.s32 @p0 $0x1  }
0x13: {  	[smem:$0x3FB8] =	sst s0;
	s0 =	simm.s32 @!p1 $0x0  }
0x14: {  	s2 =	sld [smem:$0x3F9C];
	s0 =	simm.s32 @p1 $0x1  }
0x15: {  	[smem:$0x3FB9] =	sst s0;
	s0 =	simm.s32 @!p2 $0x0  }
0x16: {  	s3 =	sld [smem:$0x3FDB];
	s0 =	simm.s32 @p2 $0x1  }
0x17: {  	s4 =	simm.s32 $0x1BF5;
	[smem:$0x3FBB] =	sst s0  }
0x18: {  	s0 =	sld [smem:$0x3F9E];
	_ =	swait.ge [sflag:s4], $0x0  }
0x19: {  	s7 =	sld [smem:$0x3F9F]  }
0x1a: {  	s8 =	sadd.s32 $0xFFFFE003, lr  }
0x1b: {  	s9 =	sadd.s32 $0xFFFFFEF7, lr;
	s5 =	simm.s32 $0xFFFFFFFF;
	p2 =	slt.u32 s8, $0xFFFFF086  }
0x1c: {  	p1 =	slt.u32 s9, $0xF7A;
	s5 =	simm.s32 @!p2 $0x0  }
0x1d: {  	s5 =	simm.s32 @p1 $0x1;
	p0 =	seq.s32 s7, s2  }
0x1e: {  	s7 =	smul.u32 @!p0 $0xF7A, s2;
	p2 =	seq.s32 @!p0 s5, $0x0  }
0x1f: {  	s9 =	smul.u32 $0xF7A, s1;
	s8 =	simm.s32 @!p0 $0x1BF5;
	p2 =	por !p2, p0  }
0x20: {  	[sflag:s8] =	ssyncset.s32 @!p0 $0xFFFFF086;
	s6 =	sadd.s32 @!p0 s3, s7;
	s7 =	simm.s32 @!p0 $0x108  }
0x21: {  	s3 =	sadd.s32 s3, s9;
	s6 =	sadd.s32 @!p0 $0x88, s6;
	s7 =	simm.s32 @p2 $0x1082  }
0x22: {  	[simem:s7], [sflag:s8] =	dma.local @!p0 [hbm:s6], $0xF7A  }
0x23: {  	s9 =	sor.u32 $0xD0000000, s2;
	s6 =	simm.s32 $0x108;
	_ =	swait.ge @!p0 [sflag:s8], $0x0  }
0x24: {  	s3 =	sadd.s32 $0x88, s3;
	s6 =	simm.s32 @!p1 $0x1082;
	[sflag:s4] =	ssyncset.s32 $0xFFFFF086  }
0x25: {  	[simem:s6], [sflag:s4] =	dma.local [hbm:s3], $0xF7A  }
0x26: {  	[smem:$0x3F9F] =	sst s1;
	(tag) =	ssettag s2;
	_ =	strace s9  }
0x27: {  	s1 =	sld [smem:$0x3FAF]  }
0x28: {  	s2 =	sld [smem:$0x3FB0]  }
0x29: {  	s4 =	sld [smem:$0x3FB2]  }
0x2a: {  	p0 =	seq.s32 s5, $0x0;
	s5 =	sld [smem:$0x3FB3]  }
0x2b: {  	s6 =	sld [smem:$0x3FB4]  }
0x2c: {  	s7 =	sld [smem:$0x3FB5]  }
0x2d: {  	s3 =	simm.s32 $0x108;
	s8 =	sld [smem:$0x3FB6]  }
0x2e: {  	s3 =	simm.s32 @!p0 $0x1082;
	s9 =	sld [smem:$0x3FB7]  }
0x2f: {  	lr =	sadd.s32 s0, s3;
	s0 =	sld [smem:$0x3FAE]  }
0x30: {  	s3 =	sld [smem:$0x3FB1]  }
0x31: {  	[smem:$0x3FBA] =	sst s10  }
0x32: {  	s10 =	sld [smem:$0x3FB8];
	_ =	sdelay $0x3  }
0x33: {  	p0 =	seq.s32 s10, $0x1;
	s10 =	sld [smem:$0x3FBA];
	_ =	sdelay $0x3  }
0x34: {  	[smem:$0x3FBA] =	sst s10  }
0x35: {  	s10 =	sld [smem:$0x3FB9];
	_ =	sdelay $0x3  }
0x36: {  	p1 =	seq.s32 s10, $0x1;
	s10 =	sld [smem:$0x3FBA];
	_ =	sdelay $0x3  }
0x37: {  	[smem:$0x3FBA] =	sst s10  }
0x38: {  	s10 =	sld [smem:$0x3FBB]  }
0x39: {  	_ = 	snop;
	(pc) =	sbr.ind lr, $3  }
0x3a: {  	_ = 	snop  }
0x3b: {  	_ = 	snop  }
0x3c: {  	p2 =	seq.s32 s10, $0x1;
	s10 =	sld [smem:$0x3FBA]  }
0x3d: {  	_ =	shalt  }
0x3e: {  	_ =	shalt  }
0x3f: {  	_ =	shalt  }
0x40: {  	_ =	shalt  }
0x41: {  	_ =	shalt  }
0x42: {  	_ =	shalt  }
0x43: {  	_ =	shalt  }
0x44: {  	_ =	shalt  }
0x45: {  	_ =	shalt  }
0x46: {  	_ =	shalt  }
0x47: {  	_ =	shalt  }
0x48: {  	_ =	shalt  }
0x49: {  	_ =	shalt  }
0x4a: {  	_ =	shalt  }
0x4b: {  	_ =	shalt  }
0x4c: {  	_ =	shalt  }
0x4d: {  	_ =	shalt  }
0x4e: {  	_ =	shalt  }
0x4f: {  	_ =	shalt  }
0x50: {  	_ =	shalt  }
0x51: {  	_ =	shalt  }
0x52: {  	_ =	shalt  }
0x53: {  	_ =	shalt  }
0x54: {  	_ =	shalt  }
0x55: {  	_ =	shalt  }
0x56: {  	_ =	shalt  }
0x57: {  	_ =	shalt  }
0x58: {  	_ =	shalt  }
0x59: {  	_ =	shalt  }
0x5a: {  	_ =	shalt  }
0x5b: {  	_ =	shalt  }
0x5c: {  	_ =	shalt  }
0x5d: {  	_ =	shalt  }
0x5e: {  	_ =	shalt  }
0x5f: {  	_ =	shalt  }
0x60: {  	_ =	shalt  }
0x61: {  	_ =	shalt  }
0x62: {  	_ =	shalt  }
0x63: {  	_ =	shalt  }
0x64: {  	_ =	shalt  }
0x65: {  	_ =	shalt  }
0x66: {  	_ =	shalt  }
0x67: {  	_ =	shalt  }
0x68: {  	_ =	shalt  }
0x69: {  	_ =	shalt  }
0x6a: {  	_ =	shalt  }
0x6b: {  	_ =	shalt  }
0x6c: {  	_ =	shalt  }
0x6d: {  	_ =	shalt  }
0x6e: {  	_ =	shalt  }
0x6f: {  	_ =	shalt  }
0x70: {  	_ =	shalt  }
0x71: {  	_ =	shalt  }
0x72: {  	_ =	shalt  }
0x73: {  	_ =	shalt  }
0x74: {  	_ =	shalt  }
0x75: {  	_ =	shalt  }
0x76: {  	_ =	shalt  }
0x77: {  	_ =	shalt  }
0x78: {  	_ =	shalt  }
0x79: {  	_ =	shalt  }
0x7a: {  	_ =	shalt  }
0x7b: {  	_ =	shalt  }
0x7c: {  	_ =	shalt  }
0x7d: {  	_ =	shalt  }
0x7e: {  	_ =	shalt  }
0x7f: {  	_ =	shalt  }
0x80: {  	_ =	shalt  }
0x81: {  	_ =	shalt  }
0x82: {  	_ =	shalt  }
0x83: {  	_ =	shalt  }
0x84: {  	_ =	shalt  }
0x85: {  	_ =	shalt  }
0x86: {  	_ =	shalt  }
0x87: {  	_ =	shalt  }
.Lfunc_end0:
.L_simem_size_0:
called_computation_lowered:
.L_overlay_start_0:
0x88: {  	s2 =	sld [smem:$0x3FD9]  }
0x89: {  	s3 =	sld [smem:$0x3FFE];
	_ =	sdelay $0x1  }
0x8a: {  	s1 =	srdreg.scid  }
0x8b: {  	s0 =	sand.u32 $0x1, s1  }
0x8c: {  	s18 =	sshll.u32 s0, $0xA;
	s2 =	sadd.s32 s3, s2  }
0x8d: {  	s2 =	sadd.s32 s2, s18  }
0x8e: {  	[smem:$0x3FC6] =	sst s2  }
0x8f: {  	_ = 	snop  }
0x90: {  	s2 =	sld [smem:$0x3FC9]  }
0x91: {  	s19 =	sld [smem:$0x3FC8]  }
0x92: {  	s4 =	sld [smem:$0x3FD0];
	(tm) =	ssettm $0x1  }
0x93: {  	s5 =	sld [smem:$0x3FFB];
	_ =	sdelay $0x3  }
0x94: {  	_ =	strace s5  }
0x95: {  	s5 =	sld [smem:$0x3FFC];
	_ =	sdelay $0x3  }
0x96: {  	_ =	strace s5  }
0x97: {  	s5 =	sld [smem:$0x3FFD];
	_ =	sdelay $0x3  }
0x98: {  	_ =	strace s5  }
0x99: {  	_ =	strace $0x8FFFFFFF  }
0x9a: {  	s20 =	sld [smem:$0x3FDB];
	_ =	sdelay $0x1  }
0x9b: {  	s6 =	simm.s32 $_scs_section_size  }
0x9c: {  	s7 =	simm.s32 $_size__tile_overlayer_lowered;
	s8 =	simm.s32 $_tile_overlayer_lowered  }
0x9d: {  	s23 =	simm.s32 $0x1BFF;
	s22 =	sshll.u32 s8, $0x1;
	s5 =	sadd.s32 s6, s20  }
0x9e: {  	s9 =	simm.s32 $0x0;
	s21 =	sshll.u32 s7, $0x1;
	s7 =	sadd.s32 s22, s5  }
0x9f: {  	[timem:s9], [sflag:s23] =	dma.local [hbm:s7], s21  }
0xa0: {  	_ =	swait.ge [sflag:s23], s21  }
0xa1: {  	s6 =	ssub.s32 $0x0, s21;
	[sflag:s23] =	ssyncset.done $0x0  }
0xa2: {  	[sflag:s23] =	ssyncadd.s32 s6;
	_ =	sdelay $0x1  }
0xa3: {  	s24 =	simm.s32 $0x1B8B  }
0xa4: {  	_ =	swait.ge [sflag:s24], $0x1  }
0xa5: {  	[sflag:s24] =	ssyncset.done $0x0  }
0xa6: {  	s25 =	simm.s32 $0x1B8E;
	[sflag:s24] =	ssyncadd.s32 $0xFFFFFFFF  }
0xa7: {  	s26 =	simm.s32 $execute0_lowered;
	[smem:$0x3FD2] =	sst s25  }
0xa8: {  	s6 =	sshll.u32 s26, $0x1;
	_ =	strace $0x80000046;
	[dreg:$0x1] =	wrdreg $0xFFFFFFFF  }
0xa9: {  	s28 =	simm.s32 $_size_execute0_lowered;
	s5 =	sadd.s32 s5, s6;
	[dreg:$0x0] =	wrdreg $0x0  }
0xaa: {  	s6 =	sshll.u32 s28, $0x1;
	[dreg:$0x2] =	wrdreg s5  }
0xab: {  	[dreg:$0x3] =	wrdreg s6  }
0xac: {  	[dreg:$0x4] =	wrdreg $0xC0  }
0xad: {  	_ =	task [dreg:s9], $0x5FFFF  }
0xae: {  	[dreg:$0x1] =	wrdreg $0xFFFFFFFF  }
0xaf: {  	[dreg:$0x0] =	wrdreg $0x60  }
0xb0: {  	[dreg:$0x2] =	wrdreg s2  }
0xb1: {  	[dreg:$0x3] =	wrdreg s19  }
0xb2: {  	[dreg:$0x4] =	wrdreg s4  }
0xb3: {  	[dreg:$0x5] =	wrdreg $0x9  }
0xb4: {  	_ =	task.clear_ibuf [dreg:s9], $0x6FFFF;
	_ =	strace $0x90000046  }
0xb5: {  	s29 =	simm.s32 $0x9;
	_ =	strace $0x80000048  }
0xb6: {  	_ =	swait.ge [sflag:s29], $0x1  }
0xb7: {  	[sflag:s29] =	ssyncadd.s32 $0xFFFFFFFF  }
0xb8: {  	_ =	strace $0x90000048  }
0xb9: {  	_ =	sfence  }
0xba: {  	s30 =	sld [smem:$0x0];
	_ =	sdelay $0x2  }
0xbb: {  	s31 =	sshll.u32 s1, $0xD;
	s1 =	sshrl.u32 s1, $0x2  }
0xbc: {  	s3 =	sand.u32 $0x4000, s31;
	s1 =	sadd.s32 s1, s30  }
0xbd: {  	s0 =	sor.u32 s3, s0;
	s1 =	sshll.u32 s1, $0x11  }
0xbe: {  	s0 =	sor.u32 s1, s0  }
0xbf: {  	s0 =	sadd.s32 $0x8F2B, s0  }
0xc0: {  	[sflag:s0] =	ssyncadd.remote.s32 $0x1  }
0xc1: {  	_ =	sfence.sel $0xFFFF  }
0xc2: {  	[dreg:$0x0] =	wrdreg $0xFFFFFFFF;
	(pc) =	sbr.abs _section_cstart, $3  }
0xc3: {  	[dreg:$0x1] =	wrdreg $0xFFFFFFFF  }
0xc4: {  	_ =	task.clear_ibuf [dreg:s9], $0x2FFFF;
	_ =	strace $0x9FFFFFFF  }
0xc5: {  	(tm) =	ssettm $0x7FFFFFFF  }
tec
execute0_lowered:
.L_overlay_start_1:
0x0: {  	(tag) =	ssettag $0x1  }
0x1: {  	s1 =	srdreg.scid  }
0x2: {  	s0 =	rddreg [dreg:$0x0];
	s2 =	stileid.u32;
	s1 =	sand.u32 $0x1, s1  }
0x3: {  	s5 =	rddreg [dreg:$0x1];
	s3 =	sshll.u32 s2, $0xF;
	s4 =	sshll.u32 s1, $0xE  }
0x4: {  	s2 =	rddreg [dreg:$0x2];
	s4 =	sor.u32 s4, s3  }
0x5: {  	s6 =	ssub.s32 $0x2, s1;
	s1 =	simm.s32 $0x0;
	s7 =	sor.u32 $0x80000, s4  }
0x6: {  	[smem:$0x7FF] =	sst s1;
	s16 =	sor.u32 $0x100000, s4;
	s15 =	sadd.s32 s0, s7  }
0x7: {  	s8 =	sor.u32 $0x800, s4;
	s10 =	sadd.s32 s0, s16;
	[dreg:$0x4] =	wrdreg s15  }
0x8: {  	s9 =	sor.u32 $0x180000, s4;
	s17 =	sadd.s32 s5, s8;
	[dreg:$0x5] =	wrdreg s10  }
0x9: {  	s18 =	sadd.s32 s0, s9;
	[dreg:$0x6] =	wrdreg s17  }
0xa: {  	s14 =	sshrl.u32 s6, $0x1;
	s19 =	sadd.s32 s0, s8;
	[dreg:$0x7] =	wrdreg s18  }
0xb: {  	s20 =	sor.u32 $0x80800, s4;
	s7 =	sadd.s32 s2, s7;
	[dreg:$0x8] =	wrdreg s19  }
0xc: {  	s3 =	ssub.s32 s6, s14;
	s21 =	sadd.s32 s0, s20;
	[dreg:$0x9] =	wrdreg s7  }
0xd: {  	s22 =	sor.u32 $0x100800, s4;
	s6 =	sadd.s32 s2, s16;
	[dreg:$0xa] =	wrdreg s21  }
0xe: {  	s23 =	sadd.s32 s0, s22;
	[dreg:$0xb] =	wrdreg s6  }
0xf: {  	s24 =	sor.u32 $0x1000, s4;
	s9 =	sadd.s32 s2, s9;
	[dreg:$0xc] =	wrdreg s23  }
0x10: {  	s11 =	sor.u32 $0x180800, s4;
	s25 =	sadd.s32 s5, s24;
	[dreg:$0xd] =	wrdreg s9  }
0x11: {  	s26 =	sadd.s32 s0, s11;
	[dreg:$0xe] =	wrdreg s25  }
0x12: {  	s8 =	sadd.s32 s2, s8;
	[dreg:$0xf] =	wrdreg s26  }
0x13: {  	s13 =	sadd.s32 s2, s11;
	[dreg:$0x10] =	wrdreg s8  }
0x14: {  	s14 =	sadd.s32 s2, s24;
	[dreg:$0x14] =	wrdreg s13  }
0x15: {  	s9 =	sadd.s32 s0, s24;
	[dreg:$0x15] =	wrdreg s14  }
0x16: {  	s7 =	sadd.s32 s2, s20;
	[dreg:$0x11] =	wrdreg s9  }
0x17: {  	s12 =	sor.u32 $0x81000, s4;
	s6 =	sadd.s32 s2, s22;
	[dreg:$0x12] =	wrdreg s7  }
0x18: {  	s16 =	sor.u32 $0x101000, s4;
	s15 =	sadd.s32 s0, s12;
	[dreg:$0x13] =	wrdreg s6  }
0x19: {  	s17 =	sadd.s32 s0, s16;
	[dreg:$0x16] =	wrdreg s15  }
0x1a: {  	s7 =	sadd.s32 s2, s12;
	[dreg:$0x18] =	wrdreg s17  }
0x1b: {  	s18 =	sor.u32 $0x181000, s4;
	s6 =	sadd.s32 s2, s16;
	[dreg:$0x17] =	wrdreg s7  }
0x1c: {  	s19 =	sor.u32 $0x1800, s4;
	s20 =	sadd.s32 s0, s18;
	[dreg:$0x19] =	wrdreg s6  }
0x1d: {  	s21 =	sadd.s32 s5, s19;
	[dreg:$0x1a] =	wrdreg s20  }
0x1e: {  	s23 =	sor.u32 $0x81800, s4;
	s22 =	sadd.s32 s0, s19;
	[dreg:$0x1c] =	wrdreg s21  }
0x1f: {  	s24 =	sor.u32 $0x101800, s4;
	s25 =	sadd.s32 s0, s23;
	[dreg:$0x1d] =	wrdreg s22  }
0x20: {  	s26 =	sadd.s32 s0, s24;
	[dreg:$0x1f] =	wrdreg s25  }
0x21: {  	s10 =	sor.u32 $0x181800, s4;
	s8 =	sadd.s32 s2, s24;
	[smem:$0x7DA] =	sst s26  }
0x22: {  	s14 =	sor.u32 $0x82000, s4;
	s11 =	sadd.s32 s0, s10;
	[smem:$0x7DB] =	sst s8  }
0x23: {  	s15 =	sadd.s32 s0, s14;
	[smem:$0x7DC] =	sst s11  }
0x24: {  	s7 =	sadd.s32 s2, s18;
	[smem:$0x7E1] =	sst s15  }
0x25: {  	s9 =	sor.u32 $0x2000, s4;
	s6 =	sadd.s32 s2, s19;
	[dreg:$0x1b] =	wrdreg s7  }
0x26: {  	s12 =	sadd.s32 s5, s9;
	[dreg:$0x1e] =	wrdreg s6  }
0x27: {  	s16 =	sor.u32 $0x102000, s4;
	s13 =	sadd.s32 s0, s9;
	[smem:$0x7DE] =	sst s12  }
0x28: {  	s17 =	sadd.s32 s0, s16;
	[smem:$0x7DF] =	sst s13  }
0x29: {  	s28 =	simm.s32 $0x4;
	s11 =	sadd.s32 s5, s4;
	[smem:$0x7E3] =	sst s17  }
0x2a: {  	s29 =	simm.s32 $0xA;
	s6 =	sadd.s32 s2, s23;
	[smem:$0x7F0] =	sst s11  }
0x2b: {  	s18 =	sor.u32 $0x182000, s4;
	s7 =	sadd.s32 s2, s10;
	[smem:$0x7D9] =	sst s6  }
0x2c: {  	s20 =	sor.u32 $0x2800, s4;
	s19 =	sadd.s32 s0, s18;
	[smem:$0x7DD] =	sst s7  }
0x2d: {  	s30 =	simm.s32 $0x6;
	s21 =	sadd.s32 s5, s20;
	[smem:$0x7E5] =	sst s19  }
0x2e: {  	s25 =	sor.u32 $0x102800, s4;
	s22 =	sadd.s32 s0, s20;
	[smem:$0x7E7] =	sst s21  }
0x2f: {  	s8 =	sor.u32 $0x182800, s4;
	s26 =	sadd.s32 s0, s25;
	[smem:$0x7E8] =	sst s22  }
0x30: {  	s15 =	sor.u32 $0x83000, s4;
	s10 =	sadd.s32 s2, s8;
	[smem:$0x7EC] =	sst s26  }
0x31: {  	s31 =	simm.s32 $0x0;
	s17 =	sadd.s32 s0, s15;
	[smem:$0x7EF] =	sst s10  }
0x32: {  	s23 =	sor.u32 $0x82800, s4;
	s6 =	sadd.s32 s2, s9;
	[smem:$0x7F5] =	sst s17  }
0x33: {  	s12 =	sor.u32 $0x3000, s4;
	s24 =	sadd.s32 s0, s23;
	[smem:$0x7E0] =	sst s6  }
0x34: {  	s13 =	sor.u32 $0x3800, s4;
	s7 =	sadd.s32 s2, s23;
	[smem:$0x7EA] =	sst s24  }
0x35: {  	s9 =	sadd.s32 s0, s8;
	s19 =	sor.u32 $0x183000, s4;
	[smem:$0x7EB] =	sst s7  }
0x36: {  	s23 =	sadd.s32 s0, s4;
	s26 =	sadd.s32 s0, s13;
	[smem:$0x7EE] =	sst s9  }
0x37: {  	s10 =	sadd.s32 s2, s13;
	s17 =	simm.s32 $0x10000;
	[smem:$0x7FB] =	sst s23  }
0x38: {  	s6 =	sadd.s32 s2, s14;
	s14 =	sadd.s32 s5, s12;
	[smem:$0x7FD] =	sst s26  }
0x39: {  	s5 =	sadd.s32 s5, s13;
	s21 =	sadd.s32 s0, s19;
	[smem:$0x7E2] =	sst s6  }
0x3a: {  	s22 =	sadd.s32 s2, s19;
	s24 =	sor.u32 $0x83800, s4;
	[smem:$0x7F1] =	sst s14  }
0x3b: {  	s19 =	simm.s32 $0xC000;
	s23 =	simm.s32 $0x2;
	[smem:$0x7F2] =	sst s5  }
0x3c: {  	s26 =	simm.s32 $0x9;
	s6 =	sadd.s32 s2, s16;
	[smem:$0x7F9] =	sst s21  }
0x3d: {  	s16 =	sadd.s32 s0, s12;
	s5 =	sadd.s32 s2, s15;
	[smem:$0x7FA] =	sst s22  }
0x3e: {  	s7 =	sadd.s32 s0, s24;
	s11 =	sadd.s32 s2, s24;
	[smem:$0x7E4] =	sst s6  }
0x3f: {  	s14 =	smax.u32 s3, $0x1;
	s15 =	simm.s32 $0x4000;
	[smem:$0x7F3] =	sst s16  }
0x40: {  	s21 =	simm.s32 $0x1;
	s6 =	sadd.s32 s2, s18;
	[smem:$0x7F6] =	sst s5  }
0x41: {  	s18 =	sor.u32 $0x103000, s4;
	[smem:$0x7E6] =	sst s6;
	s6 =	sadd.s32 s2, s20  }
0x42: {  	s22 =	simm.s32 $0x7;
	s20 =	sadd.s32 s0, s18;
	[smem:$0x7E9] =	sst s6  }
0x43: {  	s24 =	simm.s32 $0x8;
	s5 =	sadd.s32 s2, s18;
	[smem:$0x7F7] =	sst s20  }
0x44: {  	s16 =	simm.s32 $0x8000;
	s6 =	sadd.s32 s2, s25;
	[smem:$0x7F8] =	sst s5  }
0x45: {  	s18 =	simm.s32 $0x14000;
	s25 =	sadd.s32 s2, s4;
	[smem:$0x7ED] =	sst s6  }
0x46: {  	s20 =	simm.s32 $0x5;
	s6 =	sadd.s32 s2, s12;
	[smem:$0x7FC] =	sst s25  }
0x47: {  	s12 =	sor.u32 $0x103800, s4;
	s4 =	sor.u32 $0x183800, s4;
	s25 =	simm.s32 $0x3  }
0x48: {  	[smem:$0x7F4] =	sst s6;
	s8 =	sadd.s32 s0, s12;
	s9 =	sadd.s32 s0, s4  }
0x49: {  	s12 =	sadd.s32 s2, s12;
	s13 =	sadd.s32 s2, s4;
	_ =	strace $0x80000047  }
.LBB2_1:
0x4a: {  	s0 =	sld [smem:$0x7FB];
	_ =	sdelay $0x1  }
0x4b: {  	s5 =	rddreg [dreg:$0x4]  }
0x4c: {  	[tilespmem:s1], [sflag:$0x1] =	stream.linear.gather [hbm4b:s0+s1], $0x4000, $0x38;
	[tilespmem:$0x18000] =	vst v63  }
0x4d: {  	s6 =	rddreg [dreg:$0x5]  }
0x4e: {  	[tilespmem:s15], [sflag:$0x2] =	stream.linear.gather [hbm4b:s5+s1], $0x4000, $0x38;
	[tilespmem:$0x18000] =	vst v63  }
0x4f: {  	s2 =	sld [smem:$0x7F0]  }
0x50: {  	[tilespmem:s16], [sflag:$0x3] =	stream.linear.gather [hbm4b:s6+s1], $0x4000, $0x38;
	[tilespmem:$0x18000] =	vst v63  }
0x51: {  	_ = 	snop  }
0x52: {  	[tilespmem:s17], [sflag:$0x5] =	stream.linear.gather [hbm4b:s2+s1], $0x4000, $0x38;
	[tilespmem:$0x18000] =	vst v63  }
0x53: {  	s3 =	rddreg [dreg:$0x6]  }
0x54: {  	[tilespmem:s18], [sflag:$0x6] =	stream.linear.gather [hbm4b:s3+s1], $0x4000, $0x38;
	[tilespmem:$0x18000] =	vst v63  }
0x55: {  	s4 =	rddreg [dreg:$0x7]  }
0x56: {  	[tilespmem:s19], [sflag:$0x4] =	stream.linear.gather [hbm4b:s4+s1], $0x4000, $0x38;
	[tilespmem:$0x18000] =	vst v63  }
0x57: {  	_ =	swait.ge [sflag:s20], $0x4000  }
0x58: {  	[sflag:s20] =	ssyncset.done $0x0  }
0x59: {  	s2 =	simm.s32 $0x0;
	[sflag:s20] =	ssyncadd.s32 $0xFFFFC000  }
0x5a: {  	s5 =	sand.u32 $0x2000, s2;
	s3 =	sand.u32 $0x1800, s1;
	_ =	swait.ge [sflag:s21], $0x4000  }
0x5b: {  	s6 =	sand.u32 $0x380, s1;
	s0 =	sor.u32 s5, s3;
	[sflag:s21] =	ssyncset.done $0x0  }
0x5c: {  	s0 =	sor.u32 s6, s0;
	[sflag:s21] =	ssyncadd.s32 $0xFFFFC000  }
0x5d: {  	v0 =	vld [tilespmem:s0+$0x470]  }
0x5e: {  	v1 =	vld [tilespmem:s0+$0x10470]  }
0x5f: {  	v2 =	vld [tilespmem:s0+$0x0]  }
0x60: {  	v3 =	vld [tilespmem:s0+$0x10000]  }
0x61: {  	v4 =	vld [tilespmem:s0+$0x10]  }
0x62: {  	v5 =	vld [tilespmem:s0+$0x10010]  }
0x63: {  	v6 =	vld [tilespmem:s0+$0x20]  }
0x64: {  	v7 =	vld [tilespmem:s0+$0x10020]  }
0x65: {  	v8 =	vld [tilespmem:s0+$0x30]  }
0x66: {  	v9 =	vld [tilespmem:s0+$0x10030]  }
0x67: {  	v10 =	vld [tilespmem:s0+$0x40]  }
0x68: {  	v11 =	vld [tilespmem:s0+$0x10040]  }
0x69: {  	v12 =	vld [tilespmem:s0+$0x50]  }
0x6a: {  	v13 =	vld [tilespmem:s0+$0x10050]  }
0x6b: {  	v14 =	vld [tilespmem:s0+$0x60]  }
0x6c: {  	v15 =	vld [tilespmem:s0+$0x10060]  }
0x6d: {  	v0 =	vadd.f32 v1, v0;
	v1 =	vld [tilespmem:s0+$0x70]  }
0x6e: {  	v2 =	vadd.f32 v3, v2;
	v3 =	vld [tilespmem:s0+$0x10070]  }
0x6f: {  	[tilespmem:s0+$0x470] =	vst v0;
	v0 =	vadd.f32 v5, v4;
	v4 =	vld [tilespmem:s0+$0x400]  }
0x70: {  	[tilespmem:s0+$0x0] =	vst v2;
	v2 =	vadd.f32 v7, v6;
	v6 =	vld [tilespmem:s0+$0x10400]  }
0x71: {  	v7 =	vld [tilespmem:s0+$0x410];
	v5 =	vadd.f32 v11, v10;
	[tilespmem:s0+$0x10] =	vst v0  }
0x72: {  	v0 =	vadd.f32 v9, v8;
	[tilespmem:s0+$0x20] =	vst v2;
	v8 =	vld [tilespmem:s0+$0x10410]  }
0x73: {  	v63 =	vadd.f32 v15, v14;
	v2 =	vld [tilespmem:s0+$0x420];
	[tilespmem:s0+$0x40] =	vst v5  }
0x74: {  	v5 =	vld [tilespmem:s0+$0x10420];
	[tilespmem:s0+$0x30] =	vst v0;
	v0 =	vadd.f32 v13, v12  }
0x75: {  	[tilespmem:s0+$0x60] =	vst v63;
	v1 =	vadd.f32 v3, v1;
	v3 =	vld [tilespmem:s0+$0x10430]  }
0x76: {  	v4 =	vadd.f32 v6, v4;
	[tilespmem:s0+$0x50] =	vst v0;
	v0 =	vld [tilespmem:s0+$0x430]  }
0x77: {  	[tilespmem:s0+$0x70] =	vst v1;
	v1 =	vld [tilespmem:s0+$0x440];
	v6 =	vadd.f32 v8, v7  }
0x78: {  	s3 =	simm.s32 $0x0;
	s4 =	simm.s32 $0x0;
	[tilespmem:s0+$0x400] =	vst v4;
	v4 =	vld [tilespmem:s0+$0x10440]  }
.LBB2_2:
0x79: {  	s2 =	sadd.s32 $0x100, s2;
	[tilespmem:s0+$0x410] =	vst v6;
	v2 =	vadd.f32 v5, v2;
	v5 =	vld [tilespmem:s0+$0x450];
	s3 =	sadd.s32 $0x800, s3  }
0x7a: {  	s4 =	sadd.s32 $0x20, s4;
	s5 =	sand.u32 $0x2000, s2;
	s6 =	sand.u32 $0x1800, s3;
	v6 =	vld [tilespmem:s0+$0x10450]  }
0x7b: {  	p0 =	slt.u32 s2, $0x3F00;
	s5 =	sor.u32 s5, s6;
	s6 =	sand.u32 $0x380, s4;
	[tilespmem:s0+$0x420] =	vst v2;
	v0 =	vadd.f32 v3, v0;
	v2 =	vld [tilespmem:s0+$0x460]  }
0x7c: {  	s5 =	sor.u32 s6, s5;
	v3 =	vld [tilespmem:s0+$0x10460]  }
0x7d: {  	v7 =	vld [tilespmem:s5+$0x470];
	[tilespmem:s0+$0x430] =	vst v0;
	v0 =	vadd.f32 v4, v1  }
0x7e: {  	v1 =	vld [tilespmem:s5+$0x10470]  }
0x7f: {  	v4 =	vld [tilespmem:s5+$0x0];
	[tilespmem:s0+$0x440] =	vst v0;
	v0 =	vadd.f32 v6, v5  }
0x80: {  	v5 =	vld [tilespmem:s5+$0x10000]  }
0x81: {  	v6 =	vld [tilespmem:s5+$0x10];
	[tilespmem:s0+$0x450] =	vst v0;
	v0 =	vadd.f32 v3, v2  }
0x82: {  	v2 =	vld [tilespmem:s5+$0x10010]  }
0x83: {  	v3 =	vld [tilespmem:s5+$0x20];
	v1 =	vadd.f32 v1, v7;
	[tilespmem:s0+$0x460] =	vst v0;
	s0 =	smov.u32 s5  }
0x84: {  	v0 =	vld [tilespmem:s0+$0x10020]  }
0x85: {  	v4 =	vadd.f32 v5, v4;
	v5 =	vld [tilespmem:s0+$0x30];
	[tilespmem:s0+$0x470] =	vst v1  }
0x86: {  	v1 =	vld [tilespmem:s0+$0x10030]  }
0x87: {  	[tilespmem:s0+$0x0] =	vst v4;
	v2 =	vadd.f32 v2, v6;
	v4 =	vld [tilespmem:s0+$0x40]  }
0x88: {  	v6 =	vld [tilespmem:s0+$0x10040]  }
0x89: {  	[tilespmem:s0+$0x10] =	vst v2;
	v0 =	vadd.f32 v0, v3;
	v2 =	vld [tilespmem:s0+$0x50]  }
0x8a: {  	v3 =	vld [tilespmem:s0+$0x10050]  }
0x8b: {  	[tilespmem:s0+$0x20] =	vst v0;
	v0 =	vadd.f32 v1, v5;
	v1 =	vld [tilespmem:s0+$0x60]  }
0x8c: {  	v5 =	vld [tilespmem:s0+$0x10060]  }
0x8d: {  	[tilespmem:s0+$0x30] =	vst v0;
	v0 =	vadd.f32 v6, v4;
	v4 =	vld [tilespmem:s0+$0x70]  }
0x8e: {  	v6 =	vld [tilespmem:s0+$0x10070]  }
0x8f: {  	[tilespmem:s0+$0x40] =	vst v0;
	v0 =	vadd.f32 v3, v2;
	v3 =	vld [tilespmem:s0+$0x400]  }
0x90: {  	v7 =	vld [tilespmem:s0+$0x10400]  }
0x91: {  	[tilespmem:s0+$0x50] =	vst v0;
	v0 =	vadd.f32 v5, v1;
	v1 =	vld [tilespmem:s0+$0x410]  }
0x92: {  	v8 =	vld [tilespmem:s0+$0x10410]  }
0x93: {  	[tilespmem:s0+$0x60] =	vst v0;
	v0 =	vadd.f32 v6, v4;
	v2 =	vld [tilespmem:s0+$0x420]  }
.Ltmp0:
0x94: {  	v5 =	vld [tilespmem:s0+$0x10420];
	(pc) =	sbr.rel @p0 .LBB2_2-.Ltmp0, $4  }
0x95: {  	[tilespmem:s0+$0x70] =	vst v0;
	v4 =	vadd.f32 v7, v3;
	v0 =	vld [tilespmem:s0+$0x430]  }
0x96: {  	v3 =	vld [tilespmem:s0+$0x10430]  }
0x97: {  	[tilespmem:s0+$0x400] =	vst v4;
	v6 =	vadd.f32 v8, v1;
	v1 =	vld [tilespmem:s0+$0x440]  }
0x98: {  	v4 =	vld [tilespmem:s0+$0x10440]  }
0x99: {  	v7 =	vld [tilespmem:s0+$0x450]  }
0x9a: {  	v8 =	vld [tilespmem:s0+$0x10450]  }
0x9b: {  	v9 =	vld [tilespmem:s0+$0x460]  }
0x9c: {  	v10 =	vld [tilespmem:s0+$0x10460]  }
0x9d: {  	v2 =	vadd.f32 v5, v2  }
0x9e: {  	[tilespmem:s0+$0x410] =	vst v6;
	v0 =	vadd.f32 v3, v0  }
0x9f: {  	[tilespmem:s0+$0x420] =	vst v2;
	v1 =	vadd.f32 v4, v1  }
0xa0: {  	[tilespmem:s0+$0x430] =	vst v0;
	v0 =	vadd.f32 v8, v7  }
0xa1: {  	[tilespmem:s0+$0x440] =	vst v1;
	v1 =	vadd.f32 v10, v9  }
0xa2: {  	[tilespmem:s0+$0x450] =	vst v0  }
0xa3: {  	[tilespmem:s0+$0x460] =	vst v1  }
0xa4: {  	s0 =	sld [smem:$0x7FC];
	_ =	sdelay $0x1  }
0xa5: {  	s2 =	simm.s32 $0x0  }
0xa6: {  	[hbm4b:s0+s2] =	stream.linear.scatter [tilespmem:s2], [sflag:$0x7], $0x4000, $0x38;
	[tilespmem:$0x18000] =	vst v63  }
0xa7: {  	_ =	swait.ge [sflag:s22], $0x4000  }
0xa8: {  	[sflag:s22] =	ssyncset.done $0x0  }
0xa9: {  	s3 =	simm.s32 $0x0;
	s4 =	rddreg [dreg:$0x8];
	[sflag:s22] =	ssyncadd.s32 $0xFFFFC000  }
0xaa: {  	[tilespmem:s2], [sflag:$0x1] =	stream.linear.gather [hbm4b:s4+s2], $0x4000, $0x38;
	[tilespmem:$0x18000] =	vst v63  }
0xab: {  	s5 =	sand.u32 $0x2000, s3;
	s4 =	sand.u32 $0x1800, s2;
	_ =	swait.ge [sflag:s23], $0x4000  }
0xac: {  	s6 =	sand.u32 $0x380, s2;
	s0 =	sor.u32 s5, s4;
	[sflag:s23] =	ssyncset.done $0x0  }
0xad: {  	s0 =	sor.u32 s6, s0;
	[sflag:s23] =	ssyncadd.s32 $0xFFFFC000  }
0xae: {  	v0 =	vld [tilespmem:s0+$0x4470]  }
0xaf: {  	v1 =	vld [tilespmem:s0+$0x10470]  }
0xb0: {  	v2 =	vld [tilespmem:s0+$0x4000]  }
0xb1: {  	v3 =	vld [tilespmem:s0+$0x10000]  }
0xb2: {  	v4 =	vld [tilespmem:s0+$0x4010]  }
0xb3: {  	v5 =	vld [tilespmem:s0+$0x10010]  }
0xb4: {  	v6 =	vld [tilespmem:s0+$0x4020]  }
0xb5: {  	v7 =	vld [tilespmem:s0+$0x10020]  }
0xb6: {  	v8 =	vld [tilespmem:s0+$0x4030]  }
0xb7: {  	v61 =	vld [tilespmem:s0+$0x10030]  }
0xb8: {  	v62 =	vld [tilespmem:s0+$0x4040]  }
0xb9: {  	v11 =	vld [tilespmem:s0+$0x10040]  }
0xba: {  	v12 =	vld [tilespmem:s0+$0x4050]  }
0xbb: {  	v13 =	vld [tilespmem:s0+$0x10050]  }
0xbc: {  	v14 =	vld [tilespmem:s0+$0x4060]  }
0xbd: {  	v15 =	vld [tilespmem:s0+$0x10060]  }
0xbe: {  	v0 =	vadd.f32 v1, v0;
	v1 =	vld [tilespmem:s0+$0x4070]  }
0xbf: {  	v2 =	vadd.f32 v3, v2;
	v3 =	vld [tilespmem:s0+$0x10070]  }
0xc0: {  	[tilespmem:s0+$0x4470] =	vst v0;
	v0 =	vadd.f32 v5, v4;
	v4 =	vld [tilespmem:s0+$0x4400]  }
0xc1: {  	[tilespmem:s0+$0x4000] =	vst v2;
	v2 =	vadd.f32 v7, v6;
	v6 =	vld [tilespmem:s0+$0x10400]  }
0xc2: {  	v7 =	vld [tilespmem:s0+$0x4410];
	v5 =	vadd.f32 v11, v62;
	[tilespmem:s0+$0x4010] =	vst v0  }
0xc3: {  	v0 =	vadd.f32 v61, v8;
	[tilespmem:s0+$0x4020] =	vst v2;
	v8 =	vld [tilespmem:s0+$0x10410]  }
0xc4: {  	v63 =	vadd.f32 v15, v14;
	v2 =	vld [tilespmem:s0+$0x4420];
	[tilespmem:s0+$0x4040] =	vst v5  }
0xc5: {  	v5 =	vld [tilespmem:s0+$0x10420];
	[tilespmem:s0+$0x4030] =	vst v0;
	v0 =	vadd.f32 v13, v12  }
0xc6: {  	[tilespmem:s0+$0x4060] =	vst v63;
	v1 =	vadd.f32 v3, v1;
	v3 =	vld [tilespmem:s0+$0x10430]  }
0xc7: {  	v4 =	vadd.f32 v6, v4;
	[tilespmem:s0+$0x4050] =	vst v0;
	v0 =	vld [tilespmem:s0+$0x4430]  }
0xc8: {  	[tilespmem:s0+$0x4070] =	vst v1;
	v1 =	vld [tilespmem:s0+$0x4440];
	v6 =	vadd.f32 v8, v7  }
0xc9: {  	s4 =	simm.s32 $0x0;
	[tilespmem:s0+$0x4400] =	vst v4;
	v4 =	vld [tilespmem:s0+$0x10440]  }
.LBB2_4:
0xca: {  	s3 =	sadd.s32 $0x100, s3;
	[tilespmem:s0+$0x4410] =	vst v6;
	v2 =	vadd.f32 v5, v2;
	v5 =	vld [tilespmem:s0+$0x4450];
	s2 =	sadd.s32 $0x800, s2  }
0xcb: {  	s4 =	sadd.s32 $0x20, s4;
	s5 =	sand.u32 $0x2000, s3;
	s6 =	sand.u32 $0x1800, s2;
	v6 =	vld [tilespmem:s0+$0x10450]  }
0xcc: {  	p0 =	slt.u32 s3, $0x3F00;
	s5 =	sor.u32 s5, s6;
	s6 =	sand.u32 $0x380, s4;
	[tilespmem:s0+$0x4420] =	vst v2;
	v0 =	vadd.f32 v3, v0;
	v2 =	vld [tilespmem:s0+$0x4460]  }
0xcd: {  	s5 =	sor.u32 s6, s5;
	v3 =	vld [tilespmem:s0+$0x10460]  }
0xce: {  	v7 =	vld [tilespmem:s5+$0x4470];
	[tilespmem:s0+$0x4430] =	vst v0;
	v0 =	vadd.f32 v4, v1  }
0xcf: {  	v1 =	vld [tilespmem:s5+$0x10470]  }
0xd0: {  	v4 =	vld [tilespmem:s5+$0x4000];
	[tilespmem:s0+$0x4440] =	vst v0;
	v0 =	vadd.f32 v6, v5  }
0xd1: {  	v5 =	vld [tilespmem:s5+$0x10000]  }
0xd2: {  	v6 =	vld [tilespmem:s5+$0x4010];
	[tilespmem:s0+$0x4450] =	vst v0;
	v0 =	vadd.f32 v3, v2  }
0xd3: {  	v2 =	vld [tilespmem:s5+$0x10010]  }
0xd4: {  	v3 =	vld [tilespmem:s5+$0x4020];
	v1 =	vadd.f32 v1, v7;
	[tilespmem:s0+$0x4460] =	vst v0;
	s0 =	smov.u32 s5  }
0xd5: {  	v0 =	vld [tilespmem:s0+$0x10020]  }
0xd6: {  	v4 =	vadd.f32 v5, v4;
	v5 =	vld [tilespmem:s0+$0x4030];
	[tilespmem:s0+$0x4470] =	vst v1  }
0xd7: {  	v1 =	vld [tilespmem:s0+$0x10030]  }
0xd8: {  	[tilespmem:s0+$0x4000] =	vst v4;
	v2 =	vadd.f32 v2, v6;
	v4 =	vld [tilespmem:s0+$0x4040]  }
0xd9: {  	v6 =	vld [tilespmem:s0+$0x10040]  }
0xda: {  	[tilespmem:s0+$0x4010] =	vst v2;
	v0 =	vadd.f32 v0, v3;
	v2 =	vld [tilespmem:s0+$0x4050]  }
0xdb: {  	v3 =	vld [tilespmem:s0+$0x10050]  }
0xdc: {  	[tilespmem:s0+$0x4020] =	vst v0;
	v0 =	vadd.f32 v1, v5;
	v1 =	vld [tilespmem:s0+$0x4060]  }
0xdd: {  	v5 =	vld [tilespmem:s0+$0x10060]  }
0xde: {  	[tilespmem:s0+$0x4030] =	vst v0;
	v0 =	vadd.f32 v6, v4;
	v4 =	vld [tilespmem:s0+$0x4070]  }
0xdf: {  	v6 =	vld [tilespmem:s0+$0x10070]  }
0xe0: {  	[tilespmem:s0+$0x4040] =	vst v0;
	v0 =	vadd.f32 v3, v2;
	v3 =	vld [tilespmem:s0+$0x4400]  }
0xe1: {  	v7 =	vld [tilespmem:s0+$0x10400]  }
0xe2: {  	[tilespmem:s0+$0x4050] =	vst v0;
	v0 =	vadd.f32 v5, v1;
	v1 =	vld [tilespmem:s0+$0x4410]  }
0xe3: {  	v8 =	vld [tilespmem:s0+$0x10410]  }
0xe4: {  	[tilespmem:s0+$0x4060] =	vst v0;
	v0 =	vadd.f32 v6, v4;
	v2 =	vld [tilespmem:s0+$0x4420]  }
.Ltmp1:
0xe5: {  	v5 =	vld [tilespmem:s0+$0x10420];
	(pc) =	sbr.rel @p0 .LBB2_4-.Ltmp1, $4  }
0xe6: {  	[tilespmem:s0+$0x4070] =	vst v0;
	v4 =	vadd.f32 v7, v3;
	v0 =	vld [tilespmem:s0+$0x4430]  }
0xe7: {  	v3 =	vld [tilespmem:s0+$0x10430]  }
0xe8: {  	[tilespmem:s0+$0x4400] =	vst v4;
	v6 =	vadd.f32 v8, v1;
	v1 =	vld [tilespmem:s0+$0x4440]  }
0xe9: {  	v4 =	vld [tilespmem:s0+$0x10440]  }
0xea: {  	v7 =	vld [tilespmem:s0+$0x4450]  }
0xeb: {  	v8 =	vld [tilespmem:s0+$0x10450]  }
0xec: {  	v9 =	vld [tilespmem:s0+$0x4460]  }
0xed: {  	v10 =	vld [tilespmem:s0+$0x10460]  }
0xee: {  	v2 =	vadd.f32 v5, v2  }
0xef: {  	[tilespmem:s0+$0x4410] =	vst v6;
	v0 =	vadd.f32 v3, v0  }
0xf0: {  	[tilespmem:s0+$0x4420] =	vst v2;
	v1 =	vadd.f32 v4, v1  }
0xf1: {  	[tilespmem:s0+$0x4430] =	vst v0;
	v0 =	vadd.f32 v8, v7  }
0xf2: {  	[tilespmem:s0+$0x4440] =	vst v1;
	v1 =	vadd.f32 v10, v9  }
0xf3: {  	[tilespmem:s0+$0x4450] =	vst v0  }
0xf4: {  	[tilespmem:s0+$0x4460] =	vst v1  }
0xf5: {  	s2 =	simm.s32 $0x0;
	s0 =	rddreg [dreg:$0x9]  }
0xf6: {  	[hbm4b:s0+s2] =	stream.linear.scatter [tilespmem:s15], [sflag:$0x8], $0x4000, $0x38;
	[tilespmem:$0x18000] =	vst v63  }
0xf7: {  	_ =	swait.ge [sflag:s24], $0x4000  }
0xf8: {  	[sflag:s24] =	ssyncset.done $0x0  }
0xf9: {  	s3 =	simm.s32 $0x0;
	s4 =	rddreg [dreg:$0xa];
	[sflag:s24] =	ssyncadd.s32 $0xFFFFC000  }
0xfa: {  	[tilespmem:s15], [sflag:$0x2] =	stream.linear.gather [hbm4b:s4+s2], $0x4000, $0x38;
	[tilespmem:$0x18000] =	vst v63  }
0xfb: {  	s5 =	sand.u32 $0x2000, s3;
	s4 =	sand.u32 $0x1800, s2;
	_ =	swait.ge [sflag:s25], $0x4000  }
0xfc: {  	s6 =	sand.u32 $0x380, s2;
	s0 =	sor.u32 s5, s4;
	[sflag:s25] =	ssyncset.done $0x0  }
0xfd: {  	s0 =	sor.u32 s6, s0;
	[sflag:s25] =	ssyncadd.s32 $0xFFFFC000  }
0xfe: {  	v0 =	vld [tilespmem:s0+$0x8470]  }
0xff: {  	v1 =	vld [tilespmem:s0+$0x10470]  }
0x100: {  	v2 =	vld [tilespmem:s0+$0x8000]  }
0x101: {  	v3 =	vld [tilespmem:s0+$0x10000]  }
0x102: {  	v4 =	vld [tilespmem:s0+$0x8010]  }
0x103: {  	v5 =	vld [tilespmem:s0+$0x10010]  }
0x104: {  	v6 =	vld [tilespmem:s0+$0x8020]  }
0x105: {  	v7 =	vld [tilespmem:s0+$0x10020]  }
0x106: {  	v8 =	vld [tilespmem:s0+$0x8030]  }
0x107: {  	v61 =	vld [tilespmem:s0+$0x10030]  }
0x108: {  	v62 =	vld [tilespmem:s0+$0x8040]  }
0x109: {  	v11 =	vld [tilespmem:s0+$0x10040]  }
0x10a: {  	v12 =	vld [tilespmem:s0+$0x8050]  }
0x10b: {  	v13 =	vld [tilespmem:s0+$0x10050]  }
0x10c: {  	v14 =	vld [tilespmem:s0+$0x8060]  }
0x10d: {  	v15 =	vld [tilespmem:s0+$0x10060]  }
0x10e: {  	v0 =	vadd.f32 v1, v0;
	v1 =	vld [tilespmem:s0+$0x8070]  }
0x10f: {  	v2 =	vadd.f32 v3, v2;
	v3 =	vld [tilespmem:s0+$0x10070]  }
0x110: {  	[tilespmem:s0+$0x8470] =	vst v0;
	v0 =	vadd.f32 v5, v4;
	v4 =	vld [tilespmem:s0+$0x8400]  }
0x111: {  	[tilespmem:s0+$0x8000] =	vst v2;
	v2 =	vadd.f32 v7, v6;
	v6 =	vld [tilespmem:s0+$0x10400]  }
0x112: {  	v7 =	vld [tilespmem:s0+$0x8410];
	v5 =	vadd.f32 v11, v62;
	[tilespmem:s0+$0x8010] =	vst v0  }
0x113: {  	v0 =	vadd.f32 v61, v8;
	[tilespmem:s0+$0x8020] =	vst v2;
	v8 =	vld [tilespmem:s0+$0x10410]  }
0x114: {  	v63 =	vadd.f32 v15, v14;
	v2 =	vld [tilespmem:s0+$0x8420];
	[tilespmem:s0+$0x8040] =	vst v5  }
0x115: {  	v5 =	vld [tilespmem:s0+$0x10420];
	[tilespmem:s0+$0x8030] =	vst v0;
	v0 =	vadd.f32 v13, v12  }
0x116: {  	[tilespmem:s0+$0x8060] =	vst v63;
	v1 =	vadd.f32 v3, v1;
	v3 =	vld [tilespmem:s0+$0x10430]  }
0x117: {  	v4 =	vadd.f32 v6, v4;
	[tilespmem:s0+$0x8050] =	vst v0;
	v0 =	vld [tilespmem:s0+$0x8430]  }
0x118: {  	[tilespmem:s0+$0x8070] =	vst v1;
	v1 =	vld [tilespmem:s0+$0x8440];
	v6 =	vadd.f32 v8, v7  }
0x119: {  	s4 =	simm.s32 $0x0;
	[tilespmem:s0+$0x8400] =	vst v4;
	v4 =	vld [tilespmem:s0+$0x10440]  }
.LBB2_6:
0x11a: {  	s3 =	sadd.s32 $0x100, s3;
	[tilespmem:s0+$0x8410] =	vst v6;
	v2 =	vadd.f32 v5, v2;
	v5 =	vld [tilespmem:s0+$0x8450];
	s2 =	sadd.s32 $0x800, s2  }
0x11b: {  	s4 =	sadd.s32 $0x20, s4;
	s5 =	sand.u32 $0x2000, s3;
	s6 =	sand.u32 $0x1800, s2;
	v6 =	vld [tilespmem:s0+$0x10450]  }
0x11c: {  	p0 =	slt.u32 s3, $0x3F00;
	s5 =	sor.u32 s5, s6;
	s6 =	sand.u32 $0x380, s4;
	[tilespmem:s0+$0x8420] =	vst v2;
	v0 =	vadd.f32 v3, v0;
	v2 =	vld [tilespmem:s0+$0x8460]  }
0x11d: {  	s5 =	sor.u32 s6, s5;
	v3 =	vld [tilespmem:s0+$0x10460]  }
0x11e: {  	v7 =	vld [tilespmem:s5+$0x8470];
	[tilespmem:s0+$0x8430] =	vst v0;
	v0 =	vadd.f32 v4, v1  }
0x11f: {  	v1 =	vld [tilespmem:s5+$0x10470]  }
0x120: {  	v4 =	vld [tilespmem:s5+$0x8000];
	[tilespmem:s0+$0x8440] =	vst v0;
	v0 =	vadd.f32 v6, v5  }
0x121: {  	v5 =	vld [tilespmem:s5+$0x10000]  }
0x122: {  	v6 =	vld [tilespmem:s5+$0x8010];
	[tilespmem:s0+$0x8450] =	vst v0;
	v0 =	vadd.f32 v3, v2  }
0x123: {  	v2 =	vld [tilespmem:s5+$0x10010]  }
0x124: {  	v3 =	vld [tilespmem:s5+$0x8020];
	v1 =	vadd.f32 v1, v7;
	[tilespmem:s0+$0x8460] =	vst v0;
	s0 =	smov.u32 s5  }
0x125: {  	v0 =	vld [tilespmem:s0+$0x10020]  }
0x126: {  	v4 =	vadd.f32 v5, v4;
	v5 =	vld [tilespmem:s0+$0x8030];
	[tilespmem:s0+$0x8470] =	vst v1  }
0x127: {  	v1 =	vld [tilespmem:s0+$0x10030]  }
0x128: {  	[tilespmem:s0+$0x8000] =	vst v4;
	v2 =	vadd.f32 v2, v6;
	v4 =	vld [tilespmem:s0+$0x8040]  }
0x129: {  	v6 =	vld [tilespmem:s0+$0x10040]  }
0x12a: {  	[tilespmem:s0+$0x8010] =	vst v2;
	v0 =	vadd.f32 v0, v3;
	v2 =	vld [tilespmem:s0+$0x8050]  }
0x12b: {  	v3 =	vld [tilespmem:s0+$0x10050]  }
0x12c: {  	[tilespmem:s0+$0x8020] =	vst v0;
	v0 =	vadd.f32 v1, v5;
	v1 =	vld [tilespmem:s0+$0x8060]  }
0x12d: {  	v5 =	vld [tilespmem:s0+$0x10060]  }
0x12e: {  	[tilespmem:s0+$0x8030] =	vst v0;
	v0 =	vadd.f32 v6, v4;
	v4 =	vld [tilespmem:s0+$0x8070]  }
0x12f: {  	v6 =	vld [tilespmem:s0+$0x10070]  }
0x130: {  	[tilespmem:s0+$0x8040] =	vst v0;
	v0 =	vadd.f32 v3, v2;
	v3 =	vld [tilespmem:s0+$0x8400]  }
0x131: {  	v7 =	vld [tilespmem:s0+$0x10400]  }
0x132: {  	[tilespmem:s0+$0x8050] =	vst v0;
	v0 =	vadd.f32 v5, v1;
	v1 =	vld [tilespmem:s0+$0x8410]  }
0x133: {  	v8 =	vld [tilespmem:s0+$0x10410]  }
0x134: {  	[tilespmem:s0+$0x8060] =	vst v0;
	v0 =	vadd.f32 v6, v4;
	v2 =	vld [tilespmem:s0+$0x8420]  }
.Ltmp2:
0x135: {  	v5 =	vld [tilespmem:s0+$0x10420];
	(pc) =	sbr.rel @p0 .LBB2_6-.Ltmp2, $4  }
0x136: {  	[tilespmem:s0+$0x8070] =	vst v0;
	v4 =	vadd.f32 v7, v3;
	v0 =	vld [tilespmem:s0+$0x8430]  }
0x137: {  	v3 =	vld [tilespmem:s0+$0x10430]  }
0x138: {  	[tilespmem:s0+$0x8400] =	vst v4;
	v6 =	vadd.f32 v8, v1;
	v1 =	vld [tilespmem:s0+$0x8440]  }
0x139: {  	v4 =	vld [tilespmem:s0+$0x10440]  }
0x13a: {  	v7 =	vld [tilespmem:s0+$0x8450]  }
0x13b: {  	v8 =	vld [tilespmem:s0+$0x10450]  }
0x13c: {  	v9 =	vld [tilespmem:s0+$0x8460]  }
0x13d: {  	v10 =	vld [tilespmem:s0+$0x10460]  }
0x13e: {  	v2 =	vadd.f32 v5, v2  }
0x13f: {  	[tilespmem:s0+$0x8410] =	vst v6;
	v0 =	vadd.f32 v3, v0  }
0x140: {  	[tilespmem:s0+$0x8420] =	vst v2;
	v1 =	vadd.f32 v4, v1  }
0x141: {  	[tilespmem:s0+$0x8430] =	vst v0;
	v0 =	vadd.f32 v8, v7  }
0x142: {  	[tilespmem:s0+$0x8440] =	vst v1;
	v1 =	vadd.f32 v10, v9  }
0x143: {  	[tilespmem:s0+$0x8450] =	vst v0  }
0x144: {  	[tilespmem:s0+$0x8460] =	vst v1  }
0x145: {  	s2 =	simm.s32 $0x0;
	s0 =	rddreg [dreg:$0xb]  }
0x146: {  	[hbm4b:s0+s2] =	stream.linear.scatter [tilespmem:s16], [sflag:$0x9], $0x4000, $0x38;
	[tilespmem:$0x18000] =	vst v63  }
0x147: {  	_ =	swait.ge [sflag:s26], $0x4000  }
0x148: {  	[sflag:s26] =	ssyncset.done $0x0  }
0x149: {  	s3 =	simm.s32 $0x0;
	s4 =	rddreg [dreg:$0xc];
	[sflag:s26] =	ssyncadd.s32 $0xFFFFC000  }
0x14a: {  	[tilespmem:s16], [sflag:$0x3] =	stream.linear.gather [hbm4b:s4+s2], $0x4000, $0x38;
	[tilespmem:$0x18000] =	vst v63  }
0x14b: {  	s5 =	sand.u32 $0x2000, s3;
	s4 =	sand.u32 $0x1800, s2;
	_ =	swait.ge [sflag:s28], $0x4000  }
0x14c: {  	s6 =	sand.u32 $0x380, s2;
	s0 =	sor.u32 s5, s4;
	[sflag:s28] =	ssyncset.done $0x0  }
0x14d: {  	s0 =	sor.u32 s6, s0;
	[sflag:s28] =	ssyncadd.s32 $0xFFFFC000  }
0x14e: {  	v0 =	vld [tilespmem:s0+$0xC470]  }
0x14f: {  	v1 =	vld [tilespmem:s0+$0x10470]  }
0x150: {  	v2 =	vld [tilespmem:s0+$0xC000]  }
0x151: {  	v3 =	vld [tilespmem:s0+$0x10000]  }
0x152: {  	v4 =	vld [tilespmem:s0+$0xC010]  }
0x153: {  	v5 =	vld [tilespmem:s0+$0x10010]  }
0x154: {  	v6 =	vld [tilespmem:s0+$0xC020]  }
0x155: {  	v7 =	vld [tilespmem:s0+$0x10020]  }
0x156: {  	v8 =	vld [tilespmem:s0+$0xC030]  }
0x157: {  	v61 =	vld [tilespmem:s0+$0x10030]  }
0x158: {  	v62 =	vld [tilespmem:s0+$0xC040]  }
0x159: {  	v11 =	vld [tilespmem:s0+$0x10040]  }
0x15a: {  	v12 =	vld [tilespmem:s0+$0xC050]  }
0x15b: {  	v13 =	vld [tilespmem:s0+$0x10050]  }
0x15c: {  	v14 =	vld [tilespmem:s0+$0xC060]  }
0x15d: {  	v15 =	vld [tilespmem:s0+$0x10060]  }
0x15e: {  	v0 =	vadd.f32 v1, v0;
	v1 =	vld [tilespmem:s0+$0xC070]  }
0x15f: {  	v2 =	vadd.f32 v3, v2;
	v3 =	vld [tilespmem:s0+$0x10070]  }
0x160: {  	[tilespmem:s0+$0xC470] =	vst v0;
	v0 =	vadd.f32 v5, v4;
	v4 =	vld [tilespmem:s0+$0xC400]  }
0x161: {  	[tilespmem:s0+$0xC000] =	vst v2;
	v2 =	vadd.f32 v7, v6;
	v6 =	vld [tilespmem:s0+$0x10400]  }
0x162: {  	v7 =	vld [tilespmem:s0+$0xC410];
	v5 =	vadd.f32 v11, v62;
	[tilespmem:s0+$0xC010] =	vst v0  }
0x163: {  	v0 =	vadd.f32 v61, v8;
	[tilespmem:s0+$0xC020] =	vst v2;
	v8 =	vld [tilespmem:s0+$0x10410]  }
0x164: {  	v63 =	vadd.f32 v15, v14;
	v2 =	vld [tilespmem:s0+$0xC420];
	[tilespmem:s0+$0xC040] =	vst v5  }
0x165: {  	v5 =	vld [tilespmem:s0+$0x10420];
	[tilespmem:s0+$0xC030] =	vst v0;
	v0 =	vadd.f32 v13, v12  }
0x166: {  	[tilespmem:s0+$0xC060] =	vst v63;
	v1 =	vadd.f32 v3, v1;
	v3 =	vld [tilespmem:s0+$0x10430]  }
0x167: {  	v4 =	vadd.f32 v6, v4;
	[tilespmem:s0+$0xC050] =	vst v0;
	v0 =	vld [tilespmem:s0+$0xC430]  }
0x168: {  	[tilespmem:s0+$0xC070] =	vst v1;
	v1 =	vld [tilespmem:s0+$0xC440];
	v6 =	vadd.f32 v8, v7  }
0x169: {  	s4 =	simm.s32 $0x0;
	[tilespmem:s0+$0xC400] =	vst v4;
	v4 =	vld [tilespmem:s0+$0x10440]  }
.LBB2_8:
0x16a: {  	s3 =	sadd.s32 $0x100, s3;
	[tilespmem:s0+$0xC410] =	vst v6;
	v2 =	vadd.f32 v5, v2;
	v5 =	vld [tilespmem:s0+$0xC450];
	s2 =	sadd.s32 $0x800, s2  }
0x16b: {  	s4 =	sadd.s32 $0x20, s4;
	s5 =	sand.u32 $0x2000, s3;
	s6 =	sand.u32 $0x1800, s2;
	v6 =	vld [tilespmem:s0+$0x10450]  }
0x16c: {  	p0 =	slt.u32 s3, $0x3F00;
	s5 =	sor.u32 s5, s6;
	s6 =	sand.u32 $0x380, s4;
	[tilespmem:s0+$0xC420] =	vst v2;
	v0 =	vadd.f32 v3, v0;
	v2 =	vld [tilespmem:s0+$0xC460]  }
0x16d: {  	s5 =	sor.u32 s6, s5;
	v3 =	vld [tilespmem:s0+$0x10460]  }
0x16e: {  	v7 =	vld [tilespmem:s5+$0xC470];
	[tilespmem:s0+$0xC430] =	vst v0;
	v0 =	vadd.f32 v4, v1  }
0x16f: {  	v1 =	vld [tilespmem:s5+$0x10470]  }
0x170: {  	v4 =	vld [tilespmem:s5+$0xC000];
	[tilespmem:s0+$0xC440] =	vst v0;
	v0 =	vadd.f32 v6, v5  }
0x171: {  	v5 =	vld [tilespmem:s5+$0x10000]  }
0x172: {  	v6 =	vld [tilespmem:s5+$0xC010];
	[tilespmem:s0+$0xC450] =	vst v0;
	v0 =	vadd.f32 v3, v2  }
0x173: {  	v2 =	vld [tilespmem:s5+$0x10010]  }
0x174: {  	v3 =	vld [tilespmem:s5+$0xC020];
	v1 =	vadd.f32 v1, v7;
	[tilespmem:s0+$0xC460] =	vst v0;
	s0 =	smov.u32 s5  }
0x175: {  	v0 =	vld [tilespmem:s0+$0x10020]  }
0x176: {  	v4 =	vadd.f32 v5, v4;
	v5 =	vld [tilespmem:s0+$0xC030];
	[tilespmem:s0+$0xC470] =	vst v1  }
0x177: {  	v1 =	vld [tilespmem:s0+$0x10030]  }
0x178: {  	[tilespmem:s0+$0xC000] =	vst v4;
	v2 =	vadd.f32 v2, v6;
	v4 =	vld [tilespmem:s0+$0xC040]  }
0x179: {  	v6 =	vld [tilespmem:s0+$0x10040]  }
0x17a: {  	[tilespmem:s0+$0xC010] =	vst v2;
	v0 =	vadd.f32 v0, v3;
	v2 =	vld [tilespmem:s0+$0xC050]  }
0x17b: {  	v3 =	vld [tilespmem:s0+$0x10050]  }
0x17c: {  	[tilespmem:s0+$0xC020] =	vst v0;
	v0 =	vadd.f32 v1, v5;
	v1 =	vld [tilespmem:s0+$0xC060]  }
0x17d: {  	v5 =	vld [tilespmem:s0+$0x10060]  }
0x17e: {  	[tilespmem:s0+$0xC030] =	vst v0;
	v0 =	vadd.f32 v6, v4;
	v4 =	vld [tilespmem:s0+$0xC070]  }
0x17f: {  	v6 =	vld [tilespmem:s0+$0x10070]  }
0x180: {  	[tilespmem:s0+$0xC040] =	vst v0;
	v0 =	vadd.f32 v3, v2;
	v3 =	vld [tilespmem:s0+$0xC400]  }
0x181: {  	v7 =	vld [tilespmem:s0+$0x10400]  }
0x182: {  	[tilespmem:s0+$0xC050] =	vst v0;
	v0 =	vadd.f32 v5, v1;
	v1 =	vld [tilespmem:s0+$0xC410]  }
0x183: {  	v8 =	vld [tilespmem:s0+$0x10410]  }
0x184: {  	[tilespmem:s0+$0xC060] =	vst v0;
	v0 =	vadd.f32 v6, v4;
	v2 =	vld [tilespmem:s0+$0xC420]  }
.Ltmp3:
0x185: {  	v5 =	vld [tilespmem:s0+$0x10420];
	(pc) =	sbr.rel @p0 .LBB2_8-.Ltmp3, $4  }
0x186: {  	[tilespmem:s0+$0xC070] =	vst v0;
	v4 =	vadd.f32 v7, v3;
	v0 =	vld [tilespmem:s0+$0xC430]  }
0x187: {  	v3 =	vld [tilespmem:s0+$0x10430]  }
0x188: {  	[tilespmem:s0+$0xC400] =	vst v4;
	v6 =	vadd.f32 v8, v1;
	v1 =	vld [tilespmem:s0+$0xC440]  }
0x189: {  	v4 =	vld [tilespmem:s0+$0x10440]  }
0x18a: {  	v7 =	vld [tilespmem:s0+$0xC450]  }
0x18b: {  	v8 =	vld [tilespmem:s0+$0x10450]  }
0x18c: {  	v9 =	vld [tilespmem:s0+$0xC460]  }
0x18d: {  	v10 =	vld [tilespmem:s0+$0x10460]  }
0x18e: {  	v2 =	vadd.f32 v5, v2  }
0x18f: {  	[tilespmem:s0+$0xC410] =	vst v6;
	v0 =	vadd.f32 v3, v0  }
0x190: {  	[tilespmem:s0+$0xC420] =	vst v2;
	v1 =	vadd.f32 v4, v1  }
0x191: {  	[tilespmem:s0+$0xC430] =	vst v0;
	v0 =	vadd.f32 v8, v7  }
0x192: {  	[tilespmem:s0+$0xC440] =	vst v1;
	v1 =	vadd.f32 v10, v9  }
0x193: {  	[tilespmem:s0+$0xC450] =	vst v0  }
0x194: {  	[tilespmem:s0+$0xC460] =	vst v1  }
0x195: {  	s0 =	simm.s32 $0x0;
	s2 =	rddreg [dreg:$0xd]  }
0x196: {  	[hbm4b:s2+s0] =	stream.linear.scatter [tilespmem:s19], [sflag:$0xA], $0x4000, $0x38;
	[tilespmem:$0x18000] =	vst v63  }
0x197: {  	s3 =	rddreg [dreg:$0xe]  }
0x198: {  	[tilespmem:s17], [sflag:$0x5] =	stream.linear.gather [hbm4b:s3+s0], $0x4000, $0x38;
	[tilespmem:$0x18000] =	vst v63  }
0x199: {  	_ =	swait.ge [sflag:s29], $0x4000  }
0x19a: {  	[sflag:s29] =	ssyncset.done $0x0  }
0x19b: {  	s4 =	rddreg [dreg:$0xf];
	[sflag:s29] =	ssyncadd.s32 $0xFFFFC000  }
0x19c: {  	[tilespmem:s19], [sflag:$0x4] =	stream.linear.gather [hbm4b:s4+s0], $0x4000, $0x38;
	[tilespmem:$0x18000] =	vst v63  }
0x19d: {  	_ =	swait.ge [sflag:s30], $0x4000  }
0x19e: {  	[sflag:s30] =	ssyncset.done $0x0  }
0x19f: {  	s3 =	simm.s32 $0x0;
	[sflag:s30] =	ssyncadd.s32 $0xFFFFC000  }
0x1a0: {  	s5 =	sand.u32 $0x2000, s3;
	s4 =	sand.u32 $0x1800, s0;
	_ =	swait.ge [sflag:s21], $0x4000  }
0x1a1: {  	s6 =	sand.u32 $0x380, s0;
	s2 =	sor.u32 s5, s4;
	[sflag:s21] =	ssyncset.done $0x0  }
0x1a2: {  	s2 =	sor.u32 s6, s2;
	[sflag:s21] =	ssyncadd.s32 $0xFFFFC000  }
0x1a3: {  	v0 =	vld [tilespmem:s2+$0x470]  }
0x1a4: {  	v1 =	vld [tilespmem:s2+$0x14470]  }
0x1a5: {  	v2 =	vld [tilespmem:s2+$0x0]  }
0x1a6: {  	v3 =	vld [tilespmem:s2+$0x14000]  }
0x1a7: {  	v4 =	vld [tilespmem:s2+$0x10]  }
0x1a8: {  	v5 =	vld [tilespmem:s2+$0x14010]  }
0x1a9: {  	v6 =	vld [tilespmem:s2+$0x20]  }
0x1aa: {  	v7 =	vld [tilespmem:s2+$0x14020]  }
0x1ab: {  	v8 =	vld [tilespmem:s2+$0x30]  }
0x1ac: {  	v61 =	vld [tilespmem:s2+$0x14030]  }
0x1ad: {  	v62 =	vld [tilespmem:s2+$0x40]  }
0x1ae: {  	v11 =	vld [tilespmem:s2+$0x14040]  }
0x1af: {  	v12 =	vld [tilespmem:s2+$0x50]  }
0x1b0: {  	v13 =	vld [tilespmem:s2+$0x14050]  }
0x1b1: {  	v14 =	vld [tilespmem:s2+$0x60]  }
0x1b2: {  	v15 =	vld [tilespmem:s2+$0x14060]  }
0x1b3: {  	v0 =	vadd.f32 v1, v0;
	v1 =	vld [tilespmem:s2+$0x70]  }
0x1b4: {  	v2 =	vadd.f32 v3, v2;
	v3 =	vld [tilespmem:s2+$0x14070]  }
0x1b5: {  	[tilespmem:s2+$0x470] =	vst v0;
	v0 =	vadd.f32 v5, v4;
	v4 =	vld [tilespmem:s2+$0x400]  }
0x1b6: {  	[tilespmem:s2+$0x0] =	vst v2;
	v2 =	vadd.f32 v7, v6;
	v6 =	vld [tilespmem:s2+$0x14400]  }
0x1b7: {  	v7 =	vld [tilespmem:s2+$0x410];
	v5 =	vadd.f32 v11, v62;
	[tilespmem:s2+$0x10] =	vst v0  }
0x1b8: {  	v0 =	vadd.f32 v61, v8;
	[tilespmem:s2+$0x20] =	vst v2;
	v8 =	vld [tilespmem:s2+$0x14410]  }
0x1b9: {  	v63 =	vadd.f32 v15, v14;
	v2 =	vld [tilespmem:s2+$0x420];
	[tilespmem:s2+$0x40] =	vst v5  }
0x1ba: {  	v5 =	vld [tilespmem:s2+$0x14420];
	[tilespmem:s2+$0x30] =	vst v0;
	v0 =	vadd.f32 v13, v12  }
0x1bb: {  	[tilespmem:s2+$0x60] =	vst v63;
	v1 =	vadd.f32 v3, v1;
	v3 =	vld [tilespmem:s2+$0x14430]  }
0x1bc: {  	v4 =	vadd.f32 v6, v4;
	[tilespmem:s2+$0x50] =	vst v0;
	v0 =	vld [tilespmem:s2+$0x430]  }
0x1bd: {  	[tilespmem:s2+$0x70] =	vst v1;
	v1 =	vld [tilespmem:s2+$0x440];
	v6 =	vadd.f32 v8, v7  }
0x1be: {  	s4 =	simm.s32 $0x0;
	[tilespmem:s2+$0x400] =	vst v4;
	v4 =	vld [tilespmem:s2+$0x14440]  }
.LBB2_10:
0x1bf: {  	s3 =	sadd.s32 $0x100, s3;
	[tilespmem:s2+$0x410] =	vst v6;
	v2 =	vadd.f32 v5, v2;
	v5 =	vld [tilespmem:s2+$0x450];
	s0 =	sadd.s32 $0x800, s0  }
0x1c0: {  	s4 =	sadd.s32 $0x20, s4;
	s5 =	sand.u32 $0x2000, s3;
	s6 =	sand.u32 $0x1800, s0;
	v6 =	vld [tilespmem:s2+$0x14450]  }
0x1c1: {  	p0 =	slt.u32 s3, $0x3F00;
	s5 =	sor.u32 s5, s6;
	s6 =	sand.u32 $0x380, s4;
	[tilespmem:s2+$0x420] =	vst v2;
	v0 =	vadd.f32 v3, v0;
	v2 =	vld [tilespmem:s2+$0x460]  }
0x1c2: {  	s5 =	sor.u32 s6, s5;
	v3 =	vld [tilespmem:s2+$0x14460]  }
0x1c3: {  	v7 =	vld [tilespmem:s5+$0x470];
	[tilespmem:s2+$0x430] =	vst v0;
	v0 =	vadd.f32 v4, v1  }
0x1c4: {  	v1 =	vld [tilespmem:s5+$0x14470]  }
0x1c5: {  	v4 =	vld [tilespmem:s5+$0x0];
	[tilespmem:s2+$0x440] =	vst v0;
	v0 =	vadd.f32 v6, v5  }
0x1c6: {  	v5 =	vld [tilespmem:s5+$0x14000]  }
0x1c7: {  	v6 =	vld [tilespmem:s5+$0x10];
	[tilespmem:s2+$0x450] =	vst v0;
	v0 =	vadd.f32 v3, v2  }
0x1c8: {  	v2 =	vld [tilespmem:s5+$0x14010]  }
0x1c9: {  	v3 =	vld [tilespmem:s5+$0x20];
	v1 =	vadd.f32 v1, v7;
	[tilespmem:s2+$0x460] =	vst v0;
	s2 =	smov.u32 s5  }
0x1ca: {  	v0 =	vld [tilespmem:s2+$0x14020]  }
0x1cb: {  	v4 =	vadd.f32 v5, v4;
	v5 =	vld [tilespmem:s2+$0x30];
	[tilespmem:s2+$0x470] =	vst v1  }
0x1cc: {  	v1 =	vld [tilespmem:s2+$0x14030]  }
0x1cd: {  	[tilespmem:s2+$0x0] =	vst v4;
	v2 =	vadd.f32 v2, v6;
	v4 =	vld [tilespmem:s2+$0x40]  }
0x1ce: {  	v6 =	vld [tilespmem:s2+$0x14040]  }
0x1cf: {  	[tilespmem:s2+$0x10] =	vst v2;
	v0 =	vadd.f32 v0, v3;
	v2 =	vld [tilespmem:s2+$0x50]  }
0x1d0: {  	v3 =	vld [tilespmem:s2+$0x14050]  }
0x1d1: {  	[tilespmem:s2+$0x20] =	vst v0;
	v0 =	vadd.f32 v1, v5;
	v1 =	vld [tilespmem:s2+$0x60]  }
0x1d2: {  	v5 =	vld [tilespmem:s2+$0x14060]  }
0x1d3: {  	[tilespmem:s2+$0x30] =	vst v0;
	v0 =	vadd.f32 v6, v4;
	v4 =	vld [tilespmem:s2+$0x70]  }
0x1d4: {  	v6 =	vld [tilespmem:s2+$0x14070]  }
0x1d5: {  	[tilespmem:s2+$0x40] =	vst v0;
	v0 =	vadd.f32 v3, v2;
	v3 =	vld [tilespmem:s2+$0x400]  }
0x1d6: {  	v7 =	vld [tilespmem:s2+$0x14400]  }
0x1d7: {  	[tilespmem:s2+$0x50] =	vst v0;
	v0 =	vadd.f32 v5, v1;
	v1 =	vld [tilespmem:s2+$0x410]  }
0x1d8: {  	v8 =	vld [tilespmem:s2+$0x14410]  }
0x1d9: {  	[tilespmem:s2+$0x60] =	vst v0;
	v0 =	vadd.f32 v6, v4;
	v2 =	vld [tilespmem:s2+$0x420]  }
.Ltmp4:
0x1da: {  	v5 =	vld [tilespmem:s2+$0x14420];
	(pc) =	sbr.rel @p0 .LBB2_10-.Ltmp4, $4  }
0x1db: {  	[tilespmem:s2+$0x70] =	vst v0;
	v4 =	vadd.f32 v7, v3;
	v0 =	vld [tilespmem:s2+$0x430]  }
0x1dc: {  	v3 =	vld [tilespmem:s2+$0x14430]  }
0x1dd: {  	[tilespmem:s2+$0x400] =	vst v4;
	v6 =	vadd.f32 v8, v1;
	v1 =	vld [tilespmem:s2+$0x440]  }
0x1de: {  	v4 =	vld [tilespmem:s2+$0x14440]  }
0x1df: {  	v7 =	vld [tilespmem:s2+$0x450]  }
0x1e0: {  	v8 =	vld [tilespmem:s2+$0x14450]  }
0x1e1: {  	v9 =	vld [tilespmem:s2+$0x460]  }
0x1e2: {  	v10 =	vld [tilespmem:s2+$0x14460]  }
0x1e3: {  	v2 =	vadd.f32 v5, v2  }
0x1e4: {  	[tilespmem:s2+$0x410] =	vst v6;
	v0 =	vadd.f32 v3, v0  }
0x1e5: {  	[tilespmem:s2+$0x420] =	vst v2;
	v1 =	vadd.f32 v4, v1  }
0x1e6: {  	[tilespmem:s2+$0x430] =	vst v0;
	v0 =	vadd.f32 v8, v7  }
0x1e7: {  	[tilespmem:s2+$0x440] =	vst v1;
	v1 =	vadd.f32 v10, v9  }
0x1e8: {  	[tilespmem:s2+$0x450] =	vst v0  }
0x1e9: {  	[tilespmem:s2+$0x460] =	vst v1  }
0x1ea: {  	s2 =	simm.s32 $0x0;
	s0 =	rddreg [dreg:$0x10]  }
0x1eb: {  	[hbm4b:s0+s2] =	stream.linear.scatter [tilespmem:s2], [sflag:$0x7], $0x4000, $0x38;
	[tilespmem:$0x18000] =	vst v63  }
0x1ec: {  	_ =	swait.ge [sflag:s22], $0x4000  }
0x1ed: {  	[sflag:s22] =	ssyncset.done $0x0  }
0x1ee: {  	s3 =	simm.s32 $0x0;
	s4 =	rddreg [dreg:$0x11];
	[sflag:s22] =	ssyncadd.s32 $0xFFFFC000  }
0x1ef: {  	[tilespmem:s2], [sflag:$0x1] =	stream.linear.gather [hbm4b:s4+s2], $0x4000, $0x38;
	[tilespmem:$0x18000] =	vst v63  }
0x1f0: {  	s5 =	sand.u32 $0x2000, s3;
	s4 =	sand.u32 $0x1800, s2;
	_ =	swait.ge [sflag:s23], $0x4000  }
0x1f1: {  	s6 =	sand.u32 $0x380, s2;
	s0 =	sor.u32 s5, s4;
	[sflag:s23] =	ssyncset.done $0x0  }
0x1f2: {  	s0 =	sor.u32 s6, s0;
	[sflag:s23] =	ssyncadd.s32 $0xFFFFC000  }
0x1f3: {  	v0 =	vld [tilespmem:s0+$0x4470]  }
0x1f4: {  	v1 =	vld [tilespmem:s0+$0x14470]  }
0x1f5: {  	v2 =	vld [tilespmem:s0+$0x4000]  }
0x1f6: {  	v3 =	vld [tilespmem:s0+$0x14000]  }
0x1f7: {  	v4 =	vld [tilespmem:s0+$0x4010]  }
0x1f8: {  	v5 =	vld [tilespmem:s0+$0x14010]  }
0x1f9: {  	v6 =	vld [tilespmem:s0+$0x4020]  }
0x1fa: {  	v7 =	vld [tilespmem:s0+$0x14020]  }
0x1fb: {  	v8 =	vld [tilespmem:s0+$0x4030]  }
0x1fc: {  	v61 =	vld [tilespmem:s0+$0x14030]  }
0x1fd: {  	v62 =	vld [tilespmem:s0+$0x4040]  }
0x1fe: {  	v11 =	vld [tilespmem:s0+$0x14040]  }
0x1ff: {  	v12 =	vld [tilespmem:s0+$0x4050]  }
0x200: {  	v13 =	vld [tilespmem:s0+$0x14050]  }
0x201: {  	v14 =	vld [tilespmem:s0+$0x4060]  }
0x202: {  	v15 =	vld [tilespmem:s0+$0x14060]  }
0x203: {  	v0 =	vadd.f32 v1, v0;
	v1 =	vld [tilespmem:s0+$0x4070]  }
0x204: {  	v2 =	vadd.f32 v3, v2;
	v3 =	vld [tilespmem:s0+$0x14070]  }
0x205: {  	[tilespmem:s0+$0x4470] =	vst v0;
	v0 =	vadd.f32 v5, v4;
	v4 =	vld [tilespmem:s0+$0x4400]  }
0x206: {  	[tilespmem:s0+$0x4000] =	vst v2;
	v2 =	vadd.f32 v7, v6;
	v6 =	vld [tilespmem:s0+$0x14400]  }
0x207: {  	v7 =	vld [tilespmem:s0+$0x4410];
	v5 =	vadd.f32 v11, v62;
	[tilespmem:s0+$0x4010] =	vst v0  }
0x208: {  	v0 =	vadd.f32 v61, v8;
	[tilespmem:s0+$0x4020] =	vst v2;
	v8 =	vld [tilespmem:s0+$0x14410]  }
0x209: {  	v63 =	vadd.f32 v15, v14;
	v2 =	vld [tilespmem:s0+$0x4420];
	[tilespmem:s0+$0x4040] =	vst v5  }
0x20a: {  	v5 =	vld [tilespmem:s0+$0x14420];
	[tilespmem:s0+$0x4030] =	vst v0;
	v0 =	vadd.f32 v13, v12  }
0x20b: {  	[tilespmem:s0+$0x4060] =	vst v63;
	v1 =	vadd.f32 v3, v1;
	v3 =	vld [tilespmem:s0+$0x14430]  }
0x20c: {  	v4 =	vadd.f32 v6, v4;
	[tilespmem:s0+$0x4050] =	vst v0;
	v0 =	vld [tilespmem:s0+$0x4430]  }
0x20d: {  	[tilespmem:s0+$0x4070] =	vst v1;
	v1 =	vld [tilespmem:s0+$0x4440];
	v6 =	vadd.f32 v8, v7  }
0x20e: {  	s4 =	simm.s32 $0x0;
	[tilespmem:s0+$0x4400] =	vst v4;
	v4 =	vld [tilespmem:s0+$0x14440]  }
.LBB2_12:
0x20f: {  	s3 =	sadd.s32 $0x100, s3;
	[tilespmem:s0+$0x4410] =	vst v6;
	v2 =	vadd.f32 v5, v2;
	v5 =	vld [tilespmem:s0+$0x4450];
	s2 =	sadd.s32 $0x800, s2  }
0x210: {  	s4 =	sadd.s32 $0x20, s4;
	s5 =	sand.u32 $0x2000, s3;
	s6 =	sand.u32 $0x1800, s2;
	v6 =	vld [tilespmem:s0+$0x14450]  }
0x211: {  	p0 =	slt.u32 s3, $0x3F00;
	s5 =	sor.u32 s5, s6;
	s6 =	sand.u32 $0x380, s4;
	[tilespmem:s0+$0x4420] =	vst v2;
	v0 =	vadd.f32 v3, v0;
	v2 =	vld [tilespmem:s0+$0x4460]  }
0x212: {  	s5 =	sor.u32 s6, s5;
	v3 =	vld [tilespmem:s0+$0x14460]  }
0x213: {  	v7 =	vld [tilespmem:s5+$0x4470];
	[tilespmem:s0+$0x4430] =	vst v0;
	v0 =	vadd.f32 v4, v1  }
0x214: {  	v1 =	vld [tilespmem:s5+$0x14470]  }
0x215: {  	v4 =	vld [tilespmem:s5+$0x4000];
	[tilespmem:s0+$0x4440] =	vst v0;
	v0 =	vadd.f32 v6, v5  }
0x216: {  	v5 =	vld [tilespmem:s5+$0x14000]  }
0x217: {  	v6 =	vld [tilespmem:s5+$0x4010];
	[tilespmem:s0+$0x4450] =	vst v0;
	v0 =	vadd.f32 v3, v2  }
0x218: {  	v2 =	vld [tilespmem:s5+$0x14010]  }
0x219: {  	v3 =	vld [tilespmem:s5+$0x4020];
	v1 =	vadd.f32 v1, v7;
	[tilespmem:s0+$0x4460] =	vst v0;
	s0 =	smov.u32 s5  }
0x21a: {  	v0 =	vld [tilespmem:s0+$0x14020]  }
0x21b: {  	v4 =	vadd.f32 v5, v4;
	v5 =	vld [tilespmem:s0+$0x4030];
	[tilespmem:s0+$0x4470] =	vst v1  }
0x21c: {  	v1 =	vld [tilespmem:s0+$0x14030]  }
0x21d: {  	[tilespmem:s0+$0x4000] =	vst v4;
	v2 =	vadd.f32 v2, v6;
	v4 =	vld [tilespmem:s0+$0x4040]  }
0x21e: {  	v6 =	vld [tilespmem:s0+$0x14040]  }
0x21f: {  	[tilespmem:s0+$0x4010] =	vst v2;
	v0 =	vadd.f32 v0, v3;
	v2 =	vld [tilespmem:s0+$0x4050]  }
0x220: {  	v3 =	vld [tilespmem:s0+$0x14050]  }
0x221: {  	[tilespmem:s0+$0x4020] =	vst v0;
	v0 =	vadd.f32 v1, v5;
	v1 =	vld [tilespmem:s0+$0x4060]  }
0x222: {  	v5 =	vld [tilespmem:s0+$0x14060]  }
0x223: {  	[tilespmem:s0+$0x4030] =	vst v0;
	v0 =	vadd.f32 v6, v4;
	v4 =	vld [tilespmem:s0+$0x4070]  }
0x224: {  	v6 =	vld [tilespmem:s0+$0x14070]  }
0x225: {  	[tilespmem:s0+$0x4040] =	vst v0;
	v0 =	vadd.f32 v3, v2;
	v3 =	vld [tilespmem:s0+$0x4400]  }
0x226: {  	v7 =	vld [tilespmem:s0+$0x14400]  }
0x227: {  	[tilespmem:s0+$0x4050] =	vst v0;
	v0 =	vadd.f32 v5, v1;
	v1 =	vld [tilespmem:s0+$0x4410]  }
0x228: {  	v8 =	vld [tilespmem:s0+$0x14410]  }
0x229: {  	[tilespmem:s0+$0x4060] =	vst v0;
	v0 =	vadd.f32 v6, v4;
	v2 =	vld [tilespmem:s0+$0x4420]  }
.Ltmp5:
0x22a: {  	v5 =	vld [tilespmem:s0+$0x14420];
	(pc) =	sbr.rel @p0 .LBB2_12-.Ltmp5, $4  }
0x22b: {  	[tilespmem:s0+$0x4070] =	vst v0;
	v4 =	vadd.f32 v7, v3;
	v0 =	vld [tilespmem:s0+$0x4430]  }
0x22c: {  	v3 =	vld [tilespmem:s0+$0x14430]  }
0x22d: {  	[tilespmem:s0+$0x4400] =	vst v4;
	v6 =	vadd.f32 v8, v1;
	v1 =	vld [tilespmem:s0+$0x4440]  }
0x22e: {  	v4 =	vld [tilespmem:s0+$0x14440]  }
0x22f: {  	v7 =	vld [tilespmem:s0+$0x4450]  }
0x230: {  	v8 =	vld [tilespmem:s0+$0x14450]  }
0x231: {  	v9 =	vld [tilespmem:s0+$0x4460]  }
0x232: {  	v10 =	vld [tilespmem:s0+$0x14460]  }
0x233: {  	v2 =	vadd.f32 v5, v2  }
0x234: {  	[tilespmem:s0+$0x4410] =	vst v6;
	v0 =	vadd.f32 v3, v0  }
0x235: {  	[tilespmem:s0+$0x4420] =	vst v2;
	v1 =	vadd.f32 v4, v1  }
0x236: {  	[tilespmem:s0+$0x4430] =	vst v0;
	v0 =	vadd.f32 v8, v7  }
0x237: {  	[tilespmem:s0+$0x4440] =	vst v1;
	v1 =	vadd.f32 v10, v9  }
0x238: {  	[tilespmem:s0+$0x4450] =	vst v0  }
0x239: {  	[tilespmem:s0+$0x4460] =	vst v1  }
0x23a: {  	s2 =	simm.s32 $0x0;
	s0 =	rddreg [dreg:$0x12]  }
0x23b: {  	[hbm4b:s0+s2] =	stream.linear.scatter [tilespmem:s15], [sflag:$0x8], $0x4000, $0x38;
	[tilespmem:$0x18000] =	vst v63  }
0x23c: {  	_ =	swait.ge [sflag:s24], $0x4000  }
0x23d: {  	[sflag:s24] =	ssyncset.done $0x0  }
0x23e: {  	s3 =	simm.s32 $0x0;
	s4 =	rddreg [dreg:$0x16];
	[sflag:s24] =	ssyncadd.s32 $0xFFFFC000  }
0x23f: {  	[tilespmem:s15], [sflag:$0x2] =	stream.linear.gather [hbm4b:s4+s2], $0x4000, $0x38;
	[tilespmem:$0x18000] =	vst v63  }
0x240: {  	s5 =	sand.u32 $0x2000, s3;
	s4 =	sand.u32 $0x1800, s2;
	_ =	swait.ge [sflag:s25], $0x4000  }
0x241: {  	s6 =	sand.u32 $0x380, s2;
	s0 =	sor.u32 s5, s4;
	[sflag:s25] =	ssyncset.done $0x0  }
0x242: {  	s0 =	sor.u32 s6, s0;
	[sflag:s25] =	ssyncadd.s32 $0xFFFFC000  }
0x243: {  	v0 =	vld [tilespmem:s0+$0x8470]  }
0x244: {  	v1 =	vld [tilespmem:s0+$0x14470]  }
0x245: {  	v2 =	vld [tilespmem:s0+$0x8000]  }
0x246: {  	v3 =	vld [tilespmem:s0+$0x14000]  }
0x247: {  	v4 =	vld [tilespmem:s0+$0x8010]  }
0x248: {  	v5 =	vld [tilespmem:s0+$0x14010]  }
0x249: {  	v6 =	vld [tilespmem:s0+$0x8020]  }
0x24a: {  	v7 =	vld [tilespmem:s0+$0x14020]  }
0x24b: {  	v8 =	vld [tilespmem:s0+$0x8030]  }
0x24c: {  	v61 =	vld [tilespmem:s0+$0x14030]  }
0x24d: {  	v62 =	vld [tilespmem:s0+$0x8040]  }
0x24e: {  	v11 =	vld [tilespmem:s0+$0x14040]  }
0x24f: {  	v12 =	vld [tilespmem:s0+$0x8050]  }
0x250: {  	v13 =	vld [tilespmem:s0+$0x14050]  }
0x251: {  	v14 =	vld [tilespmem:s0+$0x8060]  }
0x252: {  	v15 =	vld [tilespmem:s0+$0x14060]  }
0x253: {  	v0 =	vadd.f32 v1, v0;
	v1 =	vld [tilespmem:s0+$0x8070]  }
0x254: {  	v2 =	vadd.f32 v3, v2;
	v3 =	vld [tilespmem:s0+$0x14070]  }
0x255: {  	[tilespmem:s0+$0x8470] =	vst v0;
	v0 =	vadd.f32 v5, v4;
	v4 =	vld [tilespmem:s0+$0x8400]  }
0x256: {  	[tilespmem:s0+$0x8000] =	vst v2;
	v2 =	vadd.f32 v7, v6;
	v6 =	vld [tilespmem:s0+$0x14400]  }
0x257: {  	v7 =	vld [tilespmem:s0+$0x8410];
	v5 =	vadd.f32 v11, v62;
	[tilespmem:s0+$0x8010] =	vst v0  }
0x258: {  	v0 =	vadd.f32 v61, v8;
	[tilespmem:s0+$0x8020] =	vst v2;
	v8 =	vld [tilespmem:s0+$0x14410]  }
0x259: {  	v63 =	vadd.f32 v15, v14;
	v2 =	vld [tilespmem:s0+$0x8420];
	[tilespmem:s0+$0x8040] =	vst v5  }
0x25a: {  	v5 =	vld [tilespmem:s0+$0x14420];
	[tilespmem:s0+$0x8030] =	vst v0;
	v0 =	vadd.f32 v13, v12  }
0x25b: {  	[tilespmem:s0+$0x8060] =	vst v63;
	v1 =	vadd.f32 v3, v1;
	v3 =	vld [tilespmem:s0+$0x14430]  }
0x25c: {  	v4 =	vadd.f32 v6, v4;
	[tilespmem:s0+$0x8050] =	vst v0;
	v0 =	vld [tilespmem:s0+$0x8430]  }
0x25d: {  	[tilespmem:s0+$0x8070] =	vst v1;
	v1 =	vld [tilespmem:s0+$0x8440];
	v6 =	vadd.f32 v8, v7  }
0x25e: {  	s4 =	simm.s32 $0x0;
	[tilespmem:s0+$0x8400] =	vst v4;
	v4 =	vld [tilespmem:s0+$0x14440]  }
.LBB2_14:
0x25f: {  	s3 =	sadd.s32 $0x100, s3;
	[tilespmem:s0+$0x8410] =	vst v6;
	v2 =	vadd.f32 v5, v2;
	v5 =	vld [tilespmem:s0+$0x8450];
	s2 =	sadd.s32 $0x800, s2  }
0x260: {  	s4 =	sadd.s32 $0x20, s4;
	s5 =	sand.u32 $0x2000, s3;
	s6 =	sand.u32 $0x1800, s2;
	v6 =	vld [tilespmem:s0+$0x14450]  }
0x261: {  	p0 =	slt.u32 s3, $0x3F00;
	s5 =	sor.u32 s5, s6;
	s6 =	sand.u32 $0x380, s4;
	[tilespmem:s0+$0x8420] =	vst v2;
	v0 =	vadd.f32 v3, v0;
	v2 =	vld [tilespmem:s0+$0x8460]  }
0x262: {  	s5 =	sor.u32 s6, s5;
	v3 =	vld [tilespmem:s0+$0x14460]  }
0x263: {  	v7 =	vld [tilespmem:s5+$0x8470];
	[tilespmem:s0+$0x8430] =	vst v0;
	v0 =	vadd.f32 v4, v1  }
0x264: {  	v1 =	vld [tilespmem:s5+$0x14470]  }
0x265: {  	v4 =	vld [tilespmem:s5+$0x8000];
	[tilespmem:s0+$0x8440] =	vst v0;
	v0 =	vadd.f32 v6, v5  }
0x266: {  	v5 =	vld [tilespmem:s5+$0x14000]  }
0x267: {  	v6 =	vld [tilespmem:s5+$0x8010];
	[tilespmem:s0+$0x8450] =	vst v0;
	v0 =	vadd.f32 v3, v2  }
0x268: {  	v2 =	vld [tilespmem:s5+$0x14010]  }
0x269: {  	v3 =	vld [tilespmem:s5+$0x8020];
	v1 =	vadd.f32 v1, v7;
	[tilespmem:s0+$0x8460] =	vst v0;
	s0 =	smov.u32 s5  }
0x26a: {  	v0 =	vld [tilespmem:s0+$0x14020]  }
0x26b: {  	v4 =	vadd.f32 v5, v4;
	v5 =	vld [tilespmem:s0+$0x8030];
	[tilespmem:s0+$0x8470] =	vst v1  }
0x26c: {  	v1 =	vld [tilespmem:s0+$0x14030]  }
0x26d: {  	[tilespmem:s0+$0x8000] =	vst v4;
	v2 =	vadd.f32 v2, v6;
	v4 =	vld [tilespmem:s0+$0x8040]  }
0x26e: {  	v6 =	vld [tilespmem:s0+$0x14040]  }
0x26f: {  	[tilespmem:s0+$0x8010] =	vst v2;
	v0 =	vadd.f32 v0, v3;
	v2 =	vld [tilespmem:s0+$0x8050]  }
0x270: {  	v3 =	vld [tilespmem:s0+$0x14050]  }
0x271: {  	[tilespmem:s0+$0x8020] =	vst v0;
	v0 =	vadd.f32 v1, v5;
	v1 =	vld [tilespmem:s0+$0x8060]  }
0x272: {  	v5 =	vld [tilespmem:s0+$0x14060]  }
0x273: {  	[tilespmem:s0+$0x8030] =	vst v0;
	v0 =	vadd.f32 v6, v4;
	v4 =	vld [tilespmem:s0+$0x8070]  }
0x274: {  	v6 =	vld [tilespmem:s0+$0x14070]  }
0x275: {  	[tilespmem:s0+$0x8040] =	vst v0;
	v0 =	vadd.f32 v3, v2;
	v3 =	vld [tilespmem:s0+$0x8400]  }
0x276: {  	v7 =	vld [tilespmem:s0+$0x14400]  }
0x277: {  	[tilespmem:s0+$0x8050] =	vst v0;
	v0 =	vadd.f32 v5, v1;
	v1 =	vld [tilespmem:s0+$0x8410]  }
0x278: {  	v8 =	vld [tilespmem:s0+$0x14410]  }
0x279: {  	[tilespmem:s0+$0x8060] =	vst v0;
	v0 =	vadd.f32 v6, v4;
	v2 =	vld [tilespmem:s0+$0x8420]  }
.Ltmp6:
0x27a: {  	v5 =	vld [tilespmem:s0+$0x14420];
	(pc) =	sbr.rel @p0 .LBB2_14-.Ltmp6, $4  }
0x27b: {  	[tilespmem:s0+$0x8070] =	vst v0;
	v4 =	vadd.f32 v7, v3;
	v0 =	vld [tilespmem:s0+$0x8430]  }
0x27c: {  	v3 =	vld [tilespmem:s0+$0x14430]  }
0x27d: {  	[tilespmem:s0+$0x8400] =	vst v4;
	v6 =	vadd.f32 v8, v1;
	v1 =	vld [tilespmem:s0+$0x8440]  }
0x27e: {  	v4 =	vld [tilespmem:s0+$0x14440]  }
0x27f: {  	v7 =	vld [tilespmem:s0+$0x8450]  }
0x280: {  	v8 =	vld [tilespmem:s0+$0x14450]  }
0x281: {  	v9 =	vld [tilespmem:s0+$0x8460]  }
0x282: {  	v10 =	vld [tilespmem:s0+$0x14460]  }
0x283: {  	v2 =	vadd.f32 v5, v2  }
0x284: {  	[tilespmem:s0+$0x8410] =	vst v6;
	v0 =	vadd.f32 v3, v0  }
0x285: {  	[tilespmem:s0+$0x8420] =	vst v2;
	v1 =	vadd.f32 v4, v1  }
0x286: {  	[tilespmem:s0+$0x8430] =	vst v0;
	v0 =	vadd.f32 v8, v7  }
0x287: {  	[tilespmem:s0+$0x8440] =	vst v1;
	v1 =	vadd.f32 v10, v9  }
0x288: {  	[tilespmem:s0+$0x8450] =	vst v0  }
0x289: {  	[tilespmem:s0+$0x8460] =	vst v1  }
0x28a: {  	s2 =	simm.s32 $0x0;
	s0 =	rddreg [dreg:$0x13]  }
0x28b: {  	[hbm4b:s0+s2] =	stream.linear.scatter [tilespmem:s16], [sflag:$0x9], $0x4000, $0x38;
	[tilespmem:$0x18000] =	vst v63  }
0x28c: {  	_ =	swait.ge [sflag:s26], $0x4000  }
0x28d: {  	[sflag:s26] =	ssyncset.done $0x0  }
0x28e: {  	s3 =	simm.s32 $0x0;
	s4 =	rddreg [dreg:$0x18];
	[sflag:s26] =	ssyncadd.s32 $0xFFFFC000  }
0x28f: {  	[tilespmem:s16], [sflag:$0x3] =	stream.linear.gather [hbm4b:s4+s2], $0x4000, $0x38;
	[tilespmem:$0x18000] =	vst v63  }
0x290: {  	s5 =	sand.u32 $0x2000, s3;
	s4 =	sand.u32 $0x1800, s2;
	_ =	swait.ge [sflag:s28], $0x4000  }
0x291: {  	s6 =	sand.u32 $0x380, s2;
	s0 =	sor.u32 s5, s4;
	[sflag:s28] =	ssyncset.done $0x0  }
0x292: {  	s0 =	sor.u32 s6, s0;
	[sflag:s28] =	ssyncadd.s32 $0xFFFFC000  }
0x293: {  	v0 =	vld [tilespmem:s0+$0xC470]  }
0x294: {  	v1 =	vld [tilespmem:s0+$0x14470]  }
0x295: {  	v2 =	vld [tilespmem:s0+$0xC000]  }
0x296: {  	v3 =	vld [tilespmem:s0+$0x14000]  }
0x297: {  	v4 =	vld [tilespmem:s0+$0xC010]  }
0x298: {  	v5 =	vld [tilespmem:s0+$0x14010]  }
0x299: {  	v6 =	vld [tilespmem:s0+$0xC020]  }
0x29a: {  	v7 =	vld [tilespmem:s0+$0x14020]  }
0x29b: {  	v8 =	vld [tilespmem:s0+$0xC030]  }
0x29c: {  	v61 =	vld [tilespmem:s0+$0x14030]  }
0x29d: {  	v62 =	vld [tilespmem:s0+$0xC040]  }
0x29e: {  	v11 =	vld [tilespmem:s0+$0x14040]  }
0x29f: {  	v12 =	vld [tilespmem:s0+$0xC050]  }
0x2a0: {  	v13 =	vld [tilespmem:s0+$0x14050]  }
0x2a1: {  	v14 =	vld [tilespmem:s0+$0xC060]  }
0x2a2: {  	v15 =	vld [tilespmem:s0+$0x14060]  }
0x2a3: {  	v0 =	vadd.f32 v1, v0;
	v1 =	vld [tilespmem:s0+$0xC070]  }
0x2a4: {  	v2 =	vadd.f32 v3, v2;
	v3 =	vld [tilespmem:s0+$0x14070]  }
0x2a5: {  	[tilespmem:s0+$0xC470] =	vst v0;
	v0 =	vadd.f32 v5, v4;
	v4 =	vld [tilespmem:s0+$0xC400]  }
0x2a6: {  	[tilespmem:s0+$0xC000] =	vst v2;
	v2 =	vadd.f32 v7, v6;
	v6 =	vld [tilespmem:s0+$0x14400]  }
0x2a7: {  	v7 =	vld [tilespmem:s0+$0xC410];
	v5 =	vadd.f32 v11, v62;
	[tilespmem:s0+$0xC010] =	vst v0  }
0x2a8: {  	v0 =	vadd.f32 v61, v8;
	[tilespmem:s0+$0xC020] =	vst v2;
	v8 =	vld [tilespmem:s0+$0x14410]  }
0x2a9: {  	v63 =	vadd.f32 v15, v14;
	v2 =	vld [tilespmem:s0+$0xC420];
	[tilespmem:s0+$0xC040] =	vst v5  }
0x2aa: {  	v5 =	vld [tilespmem:s0+$0x14420];
	[tilespmem:s0+$0xC030] =	vst v0;
	v0 =	vadd.f32 v13, v12  }
0x2ab: {  	[tilespmem:s0+$0xC060] =	vst v63;
	v1 =	vadd.f32 v3, v1;
	v3 =	vld [tilespmem:s0+$0x14430]  }
0x2ac: {  	v4 =	vadd.f32 v6, v4;
	[tilespmem:s0+$0xC050] =	vst v0;
	v0 =	vld [tilespmem:s0+$0xC430]  }
0x2ad: {  	[tilespmem:s0+$0xC070] =	vst v1;
	v1 =	vld [tilespmem:s0+$0xC440];
	v6 =	vadd.f32 v8, v7  }
0x2ae: {  	s4 =	simm.s32 $0x0;
	[tilespmem:s0+$0xC400] =	vst v4;
	v4 =	vld [tilespmem:s0+$0x14440]  }
.LBB2_16:
0x2af: {  	s3 =	sadd.s32 $0x100, s3;
	[tilespmem:s0+$0xC410] =	vst v6;
	v2 =	vadd.f32 v5, v2;
	v5 =	vld [tilespmem:s0+$0xC450];
	s2 =	sadd.s32 $0x800, s2  }
0x2b0: {  	s4 =	sadd.s32 $0x20, s4;
	s5 =	sand.u32 $0x2000, s3;
	s6 =	sand.u32 $0x1800, s2;
	v6 =	vld [tilespmem:s0+$0x14450]  }
0x2b1: {  	p0 =	slt.u32 s3, $0x3F00;
	s5 =	sor.u32 s5, s6;
	s6 =	sand.u32 $0x380, s4;
	[tilespmem:s0+$0xC420] =	vst v2;
	v0 =	vadd.f32 v3, v0;
	v2 =	vld [tilespmem:s0+$0xC460]  }
0x2b2: {  	s5 =	sor.u32 s6, s5;
	v3 =	vld [tilespmem:s0+$0x14460]  }
0x2b3: {  	v7 =	vld [tilespmem:s5+$0xC470];
	[tilespmem:s0+$0xC430] =	vst v0;
	v0 =	vadd.f32 v4, v1  }
0x2b4: {  	v1 =	vld [tilespmem:s5+$0x14470]  }
0x2b5: {  	v4 =	vld [tilespmem:s5+$0xC000];
	[tilespmem:s0+$0xC440] =	vst v0;
	v0 =	vadd.f32 v6, v5  }
0x2b6: {  	v5 =	vld [tilespmem:s5+$0x14000]  }
0x2b7: {  	v6 =	vld [tilespmem:s5+$0xC010];
	[tilespmem:s0+$0xC450] =	vst v0;
	v0 =	vadd.f32 v3, v2  }
0x2b8: {  	v2 =	vld [tilespmem:s5+$0x14010]  }
0x2b9: {  	v3 =	vld [tilespmem:s5+$0xC020];
	v1 =	vadd.f32 v1, v7;
	[tilespmem:s0+$0xC460] =	vst v0;
	s0 =	smov.u32 s5  }
0x2ba: {  	v0 =	vld [tilespmem:s0+$0x14020]  }
0x2bb: {  	v4 =	vadd.f32 v5, v4;
	v5 =	vld [tilespmem:s0+$0xC030];
	[tilespmem:s0+$0xC470] =	vst v1  }
0x2bc: {  	v1 =	vld [tilespmem:s0+$0x14030]  }
0x2bd: {  	[tilespmem:s0+$0xC000] =	vst v4;
	v2 =	vadd.f32 v2, v6;
	v4 =	vld [tilespmem:s0+$0xC040]  }
0x2be: {  	v6 =	vld [tilespmem:s0+$0x14040]  }
0x2bf: {  	[tilespmem:s0+$0xC010] =	vst v2;
	v0 =	vadd.f32 v0, v3;
	v2 =	vld [tilespmem:s0+$0xC050]  }
0x2c0: {  	v3 =	vld [tilespmem:s0+$0x14050]  }
0x2c1: {  	[tilespmem:s0+$0xC020] =	vst v0;
	v0 =	vadd.f32 v1, v5;
	v1 =	vld [tilespmem:s0+$0xC060]  }
0x2c2: {  	v5 =	vld [tilespmem:s0+$0x14060]  }
0x2c3: {  	[tilespmem:s0+$0xC030] =	vst v0;
	v0 =	vadd.f32 v6, v4;
	v4 =	vld [tilespmem:s0+$0xC070]  }
0x2c4: {  	v6 =	vld [tilespmem:s0+$0x14070]  }
0x2c5: {  	[tilespmem:s0+$0xC040] =	vst v0;
	v0 =	vadd.f32 v3, v2;
	v3 =	vld [tilespmem:s0+$0xC400]  }
0x2c6: {  	v7 =	vld [tilespmem:s0+$0x14400]  }
0x2c7: {  	[tilespmem:s0+$0xC050] =	vst v0;
	v0 =	vadd.f32 v5, v1;
	v1 =	vld [tilespmem:s0+$0xC410]  }
0x2c8: {  	v8 =	vld [tilespmem:s0+$0x14410]  }
0x2c9: {  	[tilespmem:s0+$0xC060] =	vst v0;
	v0 =	vadd.f32 v6, v4;
	v2 =	vld [tilespmem:s0+$0xC420]  }
.Ltmp7:
0x2ca: {  	v5 =	vld [tilespmem:s0+$0x14420];
	(pc) =	sbr.rel @p0 .LBB2_16-.Ltmp7, $4  }
0x2cb: {  	[tilespmem:s0+$0xC070] =	vst v0;
	v4 =	vadd.f32 v7, v3;
	v0 =	vld [tilespmem:s0+$0xC430]  }
0x2cc: {  	v3 =	vld [tilespmem:s0+$0x14430]  }
0x2cd: {  	[tilespmem:s0+$0xC400] =	vst v4;
	v6 =	vadd.f32 v8, v1;
	v1 =	vld [tilespmem:s0+$0xC440]  }
0x2ce: {  	v4 =	vld [tilespmem:s0+$0x14440]  }
0x2cf: {  	v7 =	vld [tilespmem:s0+$0xC450]  }
0x2d0: {  	v8 =	vld [tilespmem:s0+$0x14450]  }
0x2d1: {  	v9 =	vld [tilespmem:s0+$0xC460]  }
0x2d2: {  	v10 =	vld [tilespmem:s0+$0x14460]  }
0x2d3: {  	v2 =	vadd.f32 v5, v2  }
0x2d4: {  	[tilespmem:s0+$0xC410] =	vst v6;
	v0 =	vadd.f32 v3, v0  }
0x2d5: {  	[tilespmem:s0+$0xC420] =	vst v2;
	v1 =	vadd.f32 v4, v1  }
0x2d6: {  	[tilespmem:s0+$0xC430] =	vst v0;
	v0 =	vadd.f32 v8, v7  }
0x2d7: {  	[tilespmem:s0+$0xC440] =	vst v1;
	v1 =	vadd.f32 v10, v9  }
0x2d8: {  	[tilespmem:s0+$0xC450] =	vst v0  }
0x2d9: {  	[tilespmem:s0+$0xC460] =	vst v1  }
0x2da: {  	s0 =	simm.s32 $0x0;
	s2 =	rddreg [dreg:$0x14]  }
0x2db: {  	[hbm4b:s2+s0] =	stream.linear.scatter [tilespmem:s19], [sflag:$0xA], $0x4000, $0x38;
	[tilespmem:$0x18000] =	vst v63  }
0x2dc: {  	s3 =	rddreg [dreg:$0x1c]  }
0x2dd: {  	[tilespmem:s18], [sflag:$0x6] =	stream.linear.gather [hbm4b:s3+s0], $0x4000, $0x38;
	[tilespmem:$0x18000] =	vst v63  }
0x2de: {  	_ =	swait.ge [sflag:s29], $0x4000  }
0x2df: {  	[sflag:s29] =	ssyncset.done $0x0  }
0x2e0: {  	s4 =	rddreg [dreg:$0x1a];
	[sflag:s29] =	ssyncadd.s32 $0xFFFFC000  }
0x2e1: {  	[tilespmem:s19], [sflag:$0x4] =	stream.linear.gather [hbm4b:s4+s0], $0x4000, $0x38;
	[tilespmem:$0x18000] =	vst v63  }
0x2e2: {  	_ =	swait.ge [sflag:s20], $0x4000  }
0x2e3: {  	[sflag:s20] =	ssyncset.done $0x0  }
0x2e4: {  	s3 =	simm.s32 $0x0;
	[sflag:s20] =	ssyncadd.s32 $0xFFFFC000  }
0x2e5: {  	s5 =	sand.u32 $0x2000, s3;
	s4 =	sand.u32 $0x1800, s0;
	_ =	swait.ge [sflag:s21], $0x4000  }
0x2e6: {  	s6 =	sand.u32 $0x380, s0;
	s2 =	sor.u32 s5, s4;
	[sflag:s21] =	ssyncset.done $0x0  }
0x2e7: {  	s2 =	sor.u32 s6, s2;
	[sflag:s21] =	ssyncadd.s32 $0xFFFFC000  }
0x2e8: {  	v0 =	vld [tilespmem:s2+$0x470]  }
0x2e9: {  	v1 =	vld [tilespmem:s2+$0x10470]  }
0x2ea: {  	v2 =	vld [tilespmem:s2+$0x0]  }
0x2eb: {  	v3 =	vld [tilespmem:s2+$0x10000]  }
0x2ec: {  	v4 =	vld [tilespmem:s2+$0x10]  }
0x2ed: {  	v5 =	vld [tilespmem:s2+$0x10010]  }
0x2ee: {  	v6 =	vld [tilespmem:s2+$0x20]  }
0x2ef: {  	v7 =	vld [tilespmem:s2+$0x10020]  }
0x2f0: {  	v8 =	vld [tilespmem:s2+$0x30]  }
0x2f1: {  	v61 =	vld [tilespmem:s2+$0x10030]  }
0x2f2: {  	v62 =	vld [tilespmem:s2+$0x40]  }
0x2f3: {  	v11 =	vld [tilespmem:s2+$0x10040]  }
0x2f4: {  	v12 =	vld [tilespmem:s2+$0x50]  }
0x2f5: {  	v13 =	vld [tilespmem:s2+$0x10050]  }
0x2f6: {  	v14 =	vld [tilespmem:s2+$0x60]  }
0x2f7: {  	v15 =	vld [tilespmem:s2+$0x10060]  }
0x2f8: {  	v0 =	vadd.f32 v1, v0;
	v1 =	vld [tilespmem:s2+$0x70]  }
0x2f9: {  	v2 =	vadd.f32 v3, v2;
	v3 =	vld [tilespmem:s2+$0x10070]  }
0x2fa: {  	[tilespmem:s2+$0x470] =	vst v0;
	v0 =	vadd.f32 v5, v4;
	v4 =	vld [tilespmem:s2+$0x400]  }
0x2fb: {  	[tilespmem:s2+$0x0] =	vst v2;
	v2 =	vadd.f32 v7, v6;
	v6 =	vld [tilespmem:s2+$0x10400]  }
0x2fc: {  	v7 =	vld [tilespmem:s2+$0x410];
	v5 =	vadd.f32 v11, v62;
	[tilespmem:s2+$0x10] =	vst v0  }
0x2fd: {  	v0 =	vadd.f32 v61, v8;
	[tilespmem:s2+$0x20] =	vst v2;
	v8 =	vld [tilespmem:s2+$0x10410]  }
0x2fe: {  	v63 =	vadd.f32 v15, v14;
	v2 =	vld [tilespmem:s2+$0x420];
	[tilespmem:s2+$0x40] =	vst v5  }
0x2ff: {  	v5 =	vld [tilespmem:s2+$0x10420];
	[tilespmem:s2+$0x30] =	vst v0;
	v0 =	vadd.f32 v13, v12  }
0x300: {  	[tilespmem:s2+$0x60] =	vst v63;
	v1 =	vadd.f32 v3, v1;
	v3 =	vld [tilespmem:s2+$0x10430]  }
0x301: {  	v4 =	vadd.f32 v6, v4;
	[tilespmem:s2+$0x50] =	vst v0;
	v0 =	vld [tilespmem:s2+$0x430]  }
0x302: {  	[tilespmem:s2+$0x70] =	vst v1;
	v1 =	vld [tilespmem:s2+$0x440];
	v6 =	vadd.f32 v8, v7  }
0x303: {  	s4 =	simm.s32 $0x0;
	[tilespmem:s2+$0x400] =	vst v4;
	v4 =	vld [tilespmem:s2+$0x10440]  }
.LBB2_18:
0x304: {  	s3 =	sadd.s32 $0x100, s3;
	[tilespmem:s2+$0x410] =	vst v6;
	v2 =	vadd.f32 v5, v2;
	v5 =	vld [tilespmem:s2+$0x450];
	s0 =	sadd.s32 $0x800, s0  }
0x305: {  	s4 =	sadd.s32 $0x20, s4;
	s5 =	sand.u32 $0x2000, s3;
	s6 =	sand.u32 $0x1800, s0;
	v6 =	vld [tilespmem:s2+$0x10450]  }
0x306: {  	p0 =	slt.u32 s3, $0x3F00;
	s5 =	sor.u32 s5, s6;
	s6 =	sand.u32 $0x380, s4;
	[tilespmem:s2+$0x420] =	vst v2;
	v0 =	vadd.f32 v3, v0;
	v2 =	vld [tilespmem:s2+$0x460]  }
0x307: {  	s5 =	sor.u32 s6, s5;
	v3 =	vld [tilespmem:s2+$0x10460]  }
0x308: {  	v7 =	vld [tilespmem:s5+$0x470];
	[tilespmem:s2+$0x430] =	vst v0;
	v0 =	vadd.f32 v4, v1  }
0x309: {  	v1 =	vld [tilespmem:s5+$0x10470]  }
0x30a: {  	v4 =	vld [tilespmem:s5+$0x0];
	[tilespmem:s2+$0x440] =	vst v0;
	v0 =	vadd.f32 v6, v5  }
0x30b: {  	v5 =	vld [tilespmem:s5+$0x10000]  }
0x30c: {  	v6 =	vld [tilespmem:s5+$0x10];
	[tilespmem:s2+$0x450] =	vst v0;
	v0 =	vadd.f32 v3, v2  }
0x30d: {  	v2 =	vld [tilespmem:s5+$0x10010]  }
0x30e: {  	v3 =	vld [tilespmem:s5+$0x20];
	v1 =	vadd.f32 v1, v7;
	[tilespmem:s2+$0x460] =	vst v0;
	s2 =	smov.u32 s5  }
0x30f: {  	v0 =	vld [tilespmem:s2+$0x10020]  }
0x310: {  	v4 =	vadd.f32 v5, v4;
	v5 =	vld [tilespmem:s2+$0x30];
	[tilespmem:s2+$0x470] =	vst v1  }
0x311: {  	v1 =	vld [tilespmem:s2+$0x10030]  }
0x312: {  	[tilespmem:s2+$0x0] =	vst v4;
	v2 =	vadd.f32 v2, v6;
	v4 =	vld [tilespmem:s2+$0x40]  }
0x313: {  	v6 =	vld [tilespmem:s2+$0x10040]  }
0x314: {  	[tilespmem:s2+$0x10] =	vst v2;
	v0 =	vadd.f32 v0, v3;
	v2 =	vld [tilespmem:s2+$0x50]  }
0x315: {  	v3 =	vld [tilespmem:s2+$0x10050]  }
0x316: {  	[tilespmem:s2+$0x20] =	vst v0;
	v0 =	vadd.f32 v1, v5;
	v1 =	vld [tilespmem:s2+$0x60]  }
0x317: {  	v5 =	vld [tilespmem:s2+$0x10060]  }
0x318: {  	[tilespmem:s2+$0x30] =	vst v0;
	v0 =	vadd.f32 v6, v4;
	v4 =	vld [tilespmem:s2+$0x70]  }
0x319: {  	v6 =	vld [tilespmem:s2+$0x10070]  }
0x31a: {  	[tilespmem:s2+$0x40] =	vst v0;
	v0 =	vadd.f32 v3, v2;
	v3 =	vld [tilespmem:s2+$0x400]  }
0x31b: {  	v7 =	vld [tilespmem:s2+$0x10400]  }
0x31c: {  	[tilespmem:s2+$0x50] =	vst v0;
	v0 =	vadd.f32 v5, v1;
	v1 =	vld [tilespmem:s2+$0x410]  }
0x31d: {  	v8 =	vld [tilespmem:s2+$0x10410]  }
0x31e: {  	[tilespmem:s2+$0x60] =	vst v0;
	v0 =	vadd.f32 v6, v4;
	v2 =	vld [tilespmem:s2+$0x420]  }
.Ltmp8:
0x31f: {  	v5 =	vld [tilespmem:s2+$0x10420];
	(pc) =	sbr.rel @p0 .LBB2_18-.Ltmp8, $4  }
0x320: {  	[tilespmem:s2+$0x70] =	vst v0;
	v4 =	vadd.f32 v7, v3;
	v0 =	vld [tilespmem:s2+$0x430]  }
0x321: {  	v3 =	vld [tilespmem:s2+$0x10430]  }
0x322: {  	[tilespmem:s2+$0x400] =	vst v4;
	v6 =	vadd.f32 v8, v1;
	v1 =	vld [tilespmem:s2+$0x440]  }
0x323: {  	v4 =	vld [tilespmem:s2+$0x10440]  }
0x324: {  	v7 =	vld [tilespmem:s2+$0x450]  }
0x325: {  	v8 =	vld [tilespmem:s2+$0x10450]  }
0x326: {  	v9 =	vld [tilespmem:s2+$0x460]  }
0x327: {  	v10 =	vld [tilespmem:s2+$0x10460]  }
0x328: {  	v2 =	vadd.f32 v5, v2  }
0x329: {  	[tilespmem:s2+$0x410] =	vst v6;
	v0 =	vadd.f32 v3, v0  }
0x32a: {  	[tilespmem:s2+$0x420] =	vst v2;
	v1 =	vadd.f32 v4, v1  }
0x32b: {  	[tilespmem:s2+$0x430] =	vst v0;
	v0 =	vadd.f32 v8, v7  }
0x32c: {  	[tilespmem:s2+$0x440] =	vst v1;
	v1 =	vadd.f32 v10, v9  }
0x32d: {  	[tilespmem:s2+$0x450] =	vst v0  }
0x32e: {  	[tilespmem:s2+$0x460] =	vst v1  }
0x32f: {  	s2 =	simm.s32 $0x0;
	s0 =	rddreg [dreg:$0x15]  }
0x330: {  	[hbm4b:s0+s2] =	stream.linear.scatter [tilespmem:s2], [sflag:$0x7], $0x4000, $0x38;
	[tilespmem:$0x18000] =	vst v63  }
0x331: {  	_ =	swait.ge [sflag:s22], $0x4000  }
0x332: {  	[sflag:s22] =	ssyncset.done $0x0  }
0x333: {  	s3 =	simm.s32 $0x0;
	s4 =	rddreg [dreg:$0x1d];
	[sflag:s22] =	ssyncadd.s32 $0xFFFFC000  }
0x334: {  	[tilespmem:s2], [sflag:$0x1] =	stream.linear.gather [hbm4b:s4+s2], $0x4000, $0x38;
	[tilespmem:$0x18000] =	vst v63  }
0x335: {  	s5 =	sand.u32 $0x2000, s3;
	s4 =	sand.u32 $0x1800, s2;
	_ =	swait.ge [sflag:s23], $0x4000  }
0x336: {  	s6 =	sand.u32 $0x380, s2;
	s0 =	sor.u32 s5, s4;
	[sflag:s23] =	ssyncset.done $0x0  }
0x337: {  	s0 =	sor.u32 s6, s0;
	[sflag:s23] =	ssyncadd.s32 $0xFFFFC000  }
0x338: {  	v0 =	vld [tilespmem:s0+$0x4470]  }
0x339: {  	v1 =	vld [tilespmem:s0+$0x10470]  }
0x33a: {  	v2 =	vld [tilespmem:s0+$0x4000]  }
0x33b: {  	v3 =	vld [tilespmem:s0+$0x10000]  }
0x33c: {  	v4 =	vld [tilespmem:s0+$0x4010]  }
0x33d: {  	v5 =	vld [tilespmem:s0+$0x10010]  }
0x33e: {  	v6 =	vld [tilespmem:s0+$0x4020]  }
0x33f: {  	v7 =	vld [tilespmem:s0+$0x10020]  }
0x340: {  	v8 =	vld [tilespmem:s0+$0x4030]  }
0x341: {  	v61 =	vld [tilespmem:s0+$0x10030]  }
0x342: {  	v62 =	vld [tilespmem:s0+$0x4040]  }
0x343: {  	v11 =	vld [tilespmem:s0+$0x10040]  }
0x344: {  	v12 =	vld [tilespmem:s0+$0x4050]  }
0x345: {  	v13 =	vld [tilespmem:s0+$0x10050]  }
0x346: {  	v14 =	vld [tilespmem:s0+$0x4060]  }
0x347: {  	v15 =	vld [tilespmem:s0+$0x10060]  }
0x348: {  	v0 =	vadd.f32 v1, v0;
	v1 =	vld [tilespmem:s0+$0x4070]  }
0x349: {  	v2 =	vadd.f32 v3, v2;
	v3 =	vld [tilespmem:s0+$0x10070]  }
0x34a: {  	[tilespmem:s0+$0x4470] =	vst v0;
	v0 =	vadd.f32 v5, v4;
	v4 =	vld [tilespmem:s0+$0x4400]  }
0x34b: {  	[tilespmem:s0+$0x4000] =	vst v2;
	v2 =	vadd.f32 v7, v6;
	v6 =	vld [tilespmem:s0+$0x10400]  }
0x34c: {  	v7 =	vld [tilespmem:s0+$0x4410];
	v5 =	vadd.f32 v11, v62;
	[tilespmem:s0+$0x4010] =	vst v0  }
0x34d: {  	v0 =	vadd.f32 v61, v8;
	[tilespmem:s0+$0x4020] =	vst v2;
	v8 =	vld [tilespmem:s0+$0x10410]  }
0x34e: {  	v63 =	vadd.f32 v15, v14;
	v2 =	vld [tilespmem:s0+$0x4420];
	[tilespmem:s0+$0x4040] =	vst v5  }
0x34f: {  	v5 =	vld [tilespmem:s0+$0x10420];
	[tilespmem:s0+$0x4030] =	vst v0;
	v0 =	vadd.f32 v13, v12  }
0x350: {  	[tilespmem:s0+$0x4060] =	vst v63;
	v1 =	vadd.f32 v3, v1;
	v3 =	vld [tilespmem:s0+$0x10430]  }
0x351: {  	v4 =	vadd.f32 v6, v4;
	[tilespmem:s0+$0x4050] =	vst v0;
	v0 =	vld [tilespmem:s0+$0x4430]  }
0x352: {  	[tilespmem:s0+$0x4070] =	vst v1;
	v1 =	vld [tilespmem:s0+$0x4440];
	v6 =	vadd.f32 v8, v7  }
0x353: {  	s4 =	simm.s32 $0x0;
	[tilespmem:s0+$0x4400] =	vst v4;
	v4 =	vld [tilespmem:s0+$0x10440]  }
.LBB2_20:
0x354: {  	s3 =	sadd.s32 $0x100, s3;
	[tilespmem:s0+$0x4410] =	vst v6;
	v2 =	vadd.f32 v5, v2;
	v5 =	vld [tilespmem:s0+$0x4450];
	s2 =	sadd.s32 $0x800, s2  }
0x355: {  	s4 =	sadd.s32 $0x20, s4;
	s5 =	sand.u32 $0x2000, s3;
	s6 =	sand.u32 $0x1800, s2;
	v6 =	vld [tilespmem:s0+$0x10450]  }
0x356: {  	p0 =	slt.u32 s3, $0x3F00;
	s5 =	sor.u32 s5, s6;
	s6 =	sand.u32 $0x380, s4;
	[tilespmem:s0+$0x4420] =	vst v2;
	v0 =	vadd.f32 v3, v0;
	v2 =	vld [tilespmem:s0+$0x4460]  }
0x357: {  	s5 =	sor.u32 s6, s5;
	v3 =	vld [tilespmem:s0+$0x10460]  }
0x358: {  	v7 =	vld [tilespmem:s5+$0x4470];
	[tilespmem:s0+$0x4430] =	vst v0;
	v0 =	vadd.f32 v4, v1  }
0x359: {  	v1 =	vld [tilespmem:s5+$0x10470]  }
0x35a: {  	v4 =	vld [tilespmem:s5+$0x4000];
	[tilespmem:s0+$0x4440] =	vst v0;
	v0 =	vadd.f32 v6, v5  }
0x35b: {  	v5 =	vld [tilespmem:s5+$0x10000]  }
0x35c: {  	v6 =	vld [tilespmem:s5+$0x4010];
	[tilespmem:s0+$0x4450] =	vst v0;
	v0 =	vadd.f32 v3, v2  }
0x35d: {  	v2 =	vld [tilespmem:s5+$0x10010]  }
0x35e: {  	v3 =	vld [tilespmem:s5+$0x4020];
	v1 =	vadd.f32 v1, v7;
	[tilespmem:s0+$0x4460] =	vst v0;
	s0 =	smov.u32 s5  }
0x35f: {  	v0 =	vld [tilespmem:s0+$0x10020]  }
0x360: {  	v4 =	vadd.f32 v5, v4;
	v5 =	vld [tilespmem:s0+$0x4030];
	[tilespmem:s0+$0x4470] =	vst v1  }
0x361: {  	v1 =	vld [tilespmem:s0+$0x10030]  }
0x362: {  	[tilespmem:s0+$0x4000] =	vst v4;
	v2 =	vadd.f32 v2, v6;
	v4 =	vld [tilespmem:s0+$0x4040]  }
0x363: {  	v6 =	vld [tilespmem:s0+$0x10040]  }
0x364: {  	[tilespmem:s0+$0x4010] =	vst v2;
	v0 =	vadd.f32 v0, v3;
	v2 =	vld [tilespmem:s0+$0x4050]  }
0x365: {  	v3 =	vld [tilespmem:s0+$0x10050]  }
0x366: {  	[tilespmem:s0+$0x4020] =	vst v0;
	v0 =	vadd.f32 v1, v5;
	v1 =	vld [tilespmem:s0+$0x4060]  }
0x367: {  	v5 =	vld [tilespmem:s0+$0x10060]  }
0x368: {  	[tilespmem:s0+$0x4030] =	vst v0;
	v0 =	vadd.f32 v6, v4;
	v4 =	vld [tilespmem:s0+$0x4070]  }
0x369: {  	v6 =	vld [tilespmem:s0+$0x10070]  }
0x36a: {  	[tilespmem:s0+$0x4040] =	vst v0;
	v0 =	vadd.f32 v3, v2;
	v3 =	vld [tilespmem:s0+$0x4400]  }
0x36b: {  	v7 =	vld [tilespmem:s0+$0x10400]  }
0x36c: {  	[tilespmem:s0+$0x4050] =	vst v0;
	v0 =	vadd.f32 v5, v1;
	v1 =	vld [tilespmem:s0+$0x4410]  }
0x36d: {  	v8 =	vld [tilespmem:s0+$0x10410]  }
0x36e: {  	[tilespmem:s0+$0x4060] =	vst v0;
	v0 =	vadd.f32 v6, v4;
	v2 =	vld [tilespmem:s0+$0x4420]  }
.Ltmp9:
0x36f: {  	v5 =	vld [tilespmem:s0+$0x10420];
	(pc) =	sbr.rel @p0 .LBB2_20-.Ltmp9, $4  }
0x370: {  	[tilespmem:s0+$0x4070] =	vst v0;
	v4 =	vadd.f32 v7, v3;
	v0 =	vld [tilespmem:s0+$0x4430]  }
0x371: {  	v3 =	vld [tilespmem:s0+$0x10430]  }
0x372: {  	[tilespmem:s0+$0x4400] =	vst v4;
	v6 =	vadd.f32 v8, v1;
	v1 =	vld [tilespmem:s0+$0x4440]  }
0x373: {  	v4 =	vld [tilespmem:s0+$0x10440]  }
0x374: {  	v7 =	vld [tilespmem:s0+$0x4450]  }
0x375: {  	v8 =	vld [tilespmem:s0+$0x10450]  }
0x376: {  	v9 =	vld [tilespmem:s0+$0x4460]  }
0x377: {  	v10 =	vld [tilespmem:s0+$0x10460]  }
0x378: {  	v2 =	vadd.f32 v5, v2  }
0x379: {  	[tilespmem:s0+$0x4410] =	vst v6;
	v0 =	vadd.f32 v3, v0  }
0x37a: {  	[tilespmem:s0+$0x4420] =	vst v2;
	v1 =	vadd.f32 v4, v1  }
0x37b: {  	[tilespmem:s0+$0x4430] =	vst v0;
	v0 =	vadd.f32 v8, v7  }
0x37c: {  	[tilespmem:s0+$0x4440] =	vst v1;
	v1 =	vadd.f32 v10, v9  }
0x37d: {  	[tilespmem:s0+$0x4450] =	vst v0  }
0x37e: {  	[tilespmem:s0+$0x4460] =	vst v1  }
0x37f: {  	s2 =	simm.s32 $0x0;
	s0 =	rddreg [dreg:$0x17]  }
0x380: {  	[hbm4b:s0+s2] =	stream.linear.scatter [tilespmem:s15], [sflag:$0x8], $0x4000, $0x38;
	[tilespmem:$0x18000] =	vst v63  }
0x381: {  	_ =	swait.ge [sflag:s24], $0x4000  }
0x382: {  	[sflag:s24] =	ssyncset.done $0x0  }
0x383: {  	s3 =	simm.s32 $0x0;
	s4 =	rddreg [dreg:$0x1f];
	[sflag:s24] =	ssyncadd.s32 $0xFFFFC000  }
0x384: {  	[tilespmem:s15], [sflag:$0x2] =	stream.linear.gather [hbm4b:s4+s2], $0x4000, $0x38;
	[tilespmem:$0x18000] =	vst v63  }
0x385: {  	s5 =	sand.u32 $0x2000, s3;
	s4 =	sand.u32 $0x1800, s2;
	_ =	swait.ge [sflag:s25], $0x4000  }
0x386: {  	s6 =	sand.u32 $0x380, s2;
	s0 =	sor.u32 s5, s4;
	[sflag:s25] =	ssyncset.done $0x0  }
0x387: {  	s0 =	sor.u32 s6, s0;
	[sflag:s25] =	ssyncadd.s32 $0xFFFFC000  }
0x388: {  	v0 =	vld [tilespmem:s0+$0x8470]  }
0x389: {  	v1 =	vld [tilespmem:s0+$0x10470]  }
0x38a: {  	v2 =	vld [tilespmem:s0+$0x8000]  }
0x38b: {  	v3 =	vld [tilespmem:s0+$0x10000]  }
0x38c: {  	v4 =	vld [tilespmem:s0+$0x8010]  }
0x38d: {  	v5 =	vld [tilespmem:s0+$0x10010]  }
0x38e: {  	v6 =	vld [tilespmem:s0+$0x8020]  }
0x38f: {  	v7 =	vld [tilespmem:s0+$0x10020]  }
0x390: {  	v8 =	vld [tilespmem:s0+$0x8030]  }
0x391: {  	v61 =	vld [tilespmem:s0+$0x10030]  }
0x392: {  	v62 =	vld [tilespmem:s0+$0x8040]  }
0x393: {  	v11 =	vld [tilespmem:s0+$0x10040]  }
0x394: {  	v12 =	vld [tilespmem:s0+$0x8050]  }
0x395: {  	v13 =	vld [tilespmem:s0+$0x10050]  }
0x396: {  	v14 =	vld [tilespmem:s0+$0x8060]  }
0x397: {  	v15 =	vld [tilespmem:s0+$0x10060]  }
0x398: {  	v0 =	vadd.f32 v1, v0;
	v1 =	vld [tilespmem:s0+$0x8070]  }
0x399: {  	v2 =	vadd.f32 v3, v2;
	v3 =	vld [tilespmem:s0+$0x10070]  }
0x39a: {  	[tilespmem:s0+$0x8470] =	vst v0;
	v0 =	vadd.f32 v5, v4;
	v4 =	vld [tilespmem:s0+$0x8400]  }
0x39b: {  	[tilespmem:s0+$0x8000] =	vst v2;
	v2 =	vadd.f32 v7, v6;
	v6 =	vld [tilespmem:s0+$0x10400]  }
0x39c: {  	v7 =	vld [tilespmem:s0+$0x8410];
	v5 =	vadd.f32 v11, v62;
	[tilespmem:s0+$0x8010] =	vst v0  }
0x39d: {  	v0 =	vadd.f32 v61, v8;
	[tilespmem:s0+$0x8020] =	vst v2;
	v8 =	vld [tilespmem:s0+$0x10410]  }
0x39e: {  	v63 =	vadd.f32 v15, v14;
	v2 =	vld [tilespmem:s0+$0x8420];
	[tilespmem:s0+$0x8040] =	vst v5  }
0x39f: {  	v5 =	vld [tilespmem:s0+$0x10420];
	[tilespmem:s0+$0x8030] =	vst v0;
	v0 =	vadd.f32 v13, v12  }
0x3a0: {  	[tilespmem:s0+$0x8060] =	vst v63;
	v1 =	vadd.f32 v3, v1;
	v3 =	vld [tilespmem:s0+$0x10430]  }
0x3a1: {  	v4 =	vadd.f32 v6, v4;
	[tilespmem:s0+$0x8050] =	vst v0;
	v0 =	vld [tilespmem:s0+$0x8430]  }
0x3a2: {  	[tilespmem:s0+$0x8070] =	vst v1;
	v1 =	vld [tilespmem:s0+$0x8440];
	v6 =	vadd.f32 v8, v7  }
0x3a3: {  	s4 =	simm.s32 $0x0;
	[tilespmem:s0+$0x8400] =	vst v4;
	v4 =	vld [tilespmem:s0+$0x10440]  }
.LBB2_22:
0x3a4: {  	s3 =	sadd.s32 $0x100, s3;
	[tilespmem:s0+$0x8410] =	vst v6;
	v2 =	vadd.f32 v5, v2;
	v5 =	vld [tilespmem:s0+$0x8450];
	s2 =	sadd.s32 $0x800, s2  }
0x3a5: {  	s4 =	sadd.s32 $0x20, s4;
	s5 =	sand.u32 $0x2000, s3;
	s6 =	sand.u32 $0x1800, s2;
	v6 =	vld [tilespmem:s0+$0x10450]  }
0x3a6: {  	p0 =	slt.u32 s3, $0x3F00;
	s5 =	sor.u32 s5, s6;
	s6 =	sand.u32 $0x380, s4;
	[tilespmem:s0+$0x8420] =	vst v2;
	v0 =	vadd.f32 v3, v0;
	v2 =	vld [tilespmem:s0+$0x8460]  }
0x3a7: {  	s5 =	sor.u32 s6, s5;
	v3 =	vld [tilespmem:s0+$0x10460]  }
0x3a8: {  	v7 =	vld [tilespmem:s5+$0x8470];
	[tilespmem:s0+$0x8430] =	vst v0;
	v0 =	vadd.f32 v4, v1  }
0x3a9: {  	v1 =	vld [tilespmem:s5+$0x10470]  }
0x3aa: {  	v4 =	vld [tilespmem:s5+$0x8000];
	[tilespmem:s0+$0x8440] =	vst v0;
	v0 =	vadd.f32 v6, v5  }
0x3ab: {  	v5 =	vld [tilespmem:s5+$0x10000]  }
0x3ac: {  	v6 =	vld [tilespmem:s5+$0x8010];
	[tilespmem:s0+$0x8450] =	vst v0;
	v0 =	vadd.f32 v3, v2  }
0x3ad: {  	v2 =	vld [tilespmem:s5+$0x10010]  }
0x3ae: {  	v3 =	vld [tilespmem:s5+$0x8020];
	v1 =	vadd.f32 v1, v7;
	[tilespmem:s0+$0x8460] =	vst v0;
	s0 =	smov.u32 s5  }
0x3af: {  	v0 =	vld [tilespmem:s0+$0x10020]  }
0x3b0: {  	v4 =	vadd.f32 v5, v4;
	v5 =	vld [tilespmem:s0+$0x8030];
	[tilespmem:s0+$0x8470] =	vst v1  }
0x3b1: {  	v1 =	vld [tilespmem:s0+$0x10030]  }
0x3b2: {  	[tilespmem:s0+$0x8000] =	vst v4;
	v2 =	vadd.f32 v2, v6;
	v4 =	vld [tilespmem:s0+$0x8040]  }
0x3b3: {  	v6 =	vld [tilespmem:s0+$0x10040]  }
0x3b4: {  	[tilespmem:s0+$0x8010] =	vst v2;
	v0 =	vadd.f32 v0, v3;
	v2 =	vld [tilespmem:s0+$0x8050]  }
0x3b5: {  	v3 =	vld [tilespmem:s0+$0x10050]  }
0x3b6: {  	[tilespmem:s0+$0x8020] =	vst v0;
	v0 =	vadd.f32 v1, v5;
	v1 =	vld [tilespmem:s0+$0x8060]  }
0x3b7: {  	v5 =	vld [tilespmem:s0+$0x10060]  }
0x3b8: {  	[tilespmem:s0+$0x8030] =	vst v0;
	v0 =	vadd.f32 v6, v4;
	v4 =	vld [tilespmem:s0+$0x8070]  }
0x3b9: {  	v6 =	vld [tilespmem:s0+$0x10070]  }
0x3ba: {  	[tilespmem:s0+$0x8040] =	vst v0;
	v0 =	vadd.f32 v3, v2;
	v3 =	vld [tilespmem:s0+$0x8400]  }
0x3bb: {  	v7 =	vld [tilespmem:s0+$0x10400]  }
0x3bc: {  	[tilespmem:s0+$0x8050] =	vst v0;
	v0 =	vadd.f32 v5, v1;
	v1 =	vld [tilespmem:s0+$0x8410]  }
0x3bd: {  	v8 =	vld [tilespmem:s0+$0x10410]  }
0x3be: {  	[tilespmem:s0+$0x8060] =	vst v0;
	v0 =	vadd.f32 v6, v4;
	v2 =	vld [tilespmem:s0+$0x8420]  }
.Ltmp10:
0x3bf: {  	v5 =	vld [tilespmem:s0+$0x10420];
	(pc) =	sbr.rel @p0 .LBB2_22-.Ltmp10, $4  }
0x3c0: {  	[tilespmem:s0+$0x8070] =	vst v0;
	v4 =	vadd.f32 v7, v3;
	v0 =	vld [tilespmem:s0+$0x8430]  }
0x3c1: {  	v3 =	vld [tilespmem:s0+$0x10430]  }
0x3c2: {  	[tilespmem:s0+$0x8400] =	vst v4;
	v6 =	vadd.f32 v8, v1;
	v1 =	vld [tilespmem:s0+$0x8440]  }
0x3c3: {  	v4 =	vld [tilespmem:s0+$0x10440]  }
0x3c4: {  	v7 =	vld [tilespmem:s0+$0x8450]  }
0x3c5: {  	v8 =	vld [tilespmem:s0+$0x10450]  }
0x3c6: {  	v9 =	vld [tilespmem:s0+$0x8460]  }
0x3c7: {  	v10 =	vld [tilespmem:s0+$0x10460]  }
0x3c8: {  	v2 =	vadd.f32 v5, v2  }
0x3c9: {  	[tilespmem:s0+$0x8410] =	vst v6;
	v0 =	vadd.f32 v3, v0  }
0x3ca: {  	[tilespmem:s0+$0x8420] =	vst v2;
	v1 =	vadd.f32 v4, v1  }
0x3cb: {  	[tilespmem:s0+$0x8430] =	vst v0;
	v0 =	vadd.f32 v8, v7  }
0x3cc: {  	[tilespmem:s0+$0x8440] =	vst v1;
	v1 =	vadd.f32 v10, v9  }
0x3cd: {  	[tilespmem:s0+$0x8450] =	vst v0  }
0x3ce: {  	[tilespmem:s0+$0x8460] =	vst v1  }
0x3cf: {  	s2 =	simm.s32 $0x0;
	s0 =	rddreg [dreg:$0x19]  }
0x3d0: {  	[hbm4b:s0+s2] =	stream.linear.scatter [tilespmem:s16], [sflag:$0x9], $0x4000, $0x38;
	[tilespmem:$0x18000] =	vst v63  }
0x3d1: {  	_ =	swait.ge [sflag:s26], $0x4000  }
0x3d2: {  	s4 =	sld [smem:$0x7DA]  }
0x3d3: {  	[sflag:s26] =	ssyncset.done $0x0  }
0x3d4: {  	s3 =	simm.s32 $0x0;
	[sflag:s26] =	ssyncadd.s32 $0xFFFFC000  }
0x3d5: {  	[tilespmem:s16], [sflag:$0x3] =	stream.linear.gather [hbm4b:s4+s2], $0x4000, $0x38;
	[tilespmem:$0x18000] =	vst v63  }
0x3d6: {  	s5 =	sand.u32 $0x2000, s3;
	s4 =	sand.u32 $0x1800, s2;
	_ =	swait.ge [sflag:s28], $0x4000  }
0x3d7: {  	s6 =	sand.u32 $0x380, s2;
	s0 =	sor.u32 s5, s4;
	[sflag:s28] =	ssyncset.done $0x0  }
0x3d8: {  	s0 =	sor.u32 s6, s0;
	[sflag:s28] =	ssyncadd.s32 $0xFFFFC000  }
0x3d9: {  	v0 =	vld [tilespmem:s0+$0xC470]  }
0x3da: {  	v1 =	vld [tilespmem:s0+$0x10470]  }
0x3db: {  	v2 =	vld [tilespmem:s0+$0xC000]  }
0x3dc: {  	v3 =	vld [tilespmem:s0+$0x10000]  }
0x3dd: {  	v4 =	vld [tilespmem:s0+$0xC010]  }
0x3de: {  	v5 =	vld [tilespmem:s0+$0x10010]  }
0x3df: {  	v6 =	vld [tilespmem:s0+$0xC020]  }
0x3e0: {  	v7 =	vld [tilespmem:s0+$0x10020]  }
0x3e1: {  	v8 =	vld [tilespmem:s0+$0xC030]  }
0x3e2: {  	v61 =	vld [tilespmem:s0+$0x10030]  }
0x3e3: {  	v62 =	vld [tilespmem:s0+$0xC040]  }
0x3e4: {  	v11 =	vld [tilespmem:s0+$0x10040]  }
0x3e5: {  	v12 =	vld [tilespmem:s0+$0xC050]  }
0x3e6: {  	v13 =	vld [tilespmem:s0+$0x10050]  }
0x3e7: {  	v14 =	vld [tilespmem:s0+$0xC060]  }
0x3e8: {  	v15 =	vld [tilespmem:s0+$0x10060]  }
0x3e9: {  	v0 =	vadd.f32 v1, v0;
	v1 =	vld [tilespmem:s0+$0xC070]  }
0x3ea: {  	v2 =	vadd.f32 v3, v2;
	v3 =	vld [tilespmem:s0+$0x10070]  }
0x3eb: {  	[tilespmem:s0+$0xC470] =	vst v0;
	v0 =	vadd.f32 v5, v4;
	v4 =	vld [tilespmem:s0+$0xC400]  }
0x3ec: {  	[tilespmem:s0+$0xC000] =	vst v2;
	v2 =	vadd.f32 v7, v6;
	v6 =	vld [tilespmem:s0+$0x10400]  }
0x3ed: {  	v7 =	vld [tilespmem:s0+$0xC410];
	v5 =	vadd.f32 v11, v62;
	[tilespmem:s0+$0xC010] =	vst v0  }
0x3ee: {  	v0 =	vadd.f32 v61, v8;
	[tilespmem:s0+$0xC020] =	vst v2;
	v8 =	vld [tilespmem:s0+$0x10410]  }
0x3ef: {  	v63 =	vadd.f32 v15, v14;
	v2 =	vld [tilespmem:s0+$0xC420];
	[tilespmem:s0+$0xC040] =	vst v5  }
0x3f0: {  	v5 =	vld [tilespmem:s0+$0x10420];
	[tilespmem:s0+$0xC030] =	vst v0;
	v0 =	vadd.f32 v13, v12  }
0x3f1: {  	[tilespmem:s0+$0xC060] =	vst v63;
	v1 =	vadd.f32 v3, v1;
	v3 =	vld [tilespmem:s0+$0x10430]  }
0x3f2: {  	v4 =	vadd.f32 v6, v4;
	[tilespmem:s0+$0xC050] =	vst v0;
	v0 =	vld [tilespmem:s0+$0xC430]  }
0x3f3: {  	[tilespmem:s0+$0xC070] =	vst v1;
	v1 =	vld [tilespmem:s0+$0xC440];
	v6 =	vadd.f32 v8, v7  }
0x3f4: {  	s4 =	simm.s32 $0x0;
	[tilespmem:s0+$0xC400] =	vst v4;
	v4 =	vld [tilespmem:s0+$0x10440]  }
.LBB2_24:
0x3f5: {  	s3 =	sadd.s32 $0x100, s3;
	[tilespmem:s0+$0xC410] =	vst v6;
	v2 =	vadd.f32 v5, v2;
	v5 =	vld [tilespmem:s0+$0xC450];
	s2 =	sadd.s32 $0x800, s2  }
0x3f6: {  	s4 =	sadd.s32 $0x20, s4;
	s5 =	sand.u32 $0x2000, s3;
	s6 =	sand.u32 $0x1800, s2;
	v6 =	vld [tilespmem:s0+$0x10450]  }
0x3f7: {  	p0 =	slt.u32 s3, $0x3F00;
	s5 =	sor.u32 s5, s6;
	s6 =	sand.u32 $0x380, s4;
	[tilespmem:s0+$0xC420] =	vst v2;
	v0 =	vadd.f32 v3, v0;
	v2 =	vld [tilespmem:s0+$0xC460]  }
0x3f8: {  	s5 =	sor.u32 s6, s5;
	v3 =	vld [tilespmem:s0+$0x10460]  }
0x3f9: {  	v7 =	vld [tilespmem:s5+$0xC470];
	[tilespmem:s0+$0xC430] =	vst v0;
	v0 =	vadd.f32 v4, v1  }
0x3fa: {  	v1 =	vld [tilespmem:s5+$0x10470]  }
0x3fb: {  	v4 =	vld [tilespmem:s5+$0xC000];
	[tilespmem:s0+$0xC440] =	vst v0;
	v0 =	vadd.f32 v6, v5  }
0x3fc: {  	v5 =	vld [tilespmem:s5+$0x10000]  }
0x3fd: {  	v6 =	vld [tilespmem:s5+$0xC010];
	[tilespmem:s0+$0xC450] =	vst v0;
	v0 =	vadd.f32 v3, v2  }
0x3fe: {  	v2 =	vld [tilespmem:s5+$0x10010]  }
0x3ff: {  	v3 =	vld [tilespmem:s5+$0xC020];
	v1 =	vadd.f32 v1, v7;
	[tilespmem:s0+$0xC460] =	vst v0;
	s0 =	smov.u32 s5  }
0x400: {  	v0 =	vld [tilespmem:s0+$0x10020]  }
0x401: {  	v4 =	vadd.f32 v5, v4;
	v5 =	vld [tilespmem:s0+$0xC030];
	[tilespmem:s0+$0xC470] =	vst v1  }
0x402: {  	v1 =	vld [tilespmem:s0+$0x10030]  }
0x403: {  	[tilespmem:s0+$0xC000] =	vst v4;
	v2 =	vadd.f32 v2, v6;
	v4 =	vld [tilespmem:s0+$0xC040]  }
0x404: {  	v6 =	vld [tilespmem:s0+$0x10040]  }
0x405: {  	[tilespmem:s0+$0xC010] =	vst v2;
	v0 =	vadd.f32 v0, v3;
	v2 =	vld [tilespmem:s0+$0xC050]  }
0x406: {  	v3 =	vld [tilespmem:s0+$0x10050]  }
0x407: {  	[tilespmem:s0+$0xC020] =	vst v0;
	v0 =	vadd.f32 v1, v5;
	v1 =	vld [tilespmem:s0+$0xC060]  }
0x408: {  	v5 =	vld [tilespmem:s0+$0x10060]  }
0x409: {  	[tilespmem:s0+$0xC030] =	vst v0;
	v0 =	vadd.f32 v6, v4;
	v4 =	vld [tilespmem:s0+$0xC070]  }
0x40a: {  	v6 =	vld [tilespmem:s0+$0x10070]  }
0x40b: {  	[tilespmem:s0+$0xC040] =	vst v0;
	v0 =	vadd.f32 v3, v2;
	v3 =	vld [tilespmem:s0+$0xC400]  }
0x40c: {  	v7 =	vld [tilespmem:s0+$0x10400]  }
0x40d: {  	[tilespmem:s0+$0xC050] =	vst v0;
	v0 =	vadd.f32 v5, v1;
	v1 =	vld [tilespmem:s0+$0xC410]  }
0x40e: {  	v8 =	vld [tilespmem:s0+$0x10410]  }
0x40f: {  	[tilespmem:s0+$0xC060] =	vst v0;
	v0 =	vadd.f32 v6, v4;
	v2 =	vld [tilespmem:s0+$0xC420]  }
.Ltmp11:
0x410: {  	v5 =	vld [tilespmem:s0+$0x10420];
	(pc) =	sbr.rel @p0 .LBB2_24-.Ltmp11, $4  }
0x411: {  	[tilespmem:s0+$0xC070] =	vst v0;
	v4 =	vadd.f32 v7, v3;
	v0 =	vld [tilespmem:s0+$0xC430]  }
0x412: {  	v3 =	vld [tilespmem:s0+$0x10430]  }
0x413: {  	[tilespmem:s0+$0xC400] =	vst v4;
	v6 =	vadd.f32 v8, v1;
	v1 =	vld [tilespmem:s0+$0xC440]  }
0x414: {  	v4 =	vld [tilespmem:s0+$0x10440]  }
0x415: {  	v7 =	vld [tilespmem:s0+$0xC450]  }
0x416: {  	v8 =	vld [tilespmem:s0+$0x10450]  }
0x417: {  	v9 =	vld [tilespmem:s0+$0xC460]  }
0x418: {  	v10 =	vld [tilespmem:s0+$0x10460]  }
0x419: {  	v2 =	vadd.f32 v5, v2  }
0x41a: {  	[tilespmem:s0+$0xC410] =	vst v6;
	v0 =	vadd.f32 v3, v0  }
0x41b: {  	[tilespmem:s0+$0xC420] =	vst v2;
	v1 =	vadd.f32 v4, v1  }
0x41c: {  	[tilespmem:s0+$0xC430] =	vst v0;
	v0 =	vadd.f32 v8, v7  }
0x41d: {  	[tilespmem:s0+$0xC440] =	vst v1;
	v1 =	vadd.f32 v10, v9  }
0x41e: {  	[tilespmem:s0+$0xC450] =	vst v0  }
0x41f: {  	[tilespmem:s0+$0xC460] =	vst v1  }
0x420: {  	s2 =	rddreg [dreg:$0x1b]  }
0x421: {  	s0 =	simm.s32 $0x0;
	s3 =	sld [smem:$0x7DE]  }
0x422: {  	[hbm4b:s2+s0] =	stream.linear.scatter [tilespmem:s19], [sflag:$0xA], $0x4000, $0x38;
	[tilespmem:$0x18000] =	vst v63  }
0x423: {  	_ = 	snop  }
0x424: {  	[tilespmem:s17], [sflag:$0x5] =	stream.linear.gather [hbm4b:s3+s0], $0x4000, $0x38;
	[tilespmem:$0x18000] =	vst v63  }
0x425: {  	_ =	swait.ge [sflag:s29], $0x4000  }
0x426: {  	s4 =	sld [smem:$0x7DC]  }
0x427: {  	[sflag:s29] =	ssyncset.done $0x0  }
0x428: {  	[sflag:s29] =	ssyncadd.s32 $0xFFFFC000  }
0x429: {  	[tilespmem:s19], [sflag:$0x4] =	stream.linear.gather [hbm4b:s4+s0], $0x4000, $0x38;
	[tilespmem:$0x18000] =	vst v63  }
0x42a: {  	_ =	swait.ge [sflag:s30], $0x4000  }
0x42b: {  	[sflag:s30] =	ssyncset.done $0x0  }
0x42c: {  	s3 =	simm.s32 $0x0;
	[sflag:s30] =	ssyncadd.s32 $0xFFFFC000  }
0x42d: {  	s5 =	sand.u32 $0x2000, s3;
	s4 =	sand.u32 $0x1800, s0;
	_ =	swait.ge [sflag:s21], $0x4000  }
0x42e: {  	s6 =	sand.u32 $0x380, s0;
	s2 =	sor.u32 s5, s4;
	[sflag:s21] =	ssyncset.done $0x0  }
0x42f: {  	s2 =	sor.u32 s6, s2;
	[sflag:s21] =	ssyncadd.s32 $0xFFFFC000  }
0x430: {  	v0 =	vld [tilespmem:s2+$0x470]  }
0x431: {  	v1 =	vld [tilespmem:s2+$0x14470]  }
0x432: {  	v2 =	vld [tilespmem:s2+$0x0]  }
0x433: {  	v3 =	vld [tilespmem:s2+$0x14000]  }
0x434: {  	v4 =	vld [tilespmem:s2+$0x10]  }
0x435: {  	v5 =	vld [tilespmem:s2+$0x14010]  }
0x436: {  	v6 =	vld [tilespmem:s2+$0x20]  }
0x437: {  	v7 =	vld [tilespmem:s2+$0x14020]  }
0x438: {  	v8 =	vld [tilespmem:s2+$0x30]  }
0x439: {  	v61 =	vld [tilespmem:s2+$0x14030]  }
0x43a: {  	v62 =	vld [tilespmem:s2+$0x40]  }
0x43b: {  	v11 =	vld [tilespmem:s2+$0x14040]  }
0x43c: {  	v12 =	vld [tilespmem:s2+$0x50]  }
0x43d: {  	v13 =	vld [tilespmem:s2+$0x14050]  }
0x43e: {  	v14 =	vld [tilespmem:s2+$0x60]  }
0x43f: {  	v15 =	vld [tilespmem:s2+$0x14060]  }
0x440: {  	v0 =	vadd.f32 v1, v0;
	v1 =	vld [tilespmem:s2+$0x70]  }
0x441: {  	v2 =	vadd.f32 v3, v2;
	v3 =	vld [tilespmem:s2+$0x14070]  }
0x442: {  	[tilespmem:s2+$0x470] =	vst v0;
	v0 =	vadd.f32 v5, v4;
	v4 =	vld [tilespmem:s2+$0x400]  }
0x443: {  	[tilespmem:s2+$0x0] =	vst v2;
	v2 =	vadd.f32 v7, v6;
	v6 =	vld [tilespmem:s2+$0x14400]  }
0x444: {  	v7 =	vld [tilespmem:s2+$0x410];
	v5 =	vadd.f32 v11, v62;
	[tilespmem:s2+$0x10] =	vst v0  }
0x445: {  	v0 =	vadd.f32 v61, v8;
	[tilespmem:s2+$0x20] =	vst v2;
	v8 =	vld [tilespmem:s2+$0x14410]  }
0x446: {  	v63 =	vadd.f32 v15, v14;
	v2 =	vld [tilespmem:s2+$0x420];
	[tilespmem:s2+$0x40] =	vst v5  }
0x447: {  	v5 =	vld [tilespmem:s2+$0x14420];
	[tilespmem:s2+$0x30] =	vst v0;
	v0 =	vadd.f32 v13, v12  }
0x448: {  	[tilespmem:s2+$0x60] =	vst v63;
	v1 =	vadd.f32 v3, v1;
	v3 =	vld [tilespmem:s2+$0x14430]  }
0x449: {  	v4 =	vadd.f32 v6, v4;
	[tilespmem:s2+$0x50] =	vst v0;
	v0 =	vld [tilespmem:s2+$0x430]  }
0x44a: {  	[tilespmem:s2+$0x70] =	vst v1;
	v1 =	vld [tilespmem:s2+$0x440];
	v6 =	vadd.f32 v8, v7  }
0x44b: {  	s4 =	simm.s32 $0x0;
	[tilespmem:s2+$0x400] =	vst v4;
	v4 =	vld [tilespmem:s2+$0x14440]  }
.LBB2_26:
0x44c: {  	s3 =	sadd.s32 $0x100, s3;
	[tilespmem:s2+$0x410] =	vst v6;
	v2 =	vadd.f32 v5, v2;
	v5 =	vld [tilespmem:s2+$0x450];
	s0 =	sadd.s32 $0x800, s0  }
0x44d: {  	s4 =	sadd.s32 $0x20, s4;
	s5 =	sand.u32 $0x2000, s3;
	s6 =	sand.u32 $0x1800, s0;
	v6 =	vld [tilespmem:s2+$0x14450]  }
0x44e: {  	p0 =	slt.u32 s3, $0x3F00;
	s5 =	sor.u32 s5, s6;
	s6 =	sand.u32 $0x380, s4;
	[tilespmem:s2+$0x420] =	vst v2;
	v0 =	vadd.f32 v3, v0;
	v2 =	vld [tilespmem:s2+$0x460]  }
0x44f: {  	s5 =	sor.u32 s6, s5;
	v3 =	vld [tilespmem:s2+$0x14460]  }
0x450: {  	v7 =	vld [tilespmem:s5+$0x470];
	[tilespmem:s2+$0x430] =	vst v0;
	v0 =	vadd.f32 v4, v1  }
0x451: {  	v1 =	vld [tilespmem:s5+$0x14470]  }
0x452: {  	v4 =	vld [tilespmem:s5+$0x0];
	[tilespmem:s2+$0x440] =	vst v0;
	v0 =	vadd.f32 v6, v5  }
0x453: {  	v5 =	vld [tilespmem:s5+$0x14000]  }
0x454: {  	v6 =	vld [tilespmem:s5+$0x10];
	[tilespmem:s2+$0x450] =	vst v0;
	v0 =	vadd.f32 v3, v2  }
0x455: {  	v2 =	vld [tilespmem:s5+$0x14010]  }
0x456: {  	v3 =	vld [tilespmem:s5+$0x20];
	v1 =	vadd.f32 v1, v7;
	[tilespmem:s2+$0x460] =	vst v0;
	s2 =	smov.u32 s5  }
0x457: {  	v0 =	vld [tilespmem:s2+$0x14020]  }
0x458: {  	v4 =	vadd.f32 v5, v4;
	v5 =	vld [tilespmem:s2+$0x30];
	[tilespmem:s2+$0x470] =	vst v1  }
0x459: {  	v1 =	vld [tilespmem:s2+$0x14030]  }
0x45a: {  	[tilespmem:s2+$0x0] =	vst v4;
	v2 =	vadd.f32 v2, v6;
	v4 =	vld [tilespmem:s2+$0x40]  }
0x45b: {  	v6 =	vld [tilespmem:s2+$0x14040]  }
0x45c: {  	[tilespmem:s2+$0x10] =	vst v2;
	v0 =	vadd.f32 v0, v3;
	v2 =	vld [tilespmem:s2+$0x50]  }
0x45d: {  	v3 =	vld [tilespmem:s2+$0x14050]  }
0x45e: {  	[tilespmem:s2+$0x20] =	vst v0;
	v0 =	vadd.f32 v1, v5;
	v1 =	vld [tilespmem:s2+$0x60]  }
0x45f: {  	v5 =	vld [tilespmem:s2+$0x14060]  }
0x460: {  	[tilespmem:s2+$0x30] =	vst v0;
	v0 =	vadd.f32 v6, v4;
	v4 =	vld [tilespmem:s2+$0x70]  }
0x461: {  	v6 =	vld [tilespmem:s2+$0x14070]  }
0x462: {  	[tilespmem:s2+$0x40] =	vst v0;
	v0 =	vadd.f32 v3, v2;
	v3 =	vld [tilespmem:s2+$0x400]  }
0x463: {  	v7 =	vld [tilespmem:s2+$0x14400]  }
0x464: {  	[tilespmem:s2+$0x50] =	vst v0;
	v0 =	vadd.f32 v5, v1;
	v1 =	vld [tilespmem:s2+$0x410]  }
0x465: {  	v8 =	vld [tilespmem:s2+$0x14410]  }
0x466: {  	[tilespmem:s2+$0x60] =	vst v0;
	v0 =	vadd.f32 v6, v4;
	v2 =	vld [tilespmem:s2+$0x420]  }
.Ltmp12:
0x467: {  	v5 =	vld [tilespmem:s2+$0x14420];
	(pc) =	sbr.rel @p0 .LBB2_26-.Ltmp12, $4  }
0x468: {  	[tilespmem:s2+$0x70] =	vst v0;
	v4 =	vadd.f32 v7, v3;
	v0 =	vld [tilespmem:s2+$0x430]  }
0x469: {  	v3 =	vld [tilespmem:s2+$0x14430]  }
0x46a: {  	[tilespmem:s2+$0x400] =	vst v4;
	v6 =	vadd.f32 v8, v1;
	v1 =	vld [tilespmem:s2+$0x440]  }
0x46b: {  	v4 =	vld [tilespmem:s2+$0x14440]  }
0x46c: {  	v7 =	vld [tilespmem:s2+$0x450]  }
0x46d: {  	v8 =	vld [tilespmem:s2+$0x14450]  }
0x46e: {  	v9 =	vld [tilespmem:s2+$0x460]  }
0x46f: {  	v10 =	vld [tilespmem:s2+$0x14460]  }
0x470: {  	v2 =	vadd.f32 v5, v2  }
0x471: {  	[tilespmem:s2+$0x410] =	vst v6;
	v0 =	vadd.f32 v3, v0  }
0x472: {  	[tilespmem:s2+$0x420] =	vst v2;
	v1 =	vadd.f32 v4, v1  }
0x473: {  	[tilespmem:s2+$0x430] =	vst v0;
	v0 =	vadd.f32 v8, v7  }
0x474: {  	[tilespmem:s2+$0x440] =	vst v1;
	v1 =	vadd.f32 v10, v9  }
0x475: {  	[tilespmem:s2+$0x450] =	vst v0  }
0x476: {  	[tilespmem:s2+$0x460] =	vst v1  }
0x477: {  	s2 =	simm.s32 $0x0;
	s0 =	rddreg [dreg:$0x1e]  }
0x478: {  	[hbm4b:s0+s2] =	stream.linear.scatter [tilespmem:s2], [sflag:$0x7], $0x4000, $0x38;
	[tilespmem:$0x18000] =	vst v63  }
0x479: {  	_ =	swait.ge [sflag:s22], $0x4000  }
0x47a: {  	s4 =	sld [smem:$0x7DF]  }
0x47b: {  	[sflag:s22] =	ssyncset.done $0x0  }
0x47c: {  	s3 =	simm.s32 $0x0;
	[sflag:s22] =	ssyncadd.s32 $0xFFFFC000  }
0x47d: {  	[tilespmem:s2], [sflag:$0x1] =	stream.linear.gather [hbm4b:s4+s2], $0x4000, $0x38;
	[tilespmem:$0x18000] =	vst v63  }
0x47e: {  	s5 =	sand.u32 $0x2000, s3;
	s4 =	sand.u32 $0x1800, s2;
	_ =	swait.ge [sflag:s23], $0x4000  }
0x47f: {  	s6 =	sand.u32 $0x380, s2;
	s0 =	sor.u32 s5, s4;
	[sflag:s23] =	ssyncset.done $0x0  }
0x480: {  	s0 =	sor.u32 s6, s0;
	[sflag:s23] =	ssyncadd.s32 $0xFFFFC000  }
0x481: {  	v0 =	vld [tilespmem:s0+$0x4470]  }
0x482: {  	v1 =	vld [tilespmem:s0+$0x14470]  }
0x483: {  	v2 =	vld [tilespmem:s0+$0x4000]  }
0x484: {  	v3 =	vld [tilespmem:s0+$0x14000]  }
0x485: {  	v4 =	vld [tilespmem:s0+$0x4010]  }
0x486: {  	v5 =	vld [tilespmem:s0+$0x14010]  }
0x487: {  	v6 =	vld [tilespmem:s0+$0x4020]  }
0x488: {  	v7 =	vld [tilespmem:s0+$0x14020]  }
0x489: {  	v8 =	vld [tilespmem:s0+$0x4030]  }
0x48a: {  	v61 =	vld [tilespmem:s0+$0x14030]  }
0x48b: {  	v62 =	vld [tilespmem:s0+$0x4040]  }
0x48c: {  	v11 =	vld [tilespmem:s0+$0x14040]  }
0x48d: {  	v12 =	vld [tilespmem:s0+$0x4050]  }
0x48e: {  	v13 =	vld [tilespmem:s0+$0x14050]  }
0x48f: {  	v14 =	vld [tilespmem:s0+$0x4060]  }
0x490: {  	v15 =	vld [tilespmem:s0+$0x14060]  }
0x491: {  	v0 =	vadd.f32 v1, v0;
	v1 =	vld [tilespmem:s0+$0x4070]  }
0x492: {  	v2 =	vadd.f32 v3, v2;
	v3 =	vld [tilespmem:s0+$0x14070]  }
0x493: {  	[tilespmem:s0+$0x4470] =	vst v0;
	v0 =	vadd.f32 v5, v4;
	v4 =	vld [tilespmem:s0+$0x4400]  }
0x494: {  	[tilespmem:s0+$0x4000] =	vst v2;
	v2 =	vadd.f32 v7, v6;
	v6 =	vld [tilespmem:s0+$0x14400]  }
0x495: {  	v7 =	vld [tilespmem:s0+$0x4410];
	v5 =	vadd.f32 v11, v62;
	[tilespmem:s0+$0x4010] =	vst v0  }
0x496: {  	v0 =	vadd.f32 v61, v8;
	[tilespmem:s0+$0x4020] =	vst v2;
	v8 =	vld [tilespmem:s0+$0x14410]  }
0x497: {  	v63 =	vadd.f32 v15, v14;
	v2 =	vld [tilespmem:s0+$0x4420];
	[tilespmem:s0+$0x4040] =	vst v5  }
0x498: {  	v5 =	vld [tilespmem:s0+$0x14420];
	[tilespmem:s0+$0x4030] =	vst v0;
	v0 =	vadd.f32 v13, v12  }
0x499: {  	[tilespmem:s0+$0x4060] =	vst v63;
	v1 =	vadd.f32 v3, v1;
	v3 =	vld [tilespmem:s0+$0x14430]  }
0x49a: {  	v4 =	vadd.f32 v6, v4;
	[tilespmem:s0+$0x4050] =	vst v0;
	v0 =	vld [tilespmem:s0+$0x4430]  }
0x49b: {  	[tilespmem:s0+$0x4070] =	vst v1;
	v1 =	vld [tilespmem:s0+$0x4440];
	v6 =	vadd.f32 v8, v7  }
0x49c: {  	s4 =	simm.s32 $0x0;
	[tilespmem:s0+$0x4400] =	vst v4;
	v4 =	vld [tilespmem:s0+$0x14440]  }
.LBB2_28:
0x49d: {  	s3 =	sadd.s32 $0x100, s3;
	[tilespmem:s0+$0x4410] =	vst v6;
	v2 =	vadd.f32 v5, v2;
	v5 =	vld [tilespmem:s0+$0x4450];
	s2 =	sadd.s32 $0x800, s2  }
0x49e: {  	s4 =	sadd.s32 $0x20, s4;
	s5 =	sand.u32 $0x2000, s3;
	s6 =	sand.u32 $0x1800, s2;
	v6 =	vld [tilespmem:s0+$0x14450]  }
0x49f: {  	p0 =	slt.u32 s3, $0x3F00;
	s5 =	sor.u32 s5, s6;
	s6 =	sand.u32 $0x380, s4;
	[tilespmem:s0+$0x4420] =	vst v2;
	v0 =	vadd.f32 v3, v0;
	v2 =	vld [tilespmem:s0+$0x4460]  }
0x4a0: {  	s5 =	sor.u32 s6, s5;
	v3 =	vld [tilespmem:s0+$0x14460]  }
0x4a1: {  	v7 =	vld [tilespmem:s5+$0x4470];
	[tilespmem:s0+$0x4430] =	vst v0;
	v0 =	vadd.f32 v4, v1  }
0x4a2: {  	v1 =	vld [tilespmem:s5+$0x14470]  }
0x4a3: {  	v4 =	vld [tilespmem:s5+$0x4000];
	[tilespmem:s0+$0x4440] =	vst v0;
	v0 =	vadd.f32 v6, v5  }
0x4a4: {  	v5 =	vld [tilespmem:s5+$0x14000]  }
0x4a5: {  	v6 =	vld [tilespmem:s5+$0x4010];
	[tilespmem:s0+$0x4450] =	vst v0;
	v0 =	vadd.f32 v3, v2  }
0x4a6: {  	v2 =	vld [tilespmem:s5+$0x14010]  }
0x4a7: {  	v3 =	vld [tilespmem:s5+$0x4020];
	v1 =	vadd.f32 v1, v7;
	[tilespmem:s0+$0x4460] =	vst v0;
	s0 =	smov.u32 s5  }
0x4a8: {  	v0 =	vld [tilespmem:s0+$0x14020]  }
0x4a9: {  	v4 =	vadd.f32 v5, v4;
	v5 =	vld [tilespmem:s0+$0x4030];
	[tilespmem:s0+$0x4470] =	vst v1  }
0x4aa: {  	v1 =	vld [tilespmem:s0+$0x14030]  }
0x4ab: {  	[tilespmem:s0+$0x4000] =	vst v4;
	v2 =	vadd.f32 v2, v6;
	v4 =	vld [tilespmem:s0+$0x4040]  }
0x4ac: {  	v6 =	vld [tilespmem:s0+$0x14040]  }
0x4ad: {  	[tilespmem:s0+$0x4010] =	vst v2;
	v0 =	vadd.f32 v0, v3;
	v2 =	vld [tilespmem:s0+$0x4050]  }
0x4ae: {  	v3 =	vld [tilespmem:s0+$0x14050]  }
0x4af: {  	[tilespmem:s0+$0x4020] =	vst v0;
	v0 =	vadd.f32 v1, v5;
	v1 =	vld [tilespmem:s0+$0x4060]  }
0x4b0: {  	v5 =	vld [tilespmem:s0+$0x14060]  }
0x4b1: {  	[tilespmem:s0+$0x4030] =	vst v0;
	v0 =	vadd.f32 v6, v4;
	v4 =	vld [tilespmem:s0+$0x4070]  }
0x4b2: {  	v6 =	vld [tilespmem:s0+$0x14070]  }
0x4b3: {  	[tilespmem:s0+$0x4040] =	vst v0;
	v0 =	vadd.f32 v3, v2;
	v3 =	vld [tilespmem:s0+$0x4400]  }
0x4b4: {  	v7 =	vld [tilespmem:s0+$0x14400]  }
0x4b5: {  	[tilespmem:s0+$0x4050] =	vst v0;
	v0 =	vadd.f32 v5, v1;
	v1 =	vld [tilespmem:s0+$0x4410]  }
0x4b6: {  	v8 =	vld [tilespmem:s0+$0x14410]  }
0x4b7: {  	[tilespmem:s0+$0x4060] =	vst v0;
	v0 =	vadd.f32 v6, v4;
	v2 =	vld [tilespmem:s0+$0x4420]  }
.Ltmp13:
0x4b8: {  	v5 =	vld [tilespmem:s0+$0x14420];
	(pc) =	sbr.rel @p0 .LBB2_28-.Ltmp13, $4  }
0x4b9: {  	[tilespmem:s0+$0x4070] =	vst v0;
	v4 =	vadd.f32 v7, v3;
	v0 =	vld [tilespmem:s0+$0x4430]  }
0x4ba: {  	v3 =	vld [tilespmem:s0+$0x14430]  }
0x4bb: {  	[tilespmem:s0+$0x4400] =	vst v4;
	v6 =	vadd.f32 v8, v1;
	v1 =	vld [tilespmem:s0+$0x4440]  }
0x4bc: {  	v4 =	vld [tilespmem:s0+$0x14440]  }
0x4bd: {  	v7 =	vld [tilespmem:s0+$0x4450]  }
0x4be: {  	v8 =	vld [tilespmem:s0+$0x14450]  }
0x4bf: {  	v9 =	vld [tilespmem:s0+$0x4460]  }
0x4c0: {  	v10 =	vld [tilespmem:s0+$0x14460]  }
0x4c1: {  	v2 =	vadd.f32 v5, v2  }
0x4c2: {  	[tilespmem:s0+$0x4410] =	vst v6;
	v0 =	vadd.f32 v3, v0  }
0x4c3: {  	[tilespmem:s0+$0x4420] =	vst v2;
	v1 =	vadd.f32 v4, v1  }
0x4c4: {  	[tilespmem:s0+$0x4430] =	vst v0;
	v0 =	vadd.f32 v8, v7  }
0x4c5: {  	[tilespmem:s0+$0x4440] =	vst v1;
	v1 =	vadd.f32 v10, v9  }
0x4c6: {  	[tilespmem:s0+$0x4450] =	vst v0  }
0x4c7: {  	[tilespmem:s0+$0x4460] =	vst v1  }
0x4c8: {  	s0 =	sld [smem:$0x7D9];
	_ =	sdelay $0x1  }
0x4c9: {  	s2 =	simm.s32 $0x0  }
0x4ca: {  	[hbm4b:s0+s2] =	stream.linear.scatter [tilespmem:s15], [sflag:$0x8], $0x4000, $0x38;
	[tilespmem:$0x18000] =	vst v63  }
0x4cb: {  	_ =	swait.ge [sflag:s24], $0x4000  }
0x4cc: {  	s4 =	sld [smem:$0x7E1]  }
0x4cd: {  	[sflag:s24] =	ssyncset.done $0x0  }
0x4ce: {  	s3 =	simm.s32 $0x0;
	[sflag:s24] =	ssyncadd.s32 $0xFFFFC000  }
0x4cf: {  	[tilespmem:s15], [sflag:$0x2] =	stream.linear.gather [hbm4b:s4+s2], $0x4000, $0x38;
	[tilespmem:$0x18000] =	vst v63  }
0x4d0: {  	s5 =	sand.u32 $0x2000, s3;
	s4 =	sand.u32 $0x1800, s2;
	_ =	swait.ge [sflag:s25], $0x4000  }
0x4d1: {  	s6 =	sand.u32 $0x380, s2;
	s0 =	sor.u32 s5, s4;
	[sflag:s25] =	ssyncset.done $0x0  }
0x4d2: {  	s0 =	sor.u32 s6, s0;
	[sflag:s25] =	ssyncadd.s32 $0xFFFFC000  }
0x4d3: {  	v0 =	vld [tilespmem:s0+$0x8470]  }
0x4d4: {  	v1 =	vld [tilespmem:s0+$0x14470]  }
0x4d5: {  	v2 =	vld [tilespmem:s0+$0x8000]  }
0x4d6: {  	v3 =	vld [tilespmem:s0+$0x14000]  }
0x4d7: {  	v4 =	vld [tilespmem:s0+$0x8010]  }
0x4d8: {  	v5 =	vld [tilespmem:s0+$0x14010]  }
0x4d9: {  	v6 =	vld [tilespmem:s0+$0x8020]  }
0x4da: {  	v7 =	vld [tilespmem:s0+$0x14020]  }
0x4db: {  	v8 =	vld [tilespmem:s0+$0x8030]  }
0x4dc: {  	v61 =	vld [tilespmem:s0+$0x14030]  }
0x4dd: {  	v62 =	vld [tilespmem:s0+$0x8040]  }
0x4de: {  	v11 =	vld [tilespmem:s0+$0x14040]  }
0x4df: {  	v12 =	vld [tilespmem:s0+$0x8050]  }
0x4e0: {  	v13 =	vld [tilespmem:s0+$0x14050]  }
0x4e1: {  	v14 =	vld [tilespmem:s0+$0x8060]  }
0x4e2: {  	v15 =	vld [tilespmem:s0+$0x14060]  }
0x4e3: {  	v0 =	vadd.f32 v1, v0;
	v1 =	vld [tilespmem:s0+$0x8070]  }
0x4e4: {  	v2 =	vadd.f32 v3, v2;
	v3 =	vld [tilespmem:s0+$0x14070]  }
0x4e5: {  	[tilespmem:s0+$0x8470] =	vst v0;
	v0 =	vadd.f32 v5, v4;
	v4 =	vld [tilespmem:s0+$0x8400]  }
0x4e6: {  	[tilespmem:s0+$0x8000] =	vst v2;
	v2 =	vadd.f32 v7, v6;
	v6 =	vld [tilespmem:s0+$0x14400]  }
0x4e7: {  	v7 =	vld [tilespmem:s0+$0x8410];
	v5 =	vadd.f32 v11, v62;
	[tilespmem:s0+$0x8010] =	vst v0  }
0x4e8: {  	v0 =	vadd.f32 v61, v8;
	[tilespmem:s0+$0x8020] =	vst v2;
	v8 =	vld [tilespmem:s0+$0x14410]  }
0x4e9: {  	v63 =	vadd.f32 v15, v14;
	v2 =	vld [tilespmem:s0+$0x8420];
	[tilespmem:s0+$0x8040] =	vst v5  }
0x4ea: {  	v5 =	vld [tilespmem:s0+$0x14420];
	[tilespmem:s0+$0x8030] =	vst v0;
	v0 =	vadd.f32 v13, v12  }
0x4eb: {  	[tilespmem:s0+$0x8060] =	vst v63;
	v1 =	vadd.f32 v3, v1;
	v3 =	vld [tilespmem:s0+$0x14430]  }
0x4ec: {  	v4 =	vadd.f32 v6, v4;
	[tilespmem:s0+$0x8050] =	vst v0;
	v0 =	vld [tilespmem:s0+$0x8430]  }
0x4ed: {  	[tilespmem:s0+$0x8070] =	vst v1;
	v1 =	vld [tilespmem:s0+$0x8440];
	v6 =	vadd.f32 v8, v7  }
0x4ee: {  	s4 =	simm.s32 $0x0;
	[tilespmem:s0+$0x8400] =	vst v4;
	v4 =	vld [tilespmem:s0+$0x14440]  }
.LBB2_30:
0x4ef: {  	s3 =	sadd.s32 $0x100, s3;
	[tilespmem:s0+$0x8410] =	vst v6;
	v2 =	vadd.f32 v5, v2;
	v5 =	vld [tilespmem:s0+$0x8450];
	s2 =	sadd.s32 $0x800, s2  }
0x4f0: {  	s4 =	sadd.s32 $0x20, s4;
	s5 =	sand.u32 $0x2000, s3;
	s6 =	sand.u32 $0x1800, s2;
	v6 =	vld [tilespmem:s0+$0x14450]  }
0x4f1: {  	p0 =	slt.u32 s3, $0x3F00;
	s5 =	sor.u32 s5, s6;
	s6 =	sand.u32 $0x380, s4;
	[tilespmem:s0+$0x8420] =	vst v2;
	v0 =	vadd.f32 v3, v0;
	v2 =	vld [tilespmem:s0+$0x8460]  }
0x4f2: {  	s5 =	sor.u32 s6, s5;
	v3 =	vld [tilespmem:s0+$0x14460]  }
0x4f3: {  	v7 =	vld [tilespmem:s5+$0x8470];
	[tilespmem:s0+$0x8430] =	vst v0;
	v0 =	vadd.f32 v4, v1  }
0x4f4: {  	v1 =	vld [tilespmem:s5+$0x14470]  }
0x4f5: {  	v4 =	vld [tilespmem:s5+$0x8000];
	[tilespmem:s0+$0x8440] =	vst v0;
	v0 =	vadd.f32 v6, v5  }
0x4f6: {  	v5 =	vld [tilespmem:s5+$0x14000]  }
0x4f7: {  	v6 =	vld [tilespmem:s5+$0x8010];
	[tilespmem:s0+$0x8450] =	vst v0;
	v0 =	vadd.f32 v3, v2  }
0x4f8: {  	v2 =	vld [tilespmem:s5+$0x14010]  }
0x4f9: {  	v3 =	vld [tilespmem:s5+$0x8020];
	v1 =	vadd.f32 v1, v7;
	[tilespmem:s0+$0x8460] =	vst v0;
	s0 =	smov.u32 s5  }
0x4fa: {  	v0 =	vld [tilespmem:s0+$0x14020]  }
0x4fb: {  	v4 =	vadd.f32 v5, v4;
	v5 =	vld [tilespmem:s0+$0x8030];
	[tilespmem:s0+$0x8470] =	vst v1  }
0x4fc: {  	v1 =	vld [tilespmem:s0+$0x14030]  }
0x4fd: {  	[tilespmem:s0+$0x8000] =	vst v4;
	v2 =	vadd.f32 v2, v6;
	v4 =	vld [tilespmem:s0+$0x8040]  }
0x4fe: {  	v6 =	vld [tilespmem:s0+$0x14040]  }
0x4ff: {  	[tilespmem:s0+$0x8010] =	vst v2;
	v0 =	vadd.f32 v0, v3;
	v2 =	vld [tilespmem:s0+$0x8050]  }
0x500: {  	v3 =	vld [tilespmem:s0+$0x14050]  }
0x501: {  	[tilespmem:s0+$0x8020] =	vst v0;
	v0 =	vadd.f32 v1, v5;
	v1 =	vld [tilespmem:s0+$0x8060]  }
0x502: {  	v5 =	vld [tilespmem:s0+$0x14060]  }
0x503: {  	[tilespmem:s0+$0x8030] =	vst v0;
	v0 =	vadd.f32 v6, v4;
	v4 =	vld [tilespmem:s0+$0x8070]  }
0x504: {  	v6 =	vld [tilespmem:s0+$0x14070]  }
0x505: {  	[tilespmem:s0+$0x8040] =	vst v0;
	v0 =	vadd.f32 v3, v2;
	v3 =	vld [tilespmem:s0+$0x8400]  }
0x506: {  	v7 =	vld [tilespmem:s0+$0x14400]  }
0x507: {  	[tilespmem:s0+$0x8050] =	vst v0;
	v0 =	vadd.f32 v5, v1;
	v1 =	vld [tilespmem:s0+$0x8410]  }
0x508: {  	v8 =	vld [tilespmem:s0+$0x14410]  }
0x509: {  	[tilespmem:s0+$0x8060] =	vst v0;
	v0 =	vadd.f32 v6, v4;
	v2 =	vld [tilespmem:s0+$0x8420]  }
.Ltmp14:
0x50a: {  	v5 =	vld [tilespmem:s0+$0x14420];
	(pc) =	sbr.rel @p0 .LBB2_30-.Ltmp14, $4  }
0x50b: {  	[tilespmem:s0+$0x8070] =	vst v0;
	v4 =	vadd.f32 v7, v3;
	v0 =	vld [tilespmem:s0+$0x8430]  }
0x50c: {  	v3 =	vld [tilespmem:s0+$0x14430]  }
0x50d: {  	[tilespmem:s0+$0x8400] =	vst v4;
	v6 =	vadd.f32 v8, v1;
	v1 =	vld [tilespmem:s0+$0x8440]  }
0x50e: {  	v4 =	vld [tilespmem:s0+$0x14440]  }
0x50f: {  	v7 =	vld [tilespmem:s0+$0x8450]  }
0x510: {  	v8 =	vld [tilespmem:s0+$0x14450]  }
0x511: {  	v9 =	vld [tilespmem:s0+$0x8460]  }
0x512: {  	v10 =	vld [tilespmem:s0+$0x14460]  }
0x513: {  	v2 =	vadd.f32 v5, v2  }
0x514: {  	[tilespmem:s0+$0x8410] =	vst v6;
	v0 =	vadd.f32 v3, v0  }
0x515: {  	[tilespmem:s0+$0x8420] =	vst v2;
	v1 =	vadd.f32 v4, v1  }
0x516: {  	[tilespmem:s0+$0x8430] =	vst v0;
	v0 =	vadd.f32 v8, v7  }
0x517: {  	[tilespmem:s0+$0x8440] =	vst v1;
	v1 =	vadd.f32 v10, v9  }
0x518: {  	[tilespmem:s0+$0x8450] =	vst v0  }
0x519: {  	[tilespmem:s0+$0x8460] =	vst v1  }
0x51a: {  	s0 =	sld [smem:$0x7DB];
	_ =	sdelay $0x1  }
0x51b: {  	s2 =	simm.s32 $0x0  }
0x51c: {  	[hbm4b:s0+s2] =	stream.linear.scatter [tilespmem:s16], [sflag:$0x9], $0x4000, $0x38;
	[tilespmem:$0x18000] =	vst v63  }
0x51d: {  	_ =	swait.ge [sflag:s26], $0x4000  }
0x51e: {  	s4 =	sld [smem:$0x7E3]  }
0x51f: {  	[sflag:s26] =	ssyncset.done $0x0  }
0x520: {  	s3 =	simm.s32 $0x0;
	[sflag:s26] =	ssyncadd.s32 $0xFFFFC000  }
0x521: {  	[tilespmem:s16], [sflag:$0x3] =	stream.linear.gather [hbm4b:s4+s2], $0x4000, $0x38;
	[tilespmem:$0x18000] =	vst v63  }
0x522: {  	s5 =	sand.u32 $0x2000, s3;
	s4 =	sand.u32 $0x1800, s2;
	_ =	swait.ge [sflag:s28], $0x4000  }
0x523: {  	s6 =	sand.u32 $0x380, s2;
	s0 =	sor.u32 s5, s4;
	[sflag:s28] =	ssyncset.done $0x0  }
0x524: {  	s0 =	sor.u32 s6, s0;
	[sflag:s28] =	ssyncadd.s32 $0xFFFFC000  }
0x525: {  	v0 =	vld [tilespmem:s0+$0xC470]  }
0x526: {  	v1 =	vld [tilespmem:s0+$0x14470]  }
0x527: {  	v2 =	vld [tilespmem:s0+$0xC000]  }
0x528: {  	v3 =	vld [tilespmem:s0+$0x14000]  }
0x529: {  	v4 =	vld [tilespmem:s0+$0xC010]  }
0x52a: {  	v5 =	vld [tilespmem:s0+$0x14010]  }
0x52b: {  	v6 =	vld [tilespmem:s0+$0xC020]  }
0x52c: {  	v7 =	vld [tilespmem:s0+$0x14020]  }
0x52d: {  	v8 =	vld [tilespmem:s0+$0xC030]  }
0x52e: {  	v61 =	vld [tilespmem:s0+$0x14030]  }
0x52f: {  	v62 =	vld [tilespmem:s0+$0xC040]  }
0x530: {  	v11 =	vld [tilespmem:s0+$0x14040]  }
0x531: {  	v12 =	vld [tilespmem:s0+$0xC050]  }
0x532: {  	v13 =	vld [tilespmem:s0+$0x14050]  }
0x533: {  	v14 =	vld [tilespmem:s0+$0xC060]  }
0x534: {  	v15 =	vld [tilespmem:s0+$0x14060]  }
0x535: {  	v0 =	vadd.f32 v1, v0;
	v1 =	vld [tilespmem:s0+$0xC070]  }
0x536: {  	v2 =	vadd.f32 v3, v2;
	v3 =	vld [tilespmem:s0+$0x14070]  }
0x537: {  	[tilespmem:s0+$0xC470] =	vst v0;
	v0 =	vadd.f32 v5, v4;
	v4 =	vld [tilespmem:s0+$0xC400]  }
0x538: {  	[tilespmem:s0+$0xC000] =	vst v2;
	v2 =	vadd.f32 v7, v6;
	v6 =	vld [tilespmem:s0+$0x14400]  }
0x539: {  	v7 =	vld [tilespmem:s0+$0xC410];
	v5 =	vadd.f32 v11, v62;
	[tilespmem:s0+$0xC010] =	vst v0  }
0x53a: {  	v0 =	vadd.f32 v61, v8;
	[tilespmem:s0+$0xC020] =	vst v2;
	v8 =	vld [tilespmem:s0+$0x14410]  }
0x53b: {  	v63 =	vadd.f32 v15, v14;
	v2 =	vld [tilespmem:s0+$0xC420];
	[tilespmem:s0+$0xC040] =	vst v5  }
0x53c: {  	v5 =	vld [tilespmem:s0+$0x14420];
	[tilespmem:s0+$0xC030] =	vst v0;
	v0 =	vadd.f32 v13, v12  }
0x53d: {  	[tilespmem:s0+$0xC060] =	vst v63;
	v1 =	vadd.f32 v3, v1;
	v3 =	vld [tilespmem:s0+$0x14430]  }
0x53e: {  	v4 =	vadd.f32 v6, v4;
	[tilespmem:s0+$0xC050] =	vst v0;
	v0 =	vld [tilespmem:s0+$0xC430]  }
0x53f: {  	[tilespmem:s0+$0xC070] =	vst v1;
	v1 =	vld [tilespmem:s0+$0xC440];
	v6 =	vadd.f32 v8, v7  }
0x540: {  	s4 =	simm.s32 $0x0;
	[tilespmem:s0+$0xC400] =	vst v4;
	v4 =	vld [tilespmem:s0+$0x14440]  }
.LBB2_32:
0x541: {  	s3 =	sadd.s32 $0x100, s3;
	[tilespmem:s0+$0xC410] =	vst v6;
	v2 =	vadd.f32 v5, v2;
	v5 =	vld [tilespmem:s0+$0xC450];
	s2 =	sadd.s32 $0x800, s2  }
0x542: {  	s4 =	sadd.s32 $0x20, s4;
	s5 =	sand.u32 $0x2000, s3;
	s6 =	sand.u32 $0x1800, s2;
	v6 =	vld [tilespmem:s0+$0x14450]  }
0x543: {  	p0 =	slt.u32 s3, $0x3F00;
	s5 =	sor.u32 s5, s6;
	s6 =	sand.u32 $0x380, s4;
	[tilespmem:s0+$0xC420] =	vst v2;
	v0 =	vadd.f32 v3, v0;
	v2 =	vld [tilespmem:s0+$0xC460]  }
0x544: {  	s5 =	sor.u32 s6, s5;
	v3 =	vld [tilespmem:s0+$0x14460]  }
0x545: {  	v7 =	vld [tilespmem:s5+$0xC470];
	[tilespmem:s0+$0xC430] =	vst v0;
	v0 =	vadd.f32 v4, v1  }
0x546: {  	v1 =	vld [tilespmem:s5+$0x14470]  }
0x547: {  	v4 =	vld [tilespmem:s5+$0xC000];
	[tilespmem:s0+$0xC440] =	vst v0;
	v0 =	vadd.f32 v6, v5  }
0x548: {  	v5 =	vld [tilespmem:s5+$0x14000]  }
0x549: {  	v6 =	vld [tilespmem:s5+$0xC010];
	[tilespmem:s0+$0xC450] =	vst v0;
	v0 =	vadd.f32 v3, v2  }
0x54a: {  	v2 =	vld [tilespmem:s5+$0x14010]  }
0x54b: {  	v3 =	vld [tilespmem:s5+$0xC020];
	v1 =	vadd.f32 v1, v7;
	[tilespmem:s0+$0xC460] =	vst v0;
	s0 =	smov.u32 s5  }
0x54c: {  	v0 =	vld [tilespmem:s0+$0x14020]  }
0x54d: {  	v4 =	vadd.f32 v5, v4;
	v5 =	vld [tilespmem:s0+$0xC030];
	[tilespmem:s0+$0xC470] =	vst v1  }
0x54e: {  	v1 =	vld [tilespmem:s0+$0x14030]  }
0x54f: {  	[tilespmem:s0+$0xC000] =	vst v4;
	v2 =	vadd.f32 v2, v6;
	v4 =	vld [tilespmem:s0+$0xC040]  }
0x550: {  	v6 =	vld [tilespmem:s0+$0x14040]  }
0x551: {  	[tilespmem:s0+$0xC010] =	vst v2;
	v0 =	vadd.f32 v0, v3;
	v2 =	vld [tilespmem:s0+$0xC050]  }
0x552: {  	v3 =	vld [tilespmem:s0+$0x14050]  }
0x553: {  	[tilespmem:s0+$0xC020] =	vst v0;
	v0 =	vadd.f32 v1, v5;
	v1 =	vld [tilespmem:s0+$0xC060]  }
0x554: {  	v5 =	vld [tilespmem:s0+$0x14060]  }
0x555: {  	[tilespmem:s0+$0xC030] =	vst v0;
	v0 =	vadd.f32 v6, v4;
	v4 =	vld [tilespmem:s0+$0xC070]  }
0x556: {  	v6 =	vld [tilespmem:s0+$0x14070]  }
0x557: {  	[tilespmem:s0+$0xC040] =	vst v0;
	v0 =	vadd.f32 v3, v2;
	v3 =	vld [tilespmem:s0+$0xC400]  }
0x558: {  	v7 =	vld [tilespmem:s0+$0x14400]  }
0x559: {  	[tilespmem:s0+$0xC050] =	vst v0;
	v0 =	vadd.f32 v5, v1;
	v1 =	vld [tilespmem:s0+$0xC410]  }
0x55a: {  	v8 =	vld [tilespmem:s0+$0x14410]  }
0x55b: {  	[tilespmem:s0+$0xC060] =	vst v0;
	v0 =	vadd.f32 v6, v4;
	v2 =	vld [tilespmem:s0+$0xC420]  }
.Ltmp15:
0x55c: {  	v5 =	vld [tilespmem:s0+$0x14420];
	(pc) =	sbr.rel @p0 .LBB2_32-.Ltmp15, $4  }
0x55d: {  	[tilespmem:s0+$0xC070] =	vst v0;
	v4 =	vadd.f32 v7, v3;
	v0 =	vld [tilespmem:s0+$0xC430]  }
0x55e: {  	v3 =	vld [tilespmem:s0+$0x14430]  }
0x55f: {  	[tilespmem:s0+$0xC400] =	vst v4;
	v6 =	vadd.f32 v8, v1;
	v1 =	vld [tilespmem:s0+$0xC440]  }
0x560: {  	v4 =	vld [tilespmem:s0+$0x14440]  }
0x561: {  	v7 =	vld [tilespmem:s0+$0xC450]  }
0x562: {  	v8 =	vld [tilespmem:s0+$0x14450]  }
0x563: {  	v9 =	vld [tilespmem:s0+$0xC460]  }
0x564: {  	v10 =	vld [tilespmem:s0+$0x14460]  }
0x565: {  	v2 =	vadd.f32 v5, v2  }
0x566: {  	[tilespmem:s0+$0xC410] =	vst v6;
	v0 =	vadd.f32 v3, v0  }
0x567: {  	[tilespmem:s0+$0xC420] =	vst v2;
	v1 =	vadd.f32 v4, v1  }
0x568: {  	[tilespmem:s0+$0xC430] =	vst v0;
	v0 =	vadd.f32 v8, v7  }
0x569: {  	[tilespmem:s0+$0xC440] =	vst v1;
	v1 =	vadd.f32 v10, v9  }
0x56a: {  	[tilespmem:s0+$0xC450] =	vst v0  }
0x56b: {  	[tilespmem:s0+$0xC460] =	vst v1  }
0x56c: {  	s2 =	sld [smem:$0x7DD];
	_ =	sdelay $0x1  }
0x56d: {  	s0 =	simm.s32 $0x0;
	s3 =	sld [smem:$0x7E7]  }
0x56e: {  	[hbm4b:s2+s0] =	stream.linear.scatter [tilespmem:s19], [sflag:$0xA], $0x4000, $0x38;
	[tilespmem:$0x18000] =	vst v63  }
0x56f: {  	_ = 	snop  }
0x570: {  	[tilespmem:s18], [sflag:$0x6] =	stream.linear.gather [hbm4b:s3+s0], $0x4000, $0x38;
	[tilespmem:$0x18000] =	vst v63  }
0x571: {  	_ =	swait.ge [sflag:s29], $0x4000  }
0x572: {  	s4 =	sld [smem:$0x7E5]  }
0x573: {  	[sflag:s29] =	ssyncset.done $0x0  }
0x574: {  	[sflag:s29] =	ssyncadd.s32 $0xFFFFC000  }
0x575: {  	[tilespmem:s19], [sflag:$0x4] =	stream.linear.gather [hbm4b:s4+s0], $0x4000, $0x38;
	[tilespmem:$0x18000] =	vst v63  }
0x576: {  	_ =	swait.ge [sflag:s20], $0x4000  }
0x577: {  	[sflag:s20] =	ssyncset.done $0x0  }
0x578: {  	s3 =	simm.s32 $0x0;
	[sflag:s20] =	ssyncadd.s32 $0xFFFFC000  }
0x579: {  	s5 =	sand.u32 $0x2000, s3;
	s4 =	sand.u32 $0x1800, s0;
	_ =	swait.ge [sflag:s21], $0x4000  }
0x57a: {  	s6 =	sand.u32 $0x380, s0;
	s2 =	sor.u32 s5, s4;
	[sflag:s21] =	ssyncset.done $0x0  }
0x57b: {  	s2 =	sor.u32 s6, s2;
	[sflag:s21] =	ssyncadd.s32 $0xFFFFC000  }
0x57c: {  	v0 =	vld [tilespmem:s2+$0x470]  }
0x57d: {  	v1 =	vld [tilespmem:s2+$0x10470]  }
0x57e: {  	v2 =	vld [tilespmem:s2+$0x0]  }
0x57f: {  	v3 =	vld [tilespmem:s2+$0x10000]  }
0x580: {  	v4 =	vld [tilespmem:s2+$0x10]  }
0x581: {  	v5 =	vld [tilespmem:s2+$0x10010]  }
0x582: {  	v6 =	vld [tilespmem:s2+$0x20]  }
0x583: {  	v7 =	vld [tilespmem:s2+$0x10020]  }
0x584: {  	v8 =	vld [tilespmem:s2+$0x30]  }
0x585: {  	v61 =	vld [tilespmem:s2+$0x10030]  }
0x586: {  	v62 =	vld [tilespmem:s2+$0x40]  }
0x587: {  	v11 =	vld [tilespmem:s2+$0x10040]  }
0x588: {  	v12 =	vld [tilespmem:s2+$0x50]  }
0x589: {  	v13 =	vld [tilespmem:s2+$0x10050]  }
0x58a: {  	v14 =	vld [tilespmem:s2+$0x60]  }
0x58b: {  	v15 =	vld [tilespmem:s2+$0x10060]  }
0x58c: {  	v0 =	vadd.f32 v1, v0;
	v1 =	vld [tilespmem:s2+$0x70]  }
0x58d: {  	v2 =	vadd.f32 v3, v2;
	v3 =	vld [tilespmem:s2+$0x10070]  }
0x58e: {  	[tilespmem:s2+$0x470] =	vst v0;
	v0 =	vadd.f32 v5, v4;
	v4 =	vld [tilespmem:s2+$0x400]  }
0x58f: {  	[tilespmem:s2+$0x0] =	vst v2;
	v2 =	vadd.f32 v7, v6;
	v6 =	vld [tilespmem:s2+$0x10400]  }
0x590: {  	v7 =	vld [tilespmem:s2+$0x410];
	v5 =	vadd.f32 v11, v62;
	[tilespmem:s2+$0x10] =	vst v0  }
0x591: {  	v0 =	vadd.f32 v61, v8;
	[tilespmem:s2+$0x20] =	vst v2;
	v8 =	vld [tilespmem:s2+$0x10410]  }
0x592: {  	v63 =	vadd.f32 v15, v14;
	v2 =	vld [tilespmem:s2+$0x420];
	[tilespmem:s2+$0x40] =	vst v5  }
0x593: {  	v5 =	vld [tilespmem:s2+$0x10420];
	[tilespmem:s2+$0x30] =	vst v0;
	v0 =	vadd.f32 v13, v12  }
0x594: {  	[tilespmem:s2+$0x60] =	vst v63;
	v1 =	vadd.f32 v3, v1;
	v3 =	vld [tilespmem:s2+$0x10430]  }
0x595: {  	v4 =	vadd.f32 v6, v4;
	[tilespmem:s2+$0x50] =	vst v0;
	v0 =	vld [tilespmem:s2+$0x430]  }
0x596: {  	[tilespmem:s2+$0x70] =	vst v1;
	v1 =	vld [tilespmem:s2+$0x440];
	v6 =	vadd.f32 v8, v7  }
0x597: {  	s4 =	simm.s32 $0x0;
	[tilespmem:s2+$0x400] =	vst v4;
	v4 =	vld [tilespmem:s2+$0x10440]  }
.LBB2_34:
0x598: {  	s3 =	sadd.s32 $0x100, s3;
	[tilespmem:s2+$0x410] =	vst v6;
	v2 =	vadd.f32 v5, v2;
	v5 =	vld [tilespmem:s2+$0x450];
	s0 =	sadd.s32 $0x800, s0  }
0x599: {  	s4 =	sadd.s32 $0x20, s4;
	s5 =	sand.u32 $0x2000, s3;
	s6 =	sand.u32 $0x1800, s0;
	v6 =	vld [tilespmem:s2+$0x10450]  }
0x59a: {  	p0 =	slt.u32 s3, $0x3F00;
	s5 =	sor.u32 s5, s6;
	s6 =	sand.u32 $0x380, s4;
	[tilespmem:s2+$0x420] =	vst v2;
	v0 =	vadd.f32 v3, v0;
	v2 =	vld [tilespmem:s2+$0x460]  }
0x59b: {  	s5 =	sor.u32 s6, s5;
	v3 =	vld [tilespmem:s2+$0x10460]  }
0x59c: {  	v7 =	vld [tilespmem:s5+$0x470];
	[tilespmem:s2+$0x430] =	vst v0;
	v0 =	vadd.f32 v4, v1  }
0x59d: {  	v1 =	vld [tilespmem:s5+$0x10470]  }
0x59e: {  	v4 =	vld [tilespmem:s5+$0x0];
	[tilespmem:s2+$0x440] =	vst v0;
	v0 =	vadd.f32 v6, v5  }
0x59f: {  	v5 =	vld [tilespmem:s5+$0x10000]  }
0x5a0: {  	v6 =	vld [tilespmem:s5+$0x10];
	[tilespmem:s2+$0x450] =	vst v0;
	v0 =	vadd.f32 v3, v2  }
0x5a1: {  	v2 =	vld [tilespmem:s5+$0x10010]  }
0x5a2: {  	v3 =	vld [tilespmem:s5+$0x20];
	v1 =	vadd.f32 v1, v7;
	[tilespmem:s2+$0x460] =	vst v0;
	s2 =	smov.u32 s5  }
0x5a3: {  	v0 =	vld [tilespmem:s2+$0x10020]  }
0x5a4: {  	v4 =	vadd.f32 v5, v4;
	v5 =	vld [tilespmem:s2+$0x30];
	[tilespmem:s2+$0x470] =	vst v1  }
0x5a5: {  	v1 =	vld [tilespmem:s2+$0x10030]  }
0x5a6: {  	[tilespmem:s2+$0x0] =	vst v4;
	v2 =	vadd.f32 v2, v6;
	v4 =	vld [tilespmem:s2+$0x40]  }
0x5a7: {  	v6 =	vld [tilespmem:s2+$0x10040]  }
0x5a8: {  	[tilespmem:s2+$0x10] =	vst v2;
	v0 =	vadd.f32 v0, v3;
	v2 =	vld [tilespmem:s2+$0x50]  }
0x5a9: {  	v3 =	vld [tilespmem:s2+$0x10050]  }
0x5aa: {  	[tilespmem:s2+$0x20] =	vst v0;
	v0 =	vadd.f32 v1, v5;
	v1 =	vld [tilespmem:s2+$0x60]  }
0x5ab: {  	v5 =	vld [tilespmem:s2+$0x10060]  }
0x5ac: {  	[tilespmem:s2+$0x30] =	vst v0;
	v0 =	vadd.f32 v6, v4;
	v4 =	vld [tilespmem:s2+$0x70]  }
0x5ad: {  	v6 =	vld [tilespmem:s2+$0x10070]  }
0x5ae: {  	[tilespmem:s2+$0x40] =	vst v0;
	v0 =	vadd.f32 v3, v2;
	v3 =	vld [tilespmem:s2+$0x400]  }
0x5af: {  	v7 =	vld [tilespmem:s2+$0x10400]  }
0x5b0: {  	[tilespmem:s2+$0x50] =	vst v0;
	v0 =	vadd.f32 v5, v1;
	v1 =	vld [tilespmem:s2+$0x410]  }
0x5b1: {  	v8 =	vld [tilespmem:s2+$0x10410]  }
0x5b2: {  	[tilespmem:s2+$0x60] =	vst v0;
	v0 =	vadd.f32 v6, v4;
	v2 =	vld [tilespmem:s2+$0x420]  }
.Ltmp16:
0x5b3: {  	v5 =	vld [tilespmem:s2+$0x10420];
	(pc) =	sbr.rel @p0 .LBB2_34-.Ltmp16, $4  }
0x5b4: {  	[tilespmem:s2+$0x70] =	vst v0;
	v4 =	vadd.f32 v7, v3;
	v0 =	vld [tilespmem:s2+$0x430]  }
0x5b5: {  	v3 =	vld [tilespmem:s2+$0x10430]  }
0x5b6: {  	[tilespmem:s2+$0x400] =	vst v4;
	v6 =	vadd.f32 v8, v1;
	v1 =	vld [tilespmem:s2+$0x440]  }
0x5b7: {  	v4 =	vld [tilespmem:s2+$0x10440]  }
0x5b8: {  	v7 =	vld [tilespmem:s2+$0x450]  }
0x5b9: {  	v8 =	vld [tilespmem:s2+$0x10450]  }
0x5ba: {  	v9 =	vld [tilespmem:s2+$0x460]  }
0x5bb: {  	v10 =	vld [tilespmem:s2+$0x10460]  }
0x5bc: {  	v2 =	vadd.f32 v5, v2  }
0x5bd: {  	[tilespmem:s2+$0x410] =	vst v6;
	v0 =	vadd.f32 v3, v0  }
0x5be: {  	[tilespmem:s2+$0x420] =	vst v2;
	v1 =	vadd.f32 v4, v1  }
0x5bf: {  	[tilespmem:s2+$0x430] =	vst v0;
	v0 =	vadd.f32 v8, v7  }
0x5c0: {  	[tilespmem:s2+$0x440] =	vst v1;
	v1 =	vadd.f32 v10, v9  }
0x5c1: {  	[tilespmem:s2+$0x450] =	vst v0  }
0x5c2: {  	[tilespmem:s2+$0x460] =	vst v1  }
0x5c3: {  	s0 =	sld [smem:$0x7E0];
	_ =	sdelay $0x1  }
0x5c4: {  	s2 =	simm.s32 $0x0  }
0x5c5: {  	[hbm4b:s0+s2] =	stream.linear.scatter [tilespmem:s2], [sflag:$0x7], $0x4000, $0x38;
	[tilespmem:$0x18000] =	vst v63  }
0x5c6: {  	_ =	swait.ge [sflag:s22], $0x4000  }
0x5c7: {  	s4 =	sld [smem:$0x7E8]  }
0x5c8: {  	[sflag:s22] =	ssyncset.done $0x0  }
0x5c9: {  	s3 =	simm.s32 $0x0;
	[sflag:s22] =	ssyncadd.s32 $0xFFFFC000  }
0x5ca: {  	[tilespmem:s2], [sflag:$0x1] =	stream.linear.gather [hbm4b:s4+s2], $0x4000, $0x38;
	[tilespmem:$0x18000] =	vst v63  }
0x5cb: {  	s5 =	sand.u32 $0x2000, s3;
	s4 =	sand.u32 $0x1800, s2;
	_ =	swait.ge [sflag:s23], $0x4000  }
0x5cc: {  	s6 =	sand.u32 $0x380, s2;
	s0 =	sor.u32 s5, s4;
	[sflag:s23] =	ssyncset.done $0x0  }
0x5cd: {  	s0 =	sor.u32 s6, s0;
	[sflag:s23] =	ssyncadd.s32 $0xFFFFC000  }
0x5ce: {  	v0 =	vld [tilespmem:s0+$0x4470]  }
0x5cf: {  	v1 =	vld [tilespmem:s0+$0x10470]  }
0x5d0: {  	v2 =	vld [tilespmem:s0+$0x4000]  }
0x5d1: {  	v3 =	vld [tilespmem:s0+$0x10000]  }
0x5d2: {  	v4 =	vld [tilespmem:s0+$0x4010]  }
0x5d3: {  	v5 =	vld [tilespmem:s0+$0x10010]  }
0x5d4: {  	v6 =	vld [tilespmem:s0+$0x4020]  }
0x5d5: {  	v7 =	vld [tilespmem:s0+$0x10020]  }
0x5d6: {  	v8 =	vld [tilespmem:s0+$0x4030]  }
0x5d7: {  	v61 =	vld [tilespmem:s0+$0x10030]  }
0x5d8: {  	v62 =	vld [tilespmem:s0+$0x4040]  }
0x5d9: {  	v11 =	vld [tilespmem:s0+$0x10040]  }
0x5da: {  	v12 =	vld [tilespmem:s0+$0x4050]  }
0x5db: {  	v13 =	vld [tilespmem:s0+$0x10050]  }
0x5dc: {  	v14 =	vld [tilespmem:s0+$0x4060]  }
0x5dd: {  	v15 =	vld [tilespmem:s0+$0x10060]  }
0x5de: {  	v0 =	vadd.f32 v1, v0;
	v1 =	vld [tilespmem:s0+$0x4070]  }
0x5df: {  	v2 =	vadd.f32 v3, v2;
	v3 =	vld [tilespmem:s0+$0x10070]  }
0x5e0: {  	[tilespmem:s0+$0x4470] =	vst v0;
	v0 =	vadd.f32 v5, v4;
	v4 =	vld [tilespmem:s0+$0x4400]  }
0x5e1: {  	[tilespmem:s0+$0x4000] =	vst v2;
	v2 =	vadd.f32 v7, v6;
	v6 =	vld [tilespmem:s0+$0x10400]  }
0x5e2: {  	v7 =	vld [tilespmem:s0+$0x4410];
	v5 =	vadd.f32 v11, v62;
	[tilespmem:s0+$0x4010] =	vst v0  }
0x5e3: {  	v0 =	vadd.f32 v61, v8;
	[tilespmem:s0+$0x4020] =	vst v2;
	v8 =	vld [tilespmem:s0+$0x10410]  }
0x5e4: {  	v63 =	vadd.f32 v15, v14;
	v2 =	vld [tilespmem:s0+$0x4420];
	[tilespmem:s0+$0x4040] =	vst v5  }
0x5e5: {  	v5 =	vld [tilespmem:s0+$0x10420];
	[tilespmem:s0+$0x4030] =	vst v0;
	v0 =	vadd.f32 v13, v12  }
0x5e6: {  	[tilespmem:s0+$0x4060] =	vst v63;
	v1 =	vadd.f32 v3, v1;
	v3 =	vld [tilespmem:s0+$0x10430]  }
0x5e7: {  	v4 =	vadd.f32 v6, v4;
	[tilespmem:s0+$0x4050] =	vst v0;
	v0 =	vld [tilespmem:s0+$0x4430]  }
0x5e8: {  	[tilespmem:s0+$0x4070] =	vst v1;
	v1 =	vld [tilespmem:s0+$0x4440];
	v6 =	vadd.f32 v8, v7  }
0x5e9: {  	s4 =	simm.s32 $0x0;
	[tilespmem:s0+$0x4400] =	vst v4;
	v4 =	vld [tilespmem:s0+$0x10440]  }
.LBB2_36:
0x5ea: {  	s3 =	sadd.s32 $0x100, s3;
	[tilespmem:s0+$0x4410] =	vst v6;
	v2 =	vadd.f32 v5, v2;
	v5 =	vld [tilespmem:s0+$0x4450];
	s2 =	sadd.s32 $0x800, s2  }
0x5eb: {  	s4 =	sadd.s32 $0x20, s4;
	s5 =	sand.u32 $0x2000, s3;
	s6 =	sand.u32 $0x1800, s2;
	v6 =	vld [tilespmem:s0+$0x10450]  }
0x5ec: {  	p0 =	slt.u32 s3, $0x3F00;
	s5 =	sor.u32 s5, s6;
	s6 =	sand.u32 $0x380, s4;
	[tilespmem:s0+$0x4420] =	vst v2;
	v0 =	vadd.f32 v3, v0;
	v2 =	vld [tilespmem:s0+$0x4460]  }
0x5ed: {  	s5 =	sor.u32 s6, s5;
	v3 =	vld [tilespmem:s0+$0x10460]  }
0x5ee: {  	v7 =	vld [tilespmem:s5+$0x4470];
	[tilespmem:s0+$0x4430] =	vst v0;
	v0 =	vadd.f32 v4, v1  }
0x5ef: {  	v1 =	vld [tilespmem:s5+$0x10470]  }
0x5f0: {  	v4 =	vld [tilespmem:s5+$0x4000];
	[tilespmem:s0+$0x4440] =	vst v0;
	v0 =	vadd.f32 v6, v5  }
0x5f1: {  	v5 =	vld [tilespmem:s5+$0x10000]  }
0x5f2: {  	v6 =	vld [tilespmem:s5+$0x4010];
	[tilespmem:s0+$0x4450] =	vst v0;
	v0 =	vadd.f32 v3, v2  }
0x5f3: {  	v2 =	vld [tilespmem:s5+$0x10010]  }
0x5f4: {  	v3 =	vld [tilespmem:s5+$0x4020];
	v1 =	vadd.f32 v1, v7;
	[tilespmem:s0+$0x4460] =	vst v0;
	s0 =	smov.u32 s5  }
0x5f5: {  	v0 =	vld [tilespmem:s0+$0x10020]  }
0x5f6: {  	v4 =	vadd.f32 v5, v4;
	v5 =	vld [tilespmem:s0+$0x4030];
	[tilespmem:s0+$0x4470] =	vst v1  }
0x5f7: {  	v1 =	vld [tilespmem:s0+$0x10030]  }
0x5f8: {  	[tilespmem:s0+$0x4000] =	vst v4;
	v2 =	vadd.f32 v2, v6;
	v4 =	vld [tilespmem:s0+$0x4040]  }
0x5f9: {  	v6 =	vld [tilespmem:s0+$0x10040]  }
0x5fa: {  	[tilespmem:s0+$0x4010] =	vst v2;
	v0 =	vadd.f32 v0, v3;
	v2 =	vld [tilespmem:s0+$0x4050]  }
0x5fb: {  	v3 =	vld [tilespmem:s0+$0x10050]  }
0x5fc: {  	[tilespmem:s0+$0x4020] =	vst v0;
	v0 =	vadd.f32 v1, v5;
	v1 =	vld [tilespmem:s0+$0x4060]  }
0x5fd: {  	v5 =	vld [tilespmem:s0+$0x10060]  }
0x5fe: {  	[tilespmem:s0+$0x4030] =	vst v0;
	v0 =	vadd.f32 v6, v4;
	v4 =	vld [tilespmem:s0+$0x4070]  }
0x5ff: {  	v6 =	vld [tilespmem:s0+$0x10070]  }
0x600: {  	[tilespmem:s0+$0x4040] =	vst v0;
	v0 =	vadd.f32 v3, v2;
	v3 =	vld [tilespmem:s0+$0x4400]  }
0x601: {  	v7 =	vld [tilespmem:s0+$0x10400]  }
0x602: {  	[tilespmem:s0+$0x4050] =	vst v0;
	v0 =	vadd.f32 v5, v1;
	v1 =	vld [tilespmem:s0+$0x4410]  }
0x603: {  	v8 =	vld [tilespmem:s0+$0x10410]  }
0x604: {  	[tilespmem:s0+$0x4060] =	vst v0;
	v0 =	vadd.f32 v6, v4;
	v2 =	vld [tilespmem:s0+$0x4420]  }
.Ltmp17:
0x605: {  	v5 =	vld [tilespmem:s0+$0x10420];
	(pc) =	sbr.rel @p0 .LBB2_36-.Ltmp17, $4  }
0x606: {  	[tilespmem:s0+$0x4070] =	vst v0;
	v4 =	vadd.f32 v7, v3;
	v0 =	vld [tilespmem:s0+$0x4430]  }
0x607: {  	v3 =	vld [tilespmem:s0+$0x10430]  }
0x608: {  	[tilespmem:s0+$0x4400] =	vst v4;
	v6 =	vadd.f32 v8, v1;
	v1 =	vld [tilespmem:s0+$0x4440]  }
0x609: {  	v4 =	vld [tilespmem:s0+$0x10440]  }
0x60a: {  	v7 =	vld [tilespmem:s0+$0x4450]  }
0x60b: {  	v8 =	vld [tilespmem:s0+$0x10450]  }
0x60c: {  	v9 =	vld [tilespmem:s0+$0x4460]  }
0x60d: {  	v10 =	vld [tilespmem:s0+$0x10460]  }
0x60e: {  	v2 =	vadd.f32 v5, v2  }
0x60f: {  	[tilespmem:s0+$0x4410] =	vst v6;
	v0 =	vadd.f32 v3, v0  }
0x610: {  	[tilespmem:s0+$0x4420] =	vst v2;
	v1 =	vadd.f32 v4, v1  }
0x611: {  	[tilespmem:s0+$0x4430] =	vst v0;
	v0 =	vadd.f32 v8, v7  }
0x612: {  	[tilespmem:s0+$0x4440] =	vst v1;
	v1 =	vadd.f32 v10, v9  }
0x613: {  	[tilespmem:s0+$0x4450] =	vst v0  }
0x614: {  	[tilespmem:s0+$0x4460] =	vst v1  }
0x615: {  	s0 =	sld [smem:$0x7E2];
	_ =	sdelay $0x1  }
0x616: {  	s2 =	simm.s32 $0x0  }
0x617: {  	[hbm4b:s0+s2] =	stream.linear.scatter [tilespmem:s15], [sflag:$0x8], $0x4000, $0x38;
	[tilespmem:$0x18000] =	vst v63  }
0x618: {  	_ =	swait.ge [sflag:s24], $0x4000  }
0x619: {  	s4 =	sld [smem:$0x7EA]  }
0x61a: {  	[sflag:s24] =	ssyncset.done $0x0  }
0x61b: {  	s3 =	simm.s32 $0x0;
	[sflag:s24] =	ssyncadd.s32 $0xFFFFC000  }
0x61c: {  	[tilespmem:s15], [sflag:$0x2] =	stream.linear.gather [hbm4b:s4+s2], $0x4000, $0x38;
	[tilespmem:$0x18000] =	vst v63  }
0x61d: {  	s5 =	sand.u32 $0x2000, s3;
	s4 =	sand.u32 $0x1800, s2;
	_ =	swait.ge [sflag:s25], $0x4000  }
0x61e: {  	s6 =	sand.u32 $0x380, s2;
	s0 =	sor.u32 s5, s4;
	[sflag:s25] =	ssyncset.done $0x0  }
0x61f: {  	s0 =	sor.u32 s6, s0;
	[sflag:s25] =	ssyncadd.s32 $0xFFFFC000  }
0x620: {  	v0 =	vld [tilespmem:s0+$0x8470]  }
0x621: {  	v1 =	vld [tilespmem:s0+$0x10470]  }
0x622: {  	v2 =	vld [tilespmem:s0+$0x8000]  }
0x623: {  	v3 =	vld [tilespmem:s0+$0x10000]  }
0x624: {  	v4 =	vld [tilespmem:s0+$0x8010]  }
0x625: {  	v5 =	vld [tilespmem:s0+$0x10010]  }
0x626: {  	v6 =	vld [tilespmem:s0+$0x8020]  }
0x627: {  	v7 =	vld [tilespmem:s0+$0x10020]  }
0x628: {  	v8 =	vld [tilespmem:s0+$0x8030]  }
0x629: {  	v61 =	vld [tilespmem:s0+$0x10030]  }
0x62a: {  	v62 =	vld [tilespmem:s0+$0x8040]  }
0x62b: {  	v11 =	vld [tilespmem:s0+$0x10040]  }
0x62c: {  	v12 =	vld [tilespmem:s0+$0x8050]  }
0x62d: {  	v13 =	vld [tilespmem:s0+$0x10050]  }
0x62e: {  	v14 =	vld [tilespmem:s0+$0x8060]  }
0x62f: {  	v15 =	vld [tilespmem:s0+$0x10060]  }
0x630: {  	v0 =	vadd.f32 v1, v0;
	v1 =	vld [tilespmem:s0+$0x8070]  }
0x631: {  	v2 =	vadd.f32 v3, v2;
	v3 =	vld [tilespmem:s0+$0x10070]  }
0x632: {  	[tilespmem:s0+$0x8470] =	vst v0;
	v0 =	vadd.f32 v5, v4;
	v4 =	vld [tilespmem:s0+$0x8400]  }
0x633: {  	[tilespmem:s0+$0x8000] =	vst v2;
	v2 =	vadd.f32 v7, v6;
	v6 =	vld [tilespmem:s0+$0x10400]  }
0x634: {  	v7 =	vld [tilespmem:s0+$0x8410];
	v5 =	vadd.f32 v11, v62;
	[tilespmem:s0+$0x8010] =	vst v0  }
0x635: {  	v0 =	vadd.f32 v61, v8;
	[tilespmem:s0+$0x8020] =	vst v2;
	v8 =	vld [tilespmem:s0+$0x10410]  }
0x636: {  	v63 =	vadd.f32 v15, v14;
	v2 =	vld [tilespmem:s0+$0x8420];
	[tilespmem:s0+$0x8040] =	vst v5  }
0x637: {  	v5 =	vld [tilespmem:s0+$0x10420];
	[tilespmem:s0+$0x8030] =	vst v0;
	v0 =	vadd.f32 v13, v12  }
0x638: {  	[tilespmem:s0+$0x8060] =	vst v63;
	v1 =	vadd.f32 v3, v1;
	v3 =	vld [tilespmem:s0+$0x10430]  }
0x639: {  	v4 =	vadd.f32 v6, v4;
	[tilespmem:s0+$0x8050] =	vst v0;
	v0 =	vld [tilespmem:s0+$0x8430]  }
0x63a: {  	[tilespmem:s0+$0x8070] =	vst v1;
	v1 =	vld [tilespmem:s0+$0x8440];
	v6 =	vadd.f32 v8, v7  }
0x63b: {  	s4 =	simm.s32 $0x0;
	[tilespmem:s0+$0x8400] =	vst v4;
	v4 =	vld [tilespmem:s0+$0x10440]  }
.LBB2_38:
0x63c: {  	s3 =	sadd.s32 $0x100, s3;
	[tilespmem:s0+$0x8410] =	vst v6;
	v2 =	vadd.f32 v5, v2;
	v5 =	vld [tilespmem:s0+$0x8450];
	s2 =	sadd.s32 $0x800, s2  }
0x63d: {  	s4 =	sadd.s32 $0x20, s4;
	s5 =	sand.u32 $0x2000, s3;
	s6 =	sand.u32 $0x1800, s2;
	v6 =	vld [tilespmem:s0+$0x10450]  }
0x63e: {  	p0 =	slt.u32 s3, $0x3F00;
	s5 =	sor.u32 s5, s6;
	s6 =	sand.u32 $0x380, s4;
	[tilespmem:s0+$0x8420] =	vst v2;
	v0 =	vadd.f32 v3, v0;
	v2 =	vld [tilespmem:s0+$0x8460]  }
0x63f: {  	s5 =	sor.u32 s6, s5;
	v3 =	vld [tilespmem:s0+$0x10460]  }
0x640: {  	v7 =	vld [tilespmem:s5+$0x8470];
	[tilespmem:s0+$0x8430] =	vst v0;
	v0 =	vadd.f32 v4, v1  }
0x641: {  	v1 =	vld [tilespmem:s5+$0x10470]  }
0x642: {  	v4 =	vld [tilespmem:s5+$0x8000];
	[tilespmem:s0+$0x8440] =	vst v0;
	v0 =	vadd.f32 v6, v5  }
0x643: {  	v5 =	vld [tilespmem:s5+$0x10000]  }
0x644: {  	v6 =	vld [tilespmem:s5+$0x8010];
	[tilespmem:s0+$0x8450] =	vst v0;
	v0 =	vadd.f32 v3, v2  }
0x645: {  	v2 =	vld [tilespmem:s5+$0x10010]  }
0x646: {  	v3 =	vld [tilespmem:s5+$0x8020];
	v1 =	vadd.f32 v1, v7;
	[tilespmem:s0+$0x8460] =	vst v0;
	s0 =	smov.u32 s5  }
0x647: {  	v0 =	vld [tilespmem:s0+$0x10020]  }
0x648: {  	v4 =	vadd.f32 v5, v4;
	v5 =	vld [tilespmem:s0+$0x8030];
	[tilespmem:s0+$0x8470] =	vst v1  }
0x649: {  	v1 =	vld [tilespmem:s0+$0x10030]  }
0x64a: {  	[tilespmem:s0+$0x8000] =	vst v4;
	v2 =	vadd.f32 v2, v6;
	v4 =	vld [tilespmem:s0+$0x8040]  }
0x64b: {  	v6 =	vld [tilespmem:s0+$0x10040]  }
0x64c: {  	[tilespmem:s0+$0x8010] =	vst v2;
	v0 =	vadd.f32 v0, v3;
	v2 =	vld [tilespmem:s0+$0x8050]  }
0x64d: {  	v3 =	vld [tilespmem:s0+$0x10050]  }
0x64e: {  	[tilespmem:s0+$0x8020] =	vst v0;
	v0 =	vadd.f32 v1, v5;
	v1 =	vld [tilespmem:s0+$0x8060]  }
0x64f: {  	v5 =	vld [tilespmem:s0+$0x10060]  }
0x650: {  	[tilespmem:s0+$0x8030] =	vst v0;
	v0 =	vadd.f32 v6, v4;
	v4 =	vld [tilespmem:s0+$0x8070]  }
0x651: {  	v6 =	vld [tilespmem:s0+$0x10070]  }
0x652: {  	[tilespmem:s0+$0x8040] =	vst v0;
	v0 =	vadd.f32 v3, v2;
	v3 =	vld [tilespmem:s0+$0x8400]  }
0x653: {  	v7 =	vld [tilespmem:s0+$0x10400]  }
0x654: {  	[tilespmem:s0+$0x8050] =	vst v0;
	v0 =	vadd.f32 v5, v1;
	v1 =	vld [tilespmem:s0+$0x8410]  }
0x655: {  	v8 =	vld [tilespmem:s0+$0x10410]  }
0x656: {  	[tilespmem:s0+$0x8060] =	vst v0;
	v0 =	vadd.f32 v6, v4;
	v2 =	vld [tilespmem:s0+$0x8420]  }
.Ltmp18:
0x657: {  	v5 =	vld [tilespmem:s0+$0x10420];
	(pc) =	sbr.rel @p0 .LBB2_38-.Ltmp18, $4  }
0x658: {  	[tilespmem:s0+$0x8070] =	vst v0;
	v4 =	vadd.f32 v7, v3;
	v0 =	vld [tilespmem:s0+$0x8430]  }
0x659: {  	v3 =	vld [tilespmem:s0+$0x10430]  }
0x65a: {  	[tilespmem:s0+$0x8400] =	vst v4;
	v6 =	vadd.f32 v8, v1;
	v1 =	vld [tilespmem:s0+$0x8440]  }
0x65b: {  	v4 =	vld [tilespmem:s0+$0x10440]  }
0x65c: {  	v7 =	vld [tilespmem:s0+$0x8450]  }
0x65d: {  	v8 =	vld [tilespmem:s0+$0x10450]  }
0x65e: {  	v9 =	vld [tilespmem:s0+$0x8460]  }
0x65f: {  	v10 =	vld [tilespmem:s0+$0x10460]  }
0x660: {  	v2 =	vadd.f32 v5, v2  }
0x661: {  	[tilespmem:s0+$0x8410] =	vst v6;
	v0 =	vadd.f32 v3, v0  }
0x662: {  	[tilespmem:s0+$0x8420] =	vst v2;
	v1 =	vadd.f32 v4, v1  }
0x663: {  	[tilespmem:s0+$0x8430] =	vst v0;
	v0 =	vadd.f32 v8, v7  }
0x664: {  	[tilespmem:s0+$0x8440] =	vst v1;
	v1 =	vadd.f32 v10, v9  }
0x665: {  	[tilespmem:s0+$0x8450] =	vst v0  }
0x666: {  	[tilespmem:s0+$0x8460] =	vst v1  }
0x667: {  	s0 =	sld [smem:$0x7E4];
	_ =	sdelay $0x1  }
0x668: {  	s2 =	simm.s32 $0x0  }
0x669: {  	[hbm4b:s0+s2] =	stream.linear.scatter [tilespmem:s16], [sflag:$0x9], $0x4000, $0x38;
	[tilespmem:$0x18000] =	vst v63  }
0x66a: {  	_ =	swait.ge [sflag:s26], $0x4000  }
0x66b: {  	s4 =	sld [smem:$0x7EC]  }
0x66c: {  	[sflag:s26] =	ssyncset.done $0x0  }
0x66d: {  	s3 =	simm.s32 $0x0;
	[sflag:s26] =	ssyncadd.s32 $0xFFFFC000  }
0x66e: {  	[tilespmem:s16], [sflag:$0x3] =	stream.linear.gather [hbm4b:s4+s2], $0x4000, $0x38;
	[tilespmem:$0x18000] =	vst v63  }
0x66f: {  	s5 =	sand.u32 $0x2000, s3;
	s4 =	sand.u32 $0x1800, s2;
	_ =	swait.ge [sflag:s28], $0x4000  }
0x670: {  	s6 =	sand.u32 $0x380, s2;
	s0 =	sor.u32 s5, s4;
	[sflag:s28] =	ssyncset.done $0x0  }
0x671: {  	s0 =	sor.u32 s6, s0;
	[sflag:s28] =	ssyncadd.s32 $0xFFFFC000  }
0x672: {  	v0 =	vld [tilespmem:s0+$0xC470]  }
0x673: {  	v1 =	vld [tilespmem:s0+$0x10470]  }
0x674: {  	v2 =	vld [tilespmem:s0+$0xC000]  }
0x675: {  	v3 =	vld [tilespmem:s0+$0x10000]  }
0x676: {  	v4 =	vld [tilespmem:s0+$0xC010]  }
0x677: {  	v5 =	vld [tilespmem:s0+$0x10010]  }
0x678: {  	v6 =	vld [tilespmem:s0+$0xC020]  }
0x679: {  	v7 =	vld [tilespmem:s0+$0x10020]  }
0x67a: {  	v8 =	vld [tilespmem:s0+$0xC030]  }
0x67b: {  	v61 =	vld [tilespmem:s0+$0x10030]  }
0x67c: {  	v62 =	vld [tilespmem:s0+$0xC040]  }
0x67d: {  	v11 =	vld [tilespmem:s0+$0x10040]  }
0x67e: {  	v12 =	vld [tilespmem:s0+$0xC050]  }
0x67f: {  	v13 =	vld [tilespmem:s0+$0x10050]  }
0x680: {  	v14 =	vld [tilespmem:s0+$0xC060]  }
0x681: {  	v15 =	vld [tilespmem:s0+$0x10060]  }
0x682: {  	v0 =	vadd.f32 v1, v0;
	v1 =	vld [tilespmem:s0+$0xC070]  }
0x683: {  	v2 =	vadd.f32 v3, v2;
	v3 =	vld [tilespmem:s0+$0x10070]  }
0x684: {  	[tilespmem:s0+$0xC470] =	vst v0;
	v0 =	vadd.f32 v5, v4;
	v4 =	vld [tilespmem:s0+$0xC400]  }
0x685: {  	[tilespmem:s0+$0xC000] =	vst v2;
	v2 =	vadd.f32 v7, v6;
	v6 =	vld [tilespmem:s0+$0x10400]  }
0x686: {  	v7 =	vld [tilespmem:s0+$0xC410];
	v5 =	vadd.f32 v11, v62;
	[tilespmem:s0+$0xC010] =	vst v0  }
0x687: {  	v0 =	vadd.f32 v61, v8;
	[tilespmem:s0+$0xC020] =	vst v2;
	v8 =	vld [tilespmem:s0+$0x10410]  }
0x688: {  	v63 =	vadd.f32 v15, v14;
	v2 =	vld [tilespmem:s0+$0xC420];
	[tilespmem:s0+$0xC040] =	vst v5  }
0x689: {  	v5 =	vld [tilespmem:s0+$0x10420];
	[tilespmem:s0+$0xC030] =	vst v0;
	v0 =	vadd.f32 v13, v12  }
0x68a: {  	[tilespmem:s0+$0xC060] =	vst v63;
	v1 =	vadd.f32 v3, v1;
	v3 =	vld [tilespmem:s0+$0x10430]  }
0x68b: {  	v4 =	vadd.f32 v6, v4;
	[tilespmem:s0+$0xC050] =	vst v0;
	v0 =	vld [tilespmem:s0+$0xC430]  }
0x68c: {  	[tilespmem:s0+$0xC070] =	vst v1;
	v1 =	vld [tilespmem:s0+$0xC440];
	v6 =	vadd.f32 v8, v7  }
0x68d: {  	s4 =	simm.s32 $0x0;
	[tilespmem:s0+$0xC400] =	vst v4;
	v4 =	vld [tilespmem:s0+$0x10440]  }
.LBB2_40:
0x68e: {  	s3 =	sadd.s32 $0x100, s3;
	[tilespmem:s0+$0xC410] =	vst v6;
	v2 =	vadd.f32 v5, v2;
	v5 =	vld [tilespmem:s0+$0xC450];
	s2 =	sadd.s32 $0x800, s2  }
0x68f: {  	s4 =	sadd.s32 $0x20, s4;
	s5 =	sand.u32 $0x2000, s3;
	s6 =	sand.u32 $0x1800, s2;
	v6 =	vld [tilespmem:s0+$0x10450]  }
0x690: {  	p0 =	slt.u32 s3, $0x3F00;
	s5 =	sor.u32 s5, s6;
	s6 =	sand.u32 $0x380, s4;
	[tilespmem:s0+$0xC420] =	vst v2;
	v0 =	vadd.f32 v3, v0;
	v2 =	vld [tilespmem:s0+$0xC460]  }
0x691: {  	s5 =	sor.u32 s6, s5;
	v3 =	vld [tilespmem:s0+$0x10460]  }
0x692: {  	v7 =	vld [tilespmem:s5+$0xC470];
	[tilespmem:s0+$0xC430] =	vst v0;
	v0 =	vadd.f32 v4, v1  }
0x693: {  	v1 =	vld [tilespmem:s5+$0x10470]  }
0x694: {  	v4 =	vld [tilespmem:s5+$0xC000];
	[tilespmem:s0+$0xC440] =	vst v0;
	v0 =	vadd.f32 v6, v5  }
0x695: {  	v5 =	vld [tilespmem:s5+$0x10000]  }
0x696: {  	v6 =	vld [tilespmem:s5+$0xC010];
	[tilespmem:s0+$0xC450] =	vst v0;
	v0 =	vadd.f32 v3, v2  }
0x697: {  	v2 =	vld [tilespmem:s5+$0x10010]  }
0x698: {  	v3 =	vld [tilespmem:s5+$0xC020];
	v1 =	vadd.f32 v1, v7;
	[tilespmem:s0+$0xC460] =	vst v0;
	s0 =	smov.u32 s5  }
0x699: {  	v0 =	vld [tilespmem:s0+$0x10020]  }
0x69a: {  	v4 =	vadd.f32 v5, v4;
	v5 =	vld [tilespmem:s0+$0xC030];
	[tilespmem:s0+$0xC470] =	vst v1  }
0x69b: {  	v1 =	vld [tilespmem:s0+$0x10030]  }
0x69c: {  	[tilespmem:s0+$0xC000] =	vst v4;
	v2 =	vadd.f32 v2, v6;
	v4 =	vld [tilespmem:s0+$0xC040]  }
0x69d: {  	v6 =	vld [tilespmem:s0+$0x10040]  }
0x69e: {  	[tilespmem:s0+$0xC010] =	vst v2;
	v0 =	vadd.f32 v0, v3;
	v2 =	vld [tilespmem:s0+$0xC050]  }
0x69f: {  	v3 =	vld [tilespmem:s0+$0x10050]  }
0x6a0: {  	[tilespmem:s0+$0xC020] =	vst v0;
	v0 =	vadd.f32 v1, v5;
	v1 =	vld [tilespmem:s0+$0xC060]  }
0x6a1: {  	v5 =	vld [tilespmem:s0+$0x10060]  }
0x6a2: {  	[tilespmem:s0+$0xC030] =	vst v0;
	v0 =	vadd.f32 v6, v4;
	v4 =	vld [tilespmem:s0+$0xC070]  }
0x6a3: {  	v6 =	vld [tilespmem:s0+$0x10070]  }
0x6a4: {  	[tilespmem:s0+$0xC040] =	vst v0;
	v0 =	vadd.f32 v3, v2;
	v3 =	vld [tilespmem:s0+$0xC400]  }
0x6a5: {  	v7 =	vld [tilespmem:s0+$0x10400]  }
0x6a6: {  	[tilespmem:s0+$0xC050] =	vst v0;
	v0 =	vadd.f32 v5, v1;
	v1 =	vld [tilespmem:s0+$0xC410]  }
0x6a7: {  	v8 =	vld [tilespmem:s0+$0x10410]  }
0x6a8: {  	[tilespmem:s0+$0xC060] =	vst v0;
	v0 =	vadd.f32 v6, v4;
	v2 =	vld [tilespmem:s0+$0xC420]  }
.Ltmp19:
0x6a9: {  	v5 =	vld [tilespmem:s0+$0x10420];
	(pc) =	sbr.rel @p0 .LBB2_40-.Ltmp19, $4  }
0x6aa: {  	[tilespmem:s0+$0xC070] =	vst v0;
	v4 =	vadd.f32 v7, v3;
	v0 =	vld [tilespmem:s0+$0xC430]  }
0x6ab: {  	v3 =	vld [tilespmem:s0+$0x10430]  }
0x6ac: {  	[tilespmem:s0+$0xC400] =	vst v4;
	v6 =	vadd.f32 v8, v1;
	v1 =	vld [tilespmem:s0+$0xC440]  }
0x6ad: {  	v4 =	vld [tilespmem:s0+$0x10440]  }
0x6ae: {  	v7 =	vld [tilespmem:s0+$0xC450]  }
0x6af: {  	v8 =	vld [tilespmem:s0+$0x10450]  }
0x6b0: {  	v9 =	vld [tilespmem:s0+$0xC460]  }
0x6b1: {  	v10 =	vld [tilespmem:s0+$0x10460]  }
0x6b2: {  	v2 =	vadd.f32 v5, v2  }
0x6b3: {  	[tilespmem:s0+$0xC410] =	vst v6;
	v0 =	vadd.f32 v3, v0  }
0x6b4: {  	[tilespmem:s0+$0xC420] =	vst v2;
	v1 =	vadd.f32 v4, v1  }
0x6b5: {  	[tilespmem:s0+$0xC430] =	vst v0;
	v0 =	vadd.f32 v8, v7  }
0x6b6: {  	[tilespmem:s0+$0xC440] =	vst v1;
	v1 =	vadd.f32 v10, v9  }
0x6b7: {  	[tilespmem:s0+$0xC450] =	vst v0  }
0x6b8: {  	[tilespmem:s0+$0xC460] =	vst v1  }
0x6b9: {  	s2 =	sld [smem:$0x7E6];
	_ =	sdelay $0x1  }
0x6ba: {  	s0 =	simm.s32 $0x0;
	s3 =	sld [smem:$0x7F1]  }
0x6bb: {  	[hbm4b:s2+s0] =	stream.linear.scatter [tilespmem:s19], [sflag:$0xA], $0x4000, $0x38;
	[tilespmem:$0x18000] =	vst v63  }
0x6bc: {  	_ = 	snop  }
0x6bd: {  	[tilespmem:s17], [sflag:$0x5] =	stream.linear.gather [hbm4b:s3+s0], $0x4000, $0x38;
	[tilespmem:$0x18000] =	vst v63  }
0x6be: {  	_ =	swait.ge [sflag:s29], $0x4000  }
0x6bf: {  	s4 =	sld [smem:$0x7EE]  }
0x6c0: {  	[sflag:s29] =	ssyncset.done $0x0  }
0x6c1: {  	[sflag:s29] =	ssyncadd.s32 $0xFFFFC000  }
0x6c2: {  	[tilespmem:s19], [sflag:$0x4] =	stream.linear.gather [hbm4b:s4+s0], $0x4000, $0x38;
	[tilespmem:$0x18000] =	vst v63  }
0x6c3: {  	_ =	swait.ge [sflag:s30], $0x4000  }
0x6c4: {  	[sflag:s30] =	ssyncset.done $0x0  }
0x6c5: {  	s3 =	simm.s32 $0x0;
	[sflag:s30] =	ssyncadd.s32 $0xFFFFC000  }
0x6c6: {  	s5 =	sand.u32 $0x2000, s3;
	s4 =	sand.u32 $0x1800, s0;
	_ =	swait.ge [sflag:s21], $0x4000  }
0x6c7: {  	s6 =	sand.u32 $0x380, s0;
	s2 =	sor.u32 s5, s4;
	[sflag:s21] =	ssyncset.done $0x0  }
0x6c8: {  	s2 =	sor.u32 s6, s2;
	[sflag:s21] =	ssyncadd.s32 $0xFFFFC000  }
0x6c9: {  	v0 =	vld [tilespmem:s2+$0x470]  }
0x6ca: {  	v1 =	vld [tilespmem:s2+$0x14470]  }
0x6cb: {  	v2 =	vld [tilespmem:s2+$0x0]  }
0x6cc: {  	v3 =	vld [tilespmem:s2+$0x14000]  }
0x6cd: {  	v4 =	vld [tilespmem:s2+$0x10]  }
0x6ce: {  	v5 =	vld [tilespmem:s2+$0x14010]  }
0x6cf: {  	v6 =	vld [tilespmem:s2+$0x20]  }
0x6d0: {  	v7 =	vld [tilespmem:s2+$0x14020]  }
0x6d1: {  	v8 =	vld [tilespmem:s2+$0x30]  }
0x6d2: {  	v61 =	vld [tilespmem:s2+$0x14030]  }
0x6d3: {  	v62 =	vld [tilespmem:s2+$0x40]  }
0x6d4: {  	v11 =	vld [tilespmem:s2+$0x14040]  }
0x6d5: {  	v12 =	vld [tilespmem:s2+$0x50]  }
0x6d6: {  	v13 =	vld [tilespmem:s2+$0x14050]  }
0x6d7: {  	v14 =	vld [tilespmem:s2+$0x60]  }
0x6d8: {  	v15 =	vld [tilespmem:s2+$0x14060]  }
0x6d9: {  	v0 =	vadd.f32 v1, v0;
	v1 =	vld [tilespmem:s2+$0x70]  }
0x6da: {  	v2 =	vadd.f32 v3, v2;
	v3 =	vld [tilespmem:s2+$0x14070]  }
0x6db: {  	[tilespmem:s2+$0x470] =	vst v0;
	v0 =	vadd.f32 v5, v4;
	v4 =	vld [tilespmem:s2+$0x400]  }
0x6dc: {  	[tilespmem:s2+$0x0] =	vst v2;
	v2 =	vadd.f32 v7, v6;
	v6 =	vld [tilespmem:s2+$0x14400]  }
0x6dd: {  	v7 =	vld [tilespmem:s2+$0x410];
	v5 =	vadd.f32 v11, v62;
	[tilespmem:s2+$0x10] =	vst v0  }
0x6de: {  	v0 =	vadd.f32 v61, v8;
	[tilespmem:s2+$0x20] =	vst v2;
	v8 =	vld [tilespmem:s2+$0x14410]  }
0x6df: {  	v63 =	vadd.f32 v15, v14;
	v2 =	vld [tilespmem:s2+$0x420];
	[tilespmem:s2+$0x40] =	vst v5  }
0x6e0: {  	v5 =	vld [tilespmem:s2+$0x14420];
	[tilespmem:s2+$0x30] =	vst v0;
	v0 =	vadd.f32 v13, v12  }
0x6e1: {  	[tilespmem:s2+$0x60] =	vst v63;
	v1 =	vadd.f32 v3, v1;
	v3 =	vld [tilespmem:s2+$0x14430]  }
0x6e2: {  	v4 =	vadd.f32 v6, v4;
	[tilespmem:s2+$0x50] =	vst v0;
	v0 =	vld [tilespmem:s2+$0x430]  }
0x6e3: {  	[tilespmem:s2+$0x70] =	vst v1;
	v1 =	vld [tilespmem:s2+$0x440];
	v6 =	vadd.f32 v8, v7  }
0x6e4: {  	s4 =	simm.s32 $0x0;
	[tilespmem:s2+$0x400] =	vst v4;
	v4 =	vld [tilespmem:s2+$0x14440]  }
.LBB2_42:
0x6e5: {  	s3 =	sadd.s32 $0x100, s3;
	[tilespmem:s2+$0x410] =	vst v6;
	v2 =	vadd.f32 v5, v2;
	v5 =	vld [tilespmem:s2+$0x450];
	s0 =	sadd.s32 $0x800, s0  }
0x6e6: {  	s4 =	sadd.s32 $0x20, s4;
	s5 =	sand.u32 $0x2000, s3;
	s6 =	sand.u32 $0x1800, s0;
	v6 =	vld [tilespmem:s2+$0x14450]  }
0x6e7: {  	p0 =	slt.u32 s3, $0x3F00;
	s5 =	sor.u32 s5, s6;
	s6 =	sand.u32 $0x380, s4;
	[tilespmem:s2+$0x420] =	vst v2;
	v0 =	vadd.f32 v3, v0;
	v2 =	vld [tilespmem:s2+$0x460]  }
0x6e8: {  	s5 =	sor.u32 s6, s5;
	v3 =	vld [tilespmem:s2+$0x14460]  }
0x6e9: {  	v7 =	vld [tilespmem:s5+$0x470];
	[tilespmem:s2+$0x430] =	vst v0;
	v0 =	vadd.f32 v4, v1  }
0x6ea: {  	v1 =	vld [tilespmem:s5+$0x14470]  }
0x6eb: {  	v4 =	vld [tilespmem:s5+$0x0];
	[tilespmem:s2+$0x440] =	vst v0;
	v0 =	vadd.f32 v6, v5  }
0x6ec: {  	v5 =	vld [tilespmem:s5+$0x14000]  }
0x6ed: {  	v6 =	vld [tilespmem:s5+$0x10];
	[tilespmem:s2+$0x450] =	vst v0;
	v0 =	vadd.f32 v3, v2  }
0x6ee: {  	v2 =	vld [tilespmem:s5+$0x14010]  }
0x6ef: {  	v3 =	vld [tilespmem:s5+$0x20];
	v1 =	vadd.f32 v1, v7;
	[tilespmem:s2+$0x460] =	vst v0;
	s2 =	smov.u32 s5  }
0x6f0: {  	v0 =	vld [tilespmem:s2+$0x14020]  }
0x6f1: {  	v4 =	vadd.f32 v5, v4;
	v5 =	vld [tilespmem:s2+$0x30];
	[tilespmem:s2+$0x470] =	vst v1  }
0x6f2: {  	v1 =	vld [tilespmem:s2+$0x14030]  }
0x6f3: {  	[tilespmem:s2+$0x0] =	vst v4;
	v2 =	vadd.f32 v2, v6;
	v4 =	vld [tilespmem:s2+$0x40]  }
0x6f4: {  	v6 =	vld [tilespmem:s2+$0x14040]  }
0x6f5: {  	[tilespmem:s2+$0x10] =	vst v2;
	v0 =	vadd.f32 v0, v3;
	v2 =	vld [tilespmem:s2+$0x50]  }
0x6f6: {  	v3 =	vld [tilespmem:s2+$0x14050]  }
0x6f7: {  	[tilespmem:s2+$0x20] =	vst v0;
	v0 =	vadd.f32 v1, v5;
	v1 =	vld [tilespmem:s2+$0x60]  }
0x6f8: {  	v5 =	vld [tilespmem:s2+$0x14060]  }
0x6f9: {  	[tilespmem:s2+$0x30] =	vst v0;
	v0 =	vadd.f32 v6, v4;
	v4 =	vld [tilespmem:s2+$0x70]  }
0x6fa: {  	v6 =	vld [tilespmem:s2+$0x14070]  }
0x6fb: {  	[tilespmem:s2+$0x40] =	vst v0;
	v0 =	vadd.f32 v3, v2;
	v3 =	vld [tilespmem:s2+$0x400]  }
0x6fc: {  	v7 =	vld [tilespmem:s2+$0x14400]  }
0x6fd: {  	[tilespmem:s2+$0x50] =	vst v0;
	v0 =	vadd.f32 v5, v1;
	v1 =	vld [tilespmem:s2+$0x410]  }
0x6fe: {  	v8 =	vld [tilespmem:s2+$0x14410]  }
0x6ff: {  	[tilespmem:s2+$0x60] =	vst v0;
	v0 =	vadd.f32 v6, v4;
	v2 =	vld [tilespmem:s2+$0x420]  }
.Ltmp20:
0x700: {  	v5 =	vld [tilespmem:s2+$0x14420];
	(pc) =	sbr.rel @p0 .LBB2_42-.Ltmp20, $4  }
0x701: {  	[tilespmem:s2+$0x70] =	vst v0;
	v4 =	vadd.f32 v7, v3;
	v0 =	vld [tilespmem:s2+$0x430]  }
0x702: {  	v3 =	vld [tilespmem:s2+$0x14430]  }
0x703: {  	[tilespmem:s2+$0x400] =	vst v4;
	v6 =	vadd.f32 v8, v1;
	v1 =	vld [tilespmem:s2+$0x440]  }
0x704: {  	v4 =	vld [tilespmem:s2+$0x14440]  }
0x705: {  	v7 =	vld [tilespmem:s2+$0x450]  }
0x706: {  	v8 =	vld [tilespmem:s2+$0x14450]  }
0x707: {  	v9 =	vld [tilespmem:s2+$0x460]  }
0x708: {  	v10 =	vld [tilespmem:s2+$0x14460]  }
0x709: {  	v2 =	vadd.f32 v5, v2  }
0x70a: {  	[tilespmem:s2+$0x410] =	vst v6;
	v0 =	vadd.f32 v3, v0  }
0x70b: {  	[tilespmem:s2+$0x420] =	vst v2;
	v1 =	vadd.f32 v4, v1  }
0x70c: {  	[tilespmem:s2+$0x430] =	vst v0;
	v0 =	vadd.f32 v8, v7  }
0x70d: {  	[tilespmem:s2+$0x440] =	vst v1;
	v1 =	vadd.f32 v10, v9  }
0x70e: {  	[tilespmem:s2+$0x450] =	vst v0  }
0x70f: {  	[tilespmem:s2+$0x460] =	vst v1  }
0x710: {  	s0 =	sld [smem:$0x7E9];
	_ =	sdelay $0x1  }
0x711: {  	s2 =	simm.s32 $0x0  }
0x712: {  	[hbm4b:s0+s2] =	stream.linear.scatter [tilespmem:s2], [sflag:$0x7], $0x4000, $0x38;
	[tilespmem:$0x18000] =	vst v63  }
0x713: {  	_ =	swait.ge [sflag:s22], $0x4000  }
0x714: {  	s4 =	sld [smem:$0x7F3]  }
0x715: {  	[sflag:s22] =	ssyncset.done $0x0  }
0x716: {  	s3 =	simm.s32 $0x0;
	[sflag:s22] =	ssyncadd.s32 $0xFFFFC000  }
0x717: {  	[tilespmem:s2], [sflag:$0x1] =	stream.linear.gather [hbm4b:s4+s2], $0x4000, $0x38;
	[tilespmem:$0x18000] =	vst v63  }
0x718: {  	s5 =	sand.u32 $0x2000, s3;
	s4 =	sand.u32 $0x1800, s2;
	_ =	swait.ge [sflag:s23], $0x4000  }
0x719: {  	s6 =	sand.u32 $0x380, s2;
	s0 =	sor.u32 s5, s4;
	[sflag:s23] =	ssyncset.done $0x0  }
0x71a: {  	s0 =	sor.u32 s6, s0;
	[sflag:s23] =	ssyncadd.s32 $0xFFFFC000  }
0x71b: {  	v0 =	vld [tilespmem:s0+$0x4470]  }
0x71c: {  	v1 =	vld [tilespmem:s0+$0x14470]  }
0x71d: {  	v2 =	vld [tilespmem:s0+$0x4000]  }
0x71e: {  	v3 =	vld [tilespmem:s0+$0x14000]  }
0x71f: {  	v4 =	vld [tilespmem:s0+$0x4010]  }
0x720: {  	v5 =	vld [tilespmem:s0+$0x14010]  }
0x721: {  	v6 =	vld [tilespmem:s0+$0x4020]  }
0x722: {  	v7 =	vld [tilespmem:s0+$0x14020]  }
0x723: {  	v8 =	vld [tilespmem:s0+$0x4030]  }
0x724: {  	v61 =	vld [tilespmem:s0+$0x14030]  }
0x725: {  	v62 =	vld [tilespmem:s0+$0x4040]  }
0x726: {  	v11 =	vld [tilespmem:s0+$0x14040]  }
0x727: {  	v12 =	vld [tilespmem:s0+$0x4050]  }
0x728: {  	v13 =	vld [tilespmem:s0+$0x14050]  }
0x729: {  	v14 =	vld [tilespmem:s0+$0x4060]  }
0x72a: {  	v15 =	vld [tilespmem:s0+$0x14060]  }
0x72b: {  	v0 =	vadd.f32 v1, v0;
	v1 =	vld [tilespmem:s0+$0x4070]  }
0x72c: {  	v2 =	vadd.f32 v3, v2;
	v3 =	vld [tilespmem:s0+$0x14070]  }
0x72d: {  	[tilespmem:s0+$0x4470] =	vst v0;
	v0 =	vadd.f32 v5, v4;
	v4 =	vld [tilespmem:s0+$0x4400]  }
0x72e: {  	[tilespmem:s0+$0x4000] =	vst v2;
	v2 =	vadd.f32 v7, v6;
	v6 =	vld [tilespmem:s0+$0x14400]  }
0x72f: {  	v7 =	vld [tilespmem:s0+$0x4410];
	v5 =	vadd.f32 v11, v62;
	[tilespmem:s0+$0x4010] =	vst v0  }
0x730: {  	v0 =	vadd.f32 v61, v8;
	[tilespmem:s0+$0x4020] =	vst v2;
	v8 =	vld [tilespmem:s0+$0x14410]  }
0x731: {  	v63 =	vadd.f32 v15, v14;
	v2 =	vld [tilespmem:s0+$0x4420];
	[tilespmem:s0+$0x4040] =	vst v5  }
0x732: {  	v5 =	vld [tilespmem:s0+$0x14420];
	[tilespmem:s0+$0x4030] =	vst v0;
	v0 =	vadd.f32 v13, v12  }
0x733: {  	[tilespmem:s0+$0x4060] =	vst v63;
	v1 =	vadd.f32 v3, v1;
	v3 =	vld [tilespmem:s0+$0x14430]  }
0x734: {  	v4 =	vadd.f32 v6, v4;
	[tilespmem:s0+$0x4050] =	vst v0;
	v0 =	vld [tilespmem:s0+$0x4430]  }
0x735: {  	[tilespmem:s0+$0x4070] =	vst v1;
	v1 =	vld [tilespmem:s0+$0x4440];
	v6 =	vadd.f32 v8, v7  }
0x736: {  	s4 =	simm.s32 $0x0;
	[tilespmem:s0+$0x4400] =	vst v4;
	v4 =	vld [tilespmem:s0+$0x14440]  }
.LBB2_44:
0x737: {  	s3 =	sadd.s32 $0x100, s3;
	[tilespmem:s0+$0x4410] =	vst v6;
	v2 =	vadd.f32 v5, v2;
	v5 =	vld [tilespmem:s0+$0x4450];
	s2 =	sadd.s32 $0x800, s2  }
0x738: {  	s4 =	sadd.s32 $0x20, s4;
	s5 =	sand.u32 $0x2000, s3;
	s6 =	sand.u32 $0x1800, s2;
	v6 =	vld [tilespmem:s0+$0x14450]  }
0x739: {  	p0 =	slt.u32 s3, $0x3F00;
	s5 =	sor.u32 s5, s6;
	s6 =	sand.u32 $0x380, s4;
	[tilespmem:s0+$0x4420] =	vst v2;
	v0 =	vadd.f32 v3, v0;
	v2 =	vld [tilespmem:s0+$0x4460]  }
0x73a: {  	s5 =	sor.u32 s6, s5;
	v3 =	vld [tilespmem:s0+$0x14460]  }
0x73b: {  	v7 =	vld [tilespmem:s5+$0x4470];
	[tilespmem:s0+$0x4430] =	vst v0;
	v0 =	vadd.f32 v4, v1  }
0x73c: {  	v1 =	vld [tilespmem:s5+$0x14470]  }
0x73d: {  	v4 =	vld [tilespmem:s5+$0x4000];
	[tilespmem:s0+$0x4440] =	vst v0;
	v0 =	vadd.f32 v6, v5  }
0x73e: {  	v5 =	vld [tilespmem:s5+$0x14000]  }
0x73f: {  	v6 =	vld [tilespmem:s5+$0x4010];
	[tilespmem:s0+$0x4450] =	vst v0;
	v0 =	vadd.f32 v3, v2  }
0x740: {  	v2 =	vld [tilespmem:s5+$0x14010]  }
0x741: {  	v3 =	vld [tilespmem:s5+$0x4020];
	v1 =	vadd.f32 v1, v7;
	[tilespmem:s0+$0x4460] =	vst v0;
	s0 =	smov.u32 s5  }
0x742: {  	v0 =	vld [tilespmem:s0+$0x14020]  }
0x743: {  	v4 =	vadd.f32 v5, v4;
	v5 =	vld [tilespmem:s0+$0x4030];
	[tilespmem:s0+$0x4470] =	vst v1  }
0x744: {  	v1 =	vld [tilespmem:s0+$0x14030]  }
0x745: {  	[tilespmem:s0+$0x4000] =	vst v4;
	v2 =	vadd.f32 v2, v6;
	v4 =	vld [tilespmem:s0+$0x4040]  }
0x746: {  	v6 =	vld [tilespmem:s0+$0x14040]  }
0x747: {  	[tilespmem:s0+$0x4010] =	vst v2;
	v0 =	vadd.f32 v0, v3;
	v2 =	vld [tilespmem:s0+$0x4050]  }
0x748: {  	v3 =	vld [tilespmem:s0+$0x14050]  }
0x749: {  	[tilespmem:s0+$0x4020] =	vst v0;
	v0 =	vadd.f32 v1, v5;
	v1 =	vld [tilespmem:s0+$0x4060]  }
0x74a: {  	v5 =	vld [tilespmem:s0+$0x14060]  }
0x74b: {  	[tilespmem:s0+$0x4030] =	vst v0;
	v0 =	vadd.f32 v6, v4;
	v4 =	vld [tilespmem:s0+$0x4070]  }
0x74c: {  	v6 =	vld [tilespmem:s0+$0x14070]  }
0x74d: {  	[tilespmem:s0+$0x4040] =	vst v0;
	v0 =	vadd.f32 v3, v2;
	v3 =	vld [tilespmem:s0+$0x4400]  }
0x74e: {  	v7 =	vld [tilespmem:s0+$0x14400]  }
0x74f: {  	[tilespmem:s0+$0x4050] =	vst v0;
	v0 =	vadd.f32 v5, v1;
	v1 =	vld [tilespmem:s0+$0x4410]  }
0x750: {  	v8 =	vld [tilespmem:s0+$0x14410]  }
0x751: {  	[tilespmem:s0+$0x4060] =	vst v0;
	v0 =	vadd.f32 v6, v4;
	v2 =	vld [tilespmem:s0+$0x4420]  }
.Ltmp21:
0x752: {  	v5 =	vld [tilespmem:s0+$0x14420];
	(pc) =	sbr.rel @p0 .LBB2_44-.Ltmp21, $4  }
0x753: {  	[tilespmem:s0+$0x4070] =	vst v0;
	v4 =	vadd.f32 v7, v3;
	v0 =	vld [tilespmem:s0+$0x4430]  }
0x754: {  	v3 =	vld [tilespmem:s0+$0x14430]  }
0x755: {  	[tilespmem:s0+$0x4400] =	vst v4;
	v6 =	vadd.f32 v8, v1;
	v1 =	vld [tilespmem:s0+$0x4440]  }
0x756: {  	v4 =	vld [tilespmem:s0+$0x14440]  }
0x757: {  	v7 =	vld [tilespmem:s0+$0x4450]  }
0x758: {  	v8 =	vld [tilespmem:s0+$0x14450]  }
0x759: {  	v9 =	vld [tilespmem:s0+$0x4460]  }
0x75a: {  	v10 =	vld [tilespmem:s0+$0x14460]  }
0x75b: {  	v2 =	vadd.f32 v5, v2  }
0x75c: {  	[tilespmem:s0+$0x4410] =	vst v6;
	v0 =	vadd.f32 v3, v0  }
0x75d: {  	[tilespmem:s0+$0x4420] =	vst v2;
	v1 =	vadd.f32 v4, v1  }
0x75e: {  	[tilespmem:s0+$0x4430] =	vst v0;
	v0 =	vadd.f32 v8, v7  }
0x75f: {  	[tilespmem:s0+$0x4440] =	vst v1;
	v1 =	vadd.f32 v10, v9  }
0x760: {  	[tilespmem:s0+$0x4450] =	vst v0  }
0x761: {  	[tilespmem:s0+$0x4460] =	vst v1  }
0x762: {  	s0 =	sld [smem:$0x7EB];
	_ =	sdelay $0x1  }
0x763: {  	s2 =	simm.s32 $0x0  }
0x764: {  	[hbm4b:s0+s2] =	stream.linear.scatter [tilespmem:s15], [sflag:$0x8], $0x4000, $0x38;
	[tilespmem:$0x18000] =	vst v63  }
0x765: {  	_ =	swait.ge [sflag:s24], $0x4000  }
0x766: {  	s4 =	sld [smem:$0x7F5]  }
0x767: {  	[sflag:s24] =	ssyncset.done $0x0  }
0x768: {  	s3 =	simm.s32 $0x0;
	[sflag:s24] =	ssyncadd.s32 $0xFFFFC000  }
0x769: {  	[tilespmem:s15], [sflag:$0x2] =	stream.linear.gather [hbm4b:s4+s2], $0x4000, $0x38;
	[tilespmem:$0x18000] =	vst v63  }
0x76a: {  	s5 =	sand.u32 $0x2000, s3;
	s4 =	sand.u32 $0x1800, s2;
	_ =	swait.ge [sflag:s25], $0x4000  }
0x76b: {  	s6 =	sand.u32 $0x380, s2;
	s0 =	sor.u32 s5, s4;
	[sflag:s25] =	ssyncset.done $0x0  }
0x76c: {  	s0 =	sor.u32 s6, s0;
	[sflag:s25] =	ssyncadd.s32 $0xFFFFC000  }
0x76d: {  	v0 =	vld [tilespmem:s0+$0x8470]  }
0x76e: {  	v1 =	vld [tilespmem:s0+$0x14470]  }
0x76f: {  	v2 =	vld [tilespmem:s0+$0x8000]  }
0x770: {  	v3 =	vld [tilespmem:s0+$0x14000]  }
0x771: {  	v4 =	vld [tilespmem:s0+$0x8010]  }
0x772: {  	v5 =	vld [tilespmem:s0+$0x14010]  }
0x773: {  	v6 =	vld [tilespmem:s0+$0x8020]  }
0x774: {  	v7 =	vld [tilespmem:s0+$0x14020]  }
0x775: {  	v8 =	vld [tilespmem:s0+$0x8030]  }
0x776: {  	v61 =	vld [tilespmem:s0+$0x14030]  }
0x777: {  	v62 =	vld [tilespmem:s0+$0x8040]  }
0x778: {  	v11 =	vld [tilespmem:s0+$0x14040]  }
0x779: {  	v12 =	vld [tilespmem:s0+$0x8050]  }
0x77a: {  	v13 =	vld [tilespmem:s0+$0x14050]  }
0x77b: {  	v14 =	vld [tilespmem:s0+$0x8060]  }
0x77c: {  	v15 =	vld [tilespmem:s0+$0x14060]  }
0x77d: {  	v0 =	vadd.f32 v1, v0;
	v1 =	vld [tilespmem:s0+$0x8070]  }
0x77e: {  	v2 =	vadd.f32 v3, v2;
	v3 =	vld [tilespmem:s0+$0x14070]  }
0x77f: {  	[tilespmem:s0+$0x8470] =	vst v0;
	v0 =	vadd.f32 v5, v4;
	v4 =	vld [tilespmem:s0+$0x8400]  }
0x780: {  	[tilespmem:s0+$0x8000] =	vst v2;
	v2 =	vadd.f32 v7, v6;
	v6 =	vld [tilespmem:s0+$0x14400]  }
0x781: {  	v7 =	vld [tilespmem:s0+$0x8410];
	v5 =	vadd.f32 v11, v62;
	[tilespmem:s0+$0x8010] =	vst v0  }
0x782: {  	v0 =	vadd.f32 v61, v8;
	[tilespmem:s0+$0x8020] =	vst v2;
	v8 =	vld [tilespmem:s0+$0x14410]  }
0x783: {  	v63 =	vadd.f32 v15, v14;
	v2 =	vld [tilespmem:s0+$0x8420];
	[tilespmem:s0+$0x8040] =	vst v5  }
0x784: {  	v5 =	vld [tilespmem:s0+$0x14420];
	[tilespmem:s0+$0x8030] =	vst v0;
	v0 =	vadd.f32 v13, v12  }
0x785: {  	[tilespmem:s0+$0x8060] =	vst v63;
	v1 =	vadd.f32 v3, v1;
	v3 =	vld [tilespmem:s0+$0x14430]  }
0x786: {  	v4 =	vadd.f32 v6, v4;
	[tilespmem:s0+$0x8050] =	vst v0;
	v0 =	vld [tilespmem:s0+$0x8430]  }
0x787: {  	[tilespmem:s0+$0x8070] =	vst v1;
	v1 =	vld [tilespmem:s0+$0x8440];
	v6 =	vadd.f32 v8, v7  }
0x788: {  	s4 =	simm.s32 $0x0;
	[tilespmem:s0+$0x8400] =	vst v4;
	v4 =	vld [tilespmem:s0+$0x14440]  }
.LBB2_46:
0x789: {  	s3 =	sadd.s32 $0x100, s3;
	[tilespmem:s0+$0x8410] =	vst v6;
	v2 =	vadd.f32 v5, v2;
	v5 =	vld [tilespmem:s0+$0x8450];
	s2 =	sadd.s32 $0x800, s2  }
0x78a: {  	s4 =	sadd.s32 $0x20, s4;
	s5 =	sand.u32 $0x2000, s3;
	s6 =	sand.u32 $0x1800, s2;
	v6 =	vld [tilespmem:s0+$0x14450]  }
0x78b: {  	p0 =	slt.u32 s3, $0x3F00;
	s5 =	sor.u32 s5, s6;
	s6 =	sand.u32 $0x380, s4;
	[tilespmem:s0+$0x8420] =	vst v2;
	v0 =	vadd.f32 v3, v0;
	v2 =	vld [tilespmem:s0+$0x8460]  }
0x78c: {  	s5 =	sor.u32 s6, s5;
	v3 =	vld [tilespmem:s0+$0x14460]  }
0x78d: {  	v7 =	vld [tilespmem:s5+$0x8470];
	[tilespmem:s0+$0x8430] =	vst v0;
	v0 =	vadd.f32 v4, v1  }
0x78e: {  	v1 =	vld [tilespmem:s5+$0x14470]  }
0x78f: {  	v4 =	vld [tilespmem:s5+$0x8000];
	[tilespmem:s0+$0x8440] =	vst v0;
	v0 =	vadd.f32 v6, v5  }
0x790: {  	v5 =	vld [tilespmem:s5+$0x14000]  }
0x791: {  	v6 =	vld [tilespmem:s5+$0x8010];
	[tilespmem:s0+$0x8450] =	vst v0;
	v0 =	vadd.f32 v3, v2  }
0x792: {  	v2 =	vld [tilespmem:s5+$0x14010]  }
0x793: {  	v3 =	vld [tilespmem:s5+$0x8020];
	v1 =	vadd.f32 v1, v7;
	[tilespmem:s0+$0x8460] =	vst v0;
	s0 =	smov.u32 s5  }
0x794: {  	v0 =	vld [tilespmem:s0+$0x14020]  }
0x795: {  	v4 =	vadd.f32 v5, v4;
	v5 =	vld [tilespmem:s0+$0x8030];
	[tilespmem:s0+$0x8470] =	vst v1  }
0x796: {  	v1 =	vld [tilespmem:s0+$0x14030]  }
0x797: {  	[tilespmem:s0+$0x8000] =	vst v4;
	v2 =	vadd.f32 v2, v6;
	v4 =	vld [tilespmem:s0+$0x8040]  }
0x798: {  	v6 =	vld [tilespmem:s0+$0x14040]  }
0x799: {  	[tilespmem:s0+$0x8010] =	vst v2;
	v0 =	vadd.f32 v0, v3;
	v2 =	vld [tilespmem:s0+$0x8050]  }
0x79a: {  	v3 =	vld [tilespmem:s0+$0x14050]  }
0x79b: {  	[tilespmem:s0+$0x8020] =	vst v0;
	v0 =	vadd.f32 v1, v5;
	v1 =	vld [tilespmem:s0+$0x8060]  }
0x79c: {  	v5 =	vld [tilespmem:s0+$0x14060]  }
0x79d: {  	[tilespmem:s0+$0x8030] =	vst v0;
	v0 =	vadd.f32 v6, v4;
	v4 =	vld [tilespmem:s0+$0x8070]  }
0x79e: {  	v6 =	vld [tilespmem:s0+$0x14070]  }
0x79f: {  	[tilespmem:s0+$0x8040] =	vst v0;
	v0 =	vadd.f32 v3, v2;
	v3 =	vld [tilespmem:s0+$0x8400]  }
0x7a0: {  	v7 =	vld [tilespmem:s0+$0x14400]  }
0x7a1: {  	[tilespmem:s0+$0x8050] =	vst v0;
	v0 =	vadd.f32 v5, v1;
	v1 =	vld [tilespmem:s0+$0x8410]  }
0x7a2: {  	v8 =	vld [tilespmem:s0+$0x14410]  }
0x7a3: {  	[tilespmem:s0+$0x8060] =	vst v0;
	v0 =	vadd.f32 v6, v4;
	v2 =	vld [tilespmem:s0+$0x8420]  }
.Ltmp22:
0x7a4: {  	v5 =	vld [tilespmem:s0+$0x14420];
	(pc) =	sbr.rel @p0 .LBB2_46-.Ltmp22, $4  }
0x7a5: {  	[tilespmem:s0+$0x8070] =	vst v0;
	v4 =	vadd.f32 v7, v3;
	v0 =	vld [tilespmem:s0+$0x8430]  }
0x7a6: {  	v3 =	vld [tilespmem:s0+$0x14430]  }
0x7a7: {  	[tilespmem:s0+$0x8400] =	vst v4;
	v6 =	vadd.f32 v8, v1;
	v1 =	vld [tilespmem:s0+$0x8440]  }
0x7a8: {  	v4 =	vld [tilespmem:s0+$0x14440]  }
0x7a9: {  	v7 =	vld [tilespmem:s0+$0x8450]  }
0x7aa: {  	v8 =	vld [tilespmem:s0+$0x14450]  }
0x7ab: {  	v9 =	vld [tilespmem:s0+$0x8460]  }
0x7ac: {  	v10 =	vld [tilespmem:s0+$0x14460]  }
0x7ad: {  	v2 =	vadd.f32 v5, v2  }
0x7ae: {  	[tilespmem:s0+$0x8410] =	vst v6;
	v0 =	vadd.f32 v3, v0  }
0x7af: {  	[tilespmem:s0+$0x8420] =	vst v2;
	v1 =	vadd.f32 v4, v1  }
0x7b0: {  	[tilespmem:s0+$0x8430] =	vst v0;
	v0 =	vadd.f32 v8, v7  }
0x7b1: {  	[tilespmem:s0+$0x8440] =	vst v1;
	v1 =	vadd.f32 v10, v9  }
0x7b2: {  	[tilespmem:s0+$0x8450] =	vst v0  }
0x7b3: {  	[tilespmem:s0+$0x8460] =	vst v1  }
0x7b4: {  	s0 =	sld [smem:$0x7ED];
	_ =	sdelay $0x1  }
0x7b5: {  	s2 =	simm.s32 $0x0  }
0x7b6: {  	[hbm4b:s0+s2] =	stream.linear.scatter [tilespmem:s16], [sflag:$0x9], $0x4000, $0x38;
	[tilespmem:$0x18000] =	vst v63  }
0x7b7: {  	_ =	swait.ge [sflag:s26], $0x4000  }
0x7b8: {  	s4 =	sld [smem:$0x7F7]  }
0x7b9: {  	[sflag:s26] =	ssyncset.done $0x0  }
0x7ba: {  	s3 =	simm.s32 $0x0;
	[sflag:s26] =	ssyncadd.s32 $0xFFFFC000  }
0x7bb: {  	[tilespmem:s16], [sflag:$0x3] =	stream.linear.gather [hbm4b:s4+s2], $0x4000, $0x38;
	[tilespmem:$0x18000] =	vst v63  }
0x7bc: {  	s5 =	sand.u32 $0x2000, s3;
	s4 =	sand.u32 $0x1800, s2;
	_ =	swait.ge [sflag:s28], $0x4000  }
0x7bd: {  	s6 =	sand.u32 $0x380, s2;
	s0 =	sor.u32 s5, s4;
	[sflag:s28] =	ssyncset.done $0x0  }
0x7be: {  	s0 =	sor.u32 s6, s0;
	[sflag:s28] =	ssyncadd.s32 $0xFFFFC000  }
0x7bf: {  	v0 =	vld [tilespmem:s0+$0xC470]  }
0x7c0: {  	v1 =	vld [tilespmem:s0+$0x14470]  }
0x7c1: {  	v2 =	vld [tilespmem:s0+$0xC000]  }
0x7c2: {  	v3 =	vld [tilespmem:s0+$0x14000]  }
0x7c3: {  	v4 =	vld [tilespmem:s0+$0xC010]  }
0x7c4: {  	v5 =	vld [tilespmem:s0+$0x14010]  }
0x7c5: {  	v6 =	vld [tilespmem:s0+$0xC020]  }
0x7c6: {  	v7 =	vld [tilespmem:s0+$0x14020]  }
0x7c7: {  	v8 =	vld [tilespmem:s0+$0xC030]  }
0x7c8: {  	v61 =	vld [tilespmem:s0+$0x14030]  }
0x7c9: {  	v62 =	vld [tilespmem:s0+$0xC040]  }
0x7ca: {  	v11 =	vld [tilespmem:s0+$0x14040]  }
0x7cb: {  	v12 =	vld [tilespmem:s0+$0xC050]  }
0x7cc: {  	v13 =	vld [tilespmem:s0+$0x14050]  }
0x7cd: {  	v14 =	vld [tilespmem:s0+$0xC060]  }
0x7ce: {  	v15 =	vld [tilespmem:s0+$0x14060]  }
0x7cf: {  	v0 =	vadd.f32 v1, v0;
	v1 =	vld [tilespmem:s0+$0xC070]  }
0x7d0: {  	v2 =	vadd.f32 v3, v2;
	v3 =	vld [tilespmem:s0+$0x14070]  }
0x7d1: {  	[tilespmem:s0+$0xC470] =	vst v0;
	v0 =	vadd.f32 v5, v4;
	v4 =	vld [tilespmem:s0+$0xC400]  }
0x7d2: {  	[tilespmem:s0+$0xC000] =	vst v2;
	v2 =	vadd.f32 v7, v6;
	v6 =	vld [tilespmem:s0+$0x14400]  }
0x7d3: {  	v7 =	vld [tilespmem:s0+$0xC410];
	v5 =	vadd.f32 v11, v62;
	[tilespmem:s0+$0xC010] =	vst v0  }
0x7d4: {  	v0 =	vadd.f32 v61, v8;
	[tilespmem:s0+$0xC020] =	vst v2;
	v8 =	vld [tilespmem:s0+$0x14410]  }
0x7d5: {  	v63 =	vadd.f32 v15, v14;
	v2 =	vld [tilespmem:s0+$0xC420];
	[tilespmem:s0+$0xC040] =	vst v5  }
0x7d6: {  	v5 =	vld [tilespmem:s0+$0x14420];
	[tilespmem:s0+$0xC030] =	vst v0;
	v0 =	vadd.f32 v13, v12  }
0x7d7: {  	[tilespmem:s0+$0xC060] =	vst v63;
	v1 =	vadd.f32 v3, v1;
	v3 =	vld [tilespmem:s0+$0x14430]  }
0x7d8: {  	v4 =	vadd.f32 v6, v4;
	[tilespmem:s0+$0xC050] =	vst v0;
	v0 =	vld [tilespmem:s0+$0xC430]  }
0x7d9: {  	[tilespmem:s0+$0xC070] =	vst v1;
	v1 =	vld [tilespmem:s0+$0xC440];
	v6 =	vadd.f32 v8, v7  }
0x7da: {  	s4 =	simm.s32 $0x0;
	[tilespmem:s0+$0xC400] =	vst v4;
	v4 =	vld [tilespmem:s0+$0x14440]  }
.LBB2_48:
0x7db: {  	s3 =	sadd.s32 $0x100, s3;
	[tilespmem:s0+$0xC410] =	vst v6;
	v2 =	vadd.f32 v5, v2;
	v5 =	vld [tilespmem:s0+$0xC450];
	s2 =	sadd.s32 $0x800, s2  }
0x7dc: {  	s4 =	sadd.s32 $0x20, s4;
	s5 =	sand.u32 $0x2000, s3;
	s6 =	sand.u32 $0x1800, s2;
	v6 =	vld [tilespmem:s0+$0x14450]  }
0x7dd: {  	p0 =	slt.u32 s3, $0x3F00;
	s5 =	sor.u32 s5, s6;
	s6 =	sand.u32 $0x380, s4;
	[tilespmem:s0+$0xC420] =	vst v2;
	v0 =	vadd.f32 v3, v0;
	v2 =	vld [tilespmem:s0+$0xC460]  }
0x7de: {  	s5 =	sor.u32 s6, s5;
	v3 =	vld [tilespmem:s0+$0x14460]  }
0x7df: {  	v7 =	vld [tilespmem:s5+$0xC470];
	[tilespmem:s0+$0xC430] =	vst v0;
	v0 =	vadd.f32 v4, v1  }
0x7e0: {  	v1 =	vld [tilespmem:s5+$0x14470]  }
0x7e1: {  	v4 =	vld [tilespmem:s5+$0xC000];
	[tilespmem:s0+$0xC440] =	vst v0;
	v0 =	vadd.f32 v6, v5  }
0x7e2: {  	v5 =	vld [tilespmem:s5+$0x14000]  }
0x7e3: {  	v6 =	vld [tilespmem:s5+$0xC010];
	[tilespmem:s0+$0xC450] =	vst v0;
	v0 =	vadd.f32 v3, v2  }
0x7e4: {  	v2 =	vld [tilespmem:s5+$0x14010]  }
0x7e5: {  	v3 =	vld [tilespmem:s5+$0xC020];
	v1 =	vadd.f32 v1, v7;
	[tilespmem:s0+$0xC460] =	vst v0;
	s0 =	smov.u32 s5  }
0x7e6: {  	v0 =	vld [tilespmem:s0+$0x14020]  }
0x7e7: {  	v4 =	vadd.f32 v5, v4;
	v5 =	vld [tilespmem:s0+$0xC030];
	[tilespmem:s0+$0xC470] =	vst v1  }
0x7e8: {  	v1 =	vld [tilespmem:s0+$0x14030]  }
0x7e9: {  	[tilespmem:s0+$0xC000] =	vst v4;
	v2 =	vadd.f32 v2, v6;
	v4 =	vld [tilespmem:s0+$0xC040]  }
0x7ea: {  	v6 =	vld [tilespmem:s0+$0x14040]  }
0x7eb: {  	[tilespmem:s0+$0xC010] =	vst v2;
	v0 =	vadd.f32 v0, v3;
	v2 =	vld [tilespmem:s0+$0xC050]  }
0x7ec: {  	v3 =	vld [tilespmem:s0+$0x14050]  }
0x7ed: {  	[tilespmem:s0+$0xC020] =	vst v0;
	v0 =	vadd.f32 v1, v5;
	v1 =	vld [tilespmem:s0+$0xC060]  }
0x7ee: {  	v5 =	vld [tilespmem:s0+$0x14060]  }
0x7ef: {  	[tilespmem:s0+$0xC030] =	vst v0;
	v0 =	vadd.f32 v6, v4;
	v4 =	vld [tilespmem:s0+$0xC070]  }
0x7f0: {  	v6 =	vld [tilespmem:s0+$0x14070]  }
0x7f1: {  	[tilespmem:s0+$0xC040] =	vst v0;
	v0 =	vadd.f32 v3, v2;
	v3 =	vld [tilespmem:s0+$0xC400]  }
0x7f2: {  	v7 =	vld [tilespmem:s0+$0x14400]  }
0x7f3: {  	[tilespmem:s0+$0xC050] =	vst v0;
	v0 =	vadd.f32 v5, v1;
	v1 =	vld [tilespmem:s0+$0xC410]  }
0x7f4: {  	v8 =	vld [tilespmem:s0+$0x14410]  }
0x7f5: {  	[tilespmem:s0+$0xC060] =	vst v0;
	v0 =	vadd.f32 v6, v4;
	v2 =	vld [tilespmem:s0+$0xC420]  }
.Ltmp23:
0x7f6: {  	v5 =	vld [tilespmem:s0+$0x14420];
	(pc) =	sbr.rel @p0 .LBB2_48-.Ltmp23, $4  }
0x7f7: {  	[tilespmem:s0+$0xC070] =	vst v0;
	v4 =	vadd.f32 v7, v3;
	v0 =	vld [tilespmem:s0+$0xC430]  }
0x7f8: {  	v3 =	vld [tilespmem:s0+$0x14430]  }
0x7f9: {  	[tilespmem:s0+$0xC400] =	vst v4;
	v6 =	vadd.f32 v8, v1;
	v1 =	vld [tilespmem:s0+$0xC440]  }
0x7fa: {  	v4 =	vld [tilespmem:s0+$0x14440]  }
0x7fb: {  	v7 =	vld [tilespmem:s0+$0xC450]  }
0x7fc: {  	v8 =	vld [tilespmem:s0+$0x14450]  }
0x7fd: {  	v9 =	vld [tilespmem:s0+$0xC460]  }
0x7fe: {  	v10 =	vld [tilespmem:s0+$0x14460]  }
0x7ff: {  	v2 =	vadd.f32 v5, v2  }
0x800: {  	[tilespmem:s0+$0xC410] =	vst v6;
	v0 =	vadd.f32 v3, v0  }
0x801: {  	[tilespmem:s0+$0xC420] =	vst v2;
	v1 =	vadd.f32 v4, v1  }
0x802: {  	[tilespmem:s0+$0xC430] =	vst v0;
	v0 =	vadd.f32 v8, v7  }
0x803: {  	[tilespmem:s0+$0xC440] =	vst v1;
	v1 =	vadd.f32 v10, v9  }
0x804: {  	[tilespmem:s0+$0xC450] =	vst v0  }
0x805: {  	[tilespmem:s0+$0xC460] =	vst v1  }
0x806: {  	s2 =	sld [smem:$0x7EF];
	_ =	sdelay $0x1  }
0x807: {  	s0 =	simm.s32 $0x0;
	s3 =	sld [smem:$0x7F2]  }
0x808: {  	[hbm4b:s2+s0] =	stream.linear.scatter [tilespmem:s19], [sflag:$0xA], $0x4000, $0x38;
	[tilespmem:$0x18000] =	vst v63  }
0x809: {  	_ = 	snop  }
0x80a: {  	[tilespmem:s18], [sflag:$0x6] =	stream.linear.gather [hbm4b:s3+s0], $0x4000, $0x38;
	[tilespmem:$0x18000] =	vst v63  }
0x80b: {  	_ =	swait.ge [sflag:s29], $0x4000  }
0x80c: {  	s4 =	sld [smem:$0x7F9]  }
0x80d: {  	[sflag:s29] =	ssyncset.done $0x0  }
0x80e: {  	[sflag:s29] =	ssyncadd.s32 $0xFFFFC000  }
0x80f: {  	[tilespmem:s19], [sflag:$0x4] =	stream.linear.gather [hbm4b:s4+s0], $0x4000, $0x38;
	[tilespmem:$0x18000] =	vst v63  }
0x810: {  	_ =	swait.ge [sflag:s20], $0x4000  }
0x811: {  	[sflag:s20] =	ssyncset.done $0x0  }
0x812: {  	s3 =	simm.s32 $0x0;
	[sflag:s20] =	ssyncadd.s32 $0xFFFFC000  }
0x813: {  	s5 =	sand.u32 $0x2000, s3;
	s4 =	sand.u32 $0x1800, s0;
	_ =	swait.ge [sflag:s21], $0x4000  }
0x814: {  	s6 =	sand.u32 $0x380, s0;
	s2 =	sor.u32 s5, s4;
	[sflag:s21] =	ssyncset.done $0x0  }
0x815: {  	s2 =	sor.u32 s6, s2;
	[sflag:s21] =	ssyncadd.s32 $0xFFFFC000  }
0x816: {  	v0 =	vld [tilespmem:s2+$0x470]  }
0x817: {  	v1 =	vld [tilespmem:s2+$0x10470]  }
0x818: {  	v2 =	vld [tilespmem:s2+$0x0]  }
0x819: {  	v3 =	vld [tilespmem:s2+$0x10000]  }
0x81a: {  	v4 =	vld [tilespmem:s2+$0x10]  }
0x81b: {  	v5 =	vld [tilespmem:s2+$0x10010]  }
0x81c: {  	v6 =	vld [tilespmem:s2+$0x20]  }
0x81d: {  	v7 =	vld [tilespmem:s2+$0x10020]  }
0x81e: {  	v8 =	vld [tilespmem:s2+$0x30]  }
0x81f: {  	v61 =	vld [tilespmem:s2+$0x10030]  }
0x820: {  	v62 =	vld [tilespmem:s2+$0x40]  }
0x821: {  	v11 =	vld [tilespmem:s2+$0x10040]  }
0x822: {  	v12 =	vld [tilespmem:s2+$0x50]  }
0x823: {  	v13 =	vld [tilespmem:s2+$0x10050]  }
0x824: {  	v14 =	vld [tilespmem:s2+$0x60]  }
0x825: {  	v15 =	vld [tilespmem:s2+$0x10060]  }
0x826: {  	v0 =	vadd.f32 v1, v0;
	v1 =	vld [tilespmem:s2+$0x70]  }
0x827: {  	v2 =	vadd.f32 v3, v2;
	v3 =	vld [tilespmem:s2+$0x10070]  }
0x828: {  	[tilespmem:s2+$0x470] =	vst v0;
	v0 =	vadd.f32 v5, v4;
	v4 =	vld [tilespmem:s2+$0x400]  }
0x829: {  	[tilespmem:s2+$0x0] =	vst v2;
	v2 =	vadd.f32 v7, v6;
	v6 =	vld [tilespmem:s2+$0x10400]  }
0x82a: {  	v7 =	vld [tilespmem:s2+$0x410];
	v5 =	vadd.f32 v11, v62;
	[tilespmem:s2+$0x10] =	vst v0  }
0x82b: {  	v0 =	vadd.f32 v61, v8;
	[tilespmem:s2+$0x20] =	vst v2;
	v8 =	vld [tilespmem:s2+$0x10410]  }
0x82c: {  	v63 =	vadd.f32 v15, v14;
	v2 =	vld [tilespmem:s2+$0x420];
	[tilespmem:s2+$0x40] =	vst v5  }
0x82d: {  	v5 =	vld [tilespmem:s2+$0x10420];
	[tilespmem:s2+$0x30] =	vst v0;
	v0 =	vadd.f32 v13, v12  }
0x82e: {  	[tilespmem:s2+$0x60] =	vst v63;
	v1 =	vadd.f32 v3, v1;
	v3 =	vld [tilespmem:s2+$0x10430]  }
0x82f: {  	v4 =	vadd.f32 v6, v4;
	[tilespmem:s2+$0x50] =	vst v0;
	v0 =	vld [tilespmem:s2+$0x430]  }
0x830: {  	[tilespmem:s2+$0x70] =	vst v1;
	v1 =	vld [tilespmem:s2+$0x440];
	v6 =	vadd.f32 v8, v7  }
0x831: {  	s4 =	simm.s32 $0x0;
	[tilespmem:s2+$0x400] =	vst v4;
	v4 =	vld [tilespmem:s2+$0x10440]  }
.LBB2_50:
0x832: {  	s3 =	sadd.s32 $0x100, s3;
	[tilespmem:s2+$0x410] =	vst v6;
	v2 =	vadd.f32 v5, v2;
	v5 =	vld [tilespmem:s2+$0x450];
	s0 =	sadd.s32 $0x800, s0  }
0x833: {  	s4 =	sadd.s32 $0x20, s4;
	s5 =	sand.u32 $0x2000, s3;
	s6 =	sand.u32 $0x1800, s0;
	v6 =	vld [tilespmem:s2+$0x10450]  }
0x834: {  	p0 =	slt.u32 s3, $0x3F00;
	s5 =	sor.u32 s5, s6;
	s6 =	sand.u32 $0x380, s4;
	[tilespmem:s2+$0x420] =	vst v2;
	v0 =	vadd.f32 v3, v0;
	v2 =	vld [tilespmem:s2+$0x460]  }
0x835: {  	s5 =	sor.u32 s6, s5;
	v3 =	vld [tilespmem:s2+$0x10460]  }
0x836: {  	v7 =	vld [tilespmem:s5+$0x470];
	[tilespmem:s2+$0x430] =	vst v0;
	v0 =	vadd.f32 v4, v1  }
0x837: {  	v1 =	vld [tilespmem:s5+$0x10470]  }
0x838: {  	v4 =	vld [tilespmem:s5+$0x0];
	[tilespmem:s2+$0x440] =	vst v0;
	v0 =	vadd.f32 v6, v5  }
0x839: {  	v5 =	vld [tilespmem:s5+$0x10000]  }
0x83a: {  	v6 =	vld [tilespmem:s5+$0x10];
	[tilespmem:s2+$0x450] =	vst v0;
	v0 =	vadd.f32 v3, v2  }
0x83b: {  	v2 =	vld [tilespmem:s5+$0x10010]  }
0x83c: {  	v3 =	vld [tilespmem:s5+$0x20];
	v1 =	vadd.f32 v1, v7;
	[tilespmem:s2+$0x460] =	vst v0;
	s2 =	smov.u32 s5  }
0x83d: {  	v0 =	vld [tilespmem:s2+$0x10020]  }
0x83e: {  	v4 =	vadd.f32 v5, v4;
	v5 =	vld [tilespmem:s2+$0x30];
	[tilespmem:s2+$0x470] =	vst v1  }
0x83f: {  	v1 =	vld [tilespmem:s2+$0x10030]  }
0x840: {  	[tilespmem:s2+$0x0] =	vst v4;
	v2 =	vadd.f32 v2, v6;
	v4 =	vld [tilespmem:s2+$0x40]  }
0x841: {  	v6 =	vld [tilespmem:s2+$0x10040]  }
0x842: {  	[tilespmem:s2+$0x10] =	vst v2;
	v0 =	vadd.f32 v0, v3;
	v2 =	vld [tilespmem:s2+$0x50]  }
0x843: {  	v3 =	vld [tilespmem:s2+$0x10050]  }
0x844: {  	[tilespmem:s2+$0x20] =	vst v0;
	v0 =	vadd.f32 v1, v5;
	v1 =	vld [tilespmem:s2+$0x60]  }
0x845: {  	v5 =	vld [tilespmem:s2+$0x10060]  }
0x846: {  	[tilespmem:s2+$0x30] =	vst v0;
	v0 =	vadd.f32 v6, v4;
	v4 =	vld [tilespmem:s2+$0x70]  }
0x847: {  	v6 =	vld [tilespmem:s2+$0x10070]  }
0x848: {  	[tilespmem:s2+$0x40] =	vst v0;
	v0 =	vadd.f32 v3, v2;
	v3 =	vld [tilespmem:s2+$0x400]  }
0x849: {  	v7 =	vld [tilespmem:s2+$0x10400]  }
0x84a: {  	[tilespmem:s2+$0x50] =	vst v0;
	v0 =	vadd.f32 v5, v1;
	v1 =	vld [tilespmem:s2+$0x410]  }
0x84b: {  	v8 =	vld [tilespmem:s2+$0x10410]  }
0x84c: {  	[tilespmem:s2+$0x60] =	vst v0;
	v0 =	vadd.f32 v6, v4;
	v2 =	vld [tilespmem:s2+$0x420]  }
.Ltmp24:
0x84d: {  	v5 =	vld [tilespmem:s2+$0x10420];
	(pc) =	sbr.rel @p0 .LBB2_50-.Ltmp24, $4  }
0x84e: {  	[tilespmem:s2+$0x70] =	vst v0;
	v4 =	vadd.f32 v7, v3;
	v0 =	vld [tilespmem:s2+$0x430]  }
0x84f: {  	v3 =	vld [tilespmem:s2+$0x10430]  }
0x850: {  	[tilespmem:s2+$0x400] =	vst v4;
	v6 =	vadd.f32 v8, v1;
	v1 =	vld [tilespmem:s2+$0x440]  }
0x851: {  	v4 =	vld [tilespmem:s2+$0x10440]  }
0x852: {  	v7 =	vld [tilespmem:s2+$0x450]  }
0x853: {  	v8 =	vld [tilespmem:s2+$0x10450]  }
0x854: {  	v9 =	vld [tilespmem:s2+$0x460]  }
0x855: {  	v10 =	vld [tilespmem:s2+$0x10460]  }
0x856: {  	v2 =	vadd.f32 v5, v2  }
0x857: {  	[tilespmem:s2+$0x410] =	vst v6;
	v0 =	vadd.f32 v3, v0  }
0x858: {  	[tilespmem:s2+$0x420] =	vst v2;
	v1 =	vadd.f32 v4, v1  }
0x859: {  	[tilespmem:s2+$0x430] =	vst v0;
	v0 =	vadd.f32 v8, v7  }
0x85a: {  	[tilespmem:s2+$0x440] =	vst v1;
	v1 =	vadd.f32 v10, v9  }
0x85b: {  	[tilespmem:s2+$0x450] =	vst v0  }
0x85c: {  	[tilespmem:s2+$0x460] =	vst v1  }
0x85d: {  	s0 =	sld [smem:$0x7F4];
	_ =	sdelay $0x1  }
0x85e: {  	s2 =	simm.s32 $0x0  }
0x85f: {  	[hbm4b:s0+s2] =	stream.linear.scatter [tilespmem:s2], [sflag:$0x7], $0x4000, $0x38;
	[tilespmem:$0x18000] =	vst v63  }
0x860: {  	_ =	swait.ge [sflag:s22], $0x4000  }
0x861: {  	s4 =	sld [smem:$0x7FD]  }
0x862: {  	[sflag:s22] =	ssyncset.done $0x0  }
0x863: {  	s3 =	simm.s32 $0x0;
	[sflag:s22] =	ssyncadd.s32 $0xFFFFC000  }
0x864: {  	[tilespmem:s2], [sflag:$0x1] =	stream.linear.gather [hbm4b:s4+s2], $0x4000, $0x38;
	[tilespmem:$0x18000] =	vst v63  }
0x865: {  	s5 =	sand.u32 $0x2000, s3;
	s4 =	sand.u32 $0x1800, s2;
	_ =	swait.ge [sflag:s23], $0x4000  }
0x866: {  	s6 =	sand.u32 $0x380, s2;
	s0 =	sor.u32 s5, s4;
	[sflag:s23] =	ssyncset.done $0x0  }
0x867: {  	s0 =	sor.u32 s6, s0;
	[sflag:s23] =	ssyncadd.s32 $0xFFFFC000  }
0x868: {  	v0 =	vld [tilespmem:s0+$0x4470]  }
0x869: {  	v1 =	vld [tilespmem:s0+$0x10470]  }
0x86a: {  	v2 =	vld [tilespmem:s0+$0x4000]  }
0x86b: {  	v3 =	vld [tilespmem:s0+$0x10000]  }
0x86c: {  	v4 =	vld [tilespmem:s0+$0x4010]  }
0x86d: {  	v5 =	vld [tilespmem:s0+$0x10010]  }
0x86e: {  	v6 =	vld [tilespmem:s0+$0x4020]  }
0x86f: {  	v7 =	vld [tilespmem:s0+$0x10020]  }
0x870: {  	v8 =	vld [tilespmem:s0+$0x4030]  }
0x871: {  	v61 =	vld [tilespmem:s0+$0x10030]  }
0x872: {  	v62 =	vld [tilespmem:s0+$0x4040]  }
0x873: {  	v11 =	vld [tilespmem:s0+$0x10040]  }
0x874: {  	v12 =	vld [tilespmem:s0+$0x4050]  }
0x875: {  	v13 =	vld [tilespmem:s0+$0x10050]  }
0x876: {  	v14 =	vld [tilespmem:s0+$0x4060]  }
0x877: {  	v15 =	vld [tilespmem:s0+$0x10060]  }
0x878: {  	v0 =	vadd.f32 v1, v0;
	v1 =	vld [tilespmem:s0+$0x4070]  }
0x879: {  	v2 =	vadd.f32 v3, v2;
	v3 =	vld [tilespmem:s0+$0x10070]  }
0x87a: {  	[tilespmem:s0+$0x4470] =	vst v0;
	v0 =	vadd.f32 v5, v4;
	v4 =	vld [tilespmem:s0+$0x4400]  }
0x87b: {  	[tilespmem:s0+$0x4000] =	vst v2;
	v2 =	vadd.f32 v7, v6;
	v6 =	vld [tilespmem:s0+$0x10400]  }
0x87c: {  	v7 =	vld [tilespmem:s0+$0x4410];
	v5 =	vadd.f32 v11, v62;
	[tilespmem:s0+$0x4010] =	vst v0  }
0x87d: {  	v0 =	vadd.f32 v61, v8;
	[tilespmem:s0+$0x4020] =	vst v2;
	v8 =	vld [tilespmem:s0+$0x10410]  }
0x87e: {  	v63 =	vadd.f32 v15, v14;
	v2 =	vld [tilespmem:s0+$0x4420];
	[tilespmem:s0+$0x4040] =	vst v5  }
0x87f: {  	v5 =	vld [tilespmem:s0+$0x10420];
	[tilespmem:s0+$0x4030] =	vst v0;
	v0 =	vadd.f32 v13, v12  }
0x880: {  	[tilespmem:s0+$0x4060] =	vst v63;
	v1 =	vadd.f32 v3, v1;
	v3 =	vld [tilespmem:s0+$0x10430]  }
0x881: {  	v4 =	vadd.f32 v6, v4;
	[tilespmem:s0+$0x4050] =	vst v0;
	v0 =	vld [tilespmem:s0+$0x4430]  }
0x882: {  	[tilespmem:s0+$0x4070] =	vst v1;
	v1 =	vld [tilespmem:s0+$0x4440];
	v6 =	vadd.f32 v8, v7  }
0x883: {  	s4 =	simm.s32 $0x0;
	[tilespmem:s0+$0x4400] =	vst v4;
	v4 =	vld [tilespmem:s0+$0x10440]  }
.LBB2_52:
0x884: {  	s3 =	sadd.s32 $0x100, s3;
	[tilespmem:s0+$0x4410] =	vst v6;
	v2 =	vadd.f32 v5, v2;
	v5 =	vld [tilespmem:s0+$0x4450];
	s2 =	sadd.s32 $0x800, s2  }
0x885: {  	s4 =	sadd.s32 $0x20, s4;
	s5 =	sand.u32 $0x2000, s3;
	s6 =	sand.u32 $0x1800, s2;
	v6 =	vld [tilespmem:s0+$0x10450]  }
0x886: {  	p0 =	slt.u32 s3, $0x3F00;
	s5 =	sor.u32 s5, s6;
	s6 =	sand.u32 $0x380, s4;
	[tilespmem:s0+$0x4420] =	vst v2;
	v0 =	vadd.f32 v3, v0;
	v2 =	vld [tilespmem:s0+$0x4460]  }
0x887: {  	s5 =	sor.u32 s6, s5;
	v3 =	vld [tilespmem:s0+$0x10460]  }
0x888: {  	v7 =	vld [tilespmem:s5+$0x4470];
	[tilespmem:s0+$0x4430] =	vst v0;
	v0 =	vadd.f32 v4, v1  }
0x889: {  	v1 =	vld [tilespmem:s5+$0x10470]  }
0x88a: {  	v4 =	vld [tilespmem:s5+$0x4000];
	[tilespmem:s0+$0x4440] =	vst v0;
	v0 =	vadd.f32 v6, v5  }
0x88b: {  	v5 =	vld [tilespmem:s5+$0x10000]  }
0x88c: {  	v6 =	vld [tilespmem:s5+$0x4010];
	[tilespmem:s0+$0x4450] =	vst v0;
	v0 =	vadd.f32 v3, v2  }
0x88d: {  	v2 =	vld [tilespmem:s5+$0x10010]  }
0x88e: {  	v3 =	vld [tilespmem:s5+$0x4020];
	v1 =	vadd.f32 v1, v7;
	[tilespmem:s0+$0x4460] =	vst v0;
	s0 =	smov.u32 s5  }
0x88f: {  	v0 =	vld [tilespmem:s0+$0x10020]  }
0x890: {  	v4 =	vadd.f32 v5, v4;
	v5 =	vld [tilespmem:s0+$0x4030];
	[tilespmem:s0+$0x4470] =	vst v1  }
0x891: {  	v1 =	vld [tilespmem:s0+$0x10030]  }
0x892: {  	[tilespmem:s0+$0x4000] =	vst v4;
	v2 =	vadd.f32 v2, v6;
	v4 =	vld [tilespmem:s0+$0x4040]  }
0x893: {  	v6 =	vld [tilespmem:s0+$0x10040]  }
0x894: {  	[tilespmem:s0+$0x4010] =	vst v2;
	v0 =	vadd.f32 v0, v3;
	v2 =	vld [tilespmem:s0+$0x4050]  }
0x895: {  	v3 =	vld [tilespmem:s0+$0x10050]  }
0x896: {  	[tilespmem:s0+$0x4020] =	vst v0;
	v0 =	vadd.f32 v1, v5;
	v1 =	vld [tilespmem:s0+$0x4060]  }
0x897: {  	v5 =	vld [tilespmem:s0+$0x10060]  }
0x898: {  	[tilespmem:s0+$0x4030] =	vst v0;
	v0 =	vadd.f32 v6, v4;
	v4 =	vld [tilespmem:s0+$0x4070]  }
0x899: {  	v6 =	vld [tilespmem:s0+$0x10070]  }
0x89a: {  	[tilespmem:s0+$0x4040] =	vst v0;
	v0 =	vadd.f32 v3, v2;
	v3 =	vld [tilespmem:s0+$0x4400]  }
0x89b: {  	v7 =	vld [tilespmem:s0+$0x10400]  }
0x89c: {  	[tilespmem:s0+$0x4050] =	vst v0;
	v0 =	vadd.f32 v5, v1;
	v1 =	vld [tilespmem:s0+$0x4410]  }
0x89d: {  	v8 =	vld [tilespmem:s0+$0x10410]  }
0x89e: {  	[tilespmem:s0+$0x4060] =	vst v0;
	v0 =	vadd.f32 v6, v4;
	v2 =	vld [tilespmem:s0+$0x4420]  }
.Ltmp25:
0x89f: {  	v5 =	vld [tilespmem:s0+$0x10420];
	(pc) =	sbr.rel @p0 .LBB2_52-.Ltmp25, $4  }
0x8a0: {  	[tilespmem:s0+$0x4070] =	vst v0;
	v4 =	vadd.f32 v7, v3;
	v0 =	vld [tilespmem:s0+$0x4430]  }
0x8a1: {  	v3 =	vld [tilespmem:s0+$0x10430]  }
0x8a2: {  	[tilespmem:s0+$0x4400] =	vst v4;
	v6 =	vadd.f32 v8, v1;
	v1 =	vld [tilespmem:s0+$0x4440]  }
0x8a3: {  	v4 =	vld [tilespmem:s0+$0x10440]  }
0x8a4: {  	v7 =	vld [tilespmem:s0+$0x4450]  }
0x8a5: {  	v8 =	vld [tilespmem:s0+$0x10450]  }
0x8a6: {  	v9 =	vld [tilespmem:s0+$0x4460]  }
0x8a7: {  	v10 =	vld [tilespmem:s0+$0x10460]  }
0x8a8: {  	v2 =	vadd.f32 v5, v2  }
0x8a9: {  	[tilespmem:s0+$0x4410] =	vst v6;
	v0 =	vadd.f32 v3, v0  }
0x8aa: {  	[tilespmem:s0+$0x4420] =	vst v2;
	v1 =	vadd.f32 v4, v1  }
0x8ab: {  	[tilespmem:s0+$0x4430] =	vst v0;
	v0 =	vadd.f32 v8, v7  }
0x8ac: {  	[tilespmem:s0+$0x4440] =	vst v1;
	v1 =	vadd.f32 v10, v9  }
0x8ad: {  	[tilespmem:s0+$0x4450] =	vst v0  }
0x8ae: {  	[tilespmem:s0+$0x4460] =	vst v1  }
0x8af: {  	s0 =	sld [smem:$0x7F6];
	_ =	sdelay $0x1  }
0x8b0: {  	s2 =	simm.s32 $0x0  }
0x8b1: {  	[hbm4b:s0+s2] =	stream.linear.scatter [tilespmem:s15], [sflag:$0x8], $0x4000, $0x38;
	[tilespmem:$0x18000] =	vst v63  }
0x8b2: {  	_ =	swait.ge [sflag:s24], $0x4000  }
0x8b3: {  	[sflag:s24] =	ssyncset.done $0x0  }
0x8b4: {  	s3 =	simm.s32 $0x0;
	[sflag:s24] =	ssyncadd.s32 $0xFFFFC000  }
0x8b5: {  	[tilespmem:s15], [sflag:$0x2] =	stream.linear.gather [hbm4b:s7+s2], $0x4000, $0x38;
	[tilespmem:$0x18000] =	vst v63  }
0x8b6: {  	s5 =	sand.u32 $0x2000, s3;
	s4 =	sand.u32 $0x1800, s2;
	_ =	swait.ge [sflag:s25], $0x4000  }
0x8b7: {  	s6 =	sand.u32 $0x380, s2;
	s0 =	sor.u32 s5, s4;
	[sflag:s25] =	ssyncset.done $0x0  }
0x8b8: {  	s0 =	sor.u32 s6, s0;
	[sflag:s25] =	ssyncadd.s32 $0xFFFFC000  }
0x8b9: {  	v0 =	vld [tilespmem:s0+$0x8470]  }
0x8ba: {  	v1 =	vld [tilespmem:s0+$0x10470]  }
0x8bb: {  	v2 =	vld [tilespmem:s0+$0x8000]  }
0x8bc: {  	v3 =	vld [tilespmem:s0+$0x10000]  }
0x8bd: {  	v4 =	vld [tilespmem:s0+$0x8010]  }
0x8be: {  	v5 =	vld [tilespmem:s0+$0x10010]  }
0x8bf: {  	v6 =	vld [tilespmem:s0+$0x8020]  }
0x8c0: {  	v7 =	vld [tilespmem:s0+$0x10020]  }
0x8c1: {  	v8 =	vld [tilespmem:s0+$0x8030]  }
0x8c2: {  	v61 =	vld [tilespmem:s0+$0x10030]  }
0x8c3: {  	v62 =	vld [tilespmem:s0+$0x8040]  }
0x8c4: {  	v11 =	vld [tilespmem:s0+$0x10040]  }
0x8c5: {  	v12 =	vld [tilespmem:s0+$0x8050]  }
0x8c6: {  	v13 =	vld [tilespmem:s0+$0x10050]  }
0x8c7: {  	v14 =	vld [tilespmem:s0+$0x8060]  }
0x8c8: {  	v15 =	vld [tilespmem:s0+$0x10060]  }
0x8c9: {  	v0 =	vadd.f32 v1, v0;
	v1 =	vld [tilespmem:s0+$0x8070]  }
0x8ca: {  	v2 =	vadd.f32 v3, v2;
	v3 =	vld [tilespmem:s0+$0x10070]  }
0x8cb: {  	[tilespmem:s0+$0x8470] =	vst v0;
	v0 =	vadd.f32 v5, v4;
	v4 =	vld [tilespmem:s0+$0x8400]  }
0x8cc: {  	[tilespmem:s0+$0x8000] =	vst v2;
	v2 =	vadd.f32 v7, v6;
	v6 =	vld [tilespmem:s0+$0x10400]  }
0x8cd: {  	v7 =	vld [tilespmem:s0+$0x8410];
	v5 =	vadd.f32 v11, v62;
	[tilespmem:s0+$0x8010] =	vst v0  }
0x8ce: {  	v0 =	vadd.f32 v61, v8;
	[tilespmem:s0+$0x8020] =	vst v2;
	v8 =	vld [tilespmem:s0+$0x10410]  }
0x8cf: {  	v63 =	vadd.f32 v15, v14;
	v2 =	vld [tilespmem:s0+$0x8420];
	[tilespmem:s0+$0x8040] =	vst v5  }
0x8d0: {  	v5 =	vld [tilespmem:s0+$0x10420];
	[tilespmem:s0+$0x8030] =	vst v0;
	v0 =	vadd.f32 v13, v12  }
0x8d1: {  	[tilespmem:s0+$0x8060] =	vst v63;
	v1 =	vadd.f32 v3, v1;
	v3 =	vld [tilespmem:s0+$0x10430]  }
0x8d2: {  	v4 =	vadd.f32 v6, v4;
	[tilespmem:s0+$0x8050] =	vst v0;
	v0 =	vld [tilespmem:s0+$0x8430]  }
0x8d3: {  	[tilespmem:s0+$0x8070] =	vst v1;
	v1 =	vld [tilespmem:s0+$0x8440];
	v6 =	vadd.f32 v8, v7  }
0x8d4: {  	s4 =	simm.s32 $0x0;
	[tilespmem:s0+$0x8400] =	vst v4;
	v4 =	vld [tilespmem:s0+$0x10440]  }
.LBB2_54:
0x8d5: {  	s3 =	sadd.s32 $0x100, s3;
	[tilespmem:s0+$0x8410] =	vst v6;
	v2 =	vadd.f32 v5, v2;
	v5 =	vld [tilespmem:s0+$0x8450];
	s2 =	sadd.s32 $0x800, s2  }
0x8d6: {  	s4 =	sadd.s32 $0x20, s4;
	s5 =	sand.u32 $0x2000, s3;
	s6 =	sand.u32 $0x1800, s2;
	v6 =	vld [tilespmem:s0+$0x10450]  }
0x8d7: {  	p0 =	slt.u32 s3, $0x3F00;
	s5 =	sor.u32 s5, s6;
	s6 =	sand.u32 $0x380, s4;
	[tilespmem:s0+$0x8420] =	vst v2;
	v0 =	vadd.f32 v3, v0;
	v2 =	vld [tilespmem:s0+$0x8460]  }
0x8d8: {  	s5 =	sor.u32 s6, s5;
	v3 =	vld [tilespmem:s0+$0x10460]  }
0x8d9: {  	v7 =	vld [tilespmem:s5+$0x8470];
	[tilespmem:s0+$0x8430] =	vst v0;
	v0 =	vadd.f32 v4, v1  }
0x8da: {  	v1 =	vld [tilespmem:s5+$0x10470]  }
0x8db: {  	v4 =	vld [tilespmem:s5+$0x8000];
	[tilespmem:s0+$0x8440] =	vst v0;
	v0 =	vadd.f32 v6, v5  }
0x8dc: {  	v5 =	vld [tilespmem:s5+$0x10000]  }
0x8dd: {  	v6 =	vld [tilespmem:s5+$0x8010];
	[tilespmem:s0+$0x8450] =	vst v0;
	v0 =	vadd.f32 v3, v2  }
0x8de: {  	v2 =	vld [tilespmem:s5+$0x10010]  }
0x8df: {  	v3 =	vld [tilespmem:s5+$0x8020];
	v1 =	vadd.f32 v1, v7;
	[tilespmem:s0+$0x8460] =	vst v0;
	s0 =	smov.u32 s5  }
0x8e0: {  	v0 =	vld [tilespmem:s0+$0x10020]  }
0x8e1: {  	v4 =	vadd.f32 v5, v4;
	v5 =	vld [tilespmem:s0+$0x8030];
	[tilespmem:s0+$0x8470] =	vst v1  }
0x8e2: {  	v1 =	vld [tilespmem:s0+$0x10030]  }
0x8e3: {  	[tilespmem:s0+$0x8000] =	vst v4;
	v2 =	vadd.f32 v2, v6;
	v4 =	vld [tilespmem:s0+$0x8040]  }
0x8e4: {  	v6 =	vld [tilespmem:s0+$0x10040]  }
0x8e5: {  	[tilespmem:s0+$0x8010] =	vst v2;
	v0 =	vadd.f32 v0, v3;
	v2 =	vld [tilespmem:s0+$0x8050]  }
0x8e6: {  	v3 =	vld [tilespmem:s0+$0x10050]  }
0x8e7: {  	[tilespmem:s0+$0x8020] =	vst v0;
	v0 =	vadd.f32 v1, v5;
	v1 =	vld [tilespmem:s0+$0x8060]  }
0x8e8: {  	v5 =	vld [tilespmem:s0+$0x10060]  }
0x8e9: {  	[tilespmem:s0+$0x8030] =	vst v0;
	v0 =	vadd.f32 v6, v4;
	v4 =	vld [tilespmem:s0+$0x8070]  }
0x8ea: {  	v6 =	vld [tilespmem:s0+$0x10070]  }
0x8eb: {  	[tilespmem:s0+$0x8040] =	vst v0;
	v0 =	vadd.f32 v3, v2;
	v3 =	vld [tilespmem:s0+$0x8400]  }
0x8ec: {  	v7 =	vld [tilespmem:s0+$0x10400]  }
0x8ed: {  	[tilespmem:s0+$0x8050] =	vst v0;
	v0 =	vadd.f32 v5, v1;
	v1 =	vld [tilespmem:s0+$0x8410]  }
0x8ee: {  	v8 =	vld [tilespmem:s0+$0x10410]  }
0x8ef: {  	[tilespmem:s0+$0x8060] =	vst v0;
	v0 =	vadd.f32 v6, v4;
	v2 =	vld [tilespmem:s0+$0x8420]  }
.Ltmp26:
0x8f0: {  	v5 =	vld [tilespmem:s0+$0x10420];
	(pc) =	sbr.rel @p0 .LBB2_54-.Ltmp26, $4  }
0x8f1: {  	[tilespmem:s0+$0x8070] =	vst v0;
	v4 =	vadd.f32 v7, v3;
	v0 =	vld [tilespmem:s0+$0x8430]  }
0x8f2: {  	v3 =	vld [tilespmem:s0+$0x10430]  }
0x8f3: {  	[tilespmem:s0+$0x8400] =	vst v4;
	v6 =	vadd.f32 v8, v1;
	v1 =	vld [tilespmem:s0+$0x8440]  }
0x8f4: {  	v4 =	vld [tilespmem:s0+$0x10440]  }
0x8f5: {  	v7 =	vld [tilespmem:s0+$0x8450]  }
0x8f6: {  	v8 =	vld [tilespmem:s0+$0x10450]  }
0x8f7: {  	v9 =	vld [tilespmem:s0+$0x8460]  }
0x8f8: {  	v10 =	vld [tilespmem:s0+$0x10460]  }
0x8f9: {  	v2 =	vadd.f32 v5, v2  }
0x8fa: {  	[tilespmem:s0+$0x8410] =	vst v6;
	v0 =	vadd.f32 v3, v0  }
0x8fb: {  	[tilespmem:s0+$0x8420] =	vst v2;
	v1 =	vadd.f32 v4, v1  }
0x8fc: {  	[tilespmem:s0+$0x8430] =	vst v0;
	v0 =	vadd.f32 v8, v7  }
0x8fd: {  	[tilespmem:s0+$0x8440] =	vst v1;
	v1 =	vadd.f32 v10, v9  }
0x8fe: {  	[tilespmem:s0+$0x8450] =	vst v0  }
0x8ff: {  	[tilespmem:s0+$0x8460] =	vst v1  }
0x900: {  	s0 =	sld [smem:$0x7F8];
	_ =	sdelay $0x1  }
0x901: {  	s2 =	simm.s32 $0x0  }
0x902: {  	[hbm4b:s0+s2] =	stream.linear.scatter [tilespmem:s16], [sflag:$0x9], $0x4000, $0x38;
	[tilespmem:$0x18000] =	vst v63  }
0x903: {  	_ =	swait.ge [sflag:s26], $0x4000  }
0x904: {  	[sflag:s26] =	ssyncset.done $0x0  }
0x905: {  	s3 =	simm.s32 $0x0;
	[sflag:s26] =	ssyncadd.s32 $0xFFFFC000  }
0x906: {  	[tilespmem:s16], [sflag:$0x3] =	stream.linear.gather [hbm4b:s8+s2], $0x4000, $0x38;
	[tilespmem:$0x18000] =	vst v63  }
0x907: {  	s5 =	sand.u32 $0x2000, s3;
	s4 =	sand.u32 $0x1800, s2;
	_ =	swait.ge [sflag:s28], $0x4000  }
0x908: {  	s6 =	sand.u32 $0x380, s2;
	s0 =	sor.u32 s5, s4;
	[sflag:s28] =	ssyncset.done $0x0  }
0x909: {  	s0 =	sor.u32 s6, s0;
	[sflag:s28] =	ssyncadd.s32 $0xFFFFC000  }
0x90a: {  	v0 =	vld [tilespmem:s0+$0xC470]  }
0x90b: {  	v1 =	vld [tilespmem:s0+$0x10470]  }
0x90c: {  	v2 =	vld [tilespmem:s0+$0xC000]  }
0x90d: {  	v3 =	vld [tilespmem:s0+$0x10000]  }
0x90e: {  	v4 =	vld [tilespmem:s0+$0xC010]  }
0x90f: {  	v5 =	vld [tilespmem:s0+$0x10010]  }
0x910: {  	v6 =	vld [tilespmem:s0+$0xC020]  }
0x911: {  	v7 =	vld [tilespmem:s0+$0x10020]  }
0x912: {  	v8 =	vld [tilespmem:s0+$0xC030]  }
0x913: {  	v61 =	vld [tilespmem:s0+$0x10030]  }
0x914: {  	v62 =	vld [tilespmem:s0+$0xC040]  }
0x915: {  	v11 =	vld [tilespmem:s0+$0x10040]  }
0x916: {  	v12 =	vld [tilespmem:s0+$0xC050]  }
0x917: {  	v13 =	vld [tilespmem:s0+$0x10050]  }
0x918: {  	v14 =	vld [tilespmem:s0+$0xC060]  }
0x919: {  	v15 =	vld [tilespmem:s0+$0x10060]  }
0x91a: {  	v0 =	vadd.f32 v1, v0;
	v1 =	vld [tilespmem:s0+$0xC070]  }
0x91b: {  	v2 =	vadd.f32 v3, v2;
	v3 =	vld [tilespmem:s0+$0x10070]  }
0x91c: {  	[tilespmem:s0+$0xC470] =	vst v0;
	v0 =	vadd.f32 v5, v4;
	v4 =	vld [tilespmem:s0+$0xC400]  }
0x91d: {  	[tilespmem:s0+$0xC000] =	vst v2;
	v2 =	vadd.f32 v7, v6;
	v6 =	vld [tilespmem:s0+$0x10400]  }
0x91e: {  	v7 =	vld [tilespmem:s0+$0xC410];
	v5 =	vadd.f32 v11, v62;
	[tilespmem:s0+$0xC010] =	vst v0  }
0x91f: {  	v0 =	vadd.f32 v61, v8;
	[tilespmem:s0+$0xC020] =	vst v2;
	v8 =	vld [tilespmem:s0+$0x10410]  }
0x920: {  	v63 =	vadd.f32 v15, v14;
	v2 =	vld [tilespmem:s0+$0xC420];
	[tilespmem:s0+$0xC040] =	vst v5  }
0x921: {  	v5 =	vld [tilespmem:s0+$0x10420];
	[tilespmem:s0+$0xC030] =	vst v0;
	v0 =	vadd.f32 v13, v12  }
0x922: {  	[tilespmem:s0+$0xC060] =	vst v63;
	v1 =	vadd.f32 v3, v1;
	v3 =	vld [tilespmem:s0+$0x10430]  }
0x923: {  	v4 =	vadd.f32 v6, v4;
	[tilespmem:s0+$0xC050] =	vst v0;
	v0 =	vld [tilespmem:s0+$0xC430]  }
0x924: {  	[tilespmem:s0+$0xC070] =	vst v1;
	v1 =	vld [tilespmem:s0+$0xC440];
	v6 =	vadd.f32 v8, v7  }
0x925: {  	s4 =	simm.s32 $0x0;
	[tilespmem:s0+$0xC400] =	vst v4;
	v4 =	vld [tilespmem:s0+$0x10440]  }
.LBB2_56:
0x926: {  	s3 =	sadd.s32 $0x100, s3;
	[tilespmem:s0+$0xC410] =	vst v6;
	v2 =	vadd.f32 v5, v2;
	v5 =	vld [tilespmem:s0+$0xC450];
	s2 =	sadd.s32 $0x800, s2  }
0x927: {  	s4 =	sadd.s32 $0x20, s4;
	s5 =	sand.u32 $0x2000, s3;
	s6 =	sand.u32 $0x1800, s2;
	v6 =	vld [tilespmem:s0+$0x10450]  }
0x928: {  	p0 =	slt.u32 s3, $0x3F00;
	s5 =	sor.u32 s5, s6;
	s6 =	sand.u32 $0x380, s4;
	[tilespmem:s0+$0xC420] =	vst v2;
	v0 =	vadd.f32 v3, v0;
	v2 =	vld [tilespmem:s0+$0xC460]  }
0x929: {  	s5 =	sor.u32 s6, s5;
	v3 =	vld [tilespmem:s0+$0x10460]  }
0x92a: {  	v7 =	vld [tilespmem:s5+$0xC470];
	[tilespmem:s0+$0xC430] =	vst v0;
	v0 =	vadd.f32 v4, v1  }
0x92b: {  	v1 =	vld [tilespmem:s5+$0x10470]  }
0x92c: {  	v4 =	vld [tilespmem:s5+$0xC000];
	[tilespmem:s0+$0xC440] =	vst v0;
	v0 =	vadd.f32 v6, v5  }
0x92d: {  	v5 =	vld [tilespmem:s5+$0x10000]  }
0x92e: {  	v6 =	vld [tilespmem:s5+$0xC010];
	[tilespmem:s0+$0xC450] =	vst v0;
	v0 =	vadd.f32 v3, v2  }
0x92f: {  	v2 =	vld [tilespmem:s5+$0x10010]  }
0x930: {  	v3 =	vld [tilespmem:s5+$0xC020];
	v1 =	vadd.f32 v1, v7;
	[tilespmem:s0+$0xC460] =	vst v0;
	s0 =	smov.u32 s5  }
0x931: {  	v0 =	vld [tilespmem:s0+$0x10020]  }
0x932: {  	v4 =	vadd.f32 v5, v4;
	v5 =	vld [tilespmem:s0+$0xC030];
	[tilespmem:s0+$0xC470] =	vst v1  }
0x933: {  	v1 =	vld [tilespmem:s0+$0x10030]  }
0x934: {  	[tilespmem:s0+$0xC000] =	vst v4;
	v2 =	vadd.f32 v2, v6;
	v4 =	vld [tilespmem:s0+$0xC040]  }
0x935: {  	v6 =	vld [tilespmem:s0+$0x10040]  }
0x936: {  	[tilespmem:s0+$0xC010] =	vst v2;
	v0 =	vadd.f32 v0, v3;
	v2 =	vld [tilespmem:s0+$0xC050]  }
0x937: {  	v3 =	vld [tilespmem:s0+$0x10050]  }
0x938: {  	[tilespmem:s0+$0xC020] =	vst v0;
	v0 =	vadd.f32 v1, v5;
	v1 =	vld [tilespmem:s0+$0xC060]  }
0x939: {  	v5 =	vld [tilespmem:s0+$0x10060]  }
0x93a: {  	[tilespmem:s0+$0xC030] =	vst v0;
	v0 =	vadd.f32 v6, v4;
	v4 =	vld [tilespmem:s0+$0xC070]  }
0x93b: {  	v6 =	vld [tilespmem:s0+$0x10070]  }
0x93c: {  	[tilespmem:s0+$0xC040] =	vst v0;
	v0 =	vadd.f32 v3, v2;
	v3 =	vld [tilespmem:s0+$0xC400]  }
0x93d: {  	v7 =	vld [tilespmem:s0+$0x10400]  }
0x93e: {  	[tilespmem:s0+$0xC050] =	vst v0;
	v0 =	vadd.f32 v5, v1;
	v1 =	vld [tilespmem:s0+$0xC410]  }
0x93f: {  	v8 =	vld [tilespmem:s0+$0x10410]  }
0x940: {  	[tilespmem:s0+$0xC060] =	vst v0;
	v0 =	vadd.f32 v6, v4;
	v2 =	vld [tilespmem:s0+$0xC420]  }
.Ltmp27:
0x941: {  	v5 =	vld [tilespmem:s0+$0x10420];
	(pc) =	sbr.rel @p0 .LBB2_56-.Ltmp27, $4  }
0x942: {  	[tilespmem:s0+$0xC070] =	vst v0;
	v4 =	vadd.f32 v7, v3;
	v0 =	vld [tilespmem:s0+$0xC430]  }
0x943: {  	v3 =	vld [tilespmem:s0+$0x10430]  }
0x944: {  	[tilespmem:s0+$0xC400] =	vst v4;
	v6 =	vadd.f32 v8, v1;
	v1 =	vld [tilespmem:s0+$0xC440]  }
0x945: {  	v4 =	vld [tilespmem:s0+$0x10440]  }
0x946: {  	v7 =	vld [tilespmem:s0+$0xC450]  }
0x947: {  	v8 =	vld [tilespmem:s0+$0x10450]  }
0x948: {  	v9 =	vld [tilespmem:s0+$0xC460]  }
0x949: {  	v10 =	vld [tilespmem:s0+$0x10460]  }
0x94a: {  	v2 =	vadd.f32 v5, v2  }
0x94b: {  	[tilespmem:s0+$0xC410] =	vst v6;
	v0 =	vadd.f32 v3, v0  }
0x94c: {  	[tilespmem:s0+$0xC420] =	vst v2;
	v1 =	vadd.f32 v4, v1  }
0x94d: {  	[tilespmem:s0+$0xC430] =	vst v0;
	v0 =	vadd.f32 v8, v7  }
0x94e: {  	[tilespmem:s0+$0xC440] =	vst v1;
	v1 =	vadd.f32 v10, v9  }
0x94f: {  	[tilespmem:s0+$0xC450] =	vst v0  }
0x950: {  	[tilespmem:s0+$0xC460] =	vst v1  }
0x951: {  	s2 =	sld [smem:$0x7FA];
	_ =	sdelay $0x1  }
0x952: {  	s0 =	simm.s32 $0x0  }
0x953: {  	[hbm4b:s2+s0] =	stream.linear.scatter [tilespmem:s19], [sflag:$0xA], $0x4000, $0x38;
	[tilespmem:$0x18000] =	vst v63  }
0x954: {  	_ =	swait.ge [sflag:s29], $0x4000  }
0x955: {  	[sflag:s29] =	ssyncset.done $0x0  }
0x956: {  	[sflag:s29] =	ssyncadd.s32 $0xFFFFC000  }
0x957: {  	[tilespmem:s19], [sflag:$0x4] =	stream.linear.gather [hbm4b:s9+s0], $0x4000, $0x38;
	[tilespmem:$0x18000] =	vst v63  }
0x958: {  	_ =	swait.ge [sflag:s30], $0x4000  }
0x959: {  	[sflag:s30] =	ssyncset.done $0x0  }
0x95a: {  	s3 =	simm.s32 $0x0;
	[sflag:s30] =	ssyncadd.s32 $0xFFFFC000  }
0x95b: {  	s5 =	sand.u32 $0x2000, s3;
	s4 =	sand.u32 $0x1800, s0;
	_ =	swait.ge [sflag:s21], $0x4000  }
0x95c: {  	s6 =	sand.u32 $0x380, s0;
	s2 =	sor.u32 s5, s4;
	[sflag:s21] =	ssyncset.done $0x0  }
0x95d: {  	s2 =	sor.u32 s6, s2;
	[sflag:s21] =	ssyncadd.s32 $0xFFFFC000  }
0x95e: {  	v0 =	vld [tilespmem:s2+$0x470]  }
0x95f: {  	v1 =	vld [tilespmem:s2+$0x14470]  }
0x960: {  	v2 =	vld [tilespmem:s2+$0x0]  }
0x961: {  	v3 =	vld [tilespmem:s2+$0x14000]  }
0x962: {  	v4 =	vld [tilespmem:s2+$0x10]  }
0x963: {  	v5 =	vld [tilespmem:s2+$0x14010]  }
0x964: {  	v6 =	vld [tilespmem:s2+$0x20]  }
0x965: {  	v7 =	vld [tilespmem:s2+$0x14020]  }
0x966: {  	v8 =	vld [tilespmem:s2+$0x30]  }
0x967: {  	v61 =	vld [tilespmem:s2+$0x14030]  }
0x968: {  	v62 =	vld [tilespmem:s2+$0x40]  }
0x969: {  	v11 =	vld [tilespmem:s2+$0x14040]  }
0x96a: {  	v12 =	vld [tilespmem:s2+$0x50]  }
0x96b: {  	v13 =	vld [tilespmem:s2+$0x14050]  }
0x96c: {  	v14 =	vld [tilespmem:s2+$0x60]  }
0x96d: {  	v15 =	vld [tilespmem:s2+$0x14060]  }
0x96e: {  	v0 =	vadd.f32 v1, v0;
	v1 =	vld [tilespmem:s2+$0x70]  }
0x96f: {  	v2 =	vadd.f32 v3, v2;
	v3 =	vld [tilespmem:s2+$0x14070]  }
0x970: {  	[tilespmem:s2+$0x470] =	vst v0;
	v0 =	vadd.f32 v5, v4;
	v4 =	vld [tilespmem:s2+$0x400]  }
0x971: {  	[tilespmem:s2+$0x0] =	vst v2;
	v2 =	vadd.f32 v7, v6;
	v6 =	vld [tilespmem:s2+$0x14400]  }
0x972: {  	v7 =	vld [tilespmem:s2+$0x410];
	v5 =	vadd.f32 v11, v62;
	[tilespmem:s2+$0x10] =	vst v0  }
0x973: {  	v0 =	vadd.f32 v61, v8;
	[tilespmem:s2+$0x20] =	vst v2;
	v8 =	vld [tilespmem:s2+$0x14410]  }
0x974: {  	v63 =	vadd.f32 v15, v14;
	v2 =	vld [tilespmem:s2+$0x420];
	[tilespmem:s2+$0x40] =	vst v5  }
0x975: {  	v5 =	vld [tilespmem:s2+$0x14420];
	[tilespmem:s2+$0x30] =	vst v0;
	v0 =	vadd.f32 v13, v12  }
0x976: {  	[tilespmem:s2+$0x60] =	vst v63;
	v1 =	vadd.f32 v3, v1;
	v3 =	vld [tilespmem:s2+$0x14430]  }
0x977: {  	v4 =	vadd.f32 v6, v4;
	[tilespmem:s2+$0x50] =	vst v0;
	v0 =	vld [tilespmem:s2+$0x430]  }
0x978: {  	[tilespmem:s2+$0x70] =	vst v1;
	v1 =	vld [tilespmem:s2+$0x440];
	v6 =	vadd.f32 v8, v7  }
0x979: {  	s4 =	simm.s32 $0x0;
	[tilespmem:s2+$0x400] =	vst v4;
	v4 =	vld [tilespmem:s2+$0x14440]  }
.LBB2_58:
0x97a: {  	s3 =	sadd.s32 $0x100, s3;
	[tilespmem:s2+$0x410] =	vst v6;
	v2 =	vadd.f32 v5, v2;
	v5 =	vld [tilespmem:s2+$0x450];
	s0 =	sadd.s32 $0x800, s0  }
0x97b: {  	s4 =	sadd.s32 $0x20, s4;
	s5 =	sand.u32 $0x2000, s3;
	s6 =	sand.u32 $0x1800, s0;
	v6 =	vld [tilespmem:s2+$0x14450]  }
0x97c: {  	p0 =	slt.u32 s3, $0x3F00;
	s5 =	sor.u32 s5, s6;
	s6 =	sand.u32 $0x380, s4;
	[tilespmem:s2+$0x420] =	vst v2;
	v0 =	vadd.f32 v3, v0;
	v2 =	vld [tilespmem:s2+$0x460]  }
0x97d: {  	s5 =	sor.u32 s6, s5;
	v3 =	vld [tilespmem:s2+$0x14460]  }
0x97e: {  	v7 =	vld [tilespmem:s5+$0x470];
	[tilespmem:s2+$0x430] =	vst v0;
	v0 =	vadd.f32 v4, v1  }
0x97f: {  	v1 =	vld [tilespmem:s5+$0x14470]  }
0x980: {  	v4 =	vld [tilespmem:s5+$0x0];
	[tilespmem:s2+$0x440] =	vst v0;
	v0 =	vadd.f32 v6, v5  }
0x981: {  	v5 =	vld [tilespmem:s5+$0x14000]  }
0x982: {  	v6 =	vld [tilespmem:s5+$0x10];
	[tilespmem:s2+$0x450] =	vst v0;
	v0 =	vadd.f32 v3, v2  }
0x983: {  	v2 =	vld [tilespmem:s5+$0x14010]  }
0x984: {  	v3 =	vld [tilespmem:s5+$0x20];
	v1 =	vadd.f32 v1, v7;
	[tilespmem:s2+$0x460] =	vst v0;
	s2 =	smov.u32 s5  }
0x985: {  	v0 =	vld [tilespmem:s2+$0x14020]  }
0x986: {  	v4 =	vadd.f32 v5, v4;
	v5 =	vld [tilespmem:s2+$0x30];
	[tilespmem:s2+$0x470] =	vst v1  }
0x987: {  	v1 =	vld [tilespmem:s2+$0x14030]  }
0x988: {  	[tilespmem:s2+$0x0] =	vst v4;
	v2 =	vadd.f32 v2, v6;
	v4 =	vld [tilespmem:s2+$0x40]  }
0x989: {  	v6 =	vld [tilespmem:s2+$0x14040]  }
0x98a: {  	[tilespmem:s2+$0x10] =	vst v2;
	v0 =	vadd.f32 v0, v3;
	v2 =	vld [tilespmem:s2+$0x50]  }
0x98b: {  	v3 =	vld [tilespmem:s2+$0x14050]  }
0x98c: {  	[tilespmem:s2+$0x20] =	vst v0;
	v0 =	vadd.f32 v1, v5;
	v1 =	vld [tilespmem:s2+$0x60]  }
0x98d: {  	v5 =	vld [tilespmem:s2+$0x14060]  }
0x98e: {  	[tilespmem:s2+$0x30] =	vst v0;
	v0 =	vadd.f32 v6, v4;
	v4 =	vld [tilespmem:s2+$0x70]  }
0x98f: {  	v6 =	vld [tilespmem:s2+$0x14070]  }
0x990: {  	[tilespmem:s2+$0x40] =	vst v0;
	v0 =	vadd.f32 v3, v2;
	v3 =	vld [tilespmem:s2+$0x400]  }
0x991: {  	v7 =	vld [tilespmem:s2+$0x14400]  }
0x992: {  	[tilespmem:s2+$0x50] =	vst v0;
	v0 =	vadd.f32 v5, v1;
	v1 =	vld [tilespmem:s2+$0x410]  }
0x993: {  	v8 =	vld [tilespmem:s2+$0x14410]  }
0x994: {  	[tilespmem:s2+$0x60] =	vst v0;
	v0 =	vadd.f32 v6, v4;
	v2 =	vld [tilespmem:s2+$0x420]  }
.Ltmp28:
0x995: {  	v5 =	vld [tilespmem:s2+$0x14420];
	(pc) =	sbr.rel @p0 .LBB2_58-.Ltmp28, $4  }
0x996: {  	[tilespmem:s2+$0x70] =	vst v0;
	v4 =	vadd.f32 v7, v3;
	v0 =	vld [tilespmem:s2+$0x430]  }
0x997: {  	v3 =	vld [tilespmem:s2+$0x14430]  }
0x998: {  	[tilespmem:s2+$0x400] =	vst v4;
	v6 =	vadd.f32 v8, v1;
	v1 =	vld [tilespmem:s2+$0x440]  }
0x999: {  	v4 =	vld [tilespmem:s2+$0x14440]  }
0x99a: {  	v7 =	vld [tilespmem:s2+$0x450]  }
0x99b: {  	v8 =	vld [tilespmem:s2+$0x14450]  }
0x99c: {  	v9 =	vld [tilespmem:s2+$0x460]  }
0x99d: {  	v10 =	vld [tilespmem:s2+$0x14460]  }
0x99e: {  	v2 =	vadd.f32 v5, v2  }
0x99f: {  	[tilespmem:s2+$0x410] =	vst v6;
	v0 =	vadd.f32 v3, v0  }
0x9a0: {  	[tilespmem:s2+$0x420] =	vst v2;
	v1 =	vadd.f32 v4, v1  }
0x9a1: {  	[tilespmem:s2+$0x430] =	vst v0;
	v0 =	vadd.f32 v8, v7  }
0x9a2: {  	[tilespmem:s2+$0x440] =	vst v1;
	v1 =	vadd.f32 v10, v9  }
0x9a3: {  	[tilespmem:s2+$0x450] =	vst v0  }
0x9a4: {  	s3 =	simm.s32 $0x0;
	[tilespmem:s2+$0x460] =	vst v1;
	s2 =	simm.s32 $0x0  }
0x9a5: {  	[hbm4b:s10+s2] =	stream.linear.scatter [tilespmem:s2], [sflag:$0x7], $0x4000, $0x38;
	[tilespmem:$0x18000] =	vst v63  }
0x9a6: {  	s0 =	sand.u32 $0x2000, s3;
	s4 =	sand.u32 $0x1800, s2;
	_ =	swait.ge [sflag:s23], $0x4000  }
0x9a7: {  	s6 =	sand.u32 $0x380, s2;
	s0 =	sor.u32 s0, s4;
	[sflag:s23] =	ssyncset.done $0x0  }
0x9a8: {  	s0 =	sor.u32 s6, s0;
	[sflag:s23] =	ssyncadd.s32 $0xFFFFC000  }
0x9a9: {  	v0 =	vld [tilespmem:s0+$0x4470]  }
0x9aa: {  	v1 =	vld [tilespmem:s0+$0x14470]  }
0x9ab: {  	v2 =	vld [tilespmem:s0+$0x4000]  }
0x9ac: {  	v3 =	vld [tilespmem:s0+$0x14000]  }
0x9ad: {  	v4 =	vld [tilespmem:s0+$0x4010]  }
0x9ae: {  	v5 =	vld [tilespmem:s0+$0x14010]  }
0x9af: {  	v6 =	vld [tilespmem:s0+$0x4020]  }
0x9b0: {  	v7 =	vld [tilespmem:s0+$0x14020]  }
0x9b1: {  	v8 =	vld [tilespmem:s0+$0x4030]  }
0x9b2: {  	v61 =	vld [tilespmem:s0+$0x14030]  }
0x9b3: {  	v62 =	vld [tilespmem:s0+$0x4040]  }
0x9b4: {  	v11 =	vld [tilespmem:s0+$0x14040]  }
0x9b5: {  	v12 =	vld [tilespmem:s0+$0x4050]  }
0x9b6: {  	v13 =	vld [tilespmem:s0+$0x14050]  }
0x9b7: {  	v14 =	vld [tilespmem:s0+$0x4060]  }
0x9b8: {  	v15 =	vld [tilespmem:s0+$0x14060]  }
0x9b9: {  	v0 =	vadd.f32 v1, v0;
	v1 =	vld [tilespmem:s0+$0x4070]  }
0x9ba: {  	v2 =	vadd.f32 v3, v2;
	v3 =	vld [tilespmem:s0+$0x14070]  }
0x9bb: {  	[tilespmem:s0+$0x4470] =	vst v0;
	v0 =	vadd.f32 v5, v4;
	v4 =	vld [tilespmem:s0+$0x4400]  }
0x9bc: {  	[tilespmem:s0+$0x4000] =	vst v2;
	v2 =	vadd.f32 v7, v6;
	v6 =	vld [tilespmem:s0+$0x14400]  }
0x9bd: {  	v7 =	vld [tilespmem:s0+$0x4410];
	v5 =	vadd.f32 v11, v62;
	[tilespmem:s0+$0x4010] =	vst v0  }
0x9be: {  	v0 =	vadd.f32 v61, v8;
	[tilespmem:s0+$0x4020] =	vst v2;
	v8 =	vld [tilespmem:s0+$0x14410]  }
0x9bf: {  	v63 =	vadd.f32 v15, v14;
	v2 =	vld [tilespmem:s0+$0x4420];
	[tilespmem:s0+$0x4040] =	vst v5  }
0x9c0: {  	v5 =	vld [tilespmem:s0+$0x14420];
	[tilespmem:s0+$0x4030] =	vst v0;
	v0 =	vadd.f32 v13, v12  }
0x9c1: {  	[tilespmem:s0+$0x4060] =	vst v63;
	v1 =	vadd.f32 v3, v1;
	v3 =	vld [tilespmem:s0+$0x14430]  }
0x9c2: {  	v4 =	vadd.f32 v6, v4;
	[tilespmem:s0+$0x4050] =	vst v0;
	v0 =	vld [tilespmem:s0+$0x4430]  }
0x9c3: {  	[tilespmem:s0+$0x4070] =	vst v1;
	v1 =	vld [tilespmem:s0+$0x4440];
	v6 =	vadd.f32 v8, v7  }
0x9c4: {  	s4 =	simm.s32 $0x0;
	[tilespmem:s0+$0x4400] =	vst v4;
	v4 =	vld [tilespmem:s0+$0x14440]  }
.LBB2_60:
0x9c5: {  	s3 =	sadd.s32 $0x100, s3;
	[tilespmem:s0+$0x4410] =	vst v6;
	v2 =	vadd.f32 v5, v2;
	v5 =	vld [tilespmem:s0+$0x4450];
	s2 =	sadd.s32 $0x800, s2  }
0x9c6: {  	s4 =	sadd.s32 $0x20, s4;
	s5 =	sand.u32 $0x2000, s3;
	s6 =	sand.u32 $0x1800, s2;
	v6 =	vld [tilespmem:s0+$0x14450]  }
0x9c7: {  	p0 =	slt.u32 s3, $0x3F00;
	s5 =	sor.u32 s5, s6;
	s6 =	sand.u32 $0x380, s4;
	[tilespmem:s0+$0x4420] =	vst v2;
	v0 =	vadd.f32 v3, v0;
	v2 =	vld [tilespmem:s0+$0x4460]  }
0x9c8: {  	s5 =	sor.u32 s6, s5;
	v3 =	vld [tilespmem:s0+$0x14460]  }
0x9c9: {  	v7 =	vld [tilespmem:s5+$0x4470];
	[tilespmem:s0+$0x4430] =	vst v0;
	v0 =	vadd.f32 v4, v1  }
0x9ca: {  	v1 =	vld [tilespmem:s5+$0x14470]  }
0x9cb: {  	v4 =	vld [tilespmem:s5+$0x4000];
	[tilespmem:s0+$0x4440] =	vst v0;
	v0 =	vadd.f32 v6, v5  }
0x9cc: {  	v5 =	vld [tilespmem:s5+$0x14000]  }
0x9cd: {  	v6 =	vld [tilespmem:s5+$0x4010];
	[tilespmem:s0+$0x4450] =	vst v0;
	v0 =	vadd.f32 v3, v2  }
0x9ce: {  	v2 =	vld [tilespmem:s5+$0x14010]  }
0x9cf: {  	v3 =	vld [tilespmem:s5+$0x4020];
	v1 =	vadd.f32 v1, v7;
	[tilespmem:s0+$0x4460] =	vst v0;
	s0 =	smov.u32 s5  }
0x9d0: {  	v0 =	vld [tilespmem:s0+$0x14020]  }
0x9d1: {  	v4 =	vadd.f32 v5, v4;
	v5 =	vld [tilespmem:s0+$0x4030];
	[tilespmem:s0+$0x4470] =	vst v1  }
0x9d2: {  	v1 =	vld [tilespmem:s0+$0x14030]  }
0x9d3: {  	[tilespmem:s0+$0x4000] =	vst v4;
	v2 =	vadd.f32 v2, v6;
	v4 =	vld [tilespmem:s0+$0x4040]  }
0x9d4: {  	v6 =	vld [tilespmem:s0+$0x14040]  }
0x9d5: {  	[tilespmem:s0+$0x4010] =	vst v2;
	v0 =	vadd.f32 v0, v3;
	v2 =	vld [tilespmem:s0+$0x4050]  }
0x9d6: {  	v3 =	vld [tilespmem:s0+$0x14050]  }
0x9d7: {  	[tilespmem:s0+$0x4020] =	vst v0;
	v0 =	vadd.f32 v1, v5;
	v1 =	vld [tilespmem:s0+$0x4060]  }
0x9d8: {  	v5 =	vld [tilespmem:s0+$0x14060]  }
0x9d9: {  	[tilespmem:s0+$0x4030] =	vst v0;
	v0 =	vadd.f32 v6, v4;
	v4 =	vld [tilespmem:s0+$0x4070]  }
0x9da: {  	v6 =	vld [tilespmem:s0+$0x14070]  }
0x9db: {  	[tilespmem:s0+$0x4040] =	vst v0;
	v0 =	vadd.f32 v3, v2;
	v3 =	vld [tilespmem:s0+$0x4400]  }
0x9dc: {  	v7 =	vld [tilespmem:s0+$0x14400]  }
0x9dd: {  	[tilespmem:s0+$0x4050] =	vst v0;
	v0 =	vadd.f32 v5, v1;
	v1 =	vld [tilespmem:s0+$0x4410]  }
0x9de: {  	v8 =	vld [tilespmem:s0+$0x14410]  }
0x9df: {  	[tilespmem:s0+$0x4060] =	vst v0;
	v0 =	vadd.f32 v6, v4;
	v2 =	vld [tilespmem:s0+$0x4420]  }
.Ltmp29:
0x9e0: {  	v5 =	vld [tilespmem:s0+$0x14420];
	(pc) =	sbr.rel @p0 .LBB2_60-.Ltmp29, $4  }
0x9e1: {  	[tilespmem:s0+$0x4070] =	vst v0;
	v4 =	vadd.f32 v7, v3;
	v0 =	vld [tilespmem:s0+$0x4430]  }
0x9e2: {  	v3 =	vld [tilespmem:s0+$0x14430]  }
0x9e3: {  	[tilespmem:s0+$0x4400] =	vst v4;
	v6 =	vadd.f32 v8, v1;
	v1 =	vld [tilespmem:s0+$0x4440]  }
0x9e4: {  	v4 =	vld [tilespmem:s0+$0x14440]  }
0x9e5: {  	v7 =	vld [tilespmem:s0+$0x4450]  }
0x9e6: {  	v8 =	vld [tilespmem:s0+$0x14450]  }
0x9e7: {  	v9 =	vld [tilespmem:s0+$0x4460]  }
0x9e8: {  	v10 =	vld [tilespmem:s0+$0x14460]  }
0x9e9: {  	v2 =	vadd.f32 v5, v2  }
0x9ea: {  	[tilespmem:s0+$0x4410] =	vst v6;
	v0 =	vadd.f32 v3, v0  }
0x9eb: {  	[tilespmem:s0+$0x4420] =	vst v2;
	v1 =	vadd.f32 v4, v1  }
0x9ec: {  	[tilespmem:s0+$0x4430] =	vst v0;
	v0 =	vadd.f32 v8, v7  }
0x9ed: {  	[tilespmem:s0+$0x4440] =	vst v1;
	v1 =	vadd.f32 v10, v9  }
0x9ee: {  	[tilespmem:s0+$0x4450] =	vst v0  }
0x9ef: {  	s2 =	simm.s32 $0x0;
	s3 =	simm.s32 $0x0;
	[tilespmem:s0+$0x4460] =	vst v1  }
0x9f0: {  	[hbm4b:s11+s2] =	stream.linear.scatter [tilespmem:s15], [sflag:$0x8], $0x4000, $0x38;
	[tilespmem:$0x18000] =	vst v63  }
0x9f1: {  	s5 =	sand.u32 $0x2000, s3;
	s4 =	sand.u32 $0x1800, s2;
	_ =	swait.ge [sflag:s25], $0x4000  }
0x9f2: {  	s6 =	sand.u32 $0x380, s2;
	s0 =	sor.u32 s5, s4;
	[sflag:s25] =	ssyncset.done $0x0  }
0x9f3: {  	s0 =	sor.u32 s6, s0;
	[sflag:s25] =	ssyncadd.s32 $0xFFFFC000  }
0x9f4: {  	v0 =	vld [tilespmem:s0+$0x8470]  }
0x9f5: {  	v1 =	vld [tilespmem:s0+$0x14470]  }
0x9f6: {  	v2 =	vld [tilespmem:s0+$0x8000]  }
0x9f7: {  	v3 =	vld [tilespmem:s0+$0x14000]  }
0x9f8: {  	v4 =	vld [tilespmem:s0+$0x8010]  }
0x9f9: {  	v5 =	vld [tilespmem:s0+$0x14010]  }
0x9fa: {  	v6 =	vld [tilespmem:s0+$0x8020]  }
0x9fb: {  	v7 =	vld [tilespmem:s0+$0x14020]  }
0x9fc: {  	v8 =	vld [tilespmem:s0+$0x8030]  }
0x9fd: {  	v61 =	vld [tilespmem:s0+$0x14030]  }
0x9fe: {  	v62 =	vld [tilespmem:s0+$0x8040]  }
0x9ff: {  	v11 =	vld [tilespmem:s0+$0x14040]  }
0xa00: {  	v12 =	vld [tilespmem:s0+$0x8050]  }
0xa01: {  	v13 =	vld [tilespmem:s0+$0x14050]  }
0xa02: {  	v14 =	vld [tilespmem:s0+$0x8060]  }
0xa03: {  	v15 =	vld [tilespmem:s0+$0x14060]  }
0xa04: {  	v0 =	vadd.f32 v1, v0;
	v1 =	vld [tilespmem:s0+$0x8070]  }
0xa05: {  	v2 =	vadd.f32 v3, v2;
	v3 =	vld [tilespmem:s0+$0x14070]  }
0xa06: {  	[tilespmem:s0+$0x8470] =	vst v0;
	v0 =	vadd.f32 v5, v4;
	v4 =	vld [tilespmem:s0+$0x8400]  }
0xa07: {  	[tilespmem:s0+$0x8000] =	vst v2;
	v2 =	vadd.f32 v7, v6;
	v6 =	vld [tilespmem:s0+$0x14400]  }
0xa08: {  	v7 =	vld [tilespmem:s0+$0x8410];
	v5 =	vadd.f32 v11, v62;
	[tilespmem:s0+$0x8010] =	vst v0  }
0xa09: {  	v0 =	vadd.f32 v61, v8;
	[tilespmem:s0+$0x8020] =	vst v2;
	v8 =	vld [tilespmem:s0+$0x14410]  }
0xa0a: {  	v63 =	vadd.f32 v15, v14;
	v2 =	vld [tilespmem:s0+$0x8420];
	[tilespmem:s0+$0x8040] =	vst v5  }
0xa0b: {  	v5 =	vld [tilespmem:s0+$0x14420];
	[tilespmem:s0+$0x8030] =	vst v0;
	v0 =	vadd.f32 v13, v12  }
0xa0c: {  	[tilespmem:s0+$0x8060] =	vst v63;
	v1 =	vadd.f32 v3, v1;
	v3 =	vld [tilespmem:s0+$0x14430]  }
0xa0d: {  	v4 =	vadd.f32 v6, v4;
	[tilespmem:s0+$0x8050] =	vst v0;
	v0 =	vld [tilespmem:s0+$0x8430]  }
0xa0e: {  	[tilespmem:s0+$0x8070] =	vst v1;
	v1 =	vld [tilespmem:s0+$0x8440];
	v6 =	vadd.f32 v8, v7  }
0xa0f: {  	s4 =	simm.s32 $0x0;
	[tilespmem:s0+$0x8400] =	vst v4;
	v4 =	vld [tilespmem:s0+$0x14440]  }
.LBB2_62:
0xa10: {  	s3 =	sadd.s32 $0x100, s3;
	[tilespmem:s0+$0x8410] =	vst v6;
	v2 =	vadd.f32 v5, v2;
	v5 =	vld [tilespmem:s0+$0x8450];
	s2 =	sadd.s32 $0x800, s2  }
0xa11: {  	s4 =	sadd.s32 $0x20, s4;
	s5 =	sand.u32 $0x2000, s3;
	s6 =	sand.u32 $0x1800, s2;
	v6 =	vld [tilespmem:s0+$0x14450]  }
0xa12: {  	p0 =	slt.u32 s3, $0x3F00;
	s5 =	sor.u32 s5, s6;
	s6 =	sand.u32 $0x380, s4;
	[tilespmem:s0+$0x8420] =	vst v2;
	v0 =	vadd.f32 v3, v0;
	v2 =	vld [tilespmem:s0+$0x8460]  }
0xa13: {  	s5 =	sor.u32 s6, s5;
	v3 =	vld [tilespmem:s0+$0x14460]  }
0xa14: {  	v7 =	vld [tilespmem:s5+$0x8470];
	[tilespmem:s0+$0x8430] =	vst v0;
	v0 =	vadd.f32 v4, v1  }
0xa15: {  	v1 =	vld [tilespmem:s5+$0x14470]  }
0xa16: {  	v4 =	vld [tilespmem:s5+$0x8000];
	[tilespmem:s0+$0x8440] =	vst v0;
	v0 =	vadd.f32 v6, v5  }
0xa17: {  	v5 =	vld [tilespmem:s5+$0x14000]  }
0xa18: {  	v6 =	vld [tilespmem:s5+$0x8010];
	[tilespmem:s0+$0x8450] =	vst v0;
	v0 =	vadd.f32 v3, v2  }
0xa19: {  	v2 =	vld [tilespmem:s5+$0x14010]  }
0xa1a: {  	v3 =	vld [tilespmem:s5+$0x8020];
	v1 =	vadd.f32 v1, v7;
	[tilespmem:s0+$0x8460] =	vst v0;
	s0 =	smov.u32 s5  }
0xa1b: {  	v0 =	vld [tilespmem:s0+$0x14020]  }
0xa1c: {  	v4 =	vadd.f32 v5, v4;
	v5 =	vld [tilespmem:s0+$0x8030];
	[tilespmem:s0+$0x8470] =	vst v1  }
0xa1d: {  	v1 =	vld [tilespmem:s0+$0x14030]  }
0xa1e: {  	[tilespmem:s0+$0x8000] =	vst v4;
	v2 =	vadd.f32 v2, v6;
	v4 =	vld [tilespmem:s0+$0x8040]  }
0xa1f: {  	v6 =	vld [tilespmem:s0+$0x14040]  }
0xa20: {  	[tilespmem:s0+$0x8010] =	vst v2;
	v0 =	vadd.f32 v0, v3;
	v2 =	vld [tilespmem:s0+$0x8050]  }
0xa21: {  	v3 =	vld [tilespmem:s0+$0x14050]  }
0xa22: {  	[tilespmem:s0+$0x8020] =	vst v0;
	v0 =	vadd.f32 v1, v5;
	v1 =	vld [tilespmem:s0+$0x8060]  }
0xa23: {  	v5 =	vld [tilespmem:s0+$0x14060]  }
0xa24: {  	[tilespmem:s0+$0x8030] =	vst v0;
	v0 =	vadd.f32 v6, v4;
	v4 =	vld [tilespmem:s0+$0x8070]  }
0xa25: {  	v6 =	vld [tilespmem:s0+$0x14070]  }
0xa26: {  	[tilespmem:s0+$0x8040] =	vst v0;
	v0 =	vadd.f32 v3, v2;
	v3 =	vld [tilespmem:s0+$0x8400]  }
0xa27: {  	v7 =	vld [tilespmem:s0+$0x14400]  }
0xa28: {  	[tilespmem:s0+$0x8050] =	vst v0;
	v0 =	vadd.f32 v5, v1;
	v1 =	vld [tilespmem:s0+$0x8410]  }
0xa29: {  	v8 =	vld [tilespmem:s0+$0x14410]  }
0xa2a: {  	[tilespmem:s0+$0x8060] =	vst v0;
	v0 =	vadd.f32 v6, v4;
	v2 =	vld [tilespmem:s0+$0x8420]  }
.Ltmp30:
0xa2b: {  	v5 =	vld [tilespmem:s0+$0x14420];
	(pc) =	sbr.rel @p0 .LBB2_62-.Ltmp30, $4  }
0xa2c: {  	[tilespmem:s0+$0x8070] =	vst v0;
	v4 =	vadd.f32 v7, v3;
	v0 =	vld [tilespmem:s0+$0x8430]  }
0xa2d: {  	v3 =	vld [tilespmem:s0+$0x14430]  }
0xa2e: {  	[tilespmem:s0+$0x8400] =	vst v4;
	v6 =	vadd.f32 v8, v1;
	v1 =	vld [tilespmem:s0+$0x8440]  }
0xa2f: {  	v4 =	vld [tilespmem:s0+$0x14440]  }
0xa30: {  	v7 =	vld [tilespmem:s0+$0x8450]  }
0xa31: {  	v8 =	vld [tilespmem:s0+$0x14450]  }
0xa32: {  	v9 =	vld [tilespmem:s0+$0x8460]  }
0xa33: {  	v10 =	vld [tilespmem:s0+$0x14460]  }
0xa34: {  	v2 =	vadd.f32 v5, v2  }
0xa35: {  	[tilespmem:s0+$0x8410] =	vst v6;
	v0 =	vadd.f32 v3, v0  }
0xa36: {  	[tilespmem:s0+$0x8420] =	vst v2;
	v1 =	vadd.f32 v4, v1  }
0xa37: {  	[tilespmem:s0+$0x8430] =	vst v0;
	v0 =	vadd.f32 v8, v7  }
0xa38: {  	[tilespmem:s0+$0x8440] =	vst v1;
	v1 =	vadd.f32 v10, v9  }
0xa39: {  	[tilespmem:s0+$0x8450] =	vst v0  }
0xa3a: {  	s2 =	simm.s32 $0x0;
	s3 =	simm.s32 $0x0;
	[tilespmem:s0+$0x8460] =	vst v1  }
0xa3b: {  	[hbm4b:s12+s2] =	stream.linear.scatter [tilespmem:s16], [sflag:$0x9], $0x4000, $0x38;
	[tilespmem:$0x18000] =	vst v63  }
0xa3c: {  	s5 =	sand.u32 $0x2000, s3;
	s4 =	sand.u32 $0x1800, s2;
	_ =	swait.ge [sflag:s28], $0x4000  }
0xa3d: {  	s6 =	sand.u32 $0x380, s2;
	s0 =	sor.u32 s5, s4;
	[sflag:s28] =	ssyncset.done $0x0  }
0xa3e: {  	s0 =	sor.u32 s6, s0;
	[sflag:s28] =	ssyncadd.s32 $0xFFFFC000  }
0xa3f: {  	v0 =	vld [tilespmem:s0+$0xC470]  }
0xa40: {  	v1 =	vld [tilespmem:s0+$0x14470]  }
0xa41: {  	v2 =	vld [tilespmem:s0+$0xC000]  }
0xa42: {  	v3 =	vld [tilespmem:s0+$0x14000]  }
0xa43: {  	v4 =	vld [tilespmem:s0+$0xC010]  }
0xa44: {  	v5 =	vld [tilespmem:s0+$0x14010]  }
0xa45: {  	v6 =	vld [tilespmem:s0+$0xC020]  }
0xa46: {  	v7 =	vld [tilespmem:s0+$0x14020]  }
0xa47: {  	v8 =	vld [tilespmem:s0+$0xC030]  }
0xa48: {  	v61 =	vld [tilespmem:s0+$0x14030]  }
0xa49: {  	v62 =	vld [tilespmem:s0+$0xC040]  }
0xa4a: {  	v11 =	vld [tilespmem:s0+$0x14040]  }
0xa4b: {  	v12 =	vld [tilespmem:s0+$0xC050]  }
0xa4c: {  	v13 =	vld [tilespmem:s0+$0x14050]  }
0xa4d: {  	v14 =	vld [tilespmem:s0+$0xC060]  }
0xa4e: {  	v15 =	vld [tilespmem:s0+$0x14060]  }
0xa4f: {  	v0 =	vadd.f32 v1, v0;
	v1 =	vld [tilespmem:s0+$0xC070]  }
0xa50: {  	v2 =	vadd.f32 v3, v2;
	v3 =	vld [tilespmem:s0+$0x14070]  }
0xa51: {  	[tilespmem:s0+$0xC470] =	vst v0;
	v0 =	vadd.f32 v5, v4;
	v4 =	vld [tilespmem:s0+$0xC400]  }
0xa52: {  	[tilespmem:s0+$0xC000] =	vst v2;
	v2 =	vadd.f32 v7, v6;
	v6 =	vld [tilespmem:s0+$0x14400]  }
0xa53: {  	v7 =	vld [tilespmem:s0+$0xC410];
	v5 =	vadd.f32 v11, v62;
	[tilespmem:s0+$0xC010] =	vst v0  }
0xa54: {  	v0 =	vadd.f32 v61, v8;
	[tilespmem:s0+$0xC020] =	vst v2;
	v8 =	vld [tilespmem:s0+$0x14410]  }
0xa55: {  	v63 =	vadd.f32 v15, v14;
	v2 =	vld [tilespmem:s0+$0xC420];
	[tilespmem:s0+$0xC040] =	vst v5  }
0xa56: {  	v5 =	vld [tilespmem:s0+$0x14420];
	[tilespmem:s0+$0xC030] =	vst v0;
	v0 =	vadd.f32 v13, v12  }
0xa57: {  	[tilespmem:s0+$0xC060] =	vst v63;
	v1 =	vadd.f32 v3, v1;
	v3 =	vld [tilespmem:s0+$0x14430]  }
0xa58: {  	v4 =	vadd.f32 v6, v4;
	[tilespmem:s0+$0xC050] =	vst v0;
	v0 =	vld [tilespmem:s0+$0xC430]  }
0xa59: {  	[tilespmem:s0+$0xC070] =	vst v1;
	v1 =	vld [tilespmem:s0+$0xC440];
	v6 =	vadd.f32 v8, v7  }
0xa5a: {  	s4 =	simm.s32 $0x0;
	[tilespmem:s0+$0xC400] =	vst v4;
	v4 =	vld [tilespmem:s0+$0x14440]  }
.LBB2_64:
0xa5b: {  	s3 =	sadd.s32 $0x100, s3;
	[tilespmem:s0+$0xC410] =	vst v6;
	v2 =	vadd.f32 v5, v2;
	v5 =	vld [tilespmem:s0+$0xC450];
	s2 =	sadd.s32 $0x800, s2  }
0xa5c: {  	s4 =	sadd.s32 $0x20, s4;
	s5 =	sand.u32 $0x2000, s3;
	s6 =	sand.u32 $0x1800, s2;
	v6 =	vld [tilespmem:s0+$0x14450]  }
0xa5d: {  	p0 =	slt.u32 s3, $0x3F00;
	s5 =	sor.u32 s5, s6;
	s6 =	sand.u32 $0x380, s4;
	[tilespmem:s0+$0xC420] =	vst v2;
	v0 =	vadd.f32 v3, v0;
	v2 =	vld [tilespmem:s0+$0xC460]  }
0xa5e: {  	s5 =	sor.u32 s6, s5;
	v3 =	vld [tilespmem:s0+$0x14460]  }
0xa5f: {  	v7 =	vld [tilespmem:s5+$0xC470];
	[tilespmem:s0+$0xC430] =	vst v0;
	v0 =	vadd.f32 v4, v1  }
0xa60: {  	v1 =	vld [tilespmem:s5+$0x14470]  }
0xa61: {  	v4 =	vld [tilespmem:s5+$0xC000];
	[tilespmem:s0+$0xC440] =	vst v0;
	v0 =	vadd.f32 v6, v5  }
0xa62: {  	v5 =	vld [tilespmem:s5+$0x14000]  }
0xa63: {  	v6 =	vld [tilespmem:s5+$0xC010];
	[tilespmem:s0+$0xC450] =	vst v0;
	v0 =	vadd.f32 v3, v2  }
0xa64: {  	v2 =	vld [tilespmem:s5+$0x14010]  }
0xa65: {  	v3 =	vld [tilespmem:s5+$0xC020];
	v1 =	vadd.f32 v1, v7;
	[tilespmem:s0+$0xC460] =	vst v0;
	s0 =	smov.u32 s5  }
0xa66: {  	v0 =	vld [tilespmem:s0+$0x14020]  }
0xa67: {  	v4 =	vadd.f32 v5, v4;
	v5 =	vld [tilespmem:s0+$0xC030];
	[tilespmem:s0+$0xC470] =	vst v1  }
0xa68: {  	v1 =	vld [tilespmem:s0+$0x14030]  }
0xa69: {  	[tilespmem:s0+$0xC000] =	vst v4;
	v2 =	vadd.f32 v2, v6;
	v4 =	vld [tilespmem:s0+$0xC040]  }
0xa6a: {  	v6 =	vld [tilespmem:s0+$0x14040]  }
0xa6b: {  	[tilespmem:s0+$0xC010] =	vst v2;
	v0 =	vadd.f32 v0, v3;
	v2 =	vld [tilespmem:s0+$0xC050]  }
0xa6c: {  	v3 =	vld [tilespmem:s0+$0x14050]  }
0xa6d: {  	[tilespmem:s0+$0xC020] =	vst v0;
	v0 =	vadd.f32 v1, v5;
	v1 =	vld [tilespmem:s0+$0xC060]  }
0xa6e: {  	v5 =	vld [tilespmem:s0+$0x14060]  }
0xa6f: {  	[tilespmem:s0+$0xC030] =	vst v0;
	v0 =	vadd.f32 v6, v4;
	v4 =	vld [tilespmem:s0+$0xC070]  }
0xa70: {  	v6 =	vld [tilespmem:s0+$0x14070]  }
0xa71: {  	[tilespmem:s0+$0xC040] =	vst v0;
	v0 =	vadd.f32 v3, v2;
	v3 =	vld [tilespmem:s0+$0xC400]  }
0xa72: {  	v7 =	vld [tilespmem:s0+$0x14400]  }
0xa73: {  	[tilespmem:s0+$0xC050] =	vst v0;
	v0 =	vadd.f32 v5, v1;
	v1 =	vld [tilespmem:s0+$0xC410]  }
0xa74: {  	v8 =	vld [tilespmem:s0+$0x14410]  }
0xa75: {  	[tilespmem:s0+$0xC060] =	vst v0;
	v0 =	vadd.f32 v6, v4;
	v2 =	vld [tilespmem:s0+$0xC420]  }
.Ltmp31:
0xa76: {  	v5 =	vld [tilespmem:s0+$0x14420];
	(pc) =	sbr.rel @p0 .LBB2_64-.Ltmp31, $4  }
0xa77: {  	[tilespmem:s0+$0xC070] =	vst v0;
	v4 =	vadd.f32 v7, v3;
	v0 =	vld [tilespmem:s0+$0xC430]  }
0xa78: {  	v3 =	vld [tilespmem:s0+$0x14430]  }
0xa79: {  	[tilespmem:s0+$0xC400] =	vst v4;
	v6 =	vadd.f32 v8, v1;
	v1 =	vld [tilespmem:s0+$0xC440]  }
0xa7a: {  	v4 =	vld [tilespmem:s0+$0x14440]  }
0xa7b: {  	v7 =	vld [tilespmem:s0+$0xC450]  }
0xa7c: {  	v8 =	vld [tilespmem:s0+$0x14450]  }
0xa7d: {  	v9 =	vld [tilespmem:s0+$0xC460]  }
0xa7e: {  	v10 =	vld [tilespmem:s0+$0x14460]  }
0xa7f: {  	v2 =	vadd.f32 v5, v2  }
0xa80: {  	[tilespmem:s0+$0xC410] =	vst v6;
	v0 =	vadd.f32 v3, v0  }
0xa81: {  	[tilespmem:s0+$0xC420] =	vst v2;
	v1 =	vadd.f32 v4, v1  }
0xa82: {  	[tilespmem:s0+$0xC430] =	vst v0;
	v62 =	vadd.f32 v8, v7  }
0xa83: {  	v63 =	vadd.f32 v10, v9;
	[tilespmem:s0+$0xC440] =	vst v1  }
0xa84: {  	[tilespmem:s0+$0xC450] =	vst v62  }
0xa85: {  	[tilespmem:s0+$0xC460] =	vst v63  }
0xa86: {  	[hbm4b:s13+s1] =	stream.linear.scatter [tilespmem:s19], [sflag:$0xA], $0x4000, $0x38;
	[tilespmem:$0x18000] =	vst v63  }
0xa87: {  	_ =	swait.ge [sflag:s22], $0x4000  }
0xa88: {  	[sflag:s22] =	ssyncset.done $0x0  }
0xa89: {  	[sflag:s22] =	ssyncadd.s32 $0xFFFFC000  }
0xa8a: {  	_ =	swait.ge [sflag:s24], $0x4000  }
0xa8b: {  	[sflag:s24] =	ssyncset.done $0x0  }
0xa8c: {  	s31 =	sadd.s32 $0x1, s31;
	[sflag:s24] =	ssyncadd.s32 $0xFFFFC000  }
0xa8d: {  	p0 =	sne.s32 s31, s14;
	_ =	swait.ge [sflag:s26], $0x4000  }
.Ltmp32:
0xa8e: {  	[sflag:s26] =	ssyncset.done $0x0;
	(pc) =	sbr.rel @p0 .LBB2_1-.Ltmp32, $4  }
0xa8f: {  	[sflag:s26] =	ssyncadd.s32 $0xFFFFC000  }
0xa90: {  	_ =	swait.ge [sflag:s29], $0x4000  }
0xa91: {  	[sflag:s29] =	ssyncset.done $0x0  }
0xa92: {  	[sflag:s29] =	ssyncadd.s32 $0xFFFFC000  }
0xa93: {  	_ =	sfence.sel $0x180000  }
0xa94: {  	[bflag:$0x0] =	sbarrier.arrive $0xFFFF  }
0xa95: {  	_ =	strace $0x90000047  }
0xa96: {  	s0 =	stileid.u32;
	[bflag:$0x2] =	sbarrier.arrive $0xFFFF  }
0xa97: {  	p0 =	sne.s32 s0, $0x0;
	s0 =	rddreg [dreg:$0x3]  }
0xa98: {  	s0 =	sadd.s32 @!p0 $0x100000, s0  }
0xa99: {  	[sflag:s0] =	ssyncadd.tile.s32 @!p0 $0x1;
	_ =	shalt  }
.Lfunc_end2:
_tile_overlayer_lowered:
.L_overlay_start_2:
0xa9a: {  	(tag) =	ssettag $0x2  }
0xa9b: {  	s0 =	rddreg [dreg:$0x0];
	s2 =	stileid.u32  }
0xa9c: {  	s1 =	rddreg [dreg:$0x1];
	p0 =	sne.s32 s2, $0x0  }
0xa9d: {  	s3 =	rddreg [dreg:$0x2];
	[bflag:$0x3] =	sbarrier.arrive $0xFFFF;
	s2 =	simm.s32 @!p0 $0x1C0B  }
0xa9e: {  	[timem:s3], [sflag:s2] =	dma.local @!p0 [hbm:s0], s1  }
0xa9f: {  	s0 =	simm.s32 @!p0 $0xB  }
0xaa0: {  	_ =	swait.ge @!p0 [sflag:s0], s1  }
0xaa1: {  	s1 =	ssub.s32 @!p0 $0x0, s1;
	[sflag:s0] =	ssyncset.done @!p0 $0x0  }
0xaa2: {  	[sflag:s0] =	ssyncadd.s32 @!p0 s1  }
0xaa3: {  	[bflag:$0x3] =	sbarrier.arrive $0xFFFF  }
0xaa4: {  	_ =	shalt  }

</sc_bundles>
